<compile_context>
chip_gen: v7x
topology: tpu7x:2x2x1
jax: 0.10.2.dev20260603
libtpu: 0.0.44.dev20260713+nightly
codegen_flags: <defaults>
</compile_context>

<pallas_src>
import functools

import jax
import jax.numpy as jnp
from jax import lax
from jax.experimental import pallas as pl
from jax.experimental.pallas import tpu as pltpu
from jax.experimental.pallas import tpu_sc as plsc

N = 10000
E = 320000
IN = 128
OUT = 16

NC = 2
NS = 16
NW = NC * NS
CH = 80
NCHUNK = 125
EPT = NCHUNK * CH
GP = CH // 16
NPAD = 10240
RPT = NPAD // NS
RPTB = RPT // 128
RING = 5

_mesh = plsc.VectorSubcoreMesh(
    core_axis_name="c", subcore_axis_name="s", num_cores=NC, num_subcores=NS
)
_sc_params = pltpu.CompilerParams(needs_layout_passes=False,
                                  use_tc_tiling_on_sc=False)


def _splat_idx(l):
    return jnp.full((16,), l, jnp.int32)


def _rsqrt16(x):
    i = plsc.bitcast(x, jnp.int32)
    i = jnp.int32(0x5F3759DF) - lax.shift_right_arithmetic(i, 1)
    y = plsc.bitcast(i, jnp.float32)
    for _ in range(3):
        y = y * (1.5 - 0.5 * x * y * y)
    return jnp.where(x > 0, y, 0.0)


_RB = 2560
_GRID = NPAD // _RB
_PG = 20
_PRB = NPAD // _PG
_PEB = E // _PG


def _matmul_body(x_ref, w_ref, h_ref):
    h_ref[...] = jnp.dot(x_ref[...], w_ref[...],
                         preferred_element_type=jnp.float32,
                         precision=lax.Precision.HIGHEST)


def _matmul(x, W):
    return pl.pallas_call(
        _matmul_body,
        grid=(_GRID,),
        in_specs=[
            pl.BlockSpec((_RB, IN), lambda i: (i, 0)),
            pl.BlockSpec((IN, OUT), lambda i: (0, 0)),
        ],
        out_specs=pl.BlockSpec((_RB, OUT), lambda i: (i, 0)),
        out_shape=jax.ShapeDtypeStruct((NPAD, OUT), jnp.float32),
    )(x, W)


def _deint_body(ei_ref, src_ref, dst_ref):
    e = ei_ref[...]
    src_ref[...] = e[0]
    dst_ref[...] = e[1]


def _deint(ei):
    return pl.pallas_call(
        _deint_body,
        out_shape=[
            jax.ShapeDtypeStruct((E,), jnp.int32),
            jax.ShapeDtypeStruct((E,), jnp.int32),
        ],
    )(ei)


@functools.partial(
    pl.kernel,
    out_type=jax.ShapeDtypeStruct((NC, NS, RPT, OUT), jnp.float32),
    mesh=_mesh,
    scratch_types=[
        pltpu.VMEM((NCHUNK, CH), jnp.int32),
        pltpu.VMEM((NC, NCHUNK, CH), jnp.int32),
        pltpu.VMEM((NC, NCHUNK, CH), jnp.float32),
        pltpu.VMEM((NPAD // 128, 128), jnp.float32),
        pltpu.VMEM((RPT,), jnp.float32),
        pltpu.VMEM((NPAD,), jnp.float32),
        pltpu.VMEM((RPT, OUT), jnp.float32),
        pltpu.VMEM((OUT,), jnp.float32),
        pltpu.VMEM((RING, CH, OUT), jnp.float32),
        pltpu.VMEM((RING, CH, OUT), jnp.float32),
        pltpu.VMEM_SHARED((NS, NPAD // 128, 128), jnp.float32),
        pltpu.VMEM_SHARED((NPAD,), jnp.float32),
        pltpu.VMEM_SHARED((NPAD, OUT), jnp.float32),
        pltpu.VMEM_SHARED((NPAD, OUT), jnp.float32),
        pltpu.SemaphoreType.DMA((RING,)),
        pltpu.SemaphoreType.DMA((RING,)),
    ],
    compiler_params=_sc_params,
)
def _gcn_kernel(src_hbm, dst_hbm, ew_hbm, h_hbm, b_hbm, out_hbm,
                src_v, dst2_v, ew2_v, deg_v, disrow_v, dis_v,
                hrow_v, b_v, grow_v, srow_v, pdeg_sh, dis_sh, h_sh, acc_sh,
                gsem, ssem):
    c = lax.axis_index("c")
    s = lax.axis_index("s")
    wid = s * NC + c

    with jax.named_scope("stage_in"):
        pltpu.sync_copy(src_hbm.at[wid], src_v)
        pltpu.sync_copy(dst_hbm.at[pl.ds(s * NC, NC)], dst2_v)
        pltpu.sync_copy(ew_hbm.at[pl.ds(s * NC, NC)], ew2_v)
        pltpu.sync_copy(b_hbm, b_v)
        pltpu.sync_copy(h_hbm.at[pl.ds(s * RPT, RPT)], hrow_v)
        pltpu.sync_copy(hrow_v, h_sh.at[pl.ds(s * RPT, RPT)])

    with jax.named_scope("deg"):
        def dzero_body(i, _):
            def dz_in(k, _):
                deg_v[i, pl.ds(k * 16, 16)] = jnp.zeros((16,), jnp.float32)
                return 0

            lax.fori_loop(0, 8, dz_in, 0)
            return 0

        lax.fori_loop(0, NPAD // 128, dzero_body, 0)

        def dhalf_body(hc, _):
            def chunk_body(j, _):
                def grp_body(g, _):
                    idx16 = dst2_v[hc, j, pl.ds(g * 16, 16)]
                    w16 = ew2_v[hc, j, pl.ds(g * 16, 16)]
                    plsc.addupdate_scatter(
                        deg_v,
                        [lax.shift_right_logical(idx16, 7),
                         lax.bitwise_and(idx16, 127)],
                        w16,
                    )
                    return 0

                lax.fori_loop(0, GP, grp_body, 0)
                return 0

            lax.fori_loop(0, NCHUNK, chunk_body, 0)
            return 0

        lax.fori_loop(0, NC, dhalf_body, 0)
        pltpu.sync_copy(deg_v, pdeg_sh.at[s])
    plsc.subcore_barrier()

    with jax.named_scope("dis"):
        def rdma_body(t, _):
            pltpu.sync_copy(pdeg_sh.at[t, pl.ds(s * RPTB, RPTB)],
                            deg_v.at[pl.ds(t * RPTB, RPTB)])
            return 0

        lax.fori_loop(0, NS, rdma_body, 0)

        def dis_body(q, _):
            acc = jnp.zeros((16,), jnp.float32)
            for t in range(NS):
                acc = acc + deg_v[t * RPTB + q // 8, pl.ds((q % 8) * 16, 16)]
            disrow_v[pl.ds(q * 16, 16)] = _rsqrt16(acc + 1.0)
            return 0

        lax.fori_loop(0, RPT // 16, dis_body, 0)

        pltpu.sync_copy(disrow_v, dis_sh.at[pl.ds(s * RPT, RPT)])

    with jax.named_scope("init"):
        b16 = b_v[...]

        @pl.when(c == 0)
        def _():
            def init_body(g, _):
                d16 = disrow_v[pl.ds(g * 16, 16)]
                d2 = d16 * d16
                for l in range(16):
                    sp = d2.at[_splat_idx(l)].get(mode="promise_in_bounds")
                    r = g * 16 + l
                    hrow_v[r] = hrow_v[r] * sp + b16
                return 0

            lax.fori_loop(0, RPT // 16, init_body, 0)

        @pl.when(c == 1)
        def _():
            def izero_body(r, _):
                hrow_v[r] = jnp.zeros((OUT,), jnp.float32)
                return 0

            lax.fori_loop(0, RPT, izero_body, 0)

        pltpu.sync_copy(hrow_v, acc_sh.at[pl.ds(s * RPT, RPT)])
    plsc.subcore_barrier()

    with jax.named_scope("edges"):
        pltpu.sync_copy(dis_sh, dis_v)
        for b in range(RING - 1):
            pltpu.async_copy(h_sh.at[src_v.at[b]], grow_v.at[b], gsem.at[b])

        def outer_body(o, _):
            for b in range(RING):
                j = o * RING + b
                pltpu.make_async_copy(
                    h_sh.at[src_v.at[j]], grow_v.at[b], gsem.at[b]).wait()

                @pl.when(o > 0)
                def _():
                    pltpu.make_async_copy(
                        srow_v.at[b], acc_sh.at[dst2_v.at[c, j]],
                        ssem.at[b]).wait()

                def grp_body(g, _):
                    base = g * 16
                    sr16 = src_v[j, pl.ds(base, 16)]
                    d16 = dst2_v[c, j, pl.ds(base, 16)]
                    w16 = ew2_v[c, j, pl.ds(base, 16)]
                    s16 = (plsc.load_gather(dis_v, [sr16]) * w16
                           * plsc.load_gather(dis_v, [d16]))
                    for l in range(16):
                        sp = s16.at[_splat_idx(l)].get(mode="promise_in_bounds")
                        e = base + l
                        srow_v[b, e] = grow_v[b, e] * sp
                    return 0

                lax.fori_loop(0, GP, grp_body, 0)

                pltpu.async_copy(srow_v.at[b], acc_sh.at[dst2_v.at[c, j]],
                                 ssem.at[b], add=True)

                nxt = j + RING - 1
                nb = (b + RING - 1) % RING

                @pl.when(nxt < NCHUNK)
                def _():
                    pltpu.async_copy(h_sh.at[src_v.at[nxt]], grow_v.at[nb],
                                     gsem.at[nb])
            return 0

        lax.fori_loop(0, NCHUNK // RING, outer_body, 0)
        for b in range(RING):
            pltpu.make_async_copy(
                srow_v.at[b], acc_sh.at[dst2_v.at[0, 0]], ssem.at[b]).wait()
    plsc.subcore_barrier()
    with jax.named_scope("extract"):
        pltpu.sync_copy(acc_sh.at[pl.ds(s * RPT, RPT)], out_hbm.at[c, s])


def _final_body(parts_ref, o_ref):
    p = parts_ref[...].reshape(NC, _RB, OUT)
    o_ref[...] = (p[0] + p[1]).T


def _final(parts):
    return pl.pallas_call(
        _final_body,
        grid=(_GRID,),
        in_specs=[
            pl.BlockSpec((NC, _RB // RPT, RPT, OUT), lambda i: (0, i, 0, 0)),
        ],
        out_specs=pl.BlockSpec((OUT, _RB), lambda i: (0, i)),
        out_shape=jax.ShapeDtypeStruct((OUT, N), jnp.float32),
    )(parts)


def kernel(x, edge_index, edge_weight, W, b):
    ew = edge_weight.reshape(NW, NCHUNK, CH)
    h = _matmul(x, W)
    src, dst = _deint(edge_index)
    parts = _gcn_kernel(src.reshape(NW, NCHUNK, CH),
                        dst.reshape(NW, NCHUNK, CH), ew, h, b)
    return _final(parts).T

# --- scband reference (transcript-rebuilt; emitter-appended) ---
"""Pipeline reference for scband-linear-encoder-66958540144842 (READ-ONLY COPY).

The authoritative reference and input builder live on the scoring server;
editing this copy changes nothing except your own understanding.
"""

import jax, jax.numpy as jnp
import numpy as np

N = 10000
E = 320000
IN = 128
OUT = 16


def setup_inputs(seed: int = 0) -> dict:
    key = jax.random.key(seed)
    k1, k2, k3, k4, k5 = jax.random.split(key, 5)
    x = jax.random.normal(k1, (N, IN), dtype=jnp.float32)
    edge_index = jax.random.randint(k2, (2, E), 0, N, dtype=jnp.int32)
    edge_weight = jax.random.uniform(k3, (E,), dtype=jnp.float32)
    # GCNConv learned parameters (glorot init for W, zeros for bias)
    limit = np.sqrt(6.0 / (IN + OUT))
    W = jax.random.uniform(k4, (IN, OUT), dtype=jnp.float32, minval=-limit, maxval=limit)
    b = jnp.zeros((OUT,), dtype=jnp.float32)
    return {"x": x, "edge_index": edge_index, "edge_weight": edge_weight, "W": W, "b": b}


def reference(x, edge_index, edge_weight, W, b):
    # Faithful GCNConv: add self-loops, symmetric normalization, linear transform,
    # gather messages from source nodes, scatter-add into destination nodes, add bias.
    n = x.shape[0]
    src = edge_index[0]
    dst = edge_index[1]
    loop = jnp.arange(n, dtype=src.dtype)
    src = jnp.concatenate([src, loop])
    dst = jnp.concatenate([dst, loop])
    ew = jnp.concatenate([edge_weight, jnp.ones((n,), dtype=x.dtype)])
    # degree computed on destination index (flow: source_to_target)
    deg = jax.ops.segment_sum(ew, dst, num_segments=n)
    deg_inv_sqrt = jnp.where(deg > 0, jax.lax.rsqrt(jnp.where(deg > 0, deg, 1.0)), 0.0)
    norm = deg_inv_sqrt[src] * ew * deg_inv_sqrt[dst]
    h = x @ W
    msg = h[src] * norm[:, None]
    out = jax.ops.segment_sum(msg, dst, num_segments=n)
    out = out + b
    return out

if __name__ == "__main__":
    import jax
    _d = setup_inputs()
    print(jax.jit(kernel)(*tuple(_d.values())))

</pallas_src>

<mosaic_0001>
#map = affine_map<(d0, d1) -> (0, 0, 0)>
#map1 = affine_map<(d0, d1) -> (0, 0)>
#map2 = affine_map<(d0, d1) -> (0)>
#map3 = affine_map<(d0, d1) -> (0, 0, 0, 0)>
module attributes {stable_mosaic.version = 14 : i64} {
  func.func @_gcn_kernel(%arg0: i32, %arg1: i32, %arg2: memref<32x125x80xi32, #tpu.memory_space<hbm>>, %arg3: memref<32x125x80xi32, #tpu.memory_space<hbm>>, %arg4: memref<32x125x80xf32, #tpu.memory_space<hbm>>, %arg5: memref<10240x16xf32, #tpu.memory_space<hbm>>, %arg6: memref<16xf32, #tpu.memory_space<hbm>>, %arg7: memref<2x16x640x16xf32, #tpu.memory_space<hbm>>, %arg8: memref<125x80xi32, #tpu.memory_space<vmem>>, %arg9: memref<2x125x80xi32, #tpu.memory_space<vmem>>, %arg10: memref<2x125x80xf32, #tpu.memory_space<vmem>>, %arg11: memref<80x128xf32, #tpu.memory_space<vmem>>, %arg12: memref<640xf32, #tpu.memory_space<vmem>>, %arg13: memref<10240xf32, #tpu.memory_space<vmem>>, %arg14: memref<640x16xf32, #tpu.memory_space<vmem>>, %arg15: memref<16xf32, #tpu.memory_space<vmem>>, %arg16: memref<5x80x16xf32, #tpu.memory_space<vmem>>, %arg17: memref<5x80x16xf32, #tpu.memory_space<vmem>>, %arg18: memref<16x80x128xf32, #tpu.memory_space<vmem_shared>>, %arg19: memref<10240xf32, #tpu.memory_space<vmem_shared>>, %arg20: memref<10240x16xf32, #tpu.memory_space<vmem_shared>>, %arg21: memref<10240x16xf32, #tpu.memory_space<vmem_shared>>, %arg22: memref<5x!tpu.dma_semaphore, #tpu.memory_space<semaphore_mem>>, %arg23: memref<5x!tpu.dma_semaphore, #tpu.memory_space<semaphore_mem>>) attributes {dimension_semantics = [#tpu.dimension_semantics<core_parallel>, #tpu.dimension_semantics<subcore_parallel>], iteration_bounds = array<i64: 2, 16>, scalar_prefetch = 0 : i64, scratch_operands = 16 : i64, tpu.core_type = #tpu.core_type<sc_vector_subcore>, window_params = [{transform_indices = #map}, {transform_indices = #map}, {transform_indices = #map}, {transform_indices = #map1}, {transform_indices = #map2}, {transform_indices = #map3}]} {
    %mul3A = arith.constant 2 : i32
    %mul3A_0 = arith.muli %arg1, %mul3A : i32
    %add3A = arith.addi %mul3A_0, %arg0 : i32
    "tpu.trace_start"() <{level = 10 : i32, message = "stage_in"}> : () -> ()
    "tpu.region"() ({
      %run_scoped3A = tpu.sem_alloc : memref<!tpu.dma_semaphore, #tpu.memory_space<semaphore_mem>>
      %dma_start3A_197 = arith.constant 0 : i32
      %dma_start3A_198 = arith.constant 0 : i32
      %dma_start3A_199 = tpu.memref_slice %arg2[%add3A, %dma_start3A_197, %dma_start3A_198] : memref<32x125x80xi32, #tpu.memory_space<hbm>> -> memref<1x125x80xi32, #tpu.memory_space<hbm>>
      %dma_start3A_200 = tpu.memref_squeeze %dma_start3A_199 : memref<1x125x80xi32, #tpu.memory_space<hbm>> -> memref<125x80xi32, #tpu.memory_space<hbm>>
      %dma_start3A_201 = arith.constant 0 : i32
      %dma_start3A_202 = arith.constant 0 : i32
      %dma_start3A_203 = tpu.memref_slice %arg2[%add3A, %dma_start3A_201, %dma_start3A_202] : memref<32x125x80xi32, #tpu.memory_space<hbm>> -> memref<1x125x80xi32, #tpu.memory_space<hbm>>
      %dma_start3A_204 = tpu.memref_squeeze %dma_start3A_203 : memref<1x125x80xi32, #tpu.memory_space<hbm>> -> memref<125x80xi32, #tpu.memory_space<hbm>>
      tpu.enqueue_dma source(%dma_start3A_204 : memref<125x80xi32, #tpu.memory_space<hbm>>) target(%arg8 : memref<125x80xi32, #tpu.memory_space<vmem>>) target_semaphore(%run_scoped3A : memref<!tpu.dma_semaphore, #tpu.memory_space<semaphore_mem>>)
      %dma_wait3A_205 = arith.constant 0 : i32
      %dma_wait3A_206 = arith.constant 0 : i32
      %dma_wait3A_207 = tpu.memref_slice %arg2[%add3A, %dma_wait3A_205, %dma_wait3A_206] : memref<32x125x80xi32, #tpu.memory_space<hbm>> -> memref<1x125x80xi32, #tpu.memory_space<hbm>>
      %dma_wait3A_208 = tpu.memref_squeeze %dma_wait3A_207 : memref<1x125x80xi32, #tpu.memory_space<hbm>> -> memref<125x80xi32, #tpu.memory_space<hbm>>
      %dma_wait3A_209 = arith.constant 0 : i32
      %dma_wait3A_210 = arith.constant 0 : i32
      %dma_wait3A_211 = tpu.memref_slice %arg2[%add3A, %dma_wait3A_209, %dma_wait3A_210] : memref<32x125x80xi32, #tpu.memory_space<hbm>> -> memref<1x125x80xi32, #tpu.memory_space<hbm>>
      %dma_wait3A_212 = tpu.memref_squeeze %dma_wait3A_211 : memref<1x125x80xi32, #tpu.memory_space<hbm>> -> memref<125x80xi32, #tpu.memory_space<hbm>>
      tpu.wait_dma2 semaphore(%run_scoped3A : memref<!tpu.dma_semaphore, #tpu.memory_space<semaphore_mem>>) src(%dma_wait3A_212 : memref<125x80xi32, #tpu.memory_space<hbm>>) dst(%arg8 : memref<125x80xi32, #tpu.memory_space<vmem>>)
      tpu.yield
    }) : () -> ()
    %mul3A_1 = arith.constant 2 : i32
    %mul3A_2 = arith.muli %arg1, %mul3A_1 : i32
    "tpu.region"() ({
      %run_scoped3A = tpu.sem_alloc : memref<!tpu.dma_semaphore, #tpu.memory_space<semaphore_mem>>
      %dma_start3A_197 = arith.constant 0 : i32
      %dma_start3A_198 = arith.constant 0 : i32
      %dma_start3A_199 = tpu.memref_slice %arg3[%mul3A_2, %dma_start3A_197, %dma_start3A_198] : memref<32x125x80xi32, #tpu.memory_space<hbm>> -> memref<2x125x80xi32, #tpu.memory_space<hbm>>
      %dma_start3A_200 = arith.constant 0 : i32
      %dma_start3A_201 = arith.constant 0 : i32
      %dma_start3A_202 = tpu.memref_slice %arg3[%mul3A_2, %dma_start3A_200, %dma_start3A_201] : memref<32x125x80xi32, #tpu.memory_space<hbm>> -> memref<2x125x80xi32, #tpu.memory_space<hbm>>
      tpu.enqueue_dma source(%dma_start3A_202 : memref<2x125x80xi32, #tpu.memory_space<hbm>>) target(%arg9 : memref<2x125x80xi32, #tpu.memory_space<vmem>>) target_semaphore(%run_scoped3A : memref<!tpu.dma_semaphore, #tpu.memory_space<semaphore_mem>>)
      %dma_wait3A_203 = arith.constant 0 : i32
      %dma_wait3A_204 = arith.constant 0 : i32
      %dma_wait3A_205 = tpu.memref_slice %arg3[%mul3A_2, %dma_wait3A_203, %dma_wait3A_204] : memref<32x125x80xi32, #tpu.memory_space<hbm>> -> memref<2x125x80xi32, #tpu.memory_space<hbm>>
      %dma_wait3A_206 = arith.constant 0 : i32
      %dma_wait3A_207 = arith.constant 0 : i32
      %dma_wait3A_208 = tpu.memref_slice %arg3[%mul3A_2, %dma_wait3A_206, %dma_wait3A_207] : memref<32x125x80xi32, #tpu.memory_space<hbm>> -> memref<2x125x80xi32, #tpu.memory_space<hbm>>
      tpu.wait_dma2 semaphore(%run_scoped3A : memref<!tpu.dma_semaphore, #tpu.memory_space<semaphore_mem>>) src(%dma_wait3A_208 : memref<2x125x80xi32, #tpu.memory_space<hbm>>) dst(%arg9 : memref<2x125x80xi32, #tpu.memory_space<vmem>>)
      tpu.yield
    }) : () -> ()
    %mul3A_3 = arith.constant 2 : i32
    %mul3A_4 = arith.muli %arg1, %mul3A_3 : i32
    "tpu.region"() ({
      %run_scoped3A = tpu.sem_alloc : memref<!tpu.dma_semaphore, #tpu.memory_space<semaphore_mem>>
      %dma_start3A_197 = arith.constant 0 : i32
      %dma_start3A_198 = arith.constant 0 : i32
      %dma_start3A_199 = tpu.memref_slice %arg4[%mul3A_4, %dma_start3A_197, %dma_start3A_198] : memref<32x125x80xf32, #tpu.memory_space<hbm>> -> memref<2x125x80xf32, #tpu.memory_space<hbm>>
      %dma_start3A_200 = arith.constant 0 : i32
      %dma_start3A_201 = arith.constant 0 : i32
      %dma_start3A_202 = tpu.memref_slice %arg4[%mul3A_4, %dma_start3A_200, %dma_start3A_201] : memref<32x125x80xf32, #tpu.memory_space<hbm>> -> memref<2x125x80xf32, #tpu.memory_space<hbm>>
      tpu.enqueue_dma source(%dma_start3A_202 : memref<2x125x80xf32, #tpu.memory_space<hbm>>) target(%arg10 : memref<2x125x80xf32, #tpu.memory_space<vmem>>) target_semaphore(%run_scoped3A : memref<!tpu.dma_semaphore, #tpu.memory_space<semaphore_mem>>)
      %dma_wait3A_203 = arith.constant 0 : i32
      %dma_wait3A_204 = arith.constant 0 : i32
      %dma_wait3A_205 = tpu.memref_slice %arg4[%mul3A_4, %dma_wait3A_203, %dma_wait3A_204] : memref<32x125x80xf32, #tpu.memory_space<hbm>> -> memref<2x125x80xf32, #tpu.memory_space<hbm>>
      %dma_wait3A_206 = arith.constant 0 : i32
      %dma_wait3A_207 = arith.constant 0 : i32
      %dma_wait3A_208 = tpu.memref_slice %arg4[%mul3A_4, %dma_wait3A_206, %dma_wait3A_207] : memref<32x125x80xf32, #tpu.memory_space<hbm>> -> memref<2x125x80xf32, #tpu.memory_space<hbm>>
      tpu.wait_dma2 semaphore(%run_scoped3A : memref<!tpu.dma_semaphore, #tpu.memory_space<semaphore_mem>>) src(%dma_wait3A_208 : memref<2x125x80xf32, #tpu.memory_space<hbm>>) dst(%arg10 : memref<2x125x80xf32, #tpu.memory_space<vmem>>)
      tpu.yield
    }) : () -> ()
    "tpu.region"() ({
      %run_scoped3A = tpu.sem_alloc : memref<!tpu.dma_semaphore, #tpu.memory_space<semaphore_mem>>
      tpu.enqueue_dma source(%arg6 : memref<16xf32, #tpu.memory_space<hbm>>) target(%arg15 : memref<16xf32, #tpu.memory_space<vmem>>) target_semaphore(%run_scoped3A : memref<!tpu.dma_semaphore, #tpu.memory_space<semaphore_mem>>)
      tpu.wait_dma2 semaphore(%run_scoped3A : memref<!tpu.dma_semaphore, #tpu.memory_space<semaphore_mem>>) src(%arg6 : memref<16xf32, #tpu.memory_space<hbm>>) dst(%arg15 : memref<16xf32, #tpu.memory_space<vmem>>)
      tpu.yield
    }) : () -> ()
    %mul3A_5 = arith.constant 640 : i32
    %mul3A_6 = arith.muli %arg1, %mul3A_5 : i32
    "tpu.region"() ({
      %run_scoped3A = tpu.sem_alloc : memref<!tpu.dma_semaphore, #tpu.memory_space<semaphore_mem>>
      %dma_start3A_197 = arith.constant 0 : i32
      %dma_start3A_198 = tpu.memref_slice %arg5[%mul3A_6, %dma_start3A_197] : memref<10240x16xf32, #tpu.memory_space<hbm>> -> memref<640x16xf32, #tpu.memory_space<hbm>>
      %dma_start3A_199 = arith.constant 0 : i32
      %dma_start3A_200 = tpu.memref_slice %arg5[%mul3A_6, %dma_start3A_199] : memref<10240x16xf32, #tpu.memory_space<hbm>> -> memref<640x16xf32, #tpu.memory_space<hbm>>
      tpu.enqueue_dma source(%dma_start3A_200 : memref<640x16xf32, #tpu.memory_space<hbm>>) target(%arg14 : memref<640x16xf32, #tpu.memory_space<vmem>>) target_semaphore(%run_scoped3A : memref<!tpu.dma_semaphore, #tpu.memory_space<semaphore_mem>>)
      %dma_wait3A_201 = arith.constant 0 : i32
      %dma_wait3A_202 = tpu.memref_slice %arg5[%mul3A_6, %dma_wait3A_201] : memref<10240x16xf32, #tpu.memory_space<hbm>> -> memref<640x16xf32, #tpu.memory_space<hbm>>
      %dma_wait3A_203 = arith.constant 0 : i32
      %dma_wait3A_204 = tpu.memref_slice %arg5[%mul3A_6, %dma_wait3A_203] : memref<10240x16xf32, #tpu.memory_space<hbm>> -> memref<640x16xf32, #tpu.memory_space<hbm>>
      tpu.wait_dma2 semaphore(%run_scoped3A : memref<!tpu.dma_semaphore, #tpu.memory_space<semaphore_mem>>) src(%dma_wait3A_204 : memref<640x16xf32, #tpu.memory_space<hbm>>) dst(%arg14 : memref<640x16xf32, #tpu.memory_space<vmem>>)
      tpu.yield
    }) : () -> ()
    %mul3A_7 = arith.constant 640 : i32
    %mul3A_8 = arith.muli %arg1, %mul3A_7 : i32
    "tpu.region"() ({
      %run_scoped3A = tpu.sem_alloc : memref<!tpu.dma_semaphore, #tpu.memory_space<semaphore_mem>>
      %dma_start3A_197 = arith.constant 0 : i32
      %dma_start3A_198 = tpu.memref_slice %arg20[%mul3A_8, %dma_start3A_197] : memref<10240x16xf32, #tpu.memory_space<vmem_shared>> -> memref<640x16xf32, #tpu.memory_space<vmem_shared>>
      %dma_start3A_199 = arith.constant 0 : i32
      %dma_start3A_200 = tpu.memref_slice %arg20[%mul3A_8, %dma_start3A_199] : memref<10240x16xf32, #tpu.memory_space<vmem_shared>> -> memref<640x16xf32, #tpu.memory_space<vmem_shared>>
      tpu.enqueue_dma source(%arg14 : memref<640x16xf32, #tpu.memory_space<vmem>>) target(%dma_start3A_200 : memref<640x16xf32, #tpu.memory_space<vmem_shared>>) target_semaphore(%run_scoped3A : memref<!tpu.dma_semaphore, #tpu.memory_space<semaphore_mem>>)
      %dma_wait3A_201 = arith.constant 0 : i32
      %dma_wait3A_202 = tpu.memref_slice %arg20[%mul3A_8, %dma_wait3A_201] : memref<10240x16xf32, #tpu.memory_space<vmem_shared>> -> memref<640x16xf32, #tpu.memory_space<vmem_shared>>
      %dma_wait3A_203 = arith.constant 0 : i32
      %dma_wait3A_204 = tpu.memref_slice %arg20[%mul3A_8, %dma_wait3A_203] : memref<10240x16xf32, #tpu.memory_space<vmem_shared>> -> memref<640x16xf32, #tpu.memory_space<vmem_shared>>
      tpu.wait_dma2 semaphore(%run_scoped3A : memref<!tpu.dma_semaphore, #tpu.memory_space<semaphore_mem>>) src(%arg14 : memref<640x16xf32, #tpu.memory_space<vmem>>) dst(%dma_wait3A_204 : memref<640x16xf32, #tpu.memory_space<vmem_shared>>)
      tpu.yield
    }) : () -> ()
    "tpu.trace_stop"() : () -> ()
    "tpu.trace_start"() <{level = 10 : i32, message = "deg"}> : () -> ()
    %scan3A = arith.constant 0 : i32
    %scan3A_9 = arith.constant 0 : i32
    %scan3A_10 = arith.constant 80 : i32
    %scan3A_11 = arith.addi %scan3A_9, %scan3A_10 : i32
    %scan3A_12 = arith.constant 1 : i32
    %scan3A_13 = scf.for %scan3A_197 = %scan3A_9 to %scan3A_11 step %scan3A_12 iter_args(%scan3A_198 = %scan3A) -> (i32)  : i32 {
      %scan3A_199 = arith.constant 0 : i32
      %scan3A_200 = arith.constant 0 : i32
      %scan3A_201 = arith.constant 8 : i32
      %scan3A_202 = arith.addi %scan3A_200, %scan3A_201 : i32
      %scan3A_203 = arith.constant 1 : i32
      %scan3A_204 = scf.for %scan3A_207 = %scan3A_200 to %scan3A_202 step %scan3A_203 iter_args(%scan3A_208 = %scan3A_199) -> (i32)  : i32 {
        %broadcast_in_dim3A = arith.constant 0.000000e+00 : f32
        %broadcast_in_dim3A_209 = vector.broadcast %broadcast_in_dim3A : f32 to vector<16xf32>
        %mul3A_210 = arith.constant 16 : i32
        %mul3A_211 = arith.muli %scan3A_207, %mul3A_210 : i32
        %swap3A = arith.index_cast %scan3A_197 : i32 to index
        %swap3A_212 = arith.index_cast %mul3A_211 : i32 to index
        %swap3A_213 = tpu.vector_load %arg11[%swap3A, %swap3A_212] {strides = array<i32>} : memref<80x128xf32, #tpu.memory_space<vmem>>, vector<16xf32>,
        tpu.vector_store %arg11[%swap3A, %swap3A_212], %broadcast_in_dim3A_209 {strides = array<i32>} : memref<80x128xf32, #tpu.memory_space<vmem>>, vector<16xf32>,
        %scan3A_214 = arith.constant 0 : i32
        scf.yield %scan3A_214 : i32
      }
      %scan3A_205 = arith.constant 8 : i32
      %scan3A_206 = arith.constant 0 : i32
      scf.yield %scan3A_206 : i32
    }
    %scan3A_14 = arith.constant 80 : i32
    %scan3A_15 = arith.constant 0 : i32
    %scan3A_16 = arith.constant 0 : i32
    %scan3A_17 = arith.constant 2 : i32
    %scan3A_18 = arith.addi %scan3A_16, %scan3A_17 : i32
    %scan3A_19 = arith.constant 1 : i32
    %scan3A_20 = scf.for %scan3A_197 = %scan3A_16 to %scan3A_18 step %scan3A_19 iter_args(%scan3A_198 = %scan3A_15) -> (i32)  : i32 {
      %scan3A_199 = arith.constant 0 : i32
      %scan3A_200 = arith.constant 0 : i32
      %scan3A_201 = arith.constant 125 : i32
      %scan3A_202 = arith.addi %scan3A_200, %scan3A_201 : i32
      %scan3A_203 = arith.constant 1 : i32
      %scan3A_204 = scf.for %scan3A_207 = %scan3A_200 to %scan3A_202 step %scan3A_203 iter_args(%scan3A_208 = %scan3A_199) -> (i32)  : i32 {
        %scan3A_209 = arith.constant 0 : i32
        %scan3A_210 = arith.constant 0 : i32
        %scan3A_211 = arith.constant 5 : i32
        %scan3A_212 = arith.addi %scan3A_210, %scan3A_211 : i32
        %scan3A_213 = arith.constant 1 : i32
        %scan3A_214 = scf.for %scan3A_217 = %scan3A_210 to %scan3A_212 step %scan3A_213 iter_args(%scan3A_218 = %scan3A_209) -> (i32)  : i32 {
          %mul3A_219 = arith.constant 16 : i32
          %mul3A_220 = arith.muli %scan3A_217, %mul3A_219 : i32
          %get3A_221 = arith.index_cast %scan3A_197 : i32 to index
          %get3A_222 = arith.index_cast %scan3A_207 : i32 to index
          %get3A_223 = arith.index_cast %mul3A_220 : i32 to index
          %get3A_224 = tpu.vector_load %arg9[%get3A_221, %get3A_222, %get3A_223] {strides = array<i32>} : memref<2x125x80xi32, #tpu.memory_space<vmem>>, vector<16xi32>,
          %mul3A_225 = arith.constant 16 : i32
          %mul3A_226 = arith.muli %scan3A_217, %mul3A_225 : i32
          %get3A_227 = arith.index_cast %scan3A_197 : i32 to index
          %get3A_228 = arith.index_cast %scan3A_207 : i32 to index
          %get3A_229 = arith.index_cast %mul3A_226 : i32 to index
          %get3A_230 = tpu.vector_load %arg10[%get3A_227, %get3A_228, %get3A_229] {strides = array<i32>} : memref<2x125x80xf32, #tpu.memory_space<vmem>>, vector<16xf32>,
          %shift_right_logical3A = arith.constant 7 : i32
          %shift_right_logical3A_231 = vector.broadcast %shift_right_logical3A : i32 to vector<16xi32>
          %shift_right_logical3A_232 = arith.shrui %get3A_224, %shift_right_logical3A_231 : vector<16xi32>
          %and3A = arith.constant 127 : i32
          %and3A_233 = vector.broadcast %and3A : i32 to vector<16xi32>
          %and3A_234 = arith.andi %get3A_224, %and3A_233 : vector<16xi32>
          tpu.vector_store_idx %arg11[%shift_right_logical3A_232, %and3A_234], %get3A_230 {add = true} : memref<80x128xf32, #tpu.memory_space<vmem>>[vector<16xi32>, vector<16xi32>], vector<16xf32>,
          %scan3A_235 = arith.constant 0 : i32
          scf.yield %scan3A_235 : i32
        }
        %scan3A_215 = arith.constant 5 : i32
        %scan3A_216 = arith.constant 0 : i32
        scf.yield %scan3A_216 : i32
      }
      %scan3A_205 = arith.constant 125 : i32
      %scan3A_206 = arith.constant 0 : i32
      scf.yield %scan3A_206 : i32
    }
    %scan3A_21 = arith.constant 2 : i32
    "tpu.region"() ({
      %run_scoped3A = tpu.sem_alloc : memref<!tpu.dma_semaphore, #tpu.memory_space<semaphore_mem>>
      %dma_start3A_197 = arith.constant 0 : i32
      %dma_start3A_198 = arith.constant 0 : i32
      %dma_start3A_199 = tpu.memref_slice %arg18[%arg1, %dma_start3A_197, %dma_start3A_198] : memref<16x80x128xf32, #tpu.memory_space<vmem_shared>> -> memref<1x80x128xf32, #tpu.memory_space<vmem_shared>>
      %dma_start3A_200 = tpu.memref_squeeze %dma_start3A_199 : memref<1x80x128xf32, #tpu.memory_space<vmem_shared>> -> memref<80x128xf32, #tpu.memory_space<vmem_shared>>
      %dma_start3A_201 = arith.constant 0 : i32
      %dma_start3A_202 = arith.constant 0 : i32
      %dma_start3A_203 = tpu.memref_slice %arg18[%arg1, %dma_start3A_201, %dma_start3A_202] : memref<16x80x128xf32, #tpu.memory_space<vmem_shared>> -> memref<1x80x128xf32, #tpu.memory_space<vmem_shared>>
      %dma_start3A_204 = tpu.memref_squeeze %dma_start3A_203 : memref<1x80x128xf32, #tpu.memory_space<vmem_shared>> -> memref<80x128xf32, #tpu.memory_space<vmem_shared>>
      tpu.enqueue_dma source(%arg11 : memref<80x128xf32, #tpu.memory_space<vmem>>) target(%dma_start3A_204 : memref<80x128xf32, #tpu.memory_space<vmem_shared>>) target_semaphore(%run_scoped3A : memref<!tpu.dma_semaphore, #tpu.memory_space<semaphore_mem>>)
      %dma_wait3A_205 = arith.constant 0 : i32
      %dma_wait3A_206 = arith.constant 0 : i32
      %dma_wait3A_207 = tpu.memref_slice %arg18[%arg1, %dma_wait3A_205, %dma_wait3A_206] : memref<16x80x128xf32, #tpu.memory_space<vmem_shared>> -> memref<1x80x128xf32, #tpu.memory_space<vmem_shared>>
      %dma_wait3A_208 = tpu.memref_squeeze %dma_wait3A_207 : memref<1x80x128xf32, #tpu.memory_space<vmem_shared>> -> memref<80x128xf32, #tpu.memory_space<vmem_shared>>
      %dma_wait3A_209 = arith.constant 0 : i32
      %dma_wait3A_210 = arith.constant 0 : i32
      %dma_wait3A_211 = tpu.memref_slice %arg18[%arg1, %dma_wait3A_209, %dma_wait3A_210] : memref<16x80x128xf32, #tpu.memory_space<vmem_shared>> -> memref<1x80x128xf32, #tpu.memory_space<vmem_shared>>
      %dma_wait3A_212 = tpu.memref_squeeze %dma_wait3A_211 : memref<1x80x128xf32, #tpu.memory_space<vmem_shared>> -> memref<80x128xf32, #tpu.memory_space<vmem_shared>>
      tpu.wait_dma2 semaphore(%run_scoped3A : memref<!tpu.dma_semaphore, #tpu.memory_space<semaphore_mem>>) src(%arg11 : memref<80x128xf32, #tpu.memory_space<vmem>>) dst(%dma_wait3A_212 : memref<80x128xf32, #tpu.memory_space<vmem_shared>>)
      tpu.yield
    }) : () -> ()
    "tpu.trace_stop"() : () -> ()
    %barrier3A = arith.constant 0 : index
    tpu.barrier barrier_id(%barrier3A)
    "tpu.trace_start"() <{level = 10 : i32, message = "dis"}> : () -> ()
    %scan3A_22 = arith.constant 0 : i32
    %scan3A_23 = arith.constant 0 : i32
    %scan3A_24 = arith.constant 16 : i32
    %scan3A_25 = arith.addi %scan3A_23, %scan3A_24 : i32
    %scan3A_26 = arith.constant 1 : i32
    %scan3A_27 = scf.for %scan3A_197 = %scan3A_23 to %scan3A_25 step %scan3A_26 iter_args(%scan3A_198 = %scan3A_22) -> (i32)  : i32 {
      %mul3A_199 = arith.constant 5 : i32
      %mul3A_200 = arith.muli %arg1, %mul3A_199 : i32
      %mul3A_201 = arith.constant 5 : i32
      %mul3A_202 = arith.muli %scan3A_197, %mul3A_201 : i32
      "tpu.region"() ({
        %run_scoped3A = tpu.sem_alloc : memref<!tpu.dma_semaphore, #tpu.memory_space<semaphore_mem>>
        %dma_start3A_204 = arith.constant 0 : i32
        %dma_start3A_205 = tpu.memref_slice %arg11[%mul3A_202, %dma_start3A_204] : memref<80x128xf32, #tpu.memory_space<vmem>> -> memref<5x128xf32, #tpu.memory_space<vmem>>
        %dma_start3A_206 = arith.constant 0 : i32
        %dma_start3A_207 = tpu.memref_slice %arg18[%scan3A_197, %mul3A_200, %dma_start3A_206] : memref<16x80x128xf32, #tpu.memory_space<vmem_shared>> -> memref<1x5x128xf32, #tpu.memory_space<vmem_shared>>
        %dma_start3A_208 = tpu.memref_squeeze %dma_start3A_207 : memref<1x5x128xf32, #tpu.memory_space<vmem_shared>> -> memref<5x128xf32, #tpu.memory_space<vmem_shared>>
        %dma_start3A_209 = arith.constant 0 : i32
        %dma_start3A_210 = tpu.memref_slice %arg11[%mul3A_202, %dma_start3A_209] : memref<80x128xf32, #tpu.memory_space<vmem>> -> memref<5x128xf32, #tpu.memory_space<vmem>>
        %dma_start3A_211 = arith.constant 0 : i32
        %dma_start3A_212 = tpu.memref_slice %arg18[%scan3A_197, %mul3A_200, %dma_start3A_211] : memref<16x80x128xf32, #tpu.memory_space<vmem_shared>> -> memref<1x5x128xf32, #tpu.memory_space<vmem_shared>>
        %dma_start3A_213 = tpu.memref_squeeze %dma_start3A_212 : memref<1x5x128xf32, #tpu.memory_space<vmem_shared>> -> memref<5x128xf32, #tpu.memory_space<vmem_shared>>
        tpu.enqueue_dma source(%dma_start3A_213 : memref<5x128xf32, #tpu.memory_space<vmem_shared>>) target(%dma_start3A_210 : memref<5x128xf32, #tpu.memory_space<vmem>>) target_semaphore(%run_scoped3A : memref<!tpu.dma_semaphore, #tpu.memory_space<semaphore_mem>>)
        %dma_wait3A_214 = arith.constant 0 : i32
        %dma_wait3A_215 = tpu.memref_slice %arg11[%mul3A_202, %dma_wait3A_214] : memref<80x128xf32, #tpu.memory_space<vmem>> -> memref<5x128xf32, #tpu.memory_space<vmem>>
        %dma_wait3A_216 = arith.constant 0 : i32
        %dma_wait3A_217 = tpu.memref_slice %arg18[%scan3A_197, %mul3A_200, %dma_wait3A_216] : memref<16x80x128xf32, #tpu.memory_space<vmem_shared>> -> memref<1x5x128xf32, #tpu.memory_space<vmem_shared>>
        %dma_wait3A_218 = tpu.memref_squeeze %dma_wait3A_217 : memref<1x5x128xf32, #tpu.memory_space<vmem_shared>> -> memref<5x128xf32, #tpu.memory_space<vmem_shared>>
        %dma_wait3A_219 = arith.constant 0 : i32
        %dma_wait3A_220 = tpu.memref_slice %arg11[%mul3A_202, %dma_wait3A_219] : memref<80x128xf32, #tpu.memory_space<vmem>> -> memref<5x128xf32, #tpu.memory_space<vmem>>
        %dma_wait3A_221 = arith.constant 0 : i32
        %dma_wait3A_222 = tpu.memref_slice %arg18[%scan3A_197, %mul3A_200, %dma_wait3A_221] : memref<16x80x128xf32, #tpu.memory_space<vmem_shared>> -> memref<1x5x128xf32, #tpu.memory_space<vmem_shared>>
        %dma_wait3A_223 = tpu.memref_squeeze %dma_wait3A_222 : memref<1x5x128xf32, #tpu.memory_space<vmem_shared>> -> memref<5x128xf32, #tpu.memory_space<vmem_shared>>
        tpu.wait_dma2 semaphore(%run_scoped3A : memref<!tpu.dma_semaphore, #tpu.memory_space<semaphore_mem>>) src(%dma_wait3A_223 : memref<5x128xf32, #tpu.memory_space<vmem_shared>>) dst(%dma_wait3A_220 : memref<5x128xf32, #tpu.memory_space<vmem>>)
        tpu.yield
      }) : () -> ()
      %scan3A_203 = arith.constant 0 : i32
      scf.yield %scan3A_203 : i32
    }
    %scan3A_28 = arith.constant 16 : i32
    %scan3A_29 = arith.constant 0 : i32
    %scan3A_30 = arith.constant 0 : i32
    %scan3A_31 = arith.constant 40 : i32
    %scan3A_32 = arith.addi %scan3A_30, %scan3A_31 : i32
    %scan3A_33 = arith.constant 1 : i32
    %scan3A_34 = scf.for %scan3A_197 = %scan3A_30 to %scan3A_32 step %scan3A_33 iter_args(%scan3A_198 = %scan3A_29) -> (i32)  : i32 {
      %broadcast_in_dim3A = arith.constant 0.000000e+00 : f32
      %broadcast_in_dim3A_199 = vector.broadcast %broadcast_in_dim3A : f32 to vector<16xf32>
      %jit3A = arith.constant 8 : i32
      %div3A = arith.divsi %scan3A_197, %jit3A : i32
      %sign3A = arith.constant 0 : i32
      %sign3A_200 = arith.cmpi sgt, %scan3A_197, %sign3A : i32
      %sign3A_201 = arith.extui %sign3A_200 : i1 to i32
      %sign3A_202 = arith.constant 0 : i32
      %sign3A_203 = arith.cmpi slt, %scan3A_197, %sign3A_202 : i32
      %sign3A_204 = arith.extui %sign3A_203 : i1 to i32
      %sign3A_205 = arith.subi %sign3A_201, %sign3A_204 : i32
      %sign3A_206 = arith.constant 0 : i32
      %sign3A_207 = arith.cmpi sgt, %jit3A, %sign3A_206 : i32
      %sign3A_208 = arith.extui %sign3A_207 : i1 to i32
      %sign3A_209 = arith.constant 0 : i32
      %sign3A_210 = arith.cmpi slt, %jit3A, %sign3A_209 : i32
      %sign3A_211 = arith.extui %sign3A_210 : i1 to i32
      %sign3A_212 = arith.subi %sign3A_208, %sign3A_211 : i32
      %ne3A = arith.cmpi ne, %sign3A_205, %sign3A_212 : i32
      %rem3A = arith.remsi %scan3A_197, %jit3A : i32
      %ne3A_213 = arith.constant 0 : i32
      %ne3A_214 = arith.cmpi ne, %rem3A, %ne3A_213 : i32
      %and3A = arith.andi %ne3A, %ne3A_214 : i1
      %sub3A = arith.constant 1 : i32
      %sub3A_215 = arith.subi %div3A, %sub3A : i32
      %select_n3A = arith.select %and3A, %sub3A_215, %div3A : i32
      %add3A_216 = arith.constant 0 : i32
      %add3A_217 = arith.addi %add3A_216, %select_n3A : i32
      %jit3A_218 = arith.constant 8 : i32
      %eq3A_219 = arith.constant 0 : i32
      %eq3A_220 = arith.cmpi eq, %jit3A_218, %eq3A_219 : i32
      %jit3A_221 = arith.constant 1 : i32
      %select_n3A_222 = arith.select %eq3A_220, %jit3A_221, %jit3A_218 : i32
      %rem3A_223 = arith.remsi %scan3A_197, %select_n3A_222 : i32
      %ne3A_224 = arith.constant 0 : i32
      %ne3A_225 = arith.cmpi ne, %rem3A_223, %ne3A_224 : i32
      %lt3A = arith.constant 0 : i32
      %lt3A_226 = arith.cmpi slt, %rem3A_223, %lt3A : i32
      %lt3A_227 = arith.constant 0 : i32
      %lt3A_228 = arith.cmpi slt, %select_n3A_222, %lt3A_227 : i32
      %ne3A_229 = arith.xori %lt3A_226, %lt3A_228 : i1
      %and3A_230 = arith.andi %ne3A_229, %ne3A_225 : i1
      %add3A_231 = arith.addi %rem3A_223, %select_n3A_222 : i32
      %select_n3A_232 = arith.select %and3A_230, %add3A_231, %rem3A_223 : i32
      %mul3A_233 = arith.constant 16 : i32
      %mul3A_234 = arith.muli %select_n3A_232, %mul3A_233 : i32
      %get3A_235 = arith.index_cast %add3A_217 : i32 to index
      %get3A_236 = arith.index_cast %mul3A_234 : i32 to index
      %get3A_237 = tpu.vector_load %arg11[%get3A_235, %get3A_236] {strides = array<i32>} : memref<80x128xf32, #tpu.memory_space<vmem>>, vector<16xf32>,
      %add3A_238 = arith.addf %broadcast_in_dim3A_199, %get3A_237 : vector<16xf32>
      %jit3A_239 = arith.constant 8 : i32
      %div3A_240 = arith.divsi %scan3A_197, %jit3A_239 : i32
      %sign3A_241 = arith.constant 0 : i32
      %sign3A_242 = arith.cmpi sgt, %scan3A_197, %sign3A_241 : i32
      %sign3A_243 = arith.extui %sign3A_242 : i1 to i32
      %sign3A_244 = arith.constant 0 : i32
      %sign3A_245 = arith.cmpi slt, %scan3A_197, %sign3A_244 : i32
      %sign3A_246 = arith.extui %sign3A_245 : i1 to i32
      %sign3A_247 = arith.subi %sign3A_243, %sign3A_246 : i32
      %sign3A_248 = arith.constant 0 : i32
      %sign3A_249 = arith.cmpi sgt, %jit3A_239, %sign3A_248 : i32
      %sign3A_250 = arith.extui %sign3A_249 : i1 to i32
      %sign3A_251 = arith.constant 0 : i32
      %sign3A_252 = arith.cmpi slt, %jit3A_239, %sign3A_251 : i32
      %sign3A_253 = arith.extui %sign3A_252 : i1 to i32
      %sign3A_254 = arith.subi %sign3A_250, %sign3A_253 : i32
      %ne3A_255 = arith.cmpi ne, %sign3A_247, %sign3A_254 : i32
      %rem3A_256 = arith.remsi %scan3A_197, %jit3A_239 : i32
      %ne3A_257 = arith.constant 0 : i32
      %ne3A_258 = arith.cmpi ne, %rem3A_256, %ne3A_257 : i32
      %and3A_259 = arith.andi %ne3A_255, %ne3A_258 : i1
      %sub3A_260 = arith.constant 1 : i32
      %sub3A_261 = arith.subi %div3A_240, %sub3A_260 : i32
      %select_n3A_262 = arith.select %and3A_259, %sub3A_261, %div3A_240 : i32
      %add3A_263 = arith.constant 5 : i32
      %add3A_264 = arith.addi %add3A_263, %select_n3A_262 : i32
      %jit3A_265 = arith.constant 8 : i32
      %eq3A_266 = arith.constant 0 : i32
      %eq3A_267 = arith.cmpi eq, %jit3A_265, %eq3A_266 : i32
      %jit3A_268 = arith.constant 1 : i32
      %select_n3A_269 = arith.select %eq3A_267, %jit3A_268, %jit3A_265 : i32
      %rem3A_270 = arith.remsi %scan3A_197, %select_n3A_269 : i32
      %ne3A_271 = arith.constant 0 : i32
      %ne3A_272 = arith.cmpi ne, %rem3A_270, %ne3A_271 : i32
      %lt3A_273 = arith.constant 0 : i32
      %lt3A_274 = arith.cmpi slt, %rem3A_270, %lt3A_273 : i32
      %lt3A_275 = arith.constant 0 : i32
      %lt3A_276 = arith.cmpi slt, %select_n3A_269, %lt3A_275 : i32
      %ne3A_277 = arith.xori %lt3A_274, %lt3A_276 : i1
      %and3A_278 = arith.andi %ne3A_277, %ne3A_272 : i1
      %add3A_279 = arith.addi %rem3A_270, %select_n3A_269 : i32
      %select_n3A_280 = arith.select %and3A_278, %add3A_279, %rem3A_270 : i32
      %mul3A_281 = arith.constant 16 : i32
      %mul3A_282 = arith.muli %select_n3A_280, %mul3A_281 : i32
      %get3A_283 = arith.index_cast %add3A_264 : i32 to index
      %get3A_284 = arith.index_cast %mul3A_282 : i32 to index
      %get3A_285 = tpu.vector_load %arg11[%get3A_283, %get3A_284] {strides = array<i32>} : memref<80x128xf32, #tpu.memory_space<vmem>>, vector<16xf32>,
      %add3A_286 = arith.addf %add3A_238, %get3A_285 : vector<16xf32>
      %jit3A_287 = arith.constant 8 : i32
      %div3A_288 = arith.divsi %scan3A_197, %jit3A_287 : i32
      %sign3A_289 = arith.constant 0 : i32
      %sign3A_290 = arith.cmpi sgt, %scan3A_197, %sign3A_289 : i32
      %sign3A_291 = arith.extui %sign3A_290 : i1 to i32
      %sign3A_292 = arith.constant 0 : i32
      %sign3A_293 = arith.cmpi slt, %scan3A_197, %sign3A_292 : i32
      %sign3A_294 = arith.extui %sign3A_293 : i1 to i32
      %sign3A_295 = arith.subi %sign3A_291, %sign3A_294 : i32
      %sign3A_296 = arith.constant 0 : i32
      %sign3A_297 = arith.cmpi sgt, %jit3A_287, %sign3A_296 : i32
      %sign3A_298 = arith.extui %sign3A_297 : i1 to i32
      %sign3A_299 = arith.constant 0 : i32
      %sign3A_300 = arith.cmpi slt, %jit3A_287, %sign3A_299 : i32
      %sign3A_301 = arith.extui %sign3A_300 : i1 to i32
      %sign3A_302 = arith.subi %sign3A_298, %sign3A_301 : i32
      %ne3A_303 = arith.cmpi ne, %sign3A_295, %sign3A_302 : i32
      %rem3A_304 = arith.remsi %scan3A_197, %jit3A_287 : i32
      %ne3A_305 = arith.constant 0 : i32
      %ne3A_306 = arith.cmpi ne, %rem3A_304, %ne3A_305 : i32
      %and3A_307 = arith.andi %ne3A_303, %ne3A_306 : i1
      %sub3A_308 = arith.constant 1 : i32
      %sub3A_309 = arith.subi %div3A_288, %sub3A_308 : i32
      %select_n3A_310 = arith.select %and3A_307, %sub3A_309, %div3A_288 : i32
      %add3A_311 = arith.constant 10 : i32
      %add3A_312 = arith.addi %add3A_311, %select_n3A_310 : i32
      %jit3A_313 = arith.constant 8 : i32
      %eq3A_314 = arith.constant 0 : i32
      %eq3A_315 = arith.cmpi eq, %jit3A_313, %eq3A_314 : i32
      %jit3A_316 = arith.constant 1 : i32
      %select_n3A_317 = arith.select %eq3A_315, %jit3A_316, %jit3A_313 : i32
      %rem3A_318 = arith.remsi %scan3A_197, %select_n3A_317 : i32
      %ne3A_319 = arith.constant 0 : i32
      %ne3A_320 = arith.cmpi ne, %rem3A_318, %ne3A_319 : i32
      %lt3A_321 = arith.constant 0 : i32
      %lt3A_322 = arith.cmpi slt, %rem3A_318, %lt3A_321 : i32
      %lt3A_323 = arith.constant 0 : i32
      %lt3A_324 = arith.cmpi slt, %select_n3A_317, %lt3A_323 : i32
      %ne3A_325 = arith.xori %lt3A_322, %lt3A_324 : i1
      %and3A_326 = arith.andi %ne3A_325, %ne3A_320 : i1
      %add3A_327 = arith.addi %rem3A_318, %select_n3A_317 : i32
      %select_n3A_328 = arith.select %and3A_326, %add3A_327, %rem3A_318 : i32
      %mul3A_329 = arith.constant 16 : i32
      %mul3A_330 = arith.muli %select_n3A_328, %mul3A_329 : i32
      %get3A_331 = arith.index_cast %add3A_312 : i32 to index
      %get3A_332 = arith.index_cast %mul3A_330 : i32 to index
      %get3A_333 = tpu.vector_load %arg11[%get3A_331, %get3A_332] {strides = array<i32>} : memref<80x128xf32, #tpu.memory_space<vmem>>, vector<16xf32>,
      %add3A_334 = arith.addf %add3A_286, %get3A_333 : vector<16xf32>
      %jit3A_335 = arith.constant 8 : i32
      %div3A_336 = arith.divsi %scan3A_197, %jit3A_335 : i32
      %sign3A_337 = arith.constant 0 : i32
      %sign3A_338 = arith.cmpi sgt, %scan3A_197, %sign3A_337 : i32
      %sign3A_339 = arith.extui %sign3A_338 : i1 to i32
      %sign3A_340 = arith.constant 0 : i32
      %sign3A_341 = arith.cmpi slt, %scan3A_197, %sign3A_340 : i32
      %sign3A_342 = arith.extui %sign3A_341 : i1 to i32
      %sign3A_343 = arith.subi %sign3A_339, %sign3A_342 : i32
      %sign3A_344 = arith.constant 0 : i32
      %sign3A_345 = arith.cmpi sgt, %jit3A_335, %sign3A_344 : i32
      %sign3A_346 = arith.extui %sign3A_345 : i1 to i32
      %sign3A_347 = arith.constant 0 : i32
      %sign3A_348 = arith.cmpi slt, %jit3A_335, %sign3A_347 : i32
      %sign3A_349 = arith.extui %sign3A_348 : i1 to i32
      %sign3A_350 = arith.subi %sign3A_346, %sign3A_349 : i32
      %ne3A_351 = arith.cmpi ne, %sign3A_343, %sign3A_350 : i32
      %rem3A_352 = arith.remsi %scan3A_197, %jit3A_335 : i32
      %ne3A_353 = arith.constant 0 : i32
      %ne3A_354 = arith.cmpi ne, %rem3A_352, %ne3A_353 : i32
      %and3A_355 = arith.andi %ne3A_351, %ne3A_354 : i1
      %sub3A_356 = arith.constant 1 : i32
      %sub3A_357 = arith.subi %div3A_336, %sub3A_356 : i32
      %select_n3A_358 = arith.select %and3A_355, %sub3A_357, %div3A_336 : i32
      %add3A_359 = arith.constant 15 : i32
      %add3A_360 = arith.addi %add3A_359, %select_n3A_358 : i32
      %jit3A_361 = arith.constant 8 : i32
      %eq3A_362 = arith.constant 0 : i32
      %eq3A_363 = arith.cmpi eq, %jit3A_361, %eq3A_362 : i32
      %jit3A_364 = arith.constant 1 : i32
      %select_n3A_365 = arith.select %eq3A_363, %jit3A_364, %jit3A_361 : i32
      %rem3A_366 = arith.remsi %scan3A_197, %select_n3A_365 : i32
      %ne3A_367 = arith.constant 0 : i32
      %ne3A_368 = arith.cmpi ne, %rem3A_366, %ne3A_367 : i32
      %lt3A_369 = arith.constant 0 : i32
      %lt3A_370 = arith.cmpi slt, %rem3A_366, %lt3A_369 : i32
      %lt3A_371 = arith.constant 0 : i32
      %lt3A_372 = arith.cmpi slt, %select_n3A_365, %lt3A_371 : i32
      %ne3A_373 = arith.xori %lt3A_370, %lt3A_372 : i1
      %and3A_374 = arith.andi %ne3A_373, %ne3A_368 : i1
      %add3A_375 = arith.addi %rem3A_366, %select_n3A_365 : i32
      %select_n3A_376 = arith.select %and3A_374, %add3A_375, %rem3A_366 : i32
      %mul3A_377 = arith.constant 16 : i32
      %mul3A_378 = arith.muli %select_n3A_376, %mul3A_377 : i32
      %get3A_379 = arith.index_cast %add3A_360 : i32 to index
      %get3A_380 = arith.index_cast %mul3A_378 : i32 to index
      %get3A_381 = tpu.vector_load %arg11[%get3A_379, %get3A_380] {strides = array<i32>} : memref<80x128xf32, #tpu.memory_space<vmem>>, vector<16xf32>,
      %add3A_382 = arith.addf %add3A_334, %get3A_381 : vector<16xf32>
      %jit3A_383 = arith.constant 8 : i32
      %div3A_384 = arith.divsi %scan3A_197, %jit3A_383 : i32
      %sign3A_385 = arith.constant 0 : i32
      %sign3A_386 = arith.cmpi sgt, %scan3A_197, %sign3A_385 : i32
      %sign3A_387 = arith.extui %sign3A_386 : i1 to i32
      %sign3A_388 = arith.constant 0 : i32
      %sign3A_389 = arith.cmpi slt, %scan3A_197, %sign3A_388 : i32
      %sign3A_390 = arith.extui %sign3A_389 : i1 to i32
      %sign3A_391 = arith.subi %sign3A_387, %sign3A_390 : i32
      %sign3A_392 = arith.constant 0 : i32
      %sign3A_393 = arith.cmpi sgt, %jit3A_383, %sign3A_392 : i32
      %sign3A_394 = arith.extui %sign3A_393 : i1 to i32
      %sign3A_395 = arith.constant 0 : i32
      %sign3A_396 = arith.cmpi slt, %jit3A_383, %sign3A_395 : i32
      %sign3A_397 = arith.extui %sign3A_396 : i1 to i32
      %sign3A_398 = arith.subi %sign3A_394, %sign3A_397 : i32
      %ne3A_399 = arith.cmpi ne, %sign3A_391, %sign3A_398 : i32
      %rem3A_400 = arith.remsi %scan3A_197, %jit3A_383 : i32
      %ne3A_401 = arith.constant 0 : i32
      %ne3A_402 = arith.cmpi ne, %rem3A_400, %ne3A_401 : i32
      %and3A_403 = arith.andi %ne3A_399, %ne3A_402 : i1
      %sub3A_404 = arith.constant 1 : i32
      %sub3A_405 = arith.subi %div3A_384, %sub3A_404 : i32
      %select_n3A_406 = arith.select %and3A_403, %sub3A_405, %div3A_384 : i32
      %add3A_407 = arith.constant 20 : i32
      %add3A_408 = arith.addi %add3A_407, %select_n3A_406 : i32
      %jit3A_409 = arith.constant 8 : i32
      %eq3A_410 = arith.constant 0 : i32
      %eq3A_411 = arith.cmpi eq, %jit3A_409, %eq3A_410 : i32
      %jit3A_412 = arith.constant 1 : i32
      %select_n3A_413 = arith.select %eq3A_411, %jit3A_412, %jit3A_409 : i32
      %rem3A_414 = arith.remsi %scan3A_197, %select_n3A_413 : i32
      %ne3A_415 = arith.constant 0 : i32
      %ne3A_416 = arith.cmpi ne, %rem3A_414, %ne3A_415 : i32
      %lt3A_417 = arith.constant 0 : i32
      %lt3A_418 = arith.cmpi slt, %rem3A_414, %lt3A_417 : i32
      %lt3A_419 = arith.constant 0 : i32
      %lt3A_420 = arith.cmpi slt, %select_n3A_413, %lt3A_419 : i32
      %ne3A_421 = arith.xori %lt3A_418, %lt3A_420 : i1
      %and3A_422 = arith.andi %ne3A_421, %ne3A_416 : i1
      %add3A_423 = arith.addi %rem3A_414, %select_n3A_413 : i32
      %select_n3A_424 = arith.select %and3A_422, %add3A_423, %rem3A_414 : i32
      %mul3A_425 = arith.constant 16 : i32
      %mul3A_426 = arith.muli %select_n3A_424, %mul3A_425 : i32
      %get3A_427 = arith.index_cast %add3A_408 : i32 to index
      %get3A_428 = arith.index_cast %mul3A_426 : i32 to index
      %get3A_429 = tpu.vector_load %arg11[%get3A_427, %get3A_428] {strides = array<i32>} : memref<80x128xf32, #tpu.memory_space<vmem>>, vector<16xf32>,
      %add3A_430 = arith.addf %add3A_382, %get3A_429 : vector<16xf32>
      %jit3A_431 = arith.constant 8 : i32
      %div3A_432 = arith.divsi %scan3A_197, %jit3A_431 : i32
      %sign3A_433 = arith.constant 0 : i32
      %sign3A_434 = arith.cmpi sgt, %scan3A_197, %sign3A_433 : i32
      %sign3A_435 = arith.extui %sign3A_434 : i1 to i32
      %sign3A_436 = arith.constant 0 : i32
      %sign3A_437 = arith.cmpi slt, %scan3A_197, %sign3A_436 : i32
      %sign3A_438 = arith.extui %sign3A_437 : i1 to i32
      %sign3A_439 = arith.subi %sign3A_435, %sign3A_438 : i32
      %sign3A_440 = arith.constant 0 : i32
      %sign3A_441 = arith.cmpi sgt, %jit3A_431, %sign3A_440 : i32
      %sign3A_442 = arith.extui %sign3A_441 : i1 to i32
      %sign3A_443 = arith.constant 0 : i32
      %sign3A_444 = arith.cmpi slt, %jit3A_431, %sign3A_443 : i32
      %sign3A_445 = arith.extui %sign3A_444 : i1 to i32
      %sign3A_446 = arith.subi %sign3A_442, %sign3A_445 : i32
      %ne3A_447 = arith.cmpi ne, %sign3A_439, %sign3A_446 : i32
      %rem3A_448 = arith.remsi %scan3A_197, %jit3A_431 : i32
      %ne3A_449 = arith.constant 0 : i32
      %ne3A_450 = arith.cmpi ne, %rem3A_448, %ne3A_449 : i32
      %and3A_451 = arith.andi %ne3A_447, %ne3A_450 : i1
      %sub3A_452 = arith.constant 1 : i32
      %sub3A_453 = arith.subi %div3A_432, %sub3A_452 : i32
      %select_n3A_454 = arith.select %and3A_451, %sub3A_453, %div3A_432 : i32
      %add3A_455 = arith.constant 25 : i32
      %add3A_456 = arith.addi %add3A_455, %select_n3A_454 : i32
      %jit3A_457 = arith.constant 8 : i32
      %eq3A_458 = arith.constant 0 : i32
      %eq3A_459 = arith.cmpi eq, %jit3A_457, %eq3A_458 : i32
      %jit3A_460 = arith.constant 1 : i32
      %select_n3A_461 = arith.select %eq3A_459, %jit3A_460, %jit3A_457 : i32
      %rem3A_462 = arith.remsi %scan3A_197, %select_n3A_461 : i32
      %ne3A_463 = arith.constant 0 : i32
      %ne3A_464 = arith.cmpi ne, %rem3A_462, %ne3A_463 : i32
      %lt3A_465 = arith.constant 0 : i32
      %lt3A_466 = arith.cmpi slt, %rem3A_462, %lt3A_465 : i32
      %lt3A_467 = arith.constant 0 : i32
      %lt3A_468 = arith.cmpi slt, %select_n3A_461, %lt3A_467 : i32
      %ne3A_469 = arith.xori %lt3A_466, %lt3A_468 : i1
      %and3A_470 = arith.andi %ne3A_469, %ne3A_464 : i1
      %add3A_471 = arith.addi %rem3A_462, %select_n3A_461 : i32
      %select_n3A_472 = arith.select %and3A_470, %add3A_471, %rem3A_462 : i32
      %mul3A_473 = arith.constant 16 : i32
      %mul3A_474 = arith.muli %select_n3A_472, %mul3A_473 : i32
      %get3A_475 = arith.index_cast %add3A_456 : i32 to index
      %get3A_476 = arith.index_cast %mul3A_474 : i32 to index
      %get3A_477 = tpu.vector_load %arg11[%get3A_475, %get3A_476] {strides = array<i32>} : memref<80x128xf32, #tpu.memory_space<vmem>>, vector<16xf32>,
      %add3A_478 = arith.addf %add3A_430, %get3A_477 : vector<16xf32>
      %jit3A_479 = arith.constant 8 : i32
      %div3A_480 = arith.divsi %scan3A_197, %jit3A_479 : i32
      %sign3A_481 = arith.constant 0 : i32
      %sign3A_482 = arith.cmpi sgt, %scan3A_197, %sign3A_481 : i32
      %sign3A_483 = arith.extui %sign3A_482 : i1 to i32
      %sign3A_484 = arith.constant 0 : i32
      %sign3A_485 = arith.cmpi slt, %scan3A_197, %sign3A_484 : i32
      %sign3A_486 = arith.extui %sign3A_485 : i1 to i32
      %sign3A_487 = arith.subi %sign3A_483, %sign3A_486 : i32
      %sign3A_488 = arith.constant 0 : i32
      %sign3A_489 = arith.cmpi sgt, %jit3A_479, %sign3A_488 : i32
      %sign3A_490 = arith.extui %sign3A_489 : i1 to i32
      %sign3A_491 = arith.constant 0 : i32
      %sign3A_492 = arith.cmpi slt, %jit3A_479, %sign3A_491 : i32
      %sign3A_493 = arith.extui %sign3A_492 : i1 to i32
      %sign3A_494 = arith.subi %sign3A_490, %sign3A_493 : i32
      %ne3A_495 = arith.cmpi ne, %sign3A_487, %sign3A_494 : i32
      %rem3A_496 = arith.remsi %scan3A_197, %jit3A_479 : i32
      %ne3A_497 = arith.constant 0 : i32
      %ne3A_498 = arith.cmpi ne, %rem3A_496, %ne3A_497 : i32
      %and3A_499 = arith.andi %ne3A_495, %ne3A_498 : i1
      %sub3A_500 = arith.constant 1 : i32
      %sub3A_501 = arith.subi %div3A_480, %sub3A_500 : i32
      %select_n3A_502 = arith.select %and3A_499, %sub3A_501, %div3A_480 : i32
      %add3A_503 = arith.constant 30 : i32
      %add3A_504 = arith.addi %add3A_503, %select_n3A_502 : i32
      %jit3A_505 = arith.constant 8 : i32
      %eq3A_506 = arith.constant 0 : i32
      %eq3A_507 = arith.cmpi eq, %jit3A_505, %eq3A_506 : i32
      %jit3A_508 = arith.constant 1 : i32
      %select_n3A_509 = arith.select %eq3A_507, %jit3A_508, %jit3A_505 : i32
      %rem3A_510 = arith.remsi %scan3A_197, %select_n3A_509 : i32
      %ne3A_511 = arith.constant 0 : i32
      %ne3A_512 = arith.cmpi ne, %rem3A_510, %ne3A_511 : i32
      %lt3A_513 = arith.constant 0 : i32
      %lt3A_514 = arith.cmpi slt, %rem3A_510, %lt3A_513 : i32
      %lt3A_515 = arith.constant 0 : i32
      %lt3A_516 = arith.cmpi slt, %select_n3A_509, %lt3A_515 : i32
      %ne3A_517 = arith.xori %lt3A_514, %lt3A_516 : i1
      %and3A_518 = arith.andi %ne3A_517, %ne3A_512 : i1
      %add3A_519 = arith.addi %rem3A_510, %select_n3A_509 : i32
      %select_n3A_520 = arith.select %and3A_518, %add3A_519, %rem3A_510 : i32
      %mul3A_521 = arith.constant 16 : i32
      %mul3A_522 = arith.muli %select_n3A_520, %mul3A_521 : i32
      %get3A_523 = arith.index_cast %add3A_504 : i32 to index
      %get3A_524 = arith.index_cast %mul3A_522 : i32 to index
      %get3A_525 = tpu.vector_load %arg11[%get3A_523, %get3A_524] {strides = array<i32>} : memref<80x128xf32, #tpu.memory_space<vmem>>, vector<16xf32>,
      %add3A_526 = arith.addf %add3A_478, %get3A_525 : vector<16xf32>
      %jit3A_527 = arith.constant 8 : i32
      %div3A_528 = arith.divsi %scan3A_197, %jit3A_527 : i32
      %sign3A_529 = arith.constant 0 : i32
      %sign3A_530 = arith.cmpi sgt, %scan3A_197, %sign3A_529 : i32
      %sign3A_531 = arith.extui %sign3A_530 : i1 to i32
      %sign3A_532 = arith.constant 0 : i32
      %sign3A_533 = arith.cmpi slt, %scan3A_197, %sign3A_532 : i32
      %sign3A_534 = arith.extui %sign3A_533 : i1 to i32
      %sign3A_535 = arith.subi %sign3A_531, %sign3A_534 : i32
      %sign3A_536 = arith.constant 0 : i32
      %sign3A_537 = arith.cmpi sgt, %jit3A_527, %sign3A_536 : i32
      %sign3A_538 = arith.extui %sign3A_537 : i1 to i32
      %sign3A_539 = arith.constant 0 : i32
      %sign3A_540 = arith.cmpi slt, %jit3A_527, %sign3A_539 : i32
      %sign3A_541 = arith.extui %sign3A_540 : i1 to i32
      %sign3A_542 = arith.subi %sign3A_538, %sign3A_541 : i32
      %ne3A_543 = arith.cmpi ne, %sign3A_535, %sign3A_542 : i32
      %rem3A_544 = arith.remsi %scan3A_197, %jit3A_527 : i32
      %ne3A_545 = arith.constant 0 : i32
      %ne3A_546 = arith.cmpi ne, %rem3A_544, %ne3A_545 : i32
      %and3A_547 = arith.andi %ne3A_543, %ne3A_546 : i1
      %sub3A_548 = arith.constant 1 : i32
      %sub3A_549 = arith.subi %div3A_528, %sub3A_548 : i32
      %select_n3A_550 = arith.select %and3A_547, %sub3A_549, %div3A_528 : i32
      %add3A_551 = arith.constant 35 : i32
      %add3A_552 = arith.addi %add3A_551, %select_n3A_550 : i32
      %jit3A_553 = arith.constant 8 : i32
      %eq3A_554 = arith.constant 0 : i32
      %eq3A_555 = arith.cmpi eq, %jit3A_553, %eq3A_554 : i32
      %jit3A_556 = arith.constant 1 : i32
      %select_n3A_557 = arith.select %eq3A_555, %jit3A_556, %jit3A_553 : i32
      %rem3A_558 = arith.remsi %scan3A_197, %select_n3A_557 : i32
      %ne3A_559 = arith.constant 0 : i32
      %ne3A_560 = arith.cmpi ne, %rem3A_558, %ne3A_559 : i32
      %lt3A_561 = arith.constant 0 : i32
      %lt3A_562 = arith.cmpi slt, %rem3A_558, %lt3A_561 : i32
      %lt3A_563 = arith.constant 0 : i32
      %lt3A_564 = arith.cmpi slt, %select_n3A_557, %lt3A_563 : i32
      %ne3A_565 = arith.xori %lt3A_562, %lt3A_564 : i1
      %and3A_566 = arith.andi %ne3A_565, %ne3A_560 : i1
      %add3A_567 = arith.addi %rem3A_558, %select_n3A_557 : i32
      %select_n3A_568 = arith.select %and3A_566, %add3A_567, %rem3A_558 : i32
      %mul3A_569 = arith.constant 16 : i32
      %mul3A_570 = arith.muli %select_n3A_568, %mul3A_569 : i32
      %get3A_571 = arith.index_cast %add3A_552 : i32 to index
      %get3A_572 = arith.index_cast %mul3A_570 : i32 to index
      %get3A_573 = tpu.vector_load %arg11[%get3A_571, %get3A_572] {strides = array<i32>} : memref<80x128xf32, #tpu.memory_space<vmem>>, vector<16xf32>,
      %add3A_574 = arith.addf %add3A_526, %get3A_573 : vector<16xf32>
      %jit3A_575 = arith.constant 8 : i32
      %div3A_576 = arith.divsi %scan3A_197, %jit3A_575 : i32
      %sign3A_577 = arith.constant 0 : i32
      %sign3A_578 = arith.cmpi sgt, %scan3A_197, %sign3A_577 : i32
      %sign3A_579 = arith.extui %sign3A_578 : i1 to i32
      %sign3A_580 = arith.constant 0 : i32
      %sign3A_581 = arith.cmpi slt, %scan3A_197, %sign3A_580 : i32
      %sign3A_582 = arith.extui %sign3A_581 : i1 to i32
      %sign3A_583 = arith.subi %sign3A_579, %sign3A_582 : i32
      %sign3A_584 = arith.constant 0 : i32
      %sign3A_585 = arith.cmpi sgt, %jit3A_575, %sign3A_584 : i32
      %sign3A_586 = arith.extui %sign3A_585 : i1 to i32
      %sign3A_587 = arith.constant 0 : i32
      %sign3A_588 = arith.cmpi slt, %jit3A_575, %sign3A_587 : i32
      %sign3A_589 = arith.extui %sign3A_588 : i1 to i32
      %sign3A_590 = arith.subi %sign3A_586, %sign3A_589 : i32
      %ne3A_591 = arith.cmpi ne, %sign3A_583, %sign3A_590 : i32
      %rem3A_592 = arith.remsi %scan3A_197, %jit3A_575 : i32
      %ne3A_593 = arith.constant 0 : i32
      %ne3A_594 = arith.cmpi ne, %rem3A_592, %ne3A_593 : i32
      %and3A_595 = arith.andi %ne3A_591, %ne3A_594 : i1
      %sub3A_596 = arith.constant 1 : i32
      %sub3A_597 = arith.subi %div3A_576, %sub3A_596 : i32
      %select_n3A_598 = arith.select %and3A_595, %sub3A_597, %div3A_576 : i32
      %add3A_599 = arith.constant 40 : i32
      %add3A_600 = arith.addi %add3A_599, %select_n3A_598 : i32
      %jit3A_601 = arith.constant 8 : i32
      %eq3A_602 = arith.constant 0 : i32
      %eq3A_603 = arith.cmpi eq, %jit3A_601, %eq3A_602 : i32
      %jit3A_604 = arith.constant 1 : i32
      %select_n3A_605 = arith.select %eq3A_603, %jit3A_604, %jit3A_601 : i32
      %rem3A_606 = arith.remsi %scan3A_197, %select_n3A_605 : i32
      %ne3A_607 = arith.constant 0 : i32
      %ne3A_608 = arith.cmpi ne, %rem3A_606, %ne3A_607 : i32
      %lt3A_609 = arith.constant 0 : i32
      %lt3A_610 = arith.cmpi slt, %rem3A_606, %lt3A_609 : i32
      %lt3A_611 = arith.constant 0 : i32
      %lt3A_612 = arith.cmpi slt, %select_n3A_605, %lt3A_611 : i32
      %ne3A_613 = arith.xori %lt3A_610, %lt3A_612 : i1
      %and3A_614 = arith.andi %ne3A_613, %ne3A_608 : i1
      %add3A_615 = arith.addi %rem3A_606, %select_n3A_605 : i32
      %select_n3A_616 = arith.select %and3A_614, %add3A_615, %rem3A_606 : i32
      %mul3A_617 = arith.constant 16 : i32
      %mul3A_618 = arith.muli %select_n3A_616, %mul3A_617 : i32
      %get3A_619 = arith.index_cast %add3A_600 : i32 to index
      %get3A_620 = arith.index_cast %mul3A_618 : i32 to index
      %get3A_621 = tpu.vector_load %arg11[%get3A_619, %get3A_620] {strides = array<i32>} : memref<80x128xf32, #tpu.memory_space<vmem>>, vector<16xf32>,
      %add3A_622 = arith.addf %add3A_574, %get3A_621 : vector<16xf32>
      %jit3A_623 = arith.constant 8 : i32
      %div3A_624 = arith.divsi %scan3A_197, %jit3A_623 : i32
      %sign3A_625 = arith.constant 0 : i32
      %sign3A_626 = arith.cmpi sgt, %scan3A_197, %sign3A_625 : i32
      %sign3A_627 = arith.extui %sign3A_626 : i1 to i32
      %sign3A_628 = arith.constant 0 : i32
      %sign3A_629 = arith.cmpi slt, %scan3A_197, %sign3A_628 : i32
      %sign3A_630 = arith.extui %sign3A_629 : i1 to i32
      %sign3A_631 = arith.subi %sign3A_627, %sign3A_630 : i32
      %sign3A_632 = arith.constant 0 : i32
      %sign3A_633 = arith.cmpi sgt, %jit3A_623, %sign3A_632 : i32
      %sign3A_634 = arith.extui %sign3A_633 : i1 to i32
      %sign3A_635 = arith.constant 0 : i32
      %sign3A_636 = arith.cmpi slt, %jit3A_623, %sign3A_635 : i32
      %sign3A_637 = arith.extui %sign3A_636 : i1 to i32
      %sign3A_638 = arith.subi %sign3A_634, %sign3A_637 : i32
      %ne3A_639 = arith.cmpi ne, %sign3A_631, %sign3A_638 : i32
      %rem3A_640 = arith.remsi %scan3A_197, %jit3A_623 : i32
      %ne3A_641 = arith.constant 0 : i32
      %ne3A_642 = arith.cmpi ne, %rem3A_640, %ne3A_641 : i32
      %and3A_643 = arith.andi %ne3A_639, %ne3A_642 : i1
      %sub3A_644 = arith.constant 1 : i32
      %sub3A_645 = arith.subi %div3A_624, %sub3A_644 : i32
      %select_n3A_646 = arith.select %and3A_643, %sub3A_645, %div3A_624 : i32
      %add3A_647 = arith.constant 45 : i32
      %add3A_648 = arith.addi %add3A_647, %select_n3A_646 : i32
      %jit3A_649 = arith.constant 8 : i32
      %eq3A_650 = arith.constant 0 : i32
      %eq3A_651 = arith.cmpi eq, %jit3A_649, %eq3A_650 : i32
      %jit3A_652 = arith.constant 1 : i32
      %select_n3A_653 = arith.select %eq3A_651, %jit3A_652, %jit3A_649 : i32
      %rem3A_654 = arith.remsi %scan3A_197, %select_n3A_653 : i32
      %ne3A_655 = arith.constant 0 : i32
      %ne3A_656 = arith.cmpi ne, %rem3A_654, %ne3A_655 : i32
      %lt3A_657 = arith.constant 0 : i32
      %lt3A_658 = arith.cmpi slt, %rem3A_654, %lt3A_657 : i32
      %lt3A_659 = arith.constant 0 : i32
      %lt3A_660 = arith.cmpi slt, %select_n3A_653, %lt3A_659 : i32
      %ne3A_661 = arith.xori %lt3A_658, %lt3A_660 : i1
      %and3A_662 = arith.andi %ne3A_661, %ne3A_656 : i1
      %add3A_663 = arith.addi %rem3A_654, %select_n3A_653 : i32
      %select_n3A_664 = arith.select %and3A_662, %add3A_663, %rem3A_654 : i32
      %mul3A_665 = arith.constant 16 : i32
      %mul3A_666 = arith.muli %select_n3A_664, %mul3A_665 : i32
      %get3A_667 = arith.index_cast %add3A_648 : i32 to index
      %get3A_668 = arith.index_cast %mul3A_666 : i32 to index
      %get3A_669 = tpu.vector_load %arg11[%get3A_667, %get3A_668] {strides = array<i32>} : memref<80x128xf32, #tpu.memory_space<vmem>>, vector<16xf32>,
      %add3A_670 = arith.addf %add3A_622, %get3A_669 : vector<16xf32>
      %jit3A_671 = arith.constant 8 : i32
      %div3A_672 = arith.divsi %scan3A_197, %jit3A_671 : i32
      %sign3A_673 = arith.constant 0 : i32
      %sign3A_674 = arith.cmpi sgt, %scan3A_197, %sign3A_673 : i32
      %sign3A_675 = arith.extui %sign3A_674 : i1 to i32
      %sign3A_676 = arith.constant 0 : i32
      %sign3A_677 = arith.cmpi slt, %scan3A_197, %sign3A_676 : i32
      %sign3A_678 = arith.extui %sign3A_677 : i1 to i32
      %sign3A_679 = arith.subi %sign3A_675, %sign3A_678 : i32
      %sign3A_680 = arith.constant 0 : i32
      %sign3A_681 = arith.cmpi sgt, %jit3A_671, %sign3A_680 : i32
      %sign3A_682 = arith.extui %sign3A_681 : i1 to i32
      %sign3A_683 = arith.constant 0 : i32
      %sign3A_684 = arith.cmpi slt, %jit3A_671, %sign3A_683 : i32
      %sign3A_685 = arith.extui %sign3A_684 : i1 to i32
      %sign3A_686 = arith.subi %sign3A_682, %sign3A_685 : i32
      %ne3A_687 = arith.cmpi ne, %sign3A_679, %sign3A_686 : i32
      %rem3A_688 = arith.remsi %scan3A_197, %jit3A_671 : i32
      %ne3A_689 = arith.constant 0 : i32
      %ne3A_690 = arith.cmpi ne, %rem3A_688, %ne3A_689 : i32
      %and3A_691 = arith.andi %ne3A_687, %ne3A_690 : i1
      %sub3A_692 = arith.constant 1 : i32
      %sub3A_693 = arith.subi %div3A_672, %sub3A_692 : i32
      %select_n3A_694 = arith.select %and3A_691, %sub3A_693, %div3A_672 : i32
      %add3A_695 = arith.constant 50 : i32
      %add3A_696 = arith.addi %add3A_695, %select_n3A_694 : i32
      %jit3A_697 = arith.constant 8 : i32
      %eq3A_698 = arith.constant 0 : i32
      %eq3A_699 = arith.cmpi eq, %jit3A_697, %eq3A_698 : i32
      %jit3A_700 = arith.constant 1 : i32
      %select_n3A_701 = arith.select %eq3A_699, %jit3A_700, %jit3A_697 : i32
      %rem3A_702 = arith.remsi %scan3A_197, %select_n3A_701 : i32
      %ne3A_703 = arith.constant 0 : i32
      %ne3A_704 = arith.cmpi ne, %rem3A_702, %ne3A_703 : i32
      %lt3A_705 = arith.constant 0 : i32
      %lt3A_706 = arith.cmpi slt, %rem3A_702, %lt3A_705 : i32
      %lt3A_707 = arith.constant 0 : i32
      %lt3A_708 = arith.cmpi slt, %select_n3A_701, %lt3A_707 : i32
      %ne3A_709 = arith.xori %lt3A_706, %lt3A_708 : i1
      %and3A_710 = arith.andi %ne3A_709, %ne3A_704 : i1
      %add3A_711 = arith.addi %rem3A_702, %select_n3A_701 : i32
      %select_n3A_712 = arith.select %and3A_710, %add3A_711, %rem3A_702 : i32
      %mul3A_713 = arith.constant 16 : i32
      %mul3A_714 = arith.muli %select_n3A_712, %mul3A_713 : i32
      %get3A_715 = arith.index_cast %add3A_696 : i32 to index
      %get3A_716 = arith.index_cast %mul3A_714 : i32 to index
      %get3A_717 = tpu.vector_load %arg11[%get3A_715, %get3A_716] {strides = array<i32>} : memref<80x128xf32, #tpu.memory_space<vmem>>, vector<16xf32>,
      %add3A_718 = arith.addf %add3A_670, %get3A_717 : vector<16xf32>
      %jit3A_719 = arith.constant 8 : i32
      %div3A_720 = arith.divsi %scan3A_197, %jit3A_719 : i32
      %sign3A_721 = arith.constant 0 : i32
      %sign3A_722 = arith.cmpi sgt, %scan3A_197, %sign3A_721 : i32
      %sign3A_723 = arith.extui %sign3A_722 : i1 to i32
      %sign3A_724 = arith.constant 0 : i32
      %sign3A_725 = arith.cmpi slt, %scan3A_197, %sign3A_724 : i32
      %sign3A_726 = arith.extui %sign3A_725 : i1 to i32
      %sign3A_727 = arith.subi %sign3A_723, %sign3A_726 : i32
      %sign3A_728 = arith.constant 0 : i32
      %sign3A_729 = arith.cmpi sgt, %jit3A_719, %sign3A_728 : i32
      %sign3A_730 = arith.extui %sign3A_729 : i1 to i32
      %sign3A_731 = arith.constant 0 : i32
      %sign3A_732 = arith.cmpi slt, %jit3A_719, %sign3A_731 : i32
      %sign3A_733 = arith.extui %sign3A_732 : i1 to i32
      %sign3A_734 = arith.subi %sign3A_730, %sign3A_733 : i32
      %ne3A_735 = arith.cmpi ne, %sign3A_727, %sign3A_734 : i32
      %rem3A_736 = arith.remsi %scan3A_197, %jit3A_719 : i32
      %ne3A_737 = arith.constant 0 : i32
      %ne3A_738 = arith.cmpi ne, %rem3A_736, %ne3A_737 : i32
      %and3A_739 = arith.andi %ne3A_735, %ne3A_738 : i1
      %sub3A_740 = arith.constant 1 : i32
      %sub3A_741 = arith.subi %div3A_720, %sub3A_740 : i32
      %select_n3A_742 = arith.select %and3A_739, %sub3A_741, %div3A_720 : i32
      %add3A_743 = arith.constant 55 : i32
      %add3A_744 = arith.addi %add3A_743, %select_n3A_742 : i32
      %jit3A_745 = arith.constant 8 : i32
      %eq3A_746 = arith.constant 0 : i32
      %eq3A_747 = arith.cmpi eq, %jit3A_745, %eq3A_746 : i32
      %jit3A_748 = arith.constant 1 : i32
      %select_n3A_749 = arith.select %eq3A_747, %jit3A_748, %jit3A_745 : i32
      %rem3A_750 = arith.remsi %scan3A_197, %select_n3A_749 : i32
      %ne3A_751 = arith.constant 0 : i32
      %ne3A_752 = arith.cmpi ne, %rem3A_750, %ne3A_751 : i32
      %lt3A_753 = arith.constant 0 : i32
      %lt3A_754 = arith.cmpi slt, %rem3A_750, %lt3A_753 : i32
      %lt3A_755 = arith.constant 0 : i32
      %lt3A_756 = arith.cmpi slt, %select_n3A_749, %lt3A_755 : i32
      %ne3A_757 = arith.xori %lt3A_754, %lt3A_756 : i1
      %and3A_758 = arith.andi %ne3A_757, %ne3A_752 : i1
      %add3A_759 = arith.addi %rem3A_750, %select_n3A_749 : i32
      %select_n3A_760 = arith.select %and3A_758, %add3A_759, %rem3A_750 : i32
      %mul3A_761 = arith.constant 16 : i32
      %mul3A_762 = arith.muli %select_n3A_760, %mul3A_761 : i32
      %get3A_763 = arith.index_cast %add3A_744 : i32 to index
      %get3A_764 = arith.index_cast %mul3A_762 : i32 to index
      %get3A_765 = tpu.vector_load %arg11[%get3A_763, %get3A_764] {strides = array<i32>} : memref<80x128xf32, #tpu.memory_space<vmem>>, vector<16xf32>,
      %add3A_766 = arith.addf %add3A_718, %get3A_765 : vector<16xf32>
      %jit3A_767 = arith.constant 8 : i32
      %div3A_768 = arith.divsi %scan3A_197, %jit3A_767 : i32
      %sign3A_769 = arith.constant 0 : i32
      %sign3A_770 = arith.cmpi sgt, %scan3A_197, %sign3A_769 : i32
      %sign3A_771 = arith.extui %sign3A_770 : i1 to i32
      %sign3A_772 = arith.constant 0 : i32
      %sign3A_773 = arith.cmpi slt, %scan3A_197, %sign3A_772 : i32
      %sign3A_774 = arith.extui %sign3A_773 : i1 to i32
      %sign3A_775 = arith.subi %sign3A_771, %sign3A_774 : i32
      %sign3A_776 = arith.constant 0 : i32
      %sign3A_777 = arith.cmpi sgt, %jit3A_767, %sign3A_776 : i32
      %sign3A_778 = arith.extui %sign3A_777 : i1 to i32
      %sign3A_779 = arith.constant 0 : i32
      %sign3A_780 = arith.cmpi slt, %jit3A_767, %sign3A_779 : i32
      %sign3A_781 = arith.extui %sign3A_780 : i1 to i32
      %sign3A_782 = arith.subi %sign3A_778, %sign3A_781 : i32
      %ne3A_783 = arith.cmpi ne, %sign3A_775, %sign3A_782 : i32
      %rem3A_784 = arith.remsi %scan3A_197, %jit3A_767 : i32
      %ne3A_785 = arith.constant 0 : i32
      %ne3A_786 = arith.cmpi ne, %rem3A_784, %ne3A_785 : i32
      %and3A_787 = arith.andi %ne3A_783, %ne3A_786 : i1
      %sub3A_788 = arith.constant 1 : i32
      %sub3A_789 = arith.subi %div3A_768, %sub3A_788 : i32
      %select_n3A_790 = arith.select %and3A_787, %sub3A_789, %div3A_768 : i32
      %add3A_791 = arith.constant 60 : i32
      %add3A_792 = arith.addi %add3A_791, %select_n3A_790 : i32
      %jit3A_793 = arith.constant 8 : i32
      %eq3A_794 = arith.constant 0 : i32
      %eq3A_795 = arith.cmpi eq, %jit3A_793, %eq3A_794 : i32
      %jit3A_796 = arith.constant 1 : i32
      %select_n3A_797 = arith.select %eq3A_795, %jit3A_796, %jit3A_793 : i32
      %rem3A_798 = arith.remsi %scan3A_197, %select_n3A_797 : i32
      %ne3A_799 = arith.constant 0 : i32
      %ne3A_800 = arith.cmpi ne, %rem3A_798, %ne3A_799 : i32
      %lt3A_801 = arith.constant 0 : i32
      %lt3A_802 = arith.cmpi slt, %rem3A_798, %lt3A_801 : i32
      %lt3A_803 = arith.constant 0 : i32
      %lt3A_804 = arith.cmpi slt, %select_n3A_797, %lt3A_803 : i32
      %ne3A_805 = arith.xori %lt3A_802, %lt3A_804 : i1
      %and3A_806 = arith.andi %ne3A_805, %ne3A_800 : i1
      %add3A_807 = arith.addi %rem3A_798, %select_n3A_797 : i32
      %select_n3A_808 = arith.select %and3A_806, %add3A_807, %rem3A_798 : i32
      %mul3A_809 = arith.constant 16 : i32
      %mul3A_810 = arith.muli %select_n3A_808, %mul3A_809 : i32
      %get3A_811 = arith.index_cast %add3A_792 : i32 to index
      %get3A_812 = arith.index_cast %mul3A_810 : i32 to index
      %get3A_813 = tpu.vector_load %arg11[%get3A_811, %get3A_812] {strides = array<i32>} : memref<80x128xf32, #tpu.memory_space<vmem>>, vector<16xf32>,
      %add3A_814 = arith.addf %add3A_766, %get3A_813 : vector<16xf32>
      %jit3A_815 = arith.constant 8 : i32
      %div3A_816 = arith.divsi %scan3A_197, %jit3A_815 : i32
      %sign3A_817 = arith.constant 0 : i32
      %sign3A_818 = arith.cmpi sgt, %scan3A_197, %sign3A_817 : i32
      %sign3A_819 = arith.extui %sign3A_818 : i1 to i32
      %sign3A_820 = arith.constant 0 : i32
      %sign3A_821 = arith.cmpi slt, %scan3A_197, %sign3A_820 : i32
      %sign3A_822 = arith.extui %sign3A_821 : i1 to i32
      %sign3A_823 = arith.subi %sign3A_819, %sign3A_822 : i32
      %sign3A_824 = arith.constant 0 : i32
      %sign3A_825 = arith.cmpi sgt, %jit3A_815, %sign3A_824 : i32
      %sign3A_826 = arith.extui %sign3A_825 : i1 to i32
      %sign3A_827 = arith.constant 0 : i32
      %sign3A_828 = arith.cmpi slt, %jit3A_815, %sign3A_827 : i32
      %sign3A_829 = arith.extui %sign3A_828 : i1 to i32
      %sign3A_830 = arith.subi %sign3A_826, %sign3A_829 : i32
      %ne3A_831 = arith.cmpi ne, %sign3A_823, %sign3A_830 : i32
      %rem3A_832 = arith.remsi %scan3A_197, %jit3A_815 : i32
      %ne3A_833 = arith.constant 0 : i32
      %ne3A_834 = arith.cmpi ne, %rem3A_832, %ne3A_833 : i32
      %and3A_835 = arith.andi %ne3A_831, %ne3A_834 : i1
      %sub3A_836 = arith.constant 1 : i32
      %sub3A_837 = arith.subi %div3A_816, %sub3A_836 : i32
      %select_n3A_838 = arith.select %and3A_835, %sub3A_837, %div3A_816 : i32
      %add3A_839 = arith.constant 65 : i32
      %add3A_840 = arith.addi %add3A_839, %select_n3A_838 : i32
      %jit3A_841 = arith.constant 8 : i32
      %eq3A_842 = arith.constant 0 : i32
      %eq3A_843 = arith.cmpi eq, %jit3A_841, %eq3A_842 : i32
      %jit3A_844 = arith.constant 1 : i32
      %select_n3A_845 = arith.select %eq3A_843, %jit3A_844, %jit3A_841 : i32
      %rem3A_846 = arith.remsi %scan3A_197, %select_n3A_845 : i32
      %ne3A_847 = arith.constant 0 : i32
      %ne3A_848 = arith.cmpi ne, %rem3A_846, %ne3A_847 : i32
      %lt3A_849 = arith.constant 0 : i32
      %lt3A_850 = arith.cmpi slt, %rem3A_846, %lt3A_849 : i32
      %lt3A_851 = arith.constant 0 : i32
      %lt3A_852 = arith.cmpi slt, %select_n3A_845, %lt3A_851 : i32
      %ne3A_853 = arith.xori %lt3A_850, %lt3A_852 : i1
      %and3A_854 = arith.andi %ne3A_853, %ne3A_848 : i1
      %add3A_855 = arith.addi %rem3A_846, %select_n3A_845 : i32
      %select_n3A_856 = arith.select %and3A_854, %add3A_855, %rem3A_846 : i32
      %mul3A_857 = arith.constant 16 : i32
      %mul3A_858 = arith.muli %select_n3A_856, %mul3A_857 : i32
      %get3A_859 = arith.index_cast %add3A_840 : i32 to index
      %get3A_860 = arith.index_cast %mul3A_858 : i32 to index
      %get3A_861 = tpu.vector_load %arg11[%get3A_859, %get3A_860] {strides = array<i32>} : memref<80x128xf32, #tpu.memory_space<vmem>>, vector<16xf32>,
      %add3A_862 = arith.addf %add3A_814, %get3A_861 : vector<16xf32>
      %jit3A_863 = arith.constant 8 : i32
      %div3A_864 = arith.divsi %scan3A_197, %jit3A_863 : i32
      %sign3A_865 = arith.constant 0 : i32
      %sign3A_866 = arith.cmpi sgt, %scan3A_197, %sign3A_865 : i32
      %sign3A_867 = arith.extui %sign3A_866 : i1 to i32
      %sign3A_868 = arith.constant 0 : i32
      %sign3A_869 = arith.cmpi slt, %scan3A_197, %sign3A_868 : i32
      %sign3A_870 = arith.extui %sign3A_869 : i1 to i32
      %sign3A_871 = arith.subi %sign3A_867, %sign3A_870 : i32
      %sign3A_872 = arith.constant 0 : i32
      %sign3A_873 = arith.cmpi sgt, %jit3A_863, %sign3A_872 : i32
      %sign3A_874 = arith.extui %sign3A_873 : i1 to i32
      %sign3A_875 = arith.constant 0 : i32
      %sign3A_876 = arith.cmpi slt, %jit3A_863, %sign3A_875 : i32
      %sign3A_877 = arith.extui %sign3A_876 : i1 to i32
      %sign3A_878 = arith.subi %sign3A_874, %sign3A_877 : i32
      %ne3A_879 = arith.cmpi ne, %sign3A_871, %sign3A_878 : i32
      %rem3A_880 = arith.remsi %scan3A_197, %jit3A_863 : i32
      %ne3A_881 = arith.constant 0 : i32
      %ne3A_882 = arith.cmpi ne, %rem3A_880, %ne3A_881 : i32
      %and3A_883 = arith.andi %ne3A_879, %ne3A_882 : i1
      %sub3A_884 = arith.constant 1 : i32
      %sub3A_885 = arith.subi %div3A_864, %sub3A_884 : i32
      %select_n3A_886 = arith.select %and3A_883, %sub3A_885, %div3A_864 : i32
      %add3A_887 = arith.constant 70 : i32
      %add3A_888 = arith.addi %add3A_887, %select_n3A_886 : i32
      %jit3A_889 = arith.constant 8 : i32
      %eq3A_890 = arith.constant 0 : i32
      %eq3A_891 = arith.cmpi eq, %jit3A_889, %eq3A_890 : i32
      %jit3A_892 = arith.constant 1 : i32
      %select_n3A_893 = arith.select %eq3A_891, %jit3A_892, %jit3A_889 : i32
      %rem3A_894 = arith.remsi %scan3A_197, %select_n3A_893 : i32
      %ne3A_895 = arith.constant 0 : i32
      %ne3A_896 = arith.cmpi ne, %rem3A_894, %ne3A_895 : i32
      %lt3A_897 = arith.constant 0 : i32
      %lt3A_898 = arith.cmpi slt, %rem3A_894, %lt3A_897 : i32
      %lt3A_899 = arith.constant 0 : i32
      %lt3A_900 = arith.cmpi slt, %select_n3A_893, %lt3A_899 : i32
      %ne3A_901 = arith.xori %lt3A_898, %lt3A_900 : i1
      %and3A_902 = arith.andi %ne3A_901, %ne3A_896 : i1
      %add3A_903 = arith.addi %rem3A_894, %select_n3A_893 : i32
      %select_n3A_904 = arith.select %and3A_902, %add3A_903, %rem3A_894 : i32
      %mul3A_905 = arith.constant 16 : i32
      %mul3A_906 = arith.muli %select_n3A_904, %mul3A_905 : i32
      %get3A_907 = arith.index_cast %add3A_888 : i32 to index
      %get3A_908 = arith.index_cast %mul3A_906 : i32 to index
      %get3A_909 = tpu.vector_load %arg11[%get3A_907, %get3A_908] {strides = array<i32>} : memref<80x128xf32, #tpu.memory_space<vmem>>, vector<16xf32>,
      %add3A_910 = arith.addf %add3A_862, %get3A_909 : vector<16xf32>
      %jit3A_911 = arith.constant 8 : i32
      %div3A_912 = arith.divsi %scan3A_197, %jit3A_911 : i32
      %sign3A_913 = arith.constant 0 : i32
      %sign3A_914 = arith.cmpi sgt, %scan3A_197, %sign3A_913 : i32
      %sign3A_915 = arith.extui %sign3A_914 : i1 to i32
      %sign3A_916 = arith.constant 0 : i32
      %sign3A_917 = arith.cmpi slt, %scan3A_197, %sign3A_916 : i32
      %sign3A_918 = arith.extui %sign3A_917 : i1 to i32
      %sign3A_919 = arith.subi %sign3A_915, %sign3A_918 : i32
      %sign3A_920 = arith.constant 0 : i32
      %sign3A_921 = arith.cmpi sgt, %jit3A_911, %sign3A_920 : i32
      %sign3A_922 = arith.extui %sign3A_921 : i1 to i32
      %sign3A_923 = arith.constant 0 : i32
      %sign3A_924 = arith.cmpi slt, %jit3A_911, %sign3A_923 : i32
      %sign3A_925 = arith.extui %sign3A_924 : i1 to i32
      %sign3A_926 = arith.subi %sign3A_922, %sign3A_925 : i32
      %ne3A_927 = arith.cmpi ne, %sign3A_919, %sign3A_926 : i32
      %rem3A_928 = arith.remsi %scan3A_197, %jit3A_911 : i32
      %ne3A_929 = arith.constant 0 : i32
      %ne3A_930 = arith.cmpi ne, %rem3A_928, %ne3A_929 : i32
      %and3A_931 = arith.andi %ne3A_927, %ne3A_930 : i1
      %sub3A_932 = arith.constant 1 : i32
      %sub3A_933 = arith.subi %div3A_912, %sub3A_932 : i32
      %select_n3A_934 = arith.select %and3A_931, %sub3A_933, %div3A_912 : i32
      %add3A_935 = arith.constant 75 : i32
      %add3A_936 = arith.addi %add3A_935, %select_n3A_934 : i32
      %jit3A_937 = arith.constant 8 : i32
      %eq3A_938 = arith.constant 0 : i32
      %eq3A_939 = arith.cmpi eq, %jit3A_937, %eq3A_938 : i32
      %jit3A_940 = arith.constant 1 : i32
      %select_n3A_941 = arith.select %eq3A_939, %jit3A_940, %jit3A_937 : i32
      %rem3A_942 = arith.remsi %scan3A_197, %select_n3A_941 : i32
      %ne3A_943 = arith.constant 0 : i32
      %ne3A_944 = arith.cmpi ne, %rem3A_942, %ne3A_943 : i32
      %lt3A_945 = arith.constant 0 : i32
      %lt3A_946 = arith.cmpi slt, %rem3A_942, %lt3A_945 : i32
      %lt3A_947 = arith.constant 0 : i32
      %lt3A_948 = arith.cmpi slt, %select_n3A_941, %lt3A_947 : i32
      %ne3A_949 = arith.xori %lt3A_946, %lt3A_948 : i1
      %and3A_950 = arith.andi %ne3A_949, %ne3A_944 : i1
      %add3A_951 = arith.addi %rem3A_942, %select_n3A_941 : i32
      %select_n3A_952 = arith.select %and3A_950, %add3A_951, %rem3A_942 : i32
      %mul3A_953 = arith.constant 16 : i32
      %mul3A_954 = arith.muli %select_n3A_952, %mul3A_953 : i32
      %get3A_955 = arith.index_cast %add3A_936 : i32 to index
      %get3A_956 = arith.index_cast %mul3A_954 : i32 to index
      %get3A_957 = tpu.vector_load %arg11[%get3A_955, %get3A_956] {strides = array<i32>} : memref<80x128xf32, #tpu.memory_space<vmem>>, vector<16xf32>,
      %add3A_958 = arith.addf %add3A_910, %get3A_957 : vector<16xf32>
      %add3A_959 = arith.constant 1.000000e+00 : f32
      %add3A_960 = vector.broadcast %add3A_959 : f32 to vector<16xf32>
      %add3A_961 = arith.addf %add3A_958, %add3A_960 : vector<16xf32>
      %bitcast3A = vector.bitcast %add3A_961 : vector<16xf32> to vector<16xi32>
      %shift_right_arithmetic3A = arith.constant 1 : i32
      %shift_right_arithmetic3A_962 = vector.broadcast %shift_right_arithmetic3A : i32 to vector<16xi32>
      %shift_right_arithmetic3A_963 = arith.shrsi %bitcast3A, %shift_right_arithmetic3A_962 : vector<16xi32>
      %sub3A_964 = arith.constant 1597463007 : i32
      %sub3A_965 = vector.broadcast %sub3A_964 : i32 to vector<16xi32>
      %sub3A_966 = arith.subi %sub3A_965, %shift_right_arithmetic3A_963 : vector<16xi32>
      %bitcast3A_967 = vector.bitcast %sub3A_966 : vector<16xi32> to vector<16xf32>
      %mul3A_968 = arith.constant 5.000000e-01 : f32
      %mul3A_969 = vector.broadcast %mul3A_968 : f32 to vector<16xf32>
      %mul3A_970 = arith.mulf %mul3A_969, %add3A_961 : vector<16xf32>
      %mul3A_971 = arith.mulf %mul3A_970, %bitcast3A_967 : vector<16xf32>
      %mul3A_972 = arith.mulf %mul3A_971, %bitcast3A_967 : vector<16xf32>
      %sub3A_973 = arith.constant 1.500000e+00 : f32
      %sub3A_974 = vector.broadcast %sub3A_973 : f32 to vector<16xf32>
      %sub3A_975 = arith.subf %sub3A_974, %mul3A_972 : vector<16xf32>
      %mul3A_976 = arith.mulf %bitcast3A_967, %sub3A_975 : vector<16xf32>
      %mul3A_977 = arith.constant 5.000000e-01 : f32
      %mul3A_978 = vector.broadcast %mul3A_977 : f32 to vector<16xf32>
      %mul3A_979 = arith.mulf %mul3A_978, %add3A_961 : vector<16xf32>
      %mul3A_980 = arith.mulf %mul3A_979, %mul3A_976 : vector<16xf32>
      %mul3A_981 = arith.mulf %mul3A_980, %mul3A_976 : vector<16xf32>
      %sub3A_982 = arith.constant 1.500000e+00 : f32
      %sub3A_983 = vector.broadcast %sub3A_982 : f32 to vector<16xf32>
      %sub3A_984 = arith.subf %sub3A_983, %mul3A_981 : vector<16xf32>
      %mul3A_985 = arith.mulf %mul3A_976, %sub3A_984 : vector<16xf32>
      %mul3A_986 = arith.constant 5.000000e-01 : f32
      %mul3A_987 = vector.broadcast %mul3A_986 : f32 to vector<16xf32>
      %mul3A_988 = arith.mulf %mul3A_987, %add3A_961 : vector<16xf32>
      %mul3A_989 = arith.mulf %mul3A_988, %mul3A_985 : vector<16xf32>
      %mul3A_990 = arith.mulf %mul3A_989, %mul3A_985 : vector<16xf32>
      %sub3A_991 = arith.constant 1.500000e+00 : f32
      %sub3A_992 = vector.broadcast %sub3A_991 : f32 to vector<16xf32>
      %sub3A_993 = arith.subf %sub3A_992, %mul3A_990 : vector<16xf32>
      %mul3A_994 = arith.mulf %mul3A_985, %sub3A_993 : vector<16xf32>
      %gt3A = arith.constant 0.000000e+00 : f32
      %gt3A_995 = vector.broadcast %gt3A : f32 to vector<16xf32>
      %gt3A_996 = arith.cmpf ogt, %add3A_961, %gt3A_995 : vector<16xf32>
      %jit3A_997 = arith.constant 0.000000e+00 : f32
      %broadcast_in_dim3A_998 = vector.broadcast %jit3A_997 : f32 to vector<16xf32>
      %select_n3A_999 = arith.select %gt3A_996, %mul3A_994, %broadcast_in_dim3A_998 : vector<16xi1>, vector<16xf32>
      %mul3A_1000 = arith.constant 16 : i32
      %mul3A_1001 = arith.muli %scan3A_197, %mul3A_1000 : i32
      %swap3A = arith.index_cast %mul3A_1001 : i32 to index
      %swap3A_1002 = tpu.vector_load %arg12[%swap3A] {strides = array<i32>} : memref<640xf32, #tpu.memory_space<vmem>>, vector<16xf32>,
      tpu.vector_store %arg12[%swap3A], %select_n3A_999 {strides = array<i32>} : memref<640xf32, #tpu.memory_space<vmem>>, vector<16xf32>,
      %scan3A_1003 = arith.constant 0 : i32
      scf.yield %scan3A_1003 : i32
    }
    %scan3A_35 = arith.constant 40 : i32
    %mul3A_36 = arith.constant 640 : i32
    %mul3A_37 = arith.muli %arg1, %mul3A_36 : i32
    "tpu.region"() ({
      %run_scoped3A = tpu.sem_alloc : memref<!tpu.dma_semaphore, #tpu.memory_space<semaphore_mem>>
      %dma_start3A_197 = tpu.memref_slice %arg19[%mul3A_37] : memref<10240xf32, #tpu.memory_space<vmem_shared>> -> memref<640xf32, #tpu.memory_space<vmem_shared>>
      %dma_start3A_198 = tpu.memref_slice %arg19[%mul3A_37] : memref<10240xf32, #tpu.memory_space<vmem_shared>> -> memref<640xf32, #tpu.memory_space<vmem_shared>>
      tpu.enqueue_dma source(%arg12 : memref<640xf32, #tpu.memory_space<vmem>>) target(%dma_start3A_198 : memref<640xf32, #tpu.memory_space<vmem_shared>>) target_semaphore(%run_scoped3A : memref<!tpu.dma_semaphore, #tpu.memory_space<semaphore_mem>>)
      %dma_wait3A_199 = tpu.memref_slice %arg19[%mul3A_37] : memref<10240xf32, #tpu.memory_space<vmem_shared>> -> memref<640xf32, #tpu.memory_space<vmem_shared>>
      %dma_wait3A_200 = tpu.memref_slice %arg19[%mul3A_37] : memref<10240xf32, #tpu.memory_space<vmem_shared>> -> memref<640xf32, #tpu.memory_space<vmem_shared>>
      tpu.wait_dma2 semaphore(%run_scoped3A : memref<!tpu.dma_semaphore, #tpu.memory_space<semaphore_mem>>) src(%arg12 : memref<640xf32, #tpu.memory_space<vmem>>) dst(%dma_wait3A_200 : memref<640xf32, #tpu.memory_space<vmem_shared>>)
      tpu.yield
    }) : () -> ()
    "tpu.trace_stop"() : () -> ()
    "tpu.trace_start"() <{level = 10 : i32, message = "init"}> : () -> ()
    %get3A = arith.constant 0 : index
    %get3A_38 = tpu.vector_load %arg15[%get3A] {strides = array<i32>} : memref<16xf32, #tpu.memory_space<vmem>>, vector<16xf32>,
    %eq3A = arith.constant 0 : i32
    %eq3A_39 = arith.cmpi eq, %arg0, %eq3A : i32
    %convert_element_type3A = arith.extui %eq3A_39 : i1 to i32
    %cond3A = arith.constant 0 : i32
    %cond3A_40 = arith.cmpi ne, %convert_element_type3A, %cond3A : i32
    scf.if %cond3A_40 {
      %scan3A_197 = arith.constant 0 : i32
      %scan3A_198 = arith.constant 0 : i32
      %scan3A_199 = arith.constant 40 : i32
      %scan3A_200 = arith.addi %scan3A_198, %scan3A_199 : i32
      %scan3A_201 = arith.constant 1 : i32
      %scan3A_202 = scf.for %scan3A_204 = %scan3A_198 to %scan3A_200 step %scan3A_201 iter_args(%scan3A_205 = %scan3A_197) -> (i32)  : i32 {
        %mul3A_206 = arith.constant 16 : i32
        %mul3A_207 = arith.muli %scan3A_204, %mul3A_206 : i32
        %get3A_208 = arith.index_cast %mul3A_207 : i32 to index
        %get3A_209 = tpu.vector_load %arg12[%get3A_208] {strides = array<i32>} : memref<640xf32, #tpu.memory_space<vmem>>, vector<16xf32>,
        %mul3A_210 = arith.mulf %get3A_209, %get3A_209 : vector<16xf32>
        %broadcast_in_dim3A = arith.constant 0 : i32
        %broadcast_in_dim3A_211 = vector.broadcast %broadcast_in_dim3A : i32 to vector<16xi32>
        %lt3A = arith.constant 0 : i32
        %lt3A_212 = vector.broadcast %lt3A : i32 to vector<16xi32>
        %lt3A_213 = arith.cmpi slt, %broadcast_in_dim3A_211, %lt3A_212 : vector<16xi32>
        %add3A_214 = arith.constant 16 : i32
        %add3A_215 = vector.broadcast %add3A_214 : i32 to vector<16xi32>
        %add3A_216 = arith.addi %broadcast_in_dim3A_211, %add3A_215 : vector<16xi32>
        %select_n3A = arith.select %lt3A_213, %add3A_216, %broadcast_in_dim3A_211 : vector<16xi1>, vector<16xi32>
        %broadcast_in_dim3A_217 = vector.shape_cast %select_n3A : vector<16xi32> to vector<16x1xi32>
        %gather3A = vector.shape_cast %broadcast_in_dim3A_217 : vector<16x1xi32> to vector<16xi32>
        %gather3A_218 = tpu.dynamic_gather %mul3A_210[%gather3A] in [0] : vector<16xf32>, vector<16xi32> -> vector<16xf32>
        %mul3A_219 = arith.constant 16 : i32
        %mul3A_220 = arith.muli %scan3A_204, %mul3A_219 : i32
        %add3A_221 = arith.constant 0 : i32
        %add3A_222 = arith.addi %mul3A_220, %add3A_221 : i32
        %get3A_223 = arith.index_cast %add3A_222 : i32 to index
        %get3A_224 = arith.constant 0 : index
        %get3A_225 = tpu.vector_load %arg14[%get3A_223, %get3A_224] {strides = array<i32>} : memref<640x16xf32, #tpu.memory_space<vmem>>, vector<16xf32>,
        %mul3A_226 = arith.mulf %get3A_225, %gather3A_218 : vector<16xf32>
        %add3A_227 = arith.addf %mul3A_226, %get3A_38 : vector<16xf32>
        %swap3A = arith.index_cast %add3A_222 : i32 to index
        %swap3A_228 = arith.constant 0 : index
        %swap3A_229 = tpu.vector_load %arg14[%swap3A, %swap3A_228] {strides = array<i32>} : memref<640x16xf32, #tpu.memory_space<vmem>>, vector<16xf32>,
        tpu.vector_store %arg14[%swap3A, %swap3A_228], %add3A_227 {strides = array<i32>} : memref<640x16xf32, #tpu.memory_space<vmem>>, vector<16xf32>,
        %broadcast_in_dim3A_230 = arith.constant 1 : i32
        %broadcast_in_dim3A_231 = vector.broadcast %broadcast_in_dim3A_230 : i32 to vector<16xi32>
        %lt3A_232 = arith.constant 0 : i32
        %lt3A_233 = vector.broadcast %lt3A_232 : i32 to vector<16xi32>
        %lt3A_234 = arith.cmpi slt, %broadcast_in_dim3A_231, %lt3A_233 : vector<16xi32>
        %add3A_235 = arith.constant 16 : i32
        %add3A_236 = vector.broadcast %add3A_235 : i32 to vector<16xi32>
        %add3A_237 = arith.addi %broadcast_in_dim3A_231, %add3A_236 : vector<16xi32>
        %select_n3A_238 = arith.select %lt3A_234, %add3A_237, %broadcast_in_dim3A_231 : vector<16xi1>, vector<16xi32>
        %broadcast_in_dim3A_239 = vector.shape_cast %select_n3A_238 : vector<16xi32> to vector<16x1xi32>
        %gather3A_240 = vector.shape_cast %broadcast_in_dim3A_239 : vector<16x1xi32> to vector<16xi32>
        %gather3A_241 = tpu.dynamic_gather %mul3A_210[%gather3A_240] in [0] : vector<16xf32>, vector<16xi32> -> vector<16xf32>
        %mul3A_242 = arith.constant 16 : i32
        %mul3A_243 = arith.muli %scan3A_204, %mul3A_242 : i32
        %add3A_244 = arith.constant 1 : i32
        %add3A_245 = arith.addi %mul3A_243, %add3A_244 : i32
        %get3A_246 = arith.index_cast %add3A_245 : i32 to index
        %get3A_247 = arith.constant 0 : index
        %get3A_248 = tpu.vector_load %arg14[%get3A_246, %get3A_247] {strides = array<i32>} : memref<640x16xf32, #tpu.memory_space<vmem>>, vector<16xf32>,
        %mul3A_249 = arith.mulf %get3A_248, %gather3A_241 : vector<16xf32>
        %add3A_250 = arith.addf %mul3A_249, %get3A_38 : vector<16xf32>
        %swap3A_251 = arith.index_cast %add3A_245 : i32 to index
        %swap3A_252 = arith.constant 0 : index
        %swap3A_253 = tpu.vector_load %arg14[%swap3A_251, %swap3A_252] {strides = array<i32>} : memref<640x16xf32, #tpu.memory_space<vmem>>, vector<16xf32>,
        tpu.vector_store %arg14[%swap3A_251, %swap3A_252], %add3A_250 {strides = array<i32>} : memref<640x16xf32, #tpu.memory_space<vmem>>, vector<16xf32>,
        %broadcast_in_dim3A_254 = arith.constant 2 : i32
        %broadcast_in_dim3A_255 = vector.broadcast %broadcast_in_dim3A_254 : i32 to vector<16xi32>
        %lt3A_256 = arith.constant 0 : i32
        %lt3A_257 = vector.broadcast %lt3A_256 : i32 to vector<16xi32>
        %lt3A_258 = arith.cmpi slt, %broadcast_in_dim3A_255, %lt3A_257 : vector<16xi32>
        %add3A_259 = arith.constant 16 : i32
        %add3A_260 = vector.broadcast %add3A_259 : i32 to vector<16xi32>
        %add3A_261 = arith.addi %broadcast_in_dim3A_255, %add3A_260 : vector<16xi32>
        %select_n3A_262 = arith.select %lt3A_258, %add3A_261, %broadcast_in_dim3A_255 : vector<16xi1>, vector<16xi32>
        %broadcast_in_dim3A_263 = vector.shape_cast %select_n3A_262 : vector<16xi32> to vector<16x1xi32>
        %gather3A_264 = vector.shape_cast %broadcast_in_dim3A_263 : vector<16x1xi32> to vector<16xi32>
        %gather3A_265 = tpu.dynamic_gather %mul3A_210[%gather3A_264] in [0] : vector<16xf32>, vector<16xi32> -> vector<16xf32>
        %mul3A_266 = arith.constant 16 : i32
        %mul3A_267 = arith.muli %scan3A_204, %mul3A_266 : i32
        %add3A_268 = arith.constant 2 : i32
        %add3A_269 = arith.addi %mul3A_267, %add3A_268 : i32
        %get3A_270 = arith.index_cast %add3A_269 : i32 to index
        %get3A_271 = arith.constant 0 : index
        %get3A_272 = tpu.vector_load %arg14[%get3A_270, %get3A_271] {strides = array<i32>} : memref<640x16xf32, #tpu.memory_space<vmem>>, vector<16xf32>,
        %mul3A_273 = arith.mulf %get3A_272, %gather3A_265 : vector<16xf32>
        %add3A_274 = arith.addf %mul3A_273, %get3A_38 : vector<16xf32>
        %swap3A_275 = arith.index_cast %add3A_269 : i32 to index
        %swap3A_276 = arith.constant 0 : index
        %swap3A_277 = tpu.vector_load %arg14[%swap3A_275, %swap3A_276] {strides = array<i32>} : memref<640x16xf32, #tpu.memory_space<vmem>>, vector<16xf32>,
        tpu.vector_store %arg14[%swap3A_275, %swap3A_276], %add3A_274 {strides = array<i32>} : memref<640x16xf32, #tpu.memory_space<vmem>>, vector<16xf32>,
        %broadcast_in_dim3A_278 = arith.constant 3 : i32
        %broadcast_in_dim3A_279 = vector.broadcast %broadcast_in_dim3A_278 : i32 to vector<16xi32>
        %lt3A_280 = arith.constant 0 : i32
        %lt3A_281 = vector.broadcast %lt3A_280 : i32 to vector<16xi32>
        %lt3A_282 = arith.cmpi slt, %broadcast_in_dim3A_279, %lt3A_281 : vector<16xi32>
        %add3A_283 = arith.constant 16 : i32
        %add3A_284 = vector.broadcast %add3A_283 : i32 to vector<16xi32>
        %add3A_285 = arith.addi %broadcast_in_dim3A_279, %add3A_284 : vector<16xi32>
        %select_n3A_286 = arith.select %lt3A_282, %add3A_285, %broadcast_in_dim3A_279 : vector<16xi1>, vector<16xi32>
        %broadcast_in_dim3A_287 = vector.shape_cast %select_n3A_286 : vector<16xi32> to vector<16x1xi32>
        %gather3A_288 = vector.shape_cast %broadcast_in_dim3A_287 : vector<16x1xi32> to vector<16xi32>
        %gather3A_289 = tpu.dynamic_gather %mul3A_210[%gather3A_288] in [0] : vector<16xf32>, vector<16xi32> -> vector<16xf32>
        %mul3A_290 = arith.constant 16 : i32
        %mul3A_291 = arith.muli %scan3A_204, %mul3A_290 : i32
        %add3A_292 = arith.constant 3 : i32
        %add3A_293 = arith.addi %mul3A_291, %add3A_292 : i32
        %get3A_294 = arith.index_cast %add3A_293 : i32 to index
        %get3A_295 = arith.constant 0 : index
        %get3A_296 = tpu.vector_load %arg14[%get3A_294, %get3A_295] {strides = array<i32>} : memref<640x16xf32, #tpu.memory_space<vmem>>, vector<16xf32>,
        %mul3A_297 = arith.mulf %get3A_296, %gather3A_289 : vector<16xf32>
        %add3A_298 = arith.addf %mul3A_297, %get3A_38 : vector<16xf32>
        %swap3A_299 = arith.index_cast %add3A_293 : i32 to index
        %swap3A_300 = arith.constant 0 : index
        %swap3A_301 = tpu.vector_load %arg14[%swap3A_299, %swap3A_300] {strides = array<i32>} : memref<640x16xf32, #tpu.memory_space<vmem>>, vector<16xf32>,
        tpu.vector_store %arg14[%swap3A_299, %swap3A_300], %add3A_298 {strides = array<i32>} : memref<640x16xf32, #tpu.memory_space<vmem>>, vector<16xf32>,
        %broadcast_in_dim3A_302 = arith.constant 4 : i32
        %broadcast_in_dim3A_303 = vector.broadcast %broadcast_in_dim3A_302 : i32 to vector<16xi32>
        %lt3A_304 = arith.constant 0 : i32
        %lt3A_305 = vector.broadcast %lt3A_304 : i32 to vector<16xi32>
        %lt3A_306 = arith.cmpi slt, %broadcast_in_dim3A_303, %lt3A_305 : vector<16xi32>
        %add3A_307 = arith.constant 16 : i32
        %add3A_308 = vector.broadcast %add3A_307 : i32 to vector<16xi32>
        %add3A_309 = arith.addi %broadcast_in_dim3A_303, %add3A_308 : vector<16xi32>
        %select_n3A_310 = arith.select %lt3A_306, %add3A_309, %broadcast_in_dim3A_303 : vector<16xi1>, vector<16xi32>
        %broadcast_in_dim3A_311 = vector.shape_cast %select_n3A_310 : vector<16xi32> to vector<16x1xi32>
        %gather3A_312 = vector.shape_cast %broadcast_in_dim3A_311 : vector<16x1xi32> to vector<16xi32>
        %gather3A_313 = tpu.dynamic_gather %mul3A_210[%gather3A_312] in [0] : vector<16xf32>, vector<16xi32> -> vector<16xf32>
        %mul3A_314 = arith.constant 16 : i32
        %mul3A_315 = arith.muli %scan3A_204, %mul3A_314 : i32
        %add3A_316 = arith.constant 4 : i32
        %add3A_317 = arith.addi %mul3A_315, %add3A_316 : i32
        %get3A_318 = arith.index_cast %add3A_317 : i32 to index
        %get3A_319 = arith.constant 0 : index
        %get3A_320 = tpu.vector_load %arg14[%get3A_318, %get3A_319] {strides = array<i32>} : memref<640x16xf32, #tpu.memory_space<vmem>>, vector<16xf32>,
        %mul3A_321 = arith.mulf %get3A_320, %gather3A_313 : vector<16xf32>
        %add3A_322 = arith.addf %mul3A_321, %get3A_38 : vector<16xf32>
        %swap3A_323 = arith.index_cast %add3A_317 : i32 to index
        %swap3A_324 = arith.constant 0 : index
        %swap3A_325 = tpu.vector_load %arg14[%swap3A_323, %swap3A_324] {strides = array<i32>} : memref<640x16xf32, #tpu.memory_space<vmem>>, vector<16xf32>,
        tpu.vector_store %arg14[%swap3A_323, %swap3A_324], %add3A_322 {strides = array<i32>} : memref<640x16xf32, #tpu.memory_space<vmem>>, vector<16xf32>,
        %broadcast_in_dim3A_326 = arith.constant 5 : i32
        %broadcast_in_dim3A_327 = vector.broadcast %broadcast_in_dim3A_326 : i32 to vector<16xi32>
        %lt3A_328 = arith.constant 0 : i32
        %lt3A_329 = vector.broadcast %lt3A_328 : i32 to vector<16xi32>
        %lt3A_330 = arith.cmpi slt, %broadcast_in_dim3A_327, %lt3A_329 : vector<16xi32>
        %add3A_331 = arith.constant 16 : i32
        %add3A_332 = vector.broadcast %add3A_331 : i32 to vector<16xi32>
        %add3A_333 = arith.addi %broadcast_in_dim3A_327, %add3A_332 : vector<16xi32>
        %select_n3A_334 = arith.select %lt3A_330, %add3A_333, %broadcast_in_dim3A_327 : vector<16xi1>, vector<16xi32>
        %broadcast_in_dim3A_335 = vector.shape_cast %select_n3A_334 : vector<16xi32> to vector<16x1xi32>
        %gather3A_336 = vector.shape_cast %broadcast_in_dim3A_335 : vector<16x1xi32> to vector<16xi32>
        %gather3A_337 = tpu.dynamic_gather %mul3A_210[%gather3A_336] in [0] : vector<16xf32>, vector<16xi32> -> vector<16xf32>
        %mul3A_338 = arith.constant 16 : i32
        %mul3A_339 = arith.muli %scan3A_204, %mul3A_338 : i32
        %add3A_340 = arith.constant 5 : i32
        %add3A_341 = arith.addi %mul3A_339, %add3A_340 : i32
        %get3A_342 = arith.index_cast %add3A_341 : i32 to index
        %get3A_343 = arith.constant 0 : index
        %get3A_344 = tpu.vector_load %arg14[%get3A_342, %get3A_343] {strides = array<i32>} : memref<640x16xf32, #tpu.memory_space<vmem>>, vector<16xf32>,
        %mul3A_345 = arith.mulf %get3A_344, %gather3A_337 : vector<16xf32>
        %add3A_346 = arith.addf %mul3A_345, %get3A_38 : vector<16xf32>
        %swap3A_347 = arith.index_cast %add3A_341 : i32 to index
        %swap3A_348 = arith.constant 0 : index
        %swap3A_349 = tpu.vector_load %arg14[%swap3A_347, %swap3A_348] {strides = array<i32>} : memref<640x16xf32, #tpu.memory_space<vmem>>, vector<16xf32>,
        tpu.vector_store %arg14[%swap3A_347, %swap3A_348], %add3A_346 {strides = array<i32>} : memref<640x16xf32, #tpu.memory_space<vmem>>, vector<16xf32>,
        %broadcast_in_dim3A_350 = arith.constant 6 : i32
        %broadcast_in_dim3A_351 = vector.broadcast %broadcast_in_dim3A_350 : i32 to vector<16xi32>
        %lt3A_352 = arith.constant 0 : i32
        %lt3A_353 = vector.broadcast %lt3A_352 : i32 to vector<16xi32>
        %lt3A_354 = arith.cmpi slt, %broadcast_in_dim3A_351, %lt3A_353 : vector<16xi32>
        %add3A_355 = arith.constant 16 : i32
        %add3A_356 = vector.broadcast %add3A_355 : i32 to vector<16xi32>
        %add3A_357 = arith.addi %broadcast_in_dim3A_351, %add3A_356 : vector<16xi32>
        %select_n3A_358 = arith.select %lt3A_354, %add3A_357, %broadcast_in_dim3A_351 : vector<16xi1>, vector<16xi32>
        %broadcast_in_dim3A_359 = vector.shape_cast %select_n3A_358 : vector<16xi32> to vector<16x1xi32>
        %gather3A_360 = vector.shape_cast %broadcast_in_dim3A_359 : vector<16x1xi32> to vector<16xi32>
        %gather3A_361 = tpu.dynamic_gather %mul3A_210[%gather3A_360] in [0] : vector<16xf32>, vector<16xi32> -> vector<16xf32>
        %mul3A_362 = arith.constant 16 : i32
        %mul3A_363 = arith.muli %scan3A_204, %mul3A_362 : i32
        %add3A_364 = arith.constant 6 : i32
        %add3A_365 = arith.addi %mul3A_363, %add3A_364 : i32
        %get3A_366 = arith.index_cast %add3A_365 : i32 to index
        %get3A_367 = arith.constant 0 : index
        %get3A_368 = tpu.vector_load %arg14[%get3A_366, %get3A_367] {strides = array<i32>} : memref<640x16xf32, #tpu.memory_space<vmem>>, vector<16xf32>,
        %mul3A_369 = arith.mulf %get3A_368, %gather3A_361 : vector<16xf32>
        %add3A_370 = arith.addf %mul3A_369, %get3A_38 : vector<16xf32>
        %swap3A_371 = arith.index_cast %add3A_365 : i32 to index
        %swap3A_372 = arith.constant 0 : index
        %swap3A_373 = tpu.vector_load %arg14[%swap3A_371, %swap3A_372] {strides = array<i32>} : memref<640x16xf32, #tpu.memory_space<vmem>>, vector<16xf32>,
        tpu.vector_store %arg14[%swap3A_371, %swap3A_372], %add3A_370 {strides = array<i32>} : memref<640x16xf32, #tpu.memory_space<vmem>>, vector<16xf32>,
        %broadcast_in_dim3A_374 = arith.constant 7 : i32
        %broadcast_in_dim3A_375 = vector.broadcast %broadcast_in_dim3A_374 : i32 to vector<16xi32>
        %lt3A_376 = arith.constant 0 : i32
        %lt3A_377 = vector.broadcast %lt3A_376 : i32 to vector<16xi32>
        %lt3A_378 = arith.cmpi slt, %broadcast_in_dim3A_375, %lt3A_377 : vector<16xi32>
        %add3A_379 = arith.constant 16 : i32
        %add3A_380 = vector.broadcast %add3A_379 : i32 to vector<16xi32>
        %add3A_381 = arith.addi %broadcast_in_dim3A_375, %add3A_380 : vector<16xi32>
        %select_n3A_382 = arith.select %lt3A_378, %add3A_381, %broadcast_in_dim3A_375 : vector<16xi1>, vector<16xi32>
        %broadcast_in_dim3A_383 = vector.shape_cast %select_n3A_382 : vector<16xi32> to vector<16x1xi32>
        %gather3A_384 = vector.shape_cast %broadcast_in_dim3A_383 : vector<16x1xi32> to vector<16xi32>
        %gather3A_385 = tpu.dynamic_gather %mul3A_210[%gather3A_384] in [0] : vector<16xf32>, vector<16xi32> -> vector<16xf32>
        %mul3A_386 = arith.constant 16 : i32
        %mul3A_387 = arith.muli %scan3A_204, %mul3A_386 : i32
        %add3A_388 = arith.constant 7 : i32
        %add3A_389 = arith.addi %mul3A_387, %add3A_388 : i32
        %get3A_390 = arith.index_cast %add3A_389 : i32 to index
        %get3A_391 = arith.constant 0 : index
        %get3A_392 = tpu.vector_load %arg14[%get3A_390, %get3A_391] {strides = array<i32>} : memref<640x16xf32, #tpu.memory_space<vmem>>, vector<16xf32>,
        %mul3A_393 = arith.mulf %get3A_392, %gather3A_385 : vector<16xf32>
        %add3A_394 = arith.addf %mul3A_393, %get3A_38 : vector<16xf32>
        %swap3A_395 = arith.index_cast %add3A_389 : i32 to index
        %swap3A_396 = arith.constant 0 : index
        %swap3A_397 = tpu.vector_load %arg14[%swap3A_395, %swap3A_396] {strides = array<i32>} : memref<640x16xf32, #tpu.memory_space<vmem>>, vector<16xf32>,
        tpu.vector_store %arg14[%swap3A_395, %swap3A_396], %add3A_394 {strides = array<i32>} : memref<640x16xf32, #tpu.memory_space<vmem>>, vector<16xf32>,
        %broadcast_in_dim3A_398 = arith.constant 8 : i32
        %broadcast_in_dim3A_399 = vector.broadcast %broadcast_in_dim3A_398 : i32 to vector<16xi32>
        %lt3A_400 = arith.constant 0 : i32
        %lt3A_401 = vector.broadcast %lt3A_400 : i32 to vector<16xi32>
        %lt3A_402 = arith.cmpi slt, %broadcast_in_dim3A_399, %lt3A_401 : vector<16xi32>
        %add3A_403 = arith.constant 16 : i32
        %add3A_404 = vector.broadcast %add3A_403 : i32 to vector<16xi32>
        %add3A_405 = arith.addi %broadcast_in_dim3A_399, %add3A_404 : vector<16xi32>
        %select_n3A_406 = arith.select %lt3A_402, %add3A_405, %broadcast_in_dim3A_399 : vector<16xi1>, vector<16xi32>
        %broadcast_in_dim3A_407 = vector.shape_cast %select_n3A_406 : vector<16xi32> to vector<16x1xi32>
        %gather3A_408 = vector.shape_cast %broadcast_in_dim3A_407 : vector<16x1xi32> to vector<16xi32>
        %gather3A_409 = tpu.dynamic_gather %mul3A_210[%gather3A_408] in [0] : vector<16xf32>, vector<16xi32> -> vector<16xf32>
        %mul3A_410 = arith.constant 16 : i32
        %mul3A_411 = arith.muli %scan3A_204, %mul3A_410 : i32
        %add3A_412 = arith.constant 8 : i32
        %add3A_413 = arith.addi %mul3A_411, %add3A_412 : i32
        %get3A_414 = arith.index_cast %add3A_413 : i32 to index
        %get3A_415 = arith.constant 0 : index
        %get3A_416 = tpu.vector_load %arg14[%get3A_414, %get3A_415] {strides = array<i32>} : memref<640x16xf32, #tpu.memory_space<vmem>>, vector<16xf32>,
        %mul3A_417 = arith.mulf %get3A_416, %gather3A_409 : vector<16xf32>
        %add3A_418 = arith.addf %mul3A_417, %get3A_38 : vector<16xf32>
        %swap3A_419 = arith.index_cast %add3A_413 : i32 to index
        %swap3A_420 = arith.constant 0 : index
        %swap3A_421 = tpu.vector_load %arg14[%swap3A_419, %swap3A_420] {strides = array<i32>} : memref<640x16xf32, #tpu.memory_space<vmem>>, vector<16xf32>,
        tpu.vector_store %arg14[%swap3A_419, %swap3A_420], %add3A_418 {strides = array<i32>} : memref<640x16xf32, #tpu.memory_space<vmem>>, vector<16xf32>,
        %broadcast_in_dim3A_422 = arith.constant 9 : i32
        %broadcast_in_dim3A_423 = vector.broadcast %broadcast_in_dim3A_422 : i32 to vector<16xi32>
        %lt3A_424 = arith.constant 0 : i32
        %lt3A_425 = vector.broadcast %lt3A_424 : i32 to vector<16xi32>
        %lt3A_426 = arith.cmpi slt, %broadcast_in_dim3A_423, %lt3A_425 : vector<16xi32>
        %add3A_427 = arith.constant 16 : i32
        %add3A_428 = vector.broadcast %add3A_427 : i32 to vector<16xi32>
        %add3A_429 = arith.addi %broadcast_in_dim3A_423, %add3A_428 : vector<16xi32>
        %select_n3A_430 = arith.select %lt3A_426, %add3A_429, %broadcast_in_dim3A_423 : vector<16xi1>, vector<16xi32>
        %broadcast_in_dim3A_431 = vector.shape_cast %select_n3A_430 : vector<16xi32> to vector<16x1xi32>
        %gather3A_432 = vector.shape_cast %broadcast_in_dim3A_431 : vector<16x1xi32> to vector<16xi32>
        %gather3A_433 = tpu.dynamic_gather %mul3A_210[%gather3A_432] in [0] : vector<16xf32>, vector<16xi32> -> vector<16xf32>
        %mul3A_434 = arith.constant 16 : i32
        %mul3A_435 = arith.muli %scan3A_204, %mul3A_434 : i32
        %add3A_436 = arith.constant 9 : i32
        %add3A_437 = arith.addi %mul3A_435, %add3A_436 : i32
        %get3A_438 = arith.index_cast %add3A_437 : i32 to index
        %get3A_439 = arith.constant 0 : index
        %get3A_440 = tpu.vector_load %arg14[%get3A_438, %get3A_439] {strides = array<i32>} : memref<640x16xf32, #tpu.memory_space<vmem>>, vector<16xf32>,
        %mul3A_441 = arith.mulf %get3A_440, %gather3A_433 : vector<16xf32>
        %add3A_442 = arith.addf %mul3A_441, %get3A_38 : vector<16xf32>
        %swap3A_443 = arith.index_cast %add3A_437 : i32 to index
        %swap3A_444 = arith.constant 0 : index
        %swap3A_445 = tpu.vector_load %arg14[%swap3A_443, %swap3A_444] {strides = array<i32>} : memref<640x16xf32, #tpu.memory_space<vmem>>, vector<16xf32>,
        tpu.vector_store %arg14[%swap3A_443, %swap3A_444], %add3A_442 {strides = array<i32>} : memref<640x16xf32, #tpu.memory_space<vmem>>, vector<16xf32>,
        %broadcast_in_dim3A_446 = arith.constant 10 : i32
        %broadcast_in_dim3A_447 = vector.broadcast %broadcast_in_dim3A_446 : i32 to vector<16xi32>
        %lt3A_448 = arith.constant 0 : i32
        %lt3A_449 = vector.broadcast %lt3A_448 : i32 to vector<16xi32>
        %lt3A_450 = arith.cmpi slt, %broadcast_in_dim3A_447, %lt3A_449 : vector<16xi32>
        %add3A_451 = arith.constant 16 : i32
        %add3A_452 = vector.broadcast %add3A_451 : i32 to vector<16xi32>
        %add3A_453 = arith.addi %broadcast_in_dim3A_447, %add3A_452 : vector<16xi32>
        %select_n3A_454 = arith.select %lt3A_450, %add3A_453, %broadcast_in_dim3A_447 : vector<16xi1>, vector<16xi32>
        %broadcast_in_dim3A_455 = vector.shape_cast %select_n3A_454 : vector<16xi32> to vector<16x1xi32>
        %gather3A_456 = vector.shape_cast %broadcast_in_dim3A_455 : vector<16x1xi32> to vector<16xi32>
        %gather3A_457 = tpu.dynamic_gather %mul3A_210[%gather3A_456] in [0] : vector<16xf32>, vector<16xi32> -> vector<16xf32>
        %mul3A_458 = arith.constant 16 : i32
        %mul3A_459 = arith.muli %scan3A_204, %mul3A_458 : i32
        %add3A_460 = arith.constant 10 : i32
        %add3A_461 = arith.addi %mul3A_459, %add3A_460 : i32
        %get3A_462 = arith.index_cast %add3A_461 : i32 to index
        %get3A_463 = arith.constant 0 : index
        %get3A_464 = tpu.vector_load %arg14[%get3A_462, %get3A_463] {strides = array<i32>} : memref<640x16xf32, #tpu.memory_space<vmem>>, vector<16xf32>,
        %mul3A_465 = arith.mulf %get3A_464, %gather3A_457 : vector<16xf32>
        %add3A_466 = arith.addf %mul3A_465, %get3A_38 : vector<16xf32>
        %swap3A_467 = arith.index_cast %add3A_461 : i32 to index
        %swap3A_468 = arith.constant 0 : index
        %swap3A_469 = tpu.vector_load %arg14[%swap3A_467, %swap3A_468] {strides = array<i32>} : memref<640x16xf32, #tpu.memory_space<vmem>>, vector<16xf32>,
        tpu.vector_store %arg14[%swap3A_467, %swap3A_468], %add3A_466 {strides = array<i32>} : memref<640x16xf32, #tpu.memory_space<vmem>>, vector<16xf32>,
        %broadcast_in_dim3A_470 = arith.constant 11 : i32
        %broadcast_in_dim3A_471 = vector.broadcast %broadcast_in_dim3A_470 : i32 to vector<16xi32>
        %lt3A_472 = arith.constant 0 : i32
        %lt3A_473 = vector.broadcast %lt3A_472 : i32 to vector<16xi32>
        %lt3A_474 = arith.cmpi slt, %broadcast_in_dim3A_471, %lt3A_473 : vector<16xi32>
        %add3A_475 = arith.constant 16 : i32
        %add3A_476 = vector.broadcast %add3A_475 : i32 to vector<16xi32>
        %add3A_477 = arith.addi %broadcast_in_dim3A_471, %add3A_476 : vector<16xi32>
        %select_n3A_478 = arith.select %lt3A_474, %add3A_477, %broadcast_in_dim3A_471 : vector<16xi1>, vector<16xi32>
        %broadcast_in_dim3A_479 = vector.shape_cast %select_n3A_478 : vector<16xi32> to vector<16x1xi32>
        %gather3A_480 = vector.shape_cast %broadcast_in_dim3A_479 : vector<16x1xi32> to vector<16xi32>
        %gather3A_481 = tpu.dynamic_gather %mul3A_210[%gather3A_480] in [0] : vector<16xf32>, vector<16xi32> -> vector<16xf32>
        %mul3A_482 = arith.constant 16 : i32
        %mul3A_483 = arith.muli %scan3A_204, %mul3A_482 : i32
        %add3A_484 = arith.constant 11 : i32
        %add3A_485 = arith.addi %mul3A_483, %add3A_484 : i32
        %get3A_486 = arith.index_cast %add3A_485 : i32 to index
        %get3A_487 = arith.constant 0 : index
        %get3A_488 = tpu.vector_load %arg14[%get3A_486, %get3A_487] {strides = array<i32>} : memref<640x16xf32, #tpu.memory_space<vmem>>, vector<16xf32>,
        %mul3A_489 = arith.mulf %get3A_488, %gather3A_481 : vector<16xf32>
        %add3A_490 = arith.addf %mul3A_489, %get3A_38 : vector<16xf32>
        %swap3A_491 = arith.index_cast %add3A_485 : i32 to index
        %swap3A_492 = arith.constant 0 : index
        %swap3A_493 = tpu.vector_load %arg14[%swap3A_491, %swap3A_492] {strides = array<i32>} : memref<640x16xf32, #tpu.memory_space<vmem>>, vector<16xf32>,
        tpu.vector_store %arg14[%swap3A_491, %swap3A_492], %add3A_490 {strides = array<i32>} : memref<640x16xf32, #tpu.memory_space<vmem>>, vector<16xf32>,
        %broadcast_in_dim3A_494 = arith.constant 12 : i32
        %broadcast_in_dim3A_495 = vector.broadcast %broadcast_in_dim3A_494 : i32 to vector<16xi32>
        %lt3A_496 = arith.constant 0 : i32
        %lt3A_497 = vector.broadcast %lt3A_496 : i32 to vector<16xi32>
        %lt3A_498 = arith.cmpi slt, %broadcast_in_dim3A_495, %lt3A_497 : vector<16xi32>
        %add3A_499 = arith.constant 16 : i32
        %add3A_500 = vector.broadcast %add3A_499 : i32 to vector<16xi32>
        %add3A_501 = arith.addi %broadcast_in_dim3A_495, %add3A_500 : vector<16xi32>
        %select_n3A_502 = arith.select %lt3A_498, %add3A_501, %broadcast_in_dim3A_495 : vector<16xi1>, vector<16xi32>
        %broadcast_in_dim3A_503 = vector.shape_cast %select_n3A_502 : vector<16xi32> to vector<16x1xi32>
        %gather3A_504 = vector.shape_cast %broadcast_in_dim3A_503 : vector<16x1xi32> to vector<16xi32>
        %gather3A_505 = tpu.dynamic_gather %mul3A_210[%gather3A_504] in [0] : vector<16xf32>, vector<16xi32> -> vector<16xf32>
        %mul3A_506 = arith.constant 16 : i32
        %mul3A_507 = arith.muli %scan3A_204, %mul3A_506 : i32
        %add3A_508 = arith.constant 12 : i32
        %add3A_509 = arith.addi %mul3A_507, %add3A_508 : i32
        %get3A_510 = arith.index_cast %add3A_509 : i32 to index
        %get3A_511 = arith.constant 0 : index
        %get3A_512 = tpu.vector_load %arg14[%get3A_510, %get3A_511] {strides = array<i32>} : memref<640x16xf32, #tpu.memory_space<vmem>>, vector<16xf32>,
        %mul3A_513 = arith.mulf %get3A_512, %gather3A_505 : vector<16xf32>
        %add3A_514 = arith.addf %mul3A_513, %get3A_38 : vector<16xf32>
        %swap3A_515 = arith.index_cast %add3A_509 : i32 to index
        %swap3A_516 = arith.constant 0 : index
        %swap3A_517 = tpu.vector_load %arg14[%swap3A_515, %swap3A_516] {strides = array<i32>} : memref<640x16xf32, #tpu.memory_space<vmem>>, vector<16xf32>,
        tpu.vector_store %arg14[%swap3A_515, %swap3A_516], %add3A_514 {strides = array<i32>} : memref<640x16xf32, #tpu.memory_space<vmem>>, vector<16xf32>,
        %broadcast_in_dim3A_518 = arith.constant 13 : i32
        %broadcast_in_dim3A_519 = vector.broadcast %broadcast_in_dim3A_518 : i32 to vector<16xi32>
        %lt3A_520 = arith.constant 0 : i32
        %lt3A_521 = vector.broadcast %lt3A_520 : i32 to vector<16xi32>
        %lt3A_522 = arith.cmpi slt, %broadcast_in_dim3A_519, %lt3A_521 : vector<16xi32>
        %add3A_523 = arith.constant 16 : i32
        %add3A_524 = vector.broadcast %add3A_523 : i32 to vector<16xi32>
        %add3A_525 = arith.addi %broadcast_in_dim3A_519, %add3A_524 : vector<16xi32>
        %select_n3A_526 = arith.select %lt3A_522, %add3A_525, %broadcast_in_dim3A_519 : vector<16xi1>, vector<16xi32>
        %broadcast_in_dim3A_527 = vector.shape_cast %select_n3A_526 : vector<16xi32> to vector<16x1xi32>
        %gather3A_528 = vector.shape_cast %broadcast_in_dim3A_527 : vector<16x1xi32> to vector<16xi32>
        %gather3A_529 = tpu.dynamic_gather %mul3A_210[%gather3A_528] in [0] : vector<16xf32>, vector<16xi32> -> vector<16xf32>
        %mul3A_530 = arith.constant 16 : i32
        %mul3A_531 = arith.muli %scan3A_204, %mul3A_530 : i32
        %add3A_532 = arith.constant 13 : i32
        %add3A_533 = arith.addi %mul3A_531, %add3A_532 : i32
        %get3A_534 = arith.index_cast %add3A_533 : i32 to index
        %get3A_535 = arith.constant 0 : index
        %get3A_536 = tpu.vector_load %arg14[%get3A_534, %get3A_535] {strides = array<i32>} : memref<640x16xf32, #tpu.memory_space<vmem>>, vector<16xf32>,
        %mul3A_537 = arith.mulf %get3A_536, %gather3A_529 : vector<16xf32>
        %add3A_538 = arith.addf %mul3A_537, %get3A_38 : vector<16xf32>
        %swap3A_539 = arith.index_cast %add3A_533 : i32 to index
        %swap3A_540 = arith.constant 0 : index
        %swap3A_541 = tpu.vector_load %arg14[%swap3A_539, %swap3A_540] {strides = array<i32>} : memref<640x16xf32, #tpu.memory_space<vmem>>, vector<16xf32>,
        tpu.vector_store %arg14[%swap3A_539, %swap3A_540], %add3A_538 {strides = array<i32>} : memref<640x16xf32, #tpu.memory_space<vmem>>, vector<16xf32>,
        %broadcast_in_dim3A_542 = arith.constant 14 : i32
        %broadcast_in_dim3A_543 = vector.broadcast %broadcast_in_dim3A_542 : i32 to vector<16xi32>
        %lt3A_544 = arith.constant 0 : i32
        %lt3A_545 = vector.broadcast %lt3A_544 : i32 to vector<16xi32>
        %lt3A_546 = arith.cmpi slt, %broadcast_in_dim3A_543, %lt3A_545 : vector<16xi32>
        %add3A_547 = arith.constant 16 : i32
        %add3A_548 = vector.broadcast %add3A_547 : i32 to vector<16xi32>
        %add3A_549 = arith.addi %broadcast_in_dim3A_543, %add3A_548 : vector<16xi32>
        %select_n3A_550 = arith.select %lt3A_546, %add3A_549, %broadcast_in_dim3A_543 : vector<16xi1>, vector<16xi32>
        %broadcast_in_dim3A_551 = vector.shape_cast %select_n3A_550 : vector<16xi32> to vector<16x1xi32>
        %gather3A_552 = vector.shape_cast %broadcast_in_dim3A_551 : vector<16x1xi32> to vector<16xi32>
        %gather3A_553 = tpu.dynamic_gather %mul3A_210[%gather3A_552] in [0] : vector<16xf32>, vector<16xi32> -> vector<16xf32>
        %mul3A_554 = arith.constant 16 : i32
        %mul3A_555 = arith.muli %scan3A_204, %mul3A_554 : i32
        %add3A_556 = arith.constant 14 : i32
        %add3A_557 = arith.addi %mul3A_555, %add3A_556 : i32
        %get3A_558 = arith.index_cast %add3A_557 : i32 to index
        %get3A_559 = arith.constant 0 : index
        %get3A_560 = tpu.vector_load %arg14[%get3A_558, %get3A_559] {strides = array<i32>} : memref<640x16xf32, #tpu.memory_space<vmem>>, vector<16xf32>,
        %mul3A_561 = arith.mulf %get3A_560, %gather3A_553 : vector<16xf32>
        %add3A_562 = arith.addf %mul3A_561, %get3A_38 : vector<16xf32>
        %swap3A_563 = arith.index_cast %add3A_557 : i32 to index
        %swap3A_564 = arith.constant 0 : index
        %swap3A_565 = tpu.vector_load %arg14[%swap3A_563, %swap3A_564] {strides = array<i32>} : memref<640x16xf32, #tpu.memory_space<vmem>>, vector<16xf32>,
        tpu.vector_store %arg14[%swap3A_563, %swap3A_564], %add3A_562 {strides = array<i32>} : memref<640x16xf32, #tpu.memory_space<vmem>>, vector<16xf32>,
        %broadcast_in_dim3A_566 = arith.constant 15 : i32
        %broadcast_in_dim3A_567 = vector.broadcast %broadcast_in_dim3A_566 : i32 to vector<16xi32>
        %lt3A_568 = arith.constant 0 : i32
        %lt3A_569 = vector.broadcast %lt3A_568 : i32 to vector<16xi32>
        %lt3A_570 = arith.cmpi slt, %broadcast_in_dim3A_567, %lt3A_569 : vector<16xi32>
        %add3A_571 = arith.constant 16 : i32
        %add3A_572 = vector.broadcast %add3A_571 : i32 to vector<16xi32>
        %add3A_573 = arith.addi %broadcast_in_dim3A_567, %add3A_572 : vector<16xi32>
        %select_n3A_574 = arith.select %lt3A_570, %add3A_573, %broadcast_in_dim3A_567 : vector<16xi1>, vector<16xi32>
        %broadcast_in_dim3A_575 = vector.shape_cast %select_n3A_574 : vector<16xi32> to vector<16x1xi32>
        %gather3A_576 = vector.shape_cast %broadcast_in_dim3A_575 : vector<16x1xi32> to vector<16xi32>
        %gather3A_577 = tpu.dynamic_gather %mul3A_210[%gather3A_576] in [0] : vector<16xf32>, vector<16xi32> -> vector<16xf32>
        %mul3A_578 = arith.constant 16 : i32
        %mul3A_579 = arith.muli %scan3A_204, %mul3A_578 : i32
        %add3A_580 = arith.constant 15 : i32
        %add3A_581 = arith.addi %mul3A_579, %add3A_580 : i32
        %get3A_582 = arith.index_cast %add3A_581 : i32 to index
        %get3A_583 = arith.constant 0 : index
        %get3A_584 = tpu.vector_load %arg14[%get3A_582, %get3A_583] {strides = array<i32>} : memref<640x16xf32, #tpu.memory_space<vmem>>, vector<16xf32>,
        %mul3A_585 = arith.mulf %get3A_584, %gather3A_577 : vector<16xf32>
        %add3A_586 = arith.addf %mul3A_585, %get3A_38 : vector<16xf32>
        %swap3A_587 = arith.index_cast %add3A_581 : i32 to index
        %swap3A_588 = arith.constant 0 : index
        %swap3A_589 = tpu.vector_load %arg14[%swap3A_587, %swap3A_588] {strides = array<i32>} : memref<640x16xf32, #tpu.memory_space<vmem>>, vector<16xf32>,
        tpu.vector_store %arg14[%swap3A_587, %swap3A_588], %add3A_586 {strides = array<i32>} : memref<640x16xf32, #tpu.memory_space<vmem>>, vector<16xf32>,
        %scan3A_590 = arith.constant 0 : i32
        scf.yield %scan3A_590 : i32
      }
      %scan3A_203 = arith.constant 40 : i32
    } else {
    }
    %eq3A_41 = arith.constant 1 : i32
    %eq3A_42 = arith.cmpi eq, %arg0, %eq3A_41 : i32
    %convert_element_type3A_43 = arith.extui %eq3A_42 : i1 to i32
    %cond3A_44 = arith.constant 0 : i32
    %cond3A_45 = arith.cmpi ne, %convert_element_type3A_43, %cond3A_44 : i32
    scf.if %cond3A_45 {
      %scan3A_197 = arith.constant 0 : i32
      %scan3A_198 = arith.constant 0 : i32
      %scan3A_199 = arith.constant 640 : i32
      %scan3A_200 = arith.addi %scan3A_198, %scan3A_199 : i32
      %scan3A_201 = arith.constant 1 : i32
      %scan3A_202 = scf.for %scan3A_204 = %scan3A_198 to %scan3A_200 step %scan3A_201 iter_args(%scan3A_205 = %scan3A_197) -> (i32)  : i32 {
        %broadcast_in_dim3A = arith.constant 0.000000e+00 : f32
        %broadcast_in_dim3A_206 = vector.broadcast %broadcast_in_dim3A : f32 to vector<16xf32>
        %swap3A = arith.index_cast %scan3A_204 : i32 to index
        %swap3A_207 = arith.constant 0 : index
        %swap3A_208 = tpu.vector_load %arg14[%swap3A, %swap3A_207] {strides = array<i32>} : memref<640x16xf32, #tpu.memory_space<vmem>>, vector<16xf32>,
        tpu.vector_store %arg14[%swap3A, %swap3A_207], %broadcast_in_dim3A_206 {strides = array<i32>} : memref<640x16xf32, #tpu.memory_space<vmem>>, vector<16xf32>,
        %scan3A_209 = arith.constant 0 : i32
        scf.yield %scan3A_209 : i32
      }
      %scan3A_203 = arith.constant 640 : i32
    } else {
    }
    %mul3A_46 = arith.constant 640 : i32
    %mul3A_47 = arith.muli %arg1, %mul3A_46 : i32
    "tpu.region"() ({
      %run_scoped3A = tpu.sem_alloc : memref<!tpu.dma_semaphore, #tpu.memory_space<semaphore_mem>>
      %dma_start3A_197 = arith.constant 0 : i32
      %dma_start3A_198 = tpu.memref_slice %arg21[%mul3A_47, %dma_start3A_197] : memref<10240x16xf32, #tpu.memory_space<vmem_shared>> -> memref<640x16xf32, #tpu.memory_space<vmem_shared>>
      %dma_start3A_199 = arith.constant 0 : i32
      %dma_start3A_200 = tpu.memref_slice %arg21[%mul3A_47, %dma_start3A_199] : memref<10240x16xf32, #tpu.memory_space<vmem_shared>> -> memref<640x16xf32, #tpu.memory_space<vmem_shared>>
      tpu.enqueue_dma source(%arg14 : memref<640x16xf32, #tpu.memory_space<vmem>>) target(%dma_start3A_200 : memref<640x16xf32, #tpu.memory_space<vmem_shared>>) target_semaphore(%run_scoped3A : memref<!tpu.dma_semaphore, #tpu.memory_space<semaphore_mem>>)
      %dma_wait3A_201 = arith.constant 0 : i32
      %dma_wait3A_202 = tpu.memref_slice %arg21[%mul3A_47, %dma_wait3A_201] : memref<10240x16xf32, #tpu.memory_space<vmem_shared>> -> memref<640x16xf32, #tpu.memory_space<vmem_shared>>
      %dma_wait3A_203 = arith.constant 0 : i32
      %dma_wait3A_204 = tpu.memref_slice %arg21[%mul3A_47, %dma_wait3A_203] : memref<10240x16xf32, #tpu.memory_space<vmem_shared>> -> memref<640x16xf32, #tpu.memory_space<vmem_shared>>
      tpu.wait_dma2 semaphore(%run_scoped3A : memref<!tpu.dma_semaphore, #tpu.memory_space<semaphore_mem>>) src(%arg14 : memref<640x16xf32, #tpu.memory_space<vmem>>) dst(%dma_wait3A_204 : memref<640x16xf32, #tpu.memory_space<vmem_shared>>)
      tpu.yield
    }) : () -> ()
    "tpu.trace_stop"() : () -> ()
    %barrier3A_48 = arith.constant 0 : index
    tpu.barrier barrier_id(%barrier3A_48)
    "tpu.trace_start"() <{level = 10 : i32, message = "edges"}> : () -> ()
    "tpu.region"() ({
      %run_scoped3A = tpu.sem_alloc : memref<!tpu.dma_semaphore, #tpu.memory_space<semaphore_mem>>
      tpu.enqueue_dma source(%arg19 : memref<10240xf32, #tpu.memory_space<vmem_shared>>) target(%arg13 : memref<10240xf32, #tpu.memory_space<vmem>>) target_semaphore(%run_scoped3A : memref<!tpu.dma_semaphore, #tpu.memory_space<semaphore_mem>>)
      tpu.wait_dma2 semaphore(%run_scoped3A : memref<!tpu.dma_semaphore, #tpu.memory_space<semaphore_mem>>) src(%arg19 : memref<10240xf32, #tpu.memory_space<vmem_shared>>) dst(%arg13 : memref<10240xf32, #tpu.memory_space<vmem>>)
      tpu.yield
    }) : () -> ()
    %dma_start3A = arith.constant 0 : i32
    %dma_start3A_49 = arith.constant 0 : i32
    %dma_start3A_50 = arith.constant 0 : i32
    %dma_start3A_51 = arith.constant 0 : i32
    %dma_start3A_52 = arith.constant 0 : i32
    %dma_start3A_53 = tpu.memref_slice %arg16[%dma_start3A_49, %dma_start3A_51, %dma_start3A_52] : memref<5x80x16xf32, #tpu.memory_space<vmem>> -> memref<1x80x16xf32, #tpu.memory_space<vmem>>
    %dma_start3A_54 = tpu.memref_squeeze %dma_start3A_53 : memref<1x80x16xf32, #tpu.memory_space<vmem>> -> memref<80x16xf32, #tpu.memory_space<vmem>>
    %dma_start3A_55 = arith.constant 0 : i32
    %dma_start3A_56 = tpu.memref_slice %arg8[%dma_start3A, %dma_start3A_55] : memref<125x80xi32, #tpu.memory_space<vmem>> -> memref<1x80xi32, #tpu.memory_space<vmem>>
    %dma_start3A_57 = tpu.memref_squeeze %dma_start3A_56 : memref<1x80xi32, #tpu.memory_space<vmem>> -> memref<80xi32, #tpu.memory_space<vmem>>
    %dma_start3A_58 = arith.constant 0 : i32
    %dma_start3A_59 = arith.constant 0 : i32
    %dma_start3A_60 = tpu.memref_slice %arg20[%dma_start3A_58, %dma_start3A_59] : memref<10240x16xf32, #tpu.memory_space<vmem_shared>> -> memref<10240x16xf32, #tpu.memory_space<vmem_shared>>
    %dma_start3A_61 = tpu.memref_slice %arg22[%dma_start3A_50] : memref<5x!tpu.dma_semaphore, #tpu.memory_space<semaphore_mem>> -> memref<1x!tpu.dma_semaphore, #tpu.memory_space<semaphore_mem>>
    %dma_start3A_62 = tpu.memref_squeeze %dma_start3A_61 : memref<1x!tpu.dma_semaphore, #tpu.memory_space<semaphore_mem>> -> memref<!tpu.dma_semaphore, #tpu.memory_space<semaphore_mem>>
    tpu.enqueue_indirect_dma source(%dma_start3A_60 : memref<10240x16xf32, #tpu.memory_space<vmem_shared>>) target(%dma_start3A_54 : memref<80x16xf32, #tpu.memory_space<vmem>>) offsets(%dma_start3A_57 : memref<80xi32, #tpu.memory_space<vmem>>) semaphore(%dma_start3A_62 : memref<!tpu.dma_semaphore, #tpu.memory_space<semaphore_mem>>)
    %dma_start3A_63 = arith.constant 1 : i32
    %dma_start3A_64 = arith.constant 1 : i32
    %dma_start3A_65 = arith.constant 1 : i32
    %dma_start3A_66 = arith.constant 0 : i32
    %dma_start3A_67 = arith.constant 0 : i32
    %dma_start3A_68 = tpu.memref_slice %arg16[%dma_start3A_64, %dma_start3A_66, %dma_start3A_67] : memref<5x80x16xf32, #tpu.memory_space<vmem>> -> memref<1x80x16xf32, #tpu.memory_space<vmem>>
    %dma_start3A_69 = tpu.memref_squeeze %dma_start3A_68 : memref<1x80x16xf32, #tpu.memory_space<vmem>> -> memref<80x16xf32, #tpu.memory_space<vmem>>
    %dma_start3A_70 = arith.constant 0 : i32
    %dma_start3A_71 = tpu.memref_slice %arg8[%dma_start3A_63, %dma_start3A_70] : memref<125x80xi32, #tpu.memory_space<vmem>> -> memref<1x80xi32, #tpu.memory_space<vmem>>
    %dma_start3A_72 = tpu.memref_squeeze %dma_start3A_71 : memref<1x80xi32, #tpu.memory_space<vmem>> -> memref<80xi32, #tpu.memory_space<vmem>>
    %dma_start3A_73 = arith.constant 0 : i32
    %dma_start3A_74 = arith.constant 0 : i32
    %dma_start3A_75 = tpu.memref_slice %arg20[%dma_start3A_73, %dma_start3A_74] : memref<10240x16xf32, #tpu.memory_space<vmem_shared>> -> memref<10240x16xf32, #tpu.memory_space<vmem_shared>>
    %dma_start3A_76 = tpu.memref_slice %arg22[%dma_start3A_65] : memref<5x!tpu.dma_semaphore, #tpu.memory_space<semaphore_mem>> -> memref<1x!tpu.dma_semaphore, #tpu.memory_space<semaphore_mem>>
    %dma_start3A_77 = tpu.memref_squeeze %dma_start3A_76 : memref<1x!tpu.dma_semaphore, #tpu.memory_space<semaphore_mem>> -> memref<!tpu.dma_semaphore, #tpu.memory_space<semaphore_mem>>
    tpu.enqueue_indirect_dma source(%dma_start3A_75 : memref<10240x16xf32, #tpu.memory_space<vmem_shared>>) target(%dma_start3A_69 : memref<80x16xf32, #tpu.memory_space<vmem>>) offsets(%dma_start3A_72 : memref<80xi32, #tpu.memory_space<vmem>>) semaphore(%dma_start3A_77 : memref<!tpu.dma_semaphore, #tpu.memory_space<semaphore_mem>>)
    %dma_start3A_78 = arith.constant 2 : i32
    %dma_start3A_79 = arith.constant 2 : i32
    %dma_start3A_80 = arith.constant 2 : i32
    %dma_start3A_81 = arith.constant 0 : i32
    %dma_start3A_82 = arith.constant 0 : i32
    %dma_start3A_83 = tpu.memref_slice %arg16[%dma_start3A_79, %dma_start3A_81, %dma_start3A_82] : memref<5x80x16xf32, #tpu.memory_space<vmem>> -> memref<1x80x16xf32, #tpu.memory_space<vmem>>
    %dma_start3A_84 = tpu.memref_squeeze %dma_start3A_83 : memref<1x80x16xf32, #tpu.memory_space<vmem>> -> memref<80x16xf32, #tpu.memory_space<vmem>>
    %dma_start3A_85 = arith.constant 0 : i32
    %dma_start3A_86 = tpu.memref_slice %arg8[%dma_start3A_78, %dma_start3A_85] : memref<125x80xi32, #tpu.memory_space<vmem>> -> memref<1x80xi32, #tpu.memory_space<vmem>>
    %dma_start3A_87 = tpu.memref_squeeze %dma_start3A_86 : memref<1x80xi32, #tpu.memory_space<vmem>> -> memref<80xi32, #tpu.memory_space<vmem>>
    %dma_start3A_88 = arith.constant 0 : i32
    %dma_start3A_89 = arith.constant 0 : i32
    %dma_start3A_90 = tpu.memref_slice %arg20[%dma_start3A_88, %dma_start3A_89] : memref<10240x16xf32, #tpu.memory_space<vmem_shared>> -> memref<10240x16xf32, #tpu.memory_space<vmem_shared>>
    %dma_start3A_91 = tpu.memref_slice %arg22[%dma_start3A_80] : memref<5x!tpu.dma_semaphore, #tpu.memory_space<semaphore_mem>> -> memref<1x!tpu.dma_semaphore, #tpu.memory_space<semaphore_mem>>
    %dma_start3A_92 = tpu.memref_squeeze %dma_start3A_91 : memref<1x!tpu.dma_semaphore, #tpu.memory_space<semaphore_mem>> -> memref<!tpu.dma_semaphore, #tpu.memory_space<semaphore_mem>>
    tpu.enqueue_indirect_dma source(%dma_start3A_90 : memref<10240x16xf32, #tpu.memory_space<vmem_shared>>) target(%dma_start3A_84 : memref<80x16xf32, #tpu.memory_space<vmem>>) offsets(%dma_start3A_87 : memref<80xi32, #tpu.memory_space<vmem>>) semaphore(%dma_start3A_92 : memref<!tpu.dma_semaphore, #tpu.memory_space<semaphore_mem>>)
    %dma_start3A_93 = arith.constant 3 : i32
    %dma_start3A_94 = arith.constant 3 : i32
    %dma_start3A_95 = arith.constant 3 : i32
    %dma_start3A_96 = arith.constant 0 : i32
    %dma_start3A_97 = arith.constant 0 : i32
    %dma_start3A_98 = tpu.memref_slice %arg16[%dma_start3A_94, %dma_start3A_96, %dma_start3A_97] : memref<5x80x16xf32, #tpu.memory_space<vmem>> -> memref<1x80x16xf32, #tpu.memory_space<vmem>>
    %dma_start3A_99 = tpu.memref_squeeze %dma_start3A_98 : memref<1x80x16xf32, #tpu.memory_space<vmem>> -> memref<80x16xf32, #tpu.memory_space<vmem>>
    %dma_start3A_100 = arith.constant 0 : i32
    %dma_start3A_101 = tpu.memref_slice %arg8[%dma_start3A_93, %dma_start3A_100] : memref<125x80xi32, #tpu.memory_space<vmem>> -> memref<1x80xi32, #tpu.memory_space<vmem>>
    %dma_start3A_102 = tpu.memref_squeeze %dma_start3A_101 : memref<1x80xi32, #tpu.memory_space<vmem>> -> memref<80xi32, #tpu.memory_space<vmem>>
    %dma_start3A_103 = arith.constant 0 : i32
    %dma_start3A_104 = arith.constant 0 : i32
    %dma_start3A_105 = tpu.memref_slice %arg20[%dma_start3A_103, %dma_start3A_104] : memref<10240x16xf32, #tpu.memory_space<vmem_shared>> -> memref<10240x16xf32, #tpu.memory_space<vmem_shared>>
    %dma_start3A_106 = tpu.memref_slice %arg22[%dma_start3A_95] : memref<5x!tpu.dma_semaphore, #tpu.memory_space<semaphore_mem>> -> memref<1x!tpu.dma_semaphore, #tpu.memory_space<semaphore_mem>>
    %dma_start3A_107 = tpu.memref_squeeze %dma_start3A_106 : memref<1x!tpu.dma_semaphore, #tpu.memory_space<semaphore_mem>> -> memref<!tpu.dma_semaphore, #tpu.memory_space<semaphore_mem>>
    tpu.enqueue_indirect_dma source(%dma_start3A_105 : memref<10240x16xf32, #tpu.memory_space<vmem_shared>>) target(%dma_start3A_99 : memref<80x16xf32, #tpu.memory_space<vmem>>) offsets(%dma_start3A_102 : memref<80xi32, #tpu.memory_space<vmem>>) semaphore(%dma_start3A_107 : memref<!tpu.dma_semaphore, #tpu.memory_space<semaphore_mem>>)
    %scan3A_108 = arith.constant 0 : i32
    %scan3A_109 = arith.constant 0 : i32
    %scan3A_110 = arith.constant 25 : i32
    %scan3A_111 = arith.addi %scan3A_109, %scan3A_110 : i32
    %scan3A_112 = arith.constant 1 : i32
    %scan3A_113 = scf.for %scan3A_197 = %scan3A_109 to %scan3A_111 step %scan3A_112 iter_args(%scan3A_198 = %scan3A_108) -> (i32)  : i32 {
      %mul3A_199 = arith.constant 5 : i32
      %mul3A_200 = arith.muli %scan3A_197, %mul3A_199 : i32
      %add3A_201 = arith.constant 0 : i32
      %add3A_202 = arith.addi %mul3A_200, %add3A_201 : i32
      %dma_wait3A_203 = arith.constant 0 : i32
      %dma_wait3A_204 = arith.constant 0 : i32
      %dma_wait3A_205 = arith.constant 0 : i32
      %dma_wait3A_206 = arith.constant 0 : i32
      %dma_wait3A_207 = tpu.memref_slice %arg16[%dma_wait3A_203, %dma_wait3A_205, %dma_wait3A_206] : memref<5x80x16xf32, #tpu.memory_space<vmem>> -> memref<1x80x16xf32, #tpu.memory_space<vmem>>
      %dma_wait3A_208 = tpu.memref_squeeze %dma_wait3A_207 : memref<1x80x16xf32, #tpu.memory_space<vmem>> -> memref<80x16xf32, #tpu.memory_space<vmem>>
      %dma_wait3A_209 = arith.constant 0 : i32
      %dma_wait3A_210 = tpu.memref_slice %arg8[%add3A_202, %dma_wait3A_209] : memref<125x80xi32, #tpu.memory_space<vmem>> -> memref<1x80xi32, #tpu.memory_space<vmem>>
      %dma_wait3A_211 = tpu.memref_squeeze %dma_wait3A_210 : memref<1x80xi32, #tpu.memory_space<vmem>> -> memref<80xi32, #tpu.memory_space<vmem>>
      %dma_wait3A_212 = arith.constant 0 : i32
      %dma_wait3A_213 = arith.constant 0 : i32
      %dma_wait3A_214 = tpu.memref_slice %arg20[%dma_wait3A_212, %dma_wait3A_213] : memref<10240x16xf32, #tpu.memory_space<vmem_shared>> -> memref<10240x16xf32, #tpu.memory_space<vmem_shared>>
      %dma_wait3A_215 = tpu.memref_slice %arg22[%dma_wait3A_204] : memref<5x!tpu.dma_semaphore, #tpu.memory_space<semaphore_mem>> -> memref<1x!tpu.dma_semaphore, #tpu.memory_space<semaphore_mem>>
      %dma_wait3A_216 = tpu.memref_squeeze %dma_wait3A_215 : memref<1x!tpu.dma_semaphore, #tpu.memory_space<semaphore_mem>> -> memref<!tpu.dma_semaphore, #tpu.memory_space<semaphore_mem>>
      tpu.wait_indirect_dma semaphore(%dma_wait3A_216 : memref<!tpu.dma_semaphore, #tpu.memory_space<semaphore_mem>>) src(%dma_wait3A_214 : memref<10240x16xf32, #tpu.memory_space<vmem_shared>>) dst(%dma_wait3A_208 : memref<80x16xf32, #tpu.memory_space<vmem>>)
      %gt3A = arith.constant 0 : i32
      %gt3A_217 = arith.cmpi sgt, %scan3A_197, %gt3A : i32
      %convert_element_type3A_218 = arith.extui %gt3A_217 : i1 to i32
      %cond3A_219 = arith.constant 0 : i32
      %cond3A_220 = arith.cmpi ne, %convert_element_type3A_218, %cond3A_219 : i32
      scf.if %cond3A_220 {
        %dma_wait3A_462 = arith.constant 0 : i32
        %dma_wait3A_463 = arith.constant 0 : i32
        %dma_wait3A_464 = arith.constant 0 : i32
        %dma_wait3A_465 = arith.constant 0 : i32
        %dma_wait3A_466 = tpu.memref_slice %arg17[%dma_wait3A_462, %dma_wait3A_464, %dma_wait3A_465] : memref<5x80x16xf32, #tpu.memory_space<vmem>> -> memref<1x80x16xf32, #tpu.memory_space<vmem>>
        %dma_wait3A_467 = tpu.memref_squeeze %dma_wait3A_466 : memref<1x80x16xf32, #tpu.memory_space<vmem>> -> memref<80x16xf32, #tpu.memory_space<vmem>>
        %dma_wait3A_468 = arith.constant 0 : i32
        %dma_wait3A_469 = tpu.memref_slice %arg9[%arg0, %add3A_202, %dma_wait3A_468] : memref<2x125x80xi32, #tpu.memory_space<vmem>> -> memref<1x1x80xi32, #tpu.memory_space<vmem>>
        %dma_wait3A_470 = tpu.memref_squeeze %dma_wait3A_469 : memref<1x1x80xi32, #tpu.memory_space<vmem>> -> memref<80xi32, #tpu.memory_space<vmem>>
        %dma_wait3A_471 = arith.constant 0 : i32
        %dma_wait3A_472 = arith.constant 0 : i32
        %dma_wait3A_473 = tpu.memref_slice %arg21[%dma_wait3A_471, %dma_wait3A_472] : memref<10240x16xf32, #tpu.memory_space<vmem_shared>> -> memref<10240x16xf32, #tpu.memory_space<vmem_shared>>
        %dma_wait3A_474 = tpu.memref_slice %arg23[%dma_wait3A_463] : memref<5x!tpu.dma_semaphore, #tpu.memory_space<semaphore_mem>> -> memref<1x!tpu.dma_semaphore, #tpu.memory_space<semaphore_mem>>
        %dma_wait3A_475 = tpu.memref_squeeze %dma_wait3A_474 : memref<1x!tpu.dma_semaphore, #tpu.memory_space<semaphore_mem>> -> memref<!tpu.dma_semaphore, #tpu.memory_space<semaphore_mem>>
        tpu.wait_indirect_dma semaphore(%dma_wait3A_475 : memref<!tpu.dma_semaphore, #tpu.memory_space<semaphore_mem>>) src(%dma_wait3A_467 : memref<80x16xf32, #tpu.memory_space<vmem>>) dst(%dma_wait3A_473 : memref<10240x16xf32, #tpu.memory_space<vmem_shared>>)
      } else {
      }
      %scan3A_221 = arith.constant 0 : i32
      %scan3A_222 = arith.constant 0 : i32
      %scan3A_223 = arith.constant 5 : i32
      %scan3A_224 = arith.addi %scan3A_222, %scan3A_223 : i32
      %scan3A_225 = arith.constant 1 : i32
      %scan3A_226 = scf.for %scan3A_462 = %scan3A_222 to %scan3A_224 step %scan3A_225 iter_args(%scan3A_463 = %scan3A_221) -> (i32)  : i32 {
        %mul3A_464 = arith.constant 16 : i32
        %mul3A_465 = arith.muli %scan3A_462, %mul3A_464 : i32
        %get3A_466 = arith.index_cast %add3A_202 : i32 to index
        %get3A_467 = arith.index_cast %mul3A_465 : i32 to index
        %get3A_468 = tpu.vector_load %arg8[%get3A_466, %get3A_467] {strides = array<i32>} : memref<125x80xi32, #tpu.memory_space<vmem>>, vector<16xi32>,
        %get3A_469 = arith.index_cast %arg0 : i32 to index
        %get3A_470 = arith.index_cast %add3A_202 : i32 to index
        %get3A_471 = arith.index_cast %mul3A_465 : i32 to index
        %get3A_472 = tpu.vector_load %arg9[%get3A_469, %get3A_470, %get3A_471] {strides = array<i32>} : memref<2x125x80xi32, #tpu.memory_space<vmem>>, vector<16xi32>,
        %get3A_473 = arith.index_cast %arg0 : i32 to index
        %get3A_474 = arith.index_cast %add3A_202 : i32 to index
        %get3A_475 = arith.index_cast %mul3A_465 : i32 to index
        %get3A_476 = tpu.vector_load %arg10[%get3A_473, %get3A_474, %get3A_475] {strides = array<i32>} : memref<2x125x80xf32, #tpu.memory_space<vmem>>, vector<16xf32>,
        %gather3A = tpu.vector_load_idx %arg13[%get3A_468] : memref<10240xf32, #tpu.memory_space<vmem>>[vector<16xi32>], vector<16xf32>,
        %mul3A_477 = arith.mulf %gather3A, %get3A_476 : vector<16xf32>
        %gather3A_478 = tpu.vector_load_idx %arg13[%get3A_472] : memref<10240xf32, #tpu.memory_space<vmem>>[vector<16xi32>], vector<16xf32>,
        %mul3A_479 = arith.mulf %mul3A_477, %gather3A_478 : vector<16xf32>
        %broadcast_in_dim3A = arith.constant 0 : i32
        %broadcast_in_dim3A_480 = vector.broadcast %broadcast_in_dim3A : i32 to vector<16xi32>
        %lt3A_481 = arith.constant 0 : i32
        %lt3A_482 = vector.broadcast %lt3A_481 : i32 to vector<16xi32>
        %lt3A_483 = arith.cmpi slt, %broadcast_in_dim3A_480, %lt3A_482 : vector<16xi32>
        %add3A_484 = arith.constant 16 : i32
        %add3A_485 = vector.broadcast %add3A_484 : i32 to vector<16xi32>
        %add3A_486 = arith.addi %broadcast_in_dim3A_480, %add3A_485 : vector<16xi32>
        %select_n3A = arith.select %lt3A_483, %add3A_486, %broadcast_in_dim3A_480 : vector<16xi1>, vector<16xi32>
        %broadcast_in_dim3A_487 = vector.shape_cast %select_n3A : vector<16xi32> to vector<16x1xi32>
        %gather3A_488 = vector.shape_cast %broadcast_in_dim3A_487 : vector<16x1xi32> to vector<16xi32>
        %gather3A_489 = tpu.dynamic_gather %mul3A_479[%gather3A_488] in [0] : vector<16xf32>, vector<16xi32> -> vector<16xf32>
        %add3A_490 = arith.constant 0 : i32
        %add3A_491 = arith.addi %mul3A_465, %add3A_490 : i32
        %get3A_492 = arith.constant 0 : i32
        %get3A_493 = arith.index_cast %get3A_492 : i32 to index
        %get3A_494 = arith.index_cast %add3A_491 : i32 to index
        %get3A_495 = arith.constant 0 : index
        %get3A_496 = tpu.vector_load %arg16[%get3A_493, %get3A_494, %get3A_495] {strides = array<i32>} : memref<5x80x16xf32, #tpu.memory_space<vmem>>, vector<16xf32>,
        %mul3A_497 = arith.mulf %get3A_496, %gather3A_489 : vector<16xf32>
        %swap3A = arith.constant 0 : i32
        %swap3A_498 = arith.index_cast %swap3A : i32 to index
        %swap3A_499 = arith.index_cast %add3A_491 : i32 to index
        %swap3A_500 = arith.constant 0 : index
        %swap3A_501 = tpu.vector_load %arg17[%swap3A_498, %swap3A_499, %swap3A_500] {strides = array<i32>} : memref<5x80x16xf32, #tpu.memory_space<vmem>>, vector<16xf32>,
        tpu.vector_store %arg17[%swap3A_498, %swap3A_499, %swap3A_500], %mul3A_497 {strides = array<i32>} : memref<5x80x16xf32, #tpu.memory_space<vmem>>, vector<16xf32>,
        %broadcast_in_dim3A_502 = arith.constant 1 : i32
        %broadcast_in_dim3A_503 = vector.broadcast %broadcast_in_dim3A_502 : i32 to vector<16xi32>
        %lt3A_504 = arith.constant 0 : i32
        %lt3A_505 = vector.broadcast %lt3A_504 : i32 to vector<16xi32>
        %lt3A_506 = arith.cmpi slt, %broadcast_in_dim3A_503, %lt3A_505 : vector<16xi32>
        %add3A_507 = arith.constant 16 : i32
        %add3A_508 = vector.broadcast %add3A_507 : i32 to vector<16xi32>
        %add3A_509 = arith.addi %broadcast_in_dim3A_503, %add3A_508 : vector<16xi32>
        %select_n3A_510 = arith.select %lt3A_506, %add3A_509, %broadcast_in_dim3A_503 : vector<16xi1>, vector<16xi32>
        %broadcast_in_dim3A_511 = vector.shape_cast %select_n3A_510 : vector<16xi32> to vector<16x1xi32>
        %gather3A_512 = vector.shape_cast %broadcast_in_dim3A_511 : vector<16x1xi32> to vector<16xi32>
        %gather3A_513 = tpu.dynamic_gather %mul3A_479[%gather3A_512] in [0] : vector<16xf32>, vector<16xi32> -> vector<16xf32>
        %add3A_514 = arith.constant 1 : i32
        %add3A_515 = arith.addi %mul3A_465, %add3A_514 : i32
        %get3A_516 = arith.constant 0 : i32
        %get3A_517 = arith.index_cast %get3A_516 : i32 to index
        %get3A_518 = arith.index_cast %add3A_515 : i32 to index
        %get3A_519 = arith.constant 0 : index
        %get3A_520 = tpu.vector_load %arg16[%get3A_517, %get3A_518, %get3A_519] {strides = array<i32>} : memref<5x80x16xf32, #tpu.memory_space<vmem>>, vector<16xf32>,
        %mul3A_521 = arith.mulf %get3A_520, %gather3A_513 : vector<16xf32>
        %swap3A_522 = arith.constant 0 : i32
        %swap3A_523 = arith.index_cast %swap3A_522 : i32 to index
        %swap3A_524 = arith.index_cast %add3A_515 : i32 to index
        %swap3A_525 = arith.constant 0 : index
        %swap3A_526 = tpu.vector_load %arg17[%swap3A_523, %swap3A_524, %swap3A_525] {strides = array<i32>} : memref<5x80x16xf32, #tpu.memory_space<vmem>>, vector<16xf32>,
        tpu.vector_store %arg17[%swap3A_523, %swap3A_524, %swap3A_525], %mul3A_521 {strides = array<i32>} : memref<5x80x16xf32, #tpu.memory_space<vmem>>, vector<16xf32>,
        %broadcast_in_dim3A_527 = arith.constant 2 : i32
        %broadcast_in_dim3A_528 = vector.broadcast %broadcast_in_dim3A_527 : i32 to vector<16xi32>
        %lt3A_529 = arith.constant 0 : i32
        %lt3A_530 = vector.broadcast %lt3A_529 : i32 to vector<16xi32>
        %lt3A_531 = arith.cmpi slt, %broadcast_in_dim3A_528, %lt3A_530 : vector<16xi32>
        %add3A_532 = arith.constant 16 : i32
        %add3A_533 = vector.broadcast %add3A_532 : i32 to vector<16xi32>
        %add3A_534 = arith.addi %broadcast_in_dim3A_528, %add3A_533 : vector<16xi32>
        %select_n3A_535 = arith.select %lt3A_531, %add3A_534, %broadcast_in_dim3A_528 : vector<16xi1>, vector<16xi32>
        %broadcast_in_dim3A_536 = vector.shape_cast %select_n3A_535 : vector<16xi32> to vector<16x1xi32>
        %gather3A_537 = vector.shape_cast %broadcast_in_dim3A_536 : vector<16x1xi32> to vector<16xi32>
        %gather3A_538 = tpu.dynamic_gather %mul3A_479[%gather3A_537] in [0] : vector<16xf32>, vector<16xi32> -> vector<16xf32>
        %add3A_539 = arith.constant 2 : i32
        %add3A_540 = arith.addi %mul3A_465, %add3A_539 : i32
        %get3A_541 = arith.constant 0 : i32
        %get3A_542 = arith.index_cast %get3A_541 : i32 to index
        %get3A_543 = arith.index_cast %add3A_540 : i32 to index
        %get3A_544 = arith.constant 0 : index
        %get3A_545 = tpu.vector_load %arg16[%get3A_542, %get3A_543, %get3A_544] {strides = array<i32>} : memref<5x80x16xf32, #tpu.memory_space<vmem>>, vector<16xf32>,
        %mul3A_546 = arith.mulf %get3A_545, %gather3A_538 : vector<16xf32>
        %swap3A_547 = arith.constant 0 : i32
        %swap3A_548 = arith.index_cast %swap3A_547 : i32 to index
        %swap3A_549 = arith.index_cast %add3A_540 : i32 to index
        %swap3A_550 = arith.constant 0 : index
        %swap3A_551 = tpu.vector_load %arg17[%swap3A_548, %swap3A_549, %swap3A_550] {strides = array<i32>} : memref<5x80x16xf32, #tpu.memory_space<vmem>>, vector<16xf32>,
        tpu.vector_store %arg17[%swap3A_548, %swap3A_549, %swap3A_550], %mul3A_546 {strides = array<i32>} : memref<5x80x16xf32, #tpu.memory_space<vmem>>, vector<16xf32>,
        %broadcast_in_dim3A_552 = arith.constant 3 : i32
        %broadcast_in_dim3A_553 = vector.broadcast %broadcast_in_dim3A_552 : i32 to vector<16xi32>
        %lt3A_554 = arith.constant 0 : i32
        %lt3A_555 = vector.broadcast %lt3A_554 : i32 to vector<16xi32>
        %lt3A_556 = arith.cmpi slt, %broadcast_in_dim3A_553, %lt3A_555 : vector<16xi32>
        %add3A_557 = arith.constant 16 : i32
        %add3A_558 = vector.broadcast %add3A_557 : i32 to vector<16xi32>
        %add3A_559 = arith.addi %broadcast_in_dim3A_553, %add3A_558 : vector<16xi32>
        %select_n3A_560 = arith.select %lt3A_556, %add3A_559, %broadcast_in_dim3A_553 : vector<16xi1>, vector<16xi32>
        %broadcast_in_dim3A_561 = vector.shape_cast %select_n3A_560 : vector<16xi32> to vector<16x1xi32>
        %gather3A_562 = vector.shape_cast %broadcast_in_dim3A_561 : vector<16x1xi32> to vector<16xi32>
        %gather3A_563 = tpu.dynamic_gather %mul3A_479[%gather3A_562] in [0] : vector<16xf32>, vector<16xi32> -> vector<16xf32>
        %add3A_564 = arith.constant 3 : i32
        %add3A_565 = arith.addi %mul3A_465, %add3A_564 : i32
        %get3A_566 = arith.constant 0 : i32
        %get3A_567 = arith.index_cast %get3A_566 : i32 to index
        %get3A_568 = arith.index_cast %add3A_565 : i32 to index
        %get3A_569 = arith.constant 0 : index
        %get3A_570 = tpu.vector_load %arg16[%get3A_567, %get3A_568, %get3A_569] {strides = array<i32>} : memref<5x80x16xf32, #tpu.memory_space<vmem>>, vector<16xf32>,
        %mul3A_571 = arith.mulf %get3A_570, %gather3A_563 : vector<16xf32>
        %swap3A_572 = arith.constant 0 : i32
        %swap3A_573 = arith.index_cast %swap3A_572 : i32 to index
        %swap3A_574 = arith.index_cast %add3A_565 : i32 to index
        %swap3A_575 = arith.constant 0 : index
        %swap3A_576 = tpu.vector_load %arg17[%swap3A_573, %swap3A_574, %swap3A_575] {strides = array<i32>} : memref<5x80x16xf32, #tpu.memory_space<vmem>>, vector<16xf32>,
        tpu.vector_store %arg17[%swap3A_573, %swap3A_574, %swap3A_575], %mul3A_571 {strides = array<i32>} : memref<5x80x16xf32, #tpu.memory_space<vmem>>, vector<16xf32>,
        %broadcast_in_dim3A_577 = arith.constant 4 : i32
        %broadcast_in_dim3A_578 = vector.broadcast %broadcast_in_dim3A_577 : i32 to vector<16xi32>
        %lt3A_579 = arith.constant 0 : i32
        %lt3A_580 = vector.broadcast %lt3A_579 : i32 to vector<16xi32>
        %lt3A_581 = arith.cmpi slt, %broadcast_in_dim3A_578, %lt3A_580 : vector<16xi32>
        %add3A_582 = arith.constant 16 : i32
        %add3A_583 = vector.broadcast %add3A_582 : i32 to vector<16xi32>
        %add3A_584 = arith.addi %broadcast_in_dim3A_578, %add3A_583 : vector<16xi32>
        %select_n3A_585 = arith.select %lt3A_581, %add3A_584, %broadcast_in_dim3A_578 : vector<16xi1>, vector<16xi32>
        %broadcast_in_dim3A_586 = vector.shape_cast %select_n3A_585 : vector<16xi32> to vector<16x1xi32>
        %gather3A_587 = vector.shape_cast %broadcast_in_dim3A_586 : vector<16x1xi32> to vector<16xi32>
        %gather3A_588 = tpu.dynamic_gather %mul3A_479[%gather3A_587] in [0] : vector<16xf32>, vector<16xi32> -> vector<16xf32>
        %add3A_589 = arith.constant 4 : i32
        %add3A_590 = arith.addi %mul3A_465, %add3A_589 : i32
        %get3A_591 = arith.constant 0 : i32
        %get3A_592 = arith.index_cast %get3A_591 : i32 to index
        %get3A_593 = arith.index_cast %add3A_590 : i32 to index
        %get3A_594 = arith.constant 0 : index
        %get3A_595 = tpu.vector_load %arg16[%get3A_592, %get3A_593, %get3A_594] {strides = array<i32>} : memref<5x80x16xf32, #tpu.memory_space<vmem>>, vector<16xf32>,
        %mul3A_596 = arith.mulf %get3A_595, %gather3A_588 : vector<16xf32>
        %swap3A_597 = arith.constant 0 : i32
        %swap3A_598 = arith.index_cast %swap3A_597 : i32 to index
        %swap3A_599 = arith.index_cast %add3A_590 : i32 to index
        %swap3A_600 = arith.constant 0 : index
        %swap3A_601 = tpu.vector_load %arg17[%swap3A_598, %swap3A_599, %swap3A_600] {strides = array<i32>} : memref<5x80x16xf32, #tpu.memory_space<vmem>>, vector<16xf32>,
        tpu.vector_store %arg17[%swap3A_598, %swap3A_599, %swap3A_600], %mul3A_596 {strides = array<i32>} : memref<5x80x16xf32, #tpu.memory_space<vmem>>, vector<16xf32>,
        %broadcast_in_dim3A_602 = arith.constant 5 : i32
        %broadcast_in_dim3A_603 = vector.broadcast %broadcast_in_dim3A_602 : i32 to vector<16xi32>
        %lt3A_604 = arith.constant 0 : i32
        %lt3A_605 = vector.broadcast %lt3A_604 : i32 to vector<16xi32>
        %lt3A_606 = arith.cmpi slt, %broadcast_in_dim3A_603, %lt3A_605 : vector<16xi32>
        %add3A_607 = arith.constant 16 : i32
        %add3A_608 = vector.broadcast %add3A_607 : i32 to vector<16xi32>
        %add3A_609 = arith.addi %broadcast_in_dim3A_603, %add3A_608 : vector<16xi32>
        %select_n3A_610 = arith.select %lt3A_606, %add3A_609, %broadcast_in_dim3A_603 : vector<16xi1>, vector<16xi32>
        %broadcast_in_dim3A_611 = vector.shape_cast %select_n3A_610 : vector<16xi32> to vector<16x1xi32>
        %gather3A_612 = vector.shape_cast %broadcast_in_dim3A_611 : vector<16x1xi32> to vector<16xi32>
        %gather3A_613 = tpu.dynamic_gather %mul3A_479[%gather3A_612] in [0] : vector<16xf32>, vector<16xi32> -> vector<16xf32>
        %add3A_614 = arith.constant 5 : i32
        %add3A_615 = arith.addi %mul3A_465, %add3A_614 : i32
        %get3A_616 = arith.constant 0 : i32
        %get3A_617 = arith.index_cast %get3A_616 : i32 to index
        %get3A_618 = arith.index_cast %add3A_615 : i32 to index
        %get3A_619 = arith.constant 0 : index
        %get3A_620 = tpu.vector_load %arg16[%get3A_617, %get3A_618, %get3A_619] {strides = array<i32>} : memref<5x80x16xf32, #tpu.memory_space<vmem>>, vector<16xf32>,
        %mul3A_621 = arith.mulf %get3A_620, %gather3A_613 : vector<16xf32>
        %swap3A_622 = arith.constant 0 : i32
        %swap3A_623 = arith.index_cast %swap3A_622 : i32 to index
        %swap3A_624 = arith.index_cast %add3A_615 : i32 to index
        %swap3A_625 = arith.constant 0 : index
        %swap3A_626 = tpu.vector_load %arg17[%swap3A_623, %swap3A_624, %swap3A_625] {strides = array<i32>} : memref<5x80x16xf32, #tpu.memory_space<vmem>>, vector<16xf32>,
        tpu.vector_store %arg17[%swap3A_623, %swap3A_624, %swap3A_625], %mul3A_621 {strides = array<i32>} : memref<5x80x16xf32, #tpu.memory_space<vmem>>, vector<16xf32>,
        %broadcast_in_dim3A_627 = arith.constant 6 : i32
        %broadcast_in_dim3A_628 = vector.broadcast %broadcast_in_dim3A_627 : i32 to vector<16xi32>
        %lt3A_629 = arith.constant 0 : i32
        %lt3A_630 = vector.broadcast %lt3A_629 : i32 to vector<16xi32>
        %lt3A_631 = arith.cmpi slt, %broadcast_in_dim3A_628, %lt3A_630 : vector<16xi32>
        %add3A_632 = arith.constant 16 : i32
        %add3A_633 = vector.broadcast %add3A_632 : i32 to vector<16xi32>
        %add3A_634 = arith.addi %broadcast_in_dim3A_628, %add3A_633 : vector<16xi32>
        %select_n3A_635 = arith.select %lt3A_631, %add3A_634, %broadcast_in_dim3A_628 : vector<16xi1>, vector<16xi32>
        %broadcast_in_dim3A_636 = vector.shape_cast %select_n3A_635 : vector<16xi32> to vector<16x1xi32>
        %gather3A_637 = vector.shape_cast %broadcast_in_dim3A_636 : vector<16x1xi32> to vector<16xi32>
        %gather3A_638 = tpu.dynamic_gather %mul3A_479[%gather3A_637] in [0] : vector<16xf32>, vector<16xi32> -> vector<16xf32>
        %add3A_639 = arith.constant 6 : i32
        %add3A_640 = arith.addi %mul3A_465, %add3A_639 : i32
        %get3A_641 = arith.constant 0 : i32
        %get3A_642 = arith.index_cast %get3A_641 : i32 to index
        %get3A_643 = arith.index_cast %add3A_640 : i32 to index
        %get3A_644 = arith.constant 0 : index
        %get3A_645 = tpu.vector_load %arg16[%get3A_642, %get3A_643, %get3A_644] {strides = array<i32>} : memref<5x80x16xf32, #tpu.memory_space<vmem>>, vector<16xf32>,
        %mul3A_646 = arith.mulf %get3A_645, %gather3A_638 : vector<16xf32>
        %swap3A_647 = arith.constant 0 : i32
        %swap3A_648 = arith.index_cast %swap3A_647 : i32 to index
        %swap3A_649 = arith.index_cast %add3A_640 : i32 to index
        %swap3A_650 = arith.constant 0 : index
        %swap3A_651 = tpu.vector_load %arg17[%swap3A_648, %swap3A_649, %swap3A_650] {strides = array<i32>} : memref<5x80x16xf32, #tpu.memory_space<vmem>>, vector<16xf32>,
        tpu.vector_store %arg17[%swap3A_648, %swap3A_649, %swap3A_650], %mul3A_646 {strides = array<i32>} : memref<5x80x16xf32, #tpu.memory_space<vmem>>, vector<16xf32>,
        %broadcast_in_dim3A_652 = arith.constant 7 : i32
        %broadcast_in_dim3A_653 = vector.broadcast %broadcast_in_dim3A_652 : i32 to vector<16xi32>
        %lt3A_654 = arith.constant 0 : i32
        %lt3A_655 = vector.broadcast %lt3A_654 : i32 to vector<16xi32>
        %lt3A_656 = arith.cmpi slt, %broadcast_in_dim3A_653, %lt3A_655 : vector<16xi32>
        %add3A_657 = arith.constant 16 : i32
        %add3A_658 = vector.broadcast %add3A_657 : i32 to vector<16xi32>
        %add3A_659 = arith.addi %broadcast_in_dim3A_653, %add3A_658 : vector<16xi32>
        %select_n3A_660 = arith.select %lt3A_656, %add3A_659, %broadcast_in_dim3A_653 : vector<16xi1>, vector<16xi32>
        %broadcast_in_dim3A_661 = vector.shape_cast %select_n3A_660 : vector<16xi32> to vector<16x1xi32>
        %gather3A_662 = vector.shape_cast %broadcast_in_dim3A_661 : vector<16x1xi32> to vector<16xi32>
        %gather3A_663 = tpu.dynamic_gather %mul3A_479[%gather3A_662] in [0] : vector<16xf32>, vector<16xi32> -> vector<16xf32>
        %add3A_664 = arith.constant 7 : i32
        %add3A_665 = arith.addi %mul3A_465, %add3A_664 : i32
        %get3A_666 = arith.constant 0 : i32
        %get3A_667 = arith.index_cast %get3A_666 : i32 to index
        %get3A_668 = arith.index_cast %add3A_665 : i32 to index
        %get3A_669 = arith.constant 0 : index
        %get3A_670 = tpu.vector_load %arg16[%get3A_667, %get3A_668, %get3A_669] {strides = array<i32>} : memref<5x80x16xf32, #tpu.memory_space<vmem>>, vector<16xf32>,
        %mul3A_671 = arith.mulf %get3A_670, %gather3A_663 : vector<16xf32>
        %swap3A_672 = arith.constant 0 : i32
        %swap3A_673 = arith.index_cast %swap3A_672 : i32 to index
        %swap3A_674 = arith.index_cast %add3A_665 : i32 to index
        %swap3A_675 = arith.constant 0 : index
        %swap3A_676 = tpu.vector_load %arg17[%swap3A_673, %swap3A_674, %swap3A_675] {strides = array<i32>} : memref<5x80x16xf32, #tpu.memory_space<vmem>>, vector<16xf32>,
        tpu.vector_store %arg17[%swap3A_673, %swap3A_674, %swap3A_675], %mul3A_671 {strides = array<i32>} : memref<5x80x16xf32, #tpu.memory_space<vmem>>, vector<16xf32>,
        %broadcast_in_dim3A_677 = arith.constant 8 : i32
        %broadcast_in_dim3A_678 = vector.broadcast %broadcast_in_dim3A_677 : i32 to vector<16xi32>
        %lt3A_679 = arith.constant 0 : i32
        %lt3A_680 = vector.broadcast %lt3A_679 : i32 to vector<16xi32>
        %lt3A_681 = arith.cmpi slt, %broadcast_in_dim3A_678, %lt3A_680 : vector<16xi32>
        %add3A_682 = arith.constant 16 : i32
        %add3A_683 = vector.broadcast %add3A_682 : i32 to vector<16xi32>
        %add3A_684 = arith.addi %broadcast_in_dim3A_678, %add3A_683 : vector<16xi32>
        %select_n3A_685 = arith.select %lt3A_681, %add3A_684, %broadcast_in_dim3A_678 : vector<16xi1>, vector<16xi32>
        %broadcast_in_dim3A_686 = vector.shape_cast %select_n3A_685 : vector<16xi32> to vector<16x1xi32>
        %gather3A_687 = vector.shape_cast %broadcast_in_dim3A_686 : vector<16x1xi32> to vector<16xi32>
        %gather3A_688 = tpu.dynamic_gather %mul3A_479[%gather3A_687] in [0] : vector<16xf32>, vector<16xi32> -> vector<16xf32>
        %add3A_689 = arith.constant 8 : i32
        %add3A_690 = arith.addi %mul3A_465, %add3A_689 : i32
        %get3A_691 = arith.constant 0 : i32
        %get3A_692 = arith.index_cast %get3A_691 : i32 to index
        %get3A_693 = arith.index_cast %add3A_690 : i32 to index
        %get3A_694 = arith.constant 0 : index
        %get3A_695 = tpu.vector_load %arg16[%get3A_692, %get3A_693, %get3A_694] {strides = array<i32>} : memref<5x80x16xf32, #tpu.memory_space<vmem>>, vector<16xf32>,
        %mul3A_696 = arith.mulf %get3A_695, %gather3A_688 : vector<16xf32>
        %swap3A_697 = arith.constant 0 : i32
        %swap3A_698 = arith.index_cast %swap3A_697 : i32 to index
        %swap3A_699 = arith.index_cast %add3A_690 : i32 to index
        %swap3A_700 = arith.constant 0 : index
        %swap3A_701 = tpu.vector_load %arg17[%swap3A_698, %swap3A_699, %swap3A_700] {strides = array<i32>} : memref<5x80x16xf32, #tpu.memory_space<vmem>>, vector<16xf32>,
        tpu.vector_store %arg17[%swap3A_698, %swap3A_699, %swap3A_700], %mul3A_696 {strides = array<i32>} : memref<5x80x16xf32, #tpu.memory_space<vmem>>, vector<16xf32>,
        %broadcast_in_dim3A_702 = arith.constant 9 : i32
        %broadcast_in_dim3A_703 = vector.broadcast %broadcast_in_dim3A_702 : i32 to vector<16xi32>
        %lt3A_704 = arith.constant 0 : i32
        %lt3A_705 = vector.broadcast %lt3A_704 : i32 to vector<16xi32>
        %lt3A_706 = arith.cmpi slt, %broadcast_in_dim3A_703, %lt3A_705 : vector<16xi32>
        %add3A_707 = arith.constant 16 : i32
        %add3A_708 = vector.broadcast %add3A_707 : i32 to vector<16xi32>
        %add3A_709 = arith.addi %broadcast_in_dim3A_703, %add3A_708 : vector<16xi32>
        %select_n3A_710 = arith.select %lt3A_706, %add3A_709, %broadcast_in_dim3A_703 : vector<16xi1>, vector<16xi32>
        %broadcast_in_dim3A_711 = vector.shape_cast %select_n3A_710 : vector<16xi32> to vector<16x1xi32>
        %gather3A_712 = vector.shape_cast %broadcast_in_dim3A_711 : vector<16x1xi32> to vector<16xi32>
        %gather3A_713 = tpu.dynamic_gather %mul3A_479[%gather3A_712] in [0] : vector<16xf32>, vector<16xi32> -> vector<16xf32>
        %add3A_714 = arith.constant 9 : i32
        %add3A_715 = arith.addi %mul3A_465, %add3A_714 : i32
        %get3A_716 = arith.constant 0 : i32
        %get3A_717 = arith.index_cast %get3A_716 : i32 to index
        %get3A_718 = arith.index_cast %add3A_715 : i32 to index
        %get3A_719 = arith.constant 0 : index
        %get3A_720 = tpu.vector_load %arg16[%get3A_717, %get3A_718, %get3A_719] {strides = array<i32>} : memref<5x80x16xf32, #tpu.memory_space<vmem>>, vector<16xf32>,
        %mul3A_721 = arith.mulf %get3A_720, %gather3A_713 : vector<16xf32>
        %swap3A_722 = arith.constant 0 : i32
        %swap3A_723 = arith.index_cast %swap3A_722 : i32 to index
        %swap3A_724 = arith.index_cast %add3A_715 : i32 to index
        %swap3A_725 = arith.constant 0 : index
        %swap3A_726 = tpu.vector_load %arg17[%swap3A_723, %swap3A_724, %swap3A_725] {strides = array<i32>} : memref<5x80x16xf32, #tpu.memory_space<vmem>>, vector<16xf32>,
        tpu.vector_store %arg17[%swap3A_723, %swap3A_724, %swap3A_725], %mul3A_721 {strides = array<i32>} : memref<5x80x16xf32, #tpu.memory_space<vmem>>, vector<16xf32>,
        %broadcast_in_dim3A_727 = arith.constant 10 : i32
        %broadcast_in_dim3A_728 = vector.broadcast %broadcast_in_dim3A_727 : i32 to vector<16xi32>
        %lt3A_729 = arith.constant 0 : i32
        %lt3A_730 = vector.broadcast %lt3A_729 : i32 to vector<16xi32>
        %lt3A_731 = arith.cmpi slt, %broadcast_in_dim3A_728, %lt3A_730 : vector<16xi32>
        %add3A_732 = arith.constant 16 : i32
        %add3A_733 = vector.broadcast %add3A_732 : i32 to vector<16xi32>
        %add3A_734 = arith.addi %broadcast_in_dim3A_728, %add3A_733 : vector<16xi32>
        %select_n3A_735 = arith.select %lt3A_731, %add3A_734, %broadcast_in_dim3A_728 : vector<16xi1>, vector<16xi32>
        %broadcast_in_dim3A_736 = vector.shape_cast %select_n3A_735 : vector<16xi32> to vector<16x1xi32>
        %gather3A_737 = vector.shape_cast %broadcast_in_dim3A_736 : vector<16x1xi32> to vector<16xi32>
        %gather3A_738 = tpu.dynamic_gather %mul3A_479[%gather3A_737] in [0] : vector<16xf32>, vector<16xi32> -> vector<16xf32>
        %add3A_739 = arith.constant 10 : i32
        %add3A_740 = arith.addi %mul3A_465, %add3A_739 : i32
        %get3A_741 = arith.constant 0 : i32
        %get3A_742 = arith.index_cast %get3A_741 : i32 to index
        %get3A_743 = arith.index_cast %add3A_740 : i32 to index
        %get3A_744 = arith.constant 0 : index
        %get3A_745 = tpu.vector_load %arg16[%get3A_742, %get3A_743, %get3A_744] {strides = array<i32>} : memref<5x80x16xf32, #tpu.memory_space<vmem>>, vector<16xf32>,
        %mul3A_746 = arith.mulf %get3A_745, %gather3A_738 : vector<16xf32>
        %swap3A_747 = arith.constant 0 : i32
        %swap3A_748 = arith.index_cast %swap3A_747 : i32 to index
        %swap3A_749 = arith.index_cast %add3A_740 : i32 to index
        %swap3A_750 = arith.constant 0 : index
        %swap3A_751 = tpu.vector_load %arg17[%swap3A_748, %swap3A_749, %swap3A_750] {strides = array<i32>} : memref<5x80x16xf32, #tpu.memory_space<vmem>>, vector<16xf32>,
        tpu.vector_store %arg17[%swap3A_748, %swap3A_749, %swap3A_750], %mul3A_746 {strides = array<i32>} : memref<5x80x16xf32, #tpu.memory_space<vmem>>, vector<16xf32>,
        %broadcast_in_dim3A_752 = arith.constant 11 : i32
        %broadcast_in_dim3A_753 = vector.broadcast %broadcast_in_dim3A_752 : i32 to vector<16xi32>
        %lt3A_754 = arith.constant 0 : i32
        %lt3A_755 = vector.broadcast %lt3A_754 : i32 to vector<16xi32>
        %lt3A_756 = arith.cmpi slt, %broadcast_in_dim3A_753, %lt3A_755 : vector<16xi32>
        %add3A_757 = arith.constant 16 : i32
        %add3A_758 = vector.broadcast %add3A_757 : i32 to vector<16xi32>
        %add3A_759 = arith.addi %broadcast_in_dim3A_753, %add3A_758 : vector<16xi32>
        %select_n3A_760 = arith.select %lt3A_756, %add3A_759, %broadcast_in_dim3A_753 : vector<16xi1>, vector<16xi32>
        %broadcast_in_dim3A_761 = vector.shape_cast %select_n3A_760 : vector<16xi32> to vector<16x1xi32>
        %gather3A_762 = vector.shape_cast %broadcast_in_dim3A_761 : vector<16x1xi32> to vector<16xi32>
        %gather3A_763 = tpu.dynamic_gather %mul3A_479[%gather3A_762] in [0] : vector<16xf32>, vector<16xi32> -> vector<16xf32>
        %add3A_764 = arith.constant 11 : i32
        %add3A_765 = arith.addi %mul3A_465, %add3A_764 : i32
        %get3A_766 = arith.constant 0 : i32
        %get3A_767 = arith.index_cast %get3A_766 : i32 to index
        %get3A_768 = arith.index_cast %add3A_765 : i32 to index
        %get3A_769 = arith.constant 0 : index
        %get3A_770 = tpu.vector_load %arg16[%get3A_767, %get3A_768, %get3A_769] {strides = array<i32>} : memref<5x80x16xf32, #tpu.memory_space<vmem>>, vector<16xf32>,
        %mul3A_771 = arith.mulf %get3A_770, %gather3A_763 : vector<16xf32>
        %swap3A_772 = arith.constant 0 : i32
        %swap3A_773 = arith.index_cast %swap3A_772 : i32 to index
        %swap3A_774 = arith.index_cast %add3A_765 : i32 to index
        %swap3A_775 = arith.constant 0 : index
        %swap3A_776 = tpu.vector_load %arg17[%swap3A_773, %swap3A_774, %swap3A_775] {strides = array<i32>} : memref<5x80x16xf32, #tpu.memory_space<vmem>>, vector<16xf32>,
        tpu.vector_store %arg17[%swap3A_773, %swap3A_774, %swap3A_775], %mul3A_771 {strides = array<i32>} : memref<5x80x16xf32, #tpu.memory_space<vmem>>, vector<16xf32>,
        %broadcast_in_dim3A_777 = arith.constant 12 : i32
        %broadcast_in_dim3A_778 = vector.broadcast %broadcast_in_dim3A_777 : i32 to vector<16xi32>
        %lt3A_779 = arith.constant 0 : i32
        %lt3A_780 = vector.broadcast %lt3A_779 : i32 to vector<16xi32>
        %lt3A_781 = arith.cmpi slt, %broadcast_in_dim3A_778, %lt3A_780 : vector<16xi32>
        %add3A_782 = arith.constant 16 : i32
        %add3A_783 = vector.broadcast %add3A_782 : i32 to vector<16xi32>
        %add3A_784 = arith.addi %broadcast_in_dim3A_778, %add3A_783 : vector<16xi32>
        %select_n3A_785 = arith.select %lt3A_781, %add3A_784, %broadcast_in_dim3A_778 : vector<16xi1>, vector<16xi32>
        %broadcast_in_dim3A_786 = vector.shape_cast %select_n3A_785 : vector<16xi32> to vector<16x1xi32>
        %gather3A_787 = vector.shape_cast %broadcast_in_dim3A_786 : vector<16x1xi32> to vector<16xi32>
        %gather3A_788 = tpu.dynamic_gather %mul3A_479[%gather3A_787] in [0] : vector<16xf32>, vector<16xi32> -> vector<16xf32>
        %add3A_789 = arith.constant 12 : i32
        %add3A_790 = arith.addi %mul3A_465, %add3A_789 : i32
        %get3A_791 = arith.constant 0 : i32
        %get3A_792 = arith.index_cast %get3A_791 : i32 to index
        %get3A_793 = arith.index_cast %add3A_790 : i32 to index
        %get3A_794 = arith.constant 0 : index
        %get3A_795 = tpu.vector_load %arg16[%get3A_792, %get3A_793, %get3A_794] {strides = array<i32>} : memref<5x80x16xf32, #tpu.memory_space<vmem>>, vector<16xf32>,
        %mul3A_796 = arith.mulf %get3A_795, %gather3A_788 : vector<16xf32>
        %swap3A_797 = arith.constant 0 : i32
        %swap3A_798 = arith.index_cast %swap3A_797 : i32 to index
        %swap3A_799 = arith.index_cast %add3A_790 : i32 to index
        %swap3A_800 = arith.constant 0 : index
        %swap3A_801 = tpu.vector_load %arg17[%swap3A_798, %swap3A_799, %swap3A_800] {strides = array<i32>} : memref<5x80x16xf32, #tpu.memory_space<vmem>>, vector<16xf32>,
        tpu.vector_store %arg17[%swap3A_798, %swap3A_799, %swap3A_800], %mul3A_796 {strides = array<i32>} : memref<5x80x16xf32, #tpu.memory_space<vmem>>, vector<16xf32>,
        %broadcast_in_dim3A_802 = arith.constant 13 : i32
        %broadcast_in_dim3A_803 = vector.broadcast %broadcast_in_dim3A_802 : i32 to vector<16xi32>
        %lt3A_804 = arith.constant 0 : i32
        %lt3A_805 = vector.broadcast %lt3A_804 : i32 to vector<16xi32>
        %lt3A_806 = arith.cmpi slt, %broadcast_in_dim3A_803, %lt3A_805 : vector<16xi32>
        %add3A_807 = arith.constant 16 : i32
        %add3A_808 = vector.broadcast %add3A_807 : i32 to vector<16xi32>
        %add3A_809 = arith.addi %broadcast_in_dim3A_803, %add3A_808 : vector<16xi32>
        %select_n3A_810 = arith.select %lt3A_806, %add3A_809, %broadcast_in_dim3A_803 : vector<16xi1>, vector<16xi32>
        %broadcast_in_dim3A_811 = vector.shape_cast %select_n3A_810 : vector<16xi32> to vector<16x1xi32>
        %gather3A_812 = vector.shape_cast %broadcast_in_dim3A_811 : vector<16x1xi32> to vector<16xi32>
        %gather3A_813 = tpu.dynamic_gather %mul3A_479[%gather3A_812] in [0] : vector<16xf32>, vector<16xi32> -> vector<16xf32>
        %add3A_814 = arith.constant 13 : i32
        %add3A_815 = arith.addi %mul3A_465, %add3A_814 : i32
        %get3A_816 = arith.constant 0 : i32
        %get3A_817 = arith.index_cast %get3A_816 : i32 to index
        %get3A_818 = arith.index_cast %add3A_815 : i32 to index
        %get3A_819 = arith.constant 0 : index
        %get3A_820 = tpu.vector_load %arg16[%get3A_817, %get3A_818, %get3A_819] {strides = array<i32>} : memref<5x80x16xf32, #tpu.memory_space<vmem>>, vector<16xf32>,
        %mul3A_821 = arith.mulf %get3A_820, %gather3A_813 : vector<16xf32>
        %swap3A_822 = arith.constant 0 : i32
        %swap3A_823 = arith.index_cast %swap3A_822 : i32 to index
        %swap3A_824 = arith.index_cast %add3A_815 : i32 to index
        %swap3A_825 = arith.constant 0 : index
        %swap3A_826 = tpu.vector_load %arg17[%swap3A_823, %swap3A_824, %swap3A_825] {strides = array<i32>} : memref<5x80x16xf32, #tpu.memory_space<vmem>>, vector<16xf32>,
        tpu.vector_store %arg17[%swap3A_823, %swap3A_824, %swap3A_825], %mul3A_821 {strides = array<i32>} : memref<5x80x16xf32, #tpu.memory_space<vmem>>, vector<16xf32>,
        %broadcast_in_dim3A_827 = arith.constant 14 : i32
        %broadcast_in_dim3A_828 = vector.broadcast %broadcast_in_dim3A_827 : i32 to vector<16xi32>
        %lt3A_829 = arith.constant 0 : i32
        %lt3A_830 = vector.broadcast %lt3A_829 : i32 to vector<16xi32>
        %lt3A_831 = arith.cmpi slt, %broadcast_in_dim3A_828, %lt3A_830 : vector<16xi32>
        %add3A_832 = arith.constant 16 : i32
        %add3A_833 = vector.broadcast %add3A_832 : i32 to vector<16xi32>
        %add3A_834 = arith.addi %broadcast_in_dim3A_828, %add3A_833 : vector<16xi32>
        %select_n3A_835 = arith.select %lt3A_831, %add3A_834, %broadcast_in_dim3A_828 : vector<16xi1>, vector<16xi32>
        %broadcast_in_dim3A_836 = vector.shape_cast %select_n3A_835 : vector<16xi32> to vector<16x1xi32>
        %gather3A_837 = vector.shape_cast %broadcast_in_dim3A_836 : vector<16x1xi32> to vector<16xi32>
        %gather3A_838 = tpu.dynamic_gather %mul3A_479[%gather3A_837] in [0] : vector<16xf32>, vector<16xi32> -> vector<16xf32>
        %add3A_839 = arith.constant 14 : i32
        %add3A_840 = arith.addi %mul3A_465, %add3A_839 : i32
        %get3A_841 = arith.constant 0 : i32
        %get3A_842 = arith.index_cast %get3A_841 : i32 to index
        %get3A_843 = arith.index_cast %add3A_840 : i32 to index
        %get3A_844 = arith.constant 0 : index
        %get3A_845 = tpu.vector_load %arg16[%get3A_842, %get3A_843, %get3A_844] {strides = array<i32>} : memref<5x80x16xf32, #tpu.memory_space<vmem>>, vector<16xf32>,
        %mul3A_846 = arith.mulf %get3A_845, %gather3A_838 : vector<16xf32>
        %swap3A_847 = arith.constant 0 : i32
        %swap3A_848 = arith.index_cast %swap3A_847 : i32 to index
        %swap3A_849 = arith.index_cast %add3A_840 : i32 to index
        %swap3A_850 = arith.constant 0 : index
        %swap3A_851 = tpu.vector_load %arg17[%swap3A_848, %swap3A_849, %swap3A_850] {strides = array<i32>} : memref<5x80x16xf32, #tpu.memory_space<vmem>>, vector<16xf32>,
        tpu.vector_store %arg17[%swap3A_848, %swap3A_849, %swap3A_850], %mul3A_846 {strides = array<i32>} : memref<5x80x16xf32, #tpu.memory_space<vmem>>, vector<16xf32>,
        %broadcast_in_dim3A_852 = arith.constant 15 : i32
        %broadcast_in_dim3A_853 = vector.broadcast %broadcast_in_dim3A_852 : i32 to vector<16xi32>
        %lt3A_854 = arith.constant 0 : i32
        %lt3A_855 = vector.broadcast %lt3A_854 : i32 to vector<16xi32>
        %lt3A_856 = arith.cmpi slt, %broadcast_in_dim3A_853, %lt3A_855 : vector<16xi32>
        %add3A_857 = arith.constant 16 : i32
        %add3A_858 = vector.broadcast %add3A_857 : i32 to vector<16xi32>
        %add3A_859 = arith.addi %broadcast_in_dim3A_853, %add3A_858 : vector<16xi32>
        %select_n3A_860 = arith.select %lt3A_856, %add3A_859, %broadcast_in_dim3A_853 : vector<16xi1>, vector<16xi32>
        %broadcast_in_dim3A_861 = vector.shape_cast %select_n3A_860 : vector<16xi32> to vector<16x1xi32>
        %gather3A_862 = vector.shape_cast %broadcast_in_dim3A_861 : vector<16x1xi32> to vector<16xi32>
        %gather3A_863 = tpu.dynamic_gather %mul3A_479[%gather3A_862] in [0] : vector<16xf32>, vector<16xi32> -> vector<16xf32>
        %add3A_864 = arith.constant 15 : i32
        %add3A_865 = arith.addi %mul3A_465, %add3A_864 : i32
        %get3A_866 = arith.constant 0 : i32
        %get3A_867 = arith.index_cast %get3A_866 : i32 to index
        %get3A_868 = arith.index_cast %add3A_865 : i32 to index
        %get3A_869 = arith.constant 0 : index
        %get3A_870 = tpu.vector_load %arg16[%get3A_867, %get3A_868, %get3A_869] {strides = array<i32>} : memref<5x80x16xf32, #tpu.memory_space<vmem>>, vector<16xf32>,
        %mul3A_871 = arith.mulf %get3A_870, %gather3A_863 : vector<16xf32>
        %swap3A_872 = arith.constant 0 : i32
        %swap3A_873 = arith.index_cast %swap3A_872 : i32 to index
        %swap3A_874 = arith.index_cast %add3A_865 : i32 to index
        %swap3A_875 = arith.constant 0 : index
        %swap3A_876 = tpu.vector_load %arg17[%swap3A_873, %swap3A_874, %swap3A_875] {strides = array<i32>} : memref<5x80x16xf32, #tpu.memory_space<vmem>>, vector<16xf32>,
        tpu.vector_store %arg17[%swap3A_873, %swap3A_874, %swap3A_875], %mul3A_871 {strides = array<i32>} : memref<5x80x16xf32, #tpu.memory_space<vmem>>, vector<16xf32>,
        %scan3A_877 = arith.constant 0 : i32
        scf.yield %scan3A_877 : i32
      }
      %scan3A_227 = arith.constant 5 : i32
      %dma_start3A_228 = arith.constant 0 : i32
      %dma_start3A_229 = arith.constant 0 : i32
      %dma_start3A_230 = arith.constant 0 : i32
      %dma_start3A_231 = arith.constant 0 : i32
      %dma_start3A_232 = tpu.memref_slice %arg17[%dma_start3A_228, %dma_start3A_230, %dma_start3A_231] : memref<5x80x16xf32, #tpu.memory_space<vmem>> -> memref<1x80x16xf32, #tpu.memory_space<vmem>>
      %dma_start3A_233 = tpu.memref_squeeze %dma_start3A_232 : memref<1x80x16xf32, #tpu.memory_space<vmem>> -> memref<80x16xf32, #tpu.memory_space<vmem>>
      %dma_start3A_234 = arith.constant 0 : i32
      %dma_start3A_235 = tpu.memref_slice %arg9[%arg0, %add3A_202, %dma_start3A_234] : memref<2x125x80xi32, #tpu.memory_space<vmem>> -> memref<1x1x80xi32, #tpu.memory_space<vmem>>
      %dma_start3A_236 = tpu.memref_squeeze %dma_start3A_235 : memref<1x1x80xi32, #tpu.memory_space<vmem>> -> memref<80xi32, #tpu.memory_space<vmem>>
      %dma_start3A_237 = arith.constant 0 : i32
      %dma_start3A_238 = arith.constant 0 : i32
      %dma_start3A_239 = tpu.memref_slice %arg21[%dma_start3A_237, %dma_start3A_238] : memref<10240x16xf32, #tpu.memory_space<vmem_shared>> -> memref<10240x16xf32, #tpu.memory_space<vmem_shared>>
      %dma_start3A_240 = tpu.memref_slice %arg23[%dma_start3A_229] : memref<5x!tpu.dma_semaphore, #tpu.memory_space<semaphore_mem>> -> memref<1x!tpu.dma_semaphore, #tpu.memory_space<semaphore_mem>>
      %dma_start3A_241 = tpu.memref_squeeze %dma_start3A_240 : memref<1x!tpu.dma_semaphore, #tpu.memory_space<semaphore_mem>> -> memref<!tpu.dma_semaphore, #tpu.memory_space<semaphore_mem>>
      tpu.enqueue_indirect_dma source(%dma_start3A_233 : memref<80x16xf32, #tpu.memory_space<vmem>>) target(%dma_start3A_239 : memref<10240x16xf32, #tpu.memory_space<vmem_shared>>) offsets(%dma_start3A_236 : memref<80xi32, #tpu.memory_space<vmem>>) semaphore(%dma_start3A_241 : memref<!tpu.dma_semaphore, #tpu.memory_space<semaphore_mem>>) {add = true}
      %add3A_242 = arith.constant 5 : i32
      %add3A_243 = arith.addi %add3A_202, %add3A_242 : i32
      %sub3A = arith.constant 1 : i32
      %sub3A_244 = arith.subi %add3A_243, %sub3A : i32
      %lt3A = arith.constant 125 : i32
      %lt3A_245 = arith.cmpi slt, %sub3A_244, %lt3A : i32
      %convert_element_type3A_246 = arith.extui %lt3A_245 : i1 to i32
      %cond3A_247 = arith.constant 0 : i32
      %cond3A_248 = arith.cmpi ne, %convert_element_type3A_246, %cond3A_247 : i32
      scf.if %cond3A_248 {
        %dma_start3A_462 = arith.constant 4 : i32
        %dma_start3A_463 = arith.constant 4 : i32
        %dma_start3A_464 = arith.constant 0 : i32
        %dma_start3A_465 = arith.constant 0 : i32
        %dma_start3A_466 = tpu.memref_slice %arg16[%dma_start3A_462, %dma_start3A_464, %dma_start3A_465] : memref<5x80x16xf32, #tpu.memory_space<vmem>> -> memref<1x80x16xf32, #tpu.memory_space<vmem>>
        %dma_start3A_467 = tpu.memref_squeeze %dma_start3A_466 : memref<1x80x16xf32, #tpu.memory_space<vmem>> -> memref<80x16xf32, #tpu.memory_space<vmem>>
        %dma_start3A_468 = arith.constant 0 : i32
        %dma_start3A_469 = tpu.memref_slice %arg8[%sub3A_244, %dma_start3A_468] : memref<125x80xi32, #tpu.memory_space<vmem>> -> memref<1x80xi32, #tpu.memory_space<vmem>>
        %dma_start3A_470 = tpu.memref_squeeze %dma_start3A_469 : memref<1x80xi32, #tpu.memory_space<vmem>> -> memref<80xi32, #tpu.memory_space<vmem>>
        %dma_start3A_471 = arith.constant 0 : i32
        %dma_start3A_472 = arith.constant 0 : i32
        %dma_start3A_473 = tpu.memref_slice %arg20[%dma_start3A_471, %dma_start3A_472] : memref<10240x16xf32, #tpu.memory_space<vmem_shared>> -> memref<10240x16xf32, #tpu.memory_space<vmem_shared>>
        %dma_start3A_474 = tpu.memref_slice %arg22[%dma_start3A_463] : memref<5x!tpu.dma_semaphore, #tpu.memory_space<semaphore_mem>> -> memref<1x!tpu.dma_semaphore, #tpu.memory_space<semaphore_mem>>
        %dma_start3A_475 = tpu.memref_squeeze %dma_start3A_474 : memref<1x!tpu.dma_semaphore, #tpu.memory_space<semaphore_mem>> -> memref<!tpu.dma_semaphore, #tpu.memory_space<semaphore_mem>>
        tpu.enqueue_indirect_dma source(%dma_start3A_473 : memref<10240x16xf32, #tpu.memory_space<vmem_shared>>) target(%dma_start3A_467 : memref<80x16xf32, #tpu.memory_space<vmem>>) offsets(%dma_start3A_470 : memref<80xi32, #tpu.memory_space<vmem>>) semaphore(%dma_start3A_475 : memref<!tpu.dma_semaphore, #tpu.memory_space<semaphore_mem>>)
      } else {
      }
      %mul3A_249 = arith.constant 5 : i32
      %mul3A_250 = arith.muli %scan3A_197, %mul3A_249 : i32
      %add3A_251 = arith.constant 1 : i32
      %add3A_252 = arith.addi %mul3A_250, %add3A_251 : i32
      %dma_wait3A_253 = arith.constant 1 : i32
      %dma_wait3A_254 = arith.constant 1 : i32
      %dma_wait3A_255 = arith.constant 0 : i32
      %dma_wait3A_256 = arith.constant 0 : i32
      %dma_wait3A_257 = tpu.memref_slice %arg16[%dma_wait3A_253, %dma_wait3A_255, %dma_wait3A_256] : memref<5x80x16xf32, #tpu.memory_space<vmem>> -> memref<1x80x16xf32, #tpu.memory_space<vmem>>
      %dma_wait3A_258 = tpu.memref_squeeze %dma_wait3A_257 : memref<1x80x16xf32, #tpu.memory_space<vmem>> -> memref<80x16xf32, #tpu.memory_space<vmem>>
      %dma_wait3A_259 = arith.constant 0 : i32
      %dma_wait3A_260 = tpu.memref_slice %arg8[%add3A_252, %dma_wait3A_259] : memref<125x80xi32, #tpu.memory_space<vmem>> -> memref<1x80xi32, #tpu.memory_space<vmem>>
      %dma_wait3A_261 = tpu.memref_squeeze %dma_wait3A_260 : memref<1x80xi32, #tpu.memory_space<vmem>> -> memref<80xi32, #tpu.memory_space<vmem>>
      %dma_wait3A_262 = arith.constant 0 : i32
      %dma_wait3A_263 = arith.constant 0 : i32
      %dma_wait3A_264 = tpu.memref_slice %arg20[%dma_wait3A_262, %dma_wait3A_263] : memref<10240x16xf32, #tpu.memory_space<vmem_shared>> -> memref<10240x16xf32, #tpu.memory_space<vmem_shared>>
      %dma_wait3A_265 = tpu.memref_slice %arg22[%dma_wait3A_254] : memref<5x!tpu.dma_semaphore, #tpu.memory_space<semaphore_mem>> -> memref<1x!tpu.dma_semaphore, #tpu.memory_space<semaphore_mem>>
      %dma_wait3A_266 = tpu.memref_squeeze %dma_wait3A_265 : memref<1x!tpu.dma_semaphore, #tpu.memory_space<semaphore_mem>> -> memref<!tpu.dma_semaphore, #tpu.memory_space<semaphore_mem>>
      tpu.wait_indirect_dma semaphore(%dma_wait3A_266 : memref<!tpu.dma_semaphore, #tpu.memory_space<semaphore_mem>>) src(%dma_wait3A_264 : memref<10240x16xf32, #tpu.memory_space<vmem_shared>>) dst(%dma_wait3A_258 : memref<80x16xf32, #tpu.memory_space<vmem>>)
      %gt3A_267 = arith.constant 0 : i32
      %gt3A_268 = arith.cmpi sgt, %scan3A_197, %gt3A_267 : i32
      %convert_element_type3A_269 = arith.extui %gt3A_268 : i1 to i32
      %cond3A_270 = arith.constant 0 : i32
      %cond3A_271 = arith.cmpi ne, %convert_element_type3A_269, %cond3A_270 : i32
      scf.if %cond3A_271 {
        %dma_wait3A_462 = arith.constant 1 : i32
        %dma_wait3A_463 = arith.constant 1 : i32
        %dma_wait3A_464 = arith.constant 0 : i32
        %dma_wait3A_465 = arith.constant 0 : i32
        %dma_wait3A_466 = tpu.memref_slice %arg17[%dma_wait3A_462, %dma_wait3A_464, %dma_wait3A_465] : memref<5x80x16xf32, #tpu.memory_space<vmem>> -> memref<1x80x16xf32, #tpu.memory_space<vmem>>
        %dma_wait3A_467 = tpu.memref_squeeze %dma_wait3A_466 : memref<1x80x16xf32, #tpu.memory_space<vmem>> -> memref<80x16xf32, #tpu.memory_space<vmem>>
        %dma_wait3A_468 = arith.constant 0 : i32
        %dma_wait3A_469 = tpu.memref_slice %arg9[%arg0, %add3A_252, %dma_wait3A_468] : memref<2x125x80xi32, #tpu.memory_space<vmem>> -> memref<1x1x80xi32, #tpu.memory_space<vmem>>
        %dma_wait3A_470 = tpu.memref_squeeze %dma_wait3A_469 : memref<1x1x80xi32, #tpu.memory_space<vmem>> -> memref<80xi32, #tpu.memory_space<vmem>>
        %dma_wait3A_471 = arith.constant 0 : i32
        %dma_wait3A_472 = arith.constant 0 : i32
        %dma_wait3A_473 = tpu.memref_slice %arg21[%dma_wait3A_471, %dma_wait3A_472] : memref<10240x16xf32, #tpu.memory_space<vmem_shared>> -> memref<10240x16xf32, #tpu.memory_space<vmem_shared>>
        %dma_wait3A_474 = tpu.memref_slice %arg23[%dma_wait3A_463] : memref<5x!tpu.dma_semaphore, #tpu.memory_space<semaphore_mem>> -> memref<1x!tpu.dma_semaphore, #tpu.memory_space<semaphore_mem>>
        %dma_wait3A_475 = tpu.memref_squeeze %dma_wait3A_474 : memref<1x!tpu.dma_semaphore, #tpu.memory_space<semaphore_mem>> -> memref<!tpu.dma_semaphore, #tpu.memory_space<semaphore_mem>>
        tpu.wait_indirect_dma semaphore(%dma_wait3A_475 : memref<!tpu.dma_semaphore, #tpu.memory_space<semaphore_mem>>) src(%dma_wait3A_467 : memref<80x16xf32, #tpu.memory_space<vmem>>) dst(%dma_wait3A_473 : memref<10240x16xf32, #tpu.memory_space<vmem_shared>>)
      } else {
      }
      %scan3A_272 = arith.constant 0 : i32
      %scan3A_273 = arith.constant 0 : i32
      %scan3A_274 = arith.constant 5 : i32
      %scan3A_275 = arith.addi %scan3A_273, %scan3A_274 : i32
      %scan3A_276 = arith.constant 1 : i32
      %scan3A_277 = scf.for %scan3A_462 = %scan3A_273 to %scan3A_275 step %scan3A_276 iter_args(%scan3A_463 = %scan3A_272) -> (i32)  : i32 {
        %mul3A_464 = arith.constant 16 : i32
        %mul3A_465 = arith.muli %scan3A_462, %mul3A_464 : i32
        %get3A_466 = arith.index_cast %add3A_252 : i32 to index
        %get3A_467 = arith.index_cast %mul3A_465 : i32 to index
        %get3A_468 = tpu.vector_load %arg8[%get3A_466, %get3A_467] {strides = array<i32>} : memref<125x80xi32, #tpu.memory_space<vmem>>, vector<16xi32>,
        %get3A_469 = arith.index_cast %arg0 : i32 to index
        %get3A_470 = arith.index_cast %add3A_252 : i32 to index
        %get3A_471 = arith.index_cast %mul3A_465 : i32 to index
        %get3A_472 = tpu.vector_load %arg9[%get3A_469, %get3A_470, %get3A_471] {strides = array<i32>} : memref<2x125x80xi32, #tpu.memory_space<vmem>>, vector<16xi32>,
        %get3A_473 = arith.index_cast %arg0 : i32 to index
        %get3A_474 = arith.index_cast %add3A_252 : i32 to index
        %get3A_475 = arith.index_cast %mul3A_465 : i32 to index
        %get3A_476 = tpu.vector_load %arg10[%get3A_473, %get3A_474, %get3A_475] {strides = array<i32>} : memref<2x125x80xf32, #tpu.memory_space<vmem>>, vector<16xf32>,
        %gather3A = tpu.vector_load_idx %arg13[%get3A_468] : memref<10240xf32, #tpu.memory_space<vmem>>[vector<16xi32>], vector<16xf32>,
        %mul3A_477 = arith.mulf %gather3A, %get3A_476 : vector<16xf32>
        %gather3A_478 = tpu.vector_load_idx %arg13[%get3A_472] : memref<10240xf32, #tpu.memory_space<vmem>>[vector<16xi32>], vector<16xf32>,
        %mul3A_479 = arith.mulf %mul3A_477, %gather3A_478 : vector<16xf32>
        %broadcast_in_dim3A = arith.constant 0 : i32
        %broadcast_in_dim3A_480 = vector.broadcast %broadcast_in_dim3A : i32 to vector<16xi32>
        %lt3A_481 = arith.constant 0 : i32
        %lt3A_482 = vector.broadcast %lt3A_481 : i32 to vector<16xi32>
        %lt3A_483 = arith.cmpi slt, %broadcast_in_dim3A_480, %lt3A_482 : vector<16xi32>
        %add3A_484 = arith.constant 16 : i32
        %add3A_485 = vector.broadcast %add3A_484 : i32 to vector<16xi32>
        %add3A_486 = arith.addi %broadcast_in_dim3A_480, %add3A_485 : vector<16xi32>
        %select_n3A = arith.select %lt3A_483, %add3A_486, %broadcast_in_dim3A_480 : vector<16xi1>, vector<16xi32>
        %broadcast_in_dim3A_487 = vector.shape_cast %select_n3A : vector<16xi32> to vector<16x1xi32>
        %gather3A_488 = vector.shape_cast %broadcast_in_dim3A_487 : vector<16x1xi32> to vector<16xi32>
        %gather3A_489 = tpu.dynamic_gather %mul3A_479[%gather3A_488] in [0] : vector<16xf32>, vector<16xi32> -> vector<16xf32>
        %add3A_490 = arith.constant 0 : i32
        %add3A_491 = arith.addi %mul3A_465, %add3A_490 : i32
        %get3A_492 = arith.constant 1 : i32
        %get3A_493 = arith.index_cast %get3A_492 : i32 to index
        %get3A_494 = arith.index_cast %add3A_491 : i32 to index
        %get3A_495 = arith.constant 0 : index
        %get3A_496 = tpu.vector_load %arg16[%get3A_493, %get3A_494, %get3A_495] {strides = array<i32>} : memref<5x80x16xf32, #tpu.memory_space<vmem>>, vector<16xf32>,
        %mul3A_497 = arith.mulf %get3A_496, %gather3A_489 : vector<16xf32>
        %swap3A = arith.constant 1 : i32
        %swap3A_498 = arith.index_cast %swap3A : i32 to index
        %swap3A_499 = arith.index_cast %add3A_491 : i32 to index
        %swap3A_500 = arith.constant 0 : index
        %swap3A_501 = tpu.vector_load %arg17[%swap3A_498, %swap3A_499, %swap3A_500] {strides = array<i32>} : memref<5x80x16xf32, #tpu.memory_space<vmem>>, vector<16xf32>,
        tpu.vector_store %arg17[%swap3A_498, %swap3A_499, %swap3A_500], %mul3A_497 {strides = array<i32>} : memref<5x80x16xf32, #tpu.memory_space<vmem>>, vector<16xf32>,
        %broadcast_in_dim3A_502 = arith.constant 1 : i32
        %broadcast_in_dim3A_503 = vector.broadcast %broadcast_in_dim3A_502 : i32 to vector<16xi32>
        %lt3A_504 = arith.constant 0 : i32
        %lt3A_505 = vector.broadcast %lt3A_504 : i32 to vector<16xi32>
        %lt3A_506 = arith.cmpi slt, %broadcast_in_dim3A_503, %lt3A_505 : vector<16xi32>
        %add3A_507 = arith.constant 16 : i32
        %add3A_508 = vector.broadcast %add3A_507 : i32 to vector<16xi32>
        %add3A_509 = arith.addi %broadcast_in_dim3A_503, %add3A_508 : vector<16xi32>
        %select_n3A_510 = arith.select %lt3A_506, %add3A_509, %broadcast_in_dim3A_503 : vector<16xi1>, vector<16xi32>
        %broadcast_in_dim3A_511 = vector.shape_cast %select_n3A_510 : vector<16xi32> to vector<16x1xi32>
        %gather3A_512 = vector.shape_cast %broadcast_in_dim3A_511 : vector<16x1xi32> to vector<16xi32>
        %gather3A_513 = tpu.dynamic_gather %mul3A_479[%gather3A_512] in [0] : vector<16xf32>, vector<16xi32> -> vector<16xf32>
        %add3A_514 = arith.constant 1 : i32
        %add3A_515 = arith.addi %mul3A_465, %add3A_514 : i32
        %get3A_516 = arith.constant 1 : i32
        %get3A_517 = arith.index_cast %get3A_516 : i32 to index
        %get3A_518 = arith.index_cast %add3A_515 : i32 to index
        %get3A_519 = arith.constant 0 : index
        %get3A_520 = tpu.vector_load %arg16[%get3A_517, %get3A_518, %get3A_519] {strides = array<i32>} : memref<5x80x16xf32, #tpu.memory_space<vmem>>, vector<16xf32>,
        %mul3A_521 = arith.mulf %get3A_520, %gather3A_513 : vector<16xf32>
        %swap3A_522 = arith.constant 1 : i32
        %swap3A_523 = arith.index_cast %swap3A_522 : i32 to index
        %swap3A_524 = arith.index_cast %add3A_515 : i32 to index
        %swap3A_525 = arith.constant 0 : index
        %swap3A_526 = tpu.vector_load %arg17[%swap3A_523, %swap3A_524, %swap3A_525] {strides = array<i32>} : memref<5x80x16xf32, #tpu.memory_space<vmem>>, vector<16xf32>,
        tpu.vector_store %arg17[%swap3A_523, %swap3A_524, %swap3A_525], %mul3A_521 {strides = array<i32>} : memref<5x80x16xf32, #tpu.memory_space<vmem>>, vector<16xf32>,
        %broadcast_in_dim3A_527 = arith.constant 2 : i32
        %broadcast_in_dim3A_528 = vector.broadcast %broadcast_in_dim3A_527 : i32 to vector<16xi32>
        %lt3A_529 = arith.constant 0 : i32
        %lt3A_530 = vector.broadcast %lt3A_529 : i32 to vector<16xi32>
        %lt3A_531 = arith.cmpi slt, %broadcast_in_dim3A_528, %lt3A_530 : vector<16xi32>
        %add3A_532 = arith.constant 16 : i32
        %add3A_533 = vector.broadcast %add3A_532 : i32 to vector<16xi32>
        %add3A_534 = arith.addi %broadcast_in_dim3A_528, %add3A_533 : vector<16xi32>
        %select_n3A_535 = arith.select %lt3A_531, %add3A_534, %broadcast_in_dim3A_528 : vector<16xi1>, vector<16xi32>
        %broadcast_in_dim3A_536 = vector.shape_cast %select_n3A_535 : vector<16xi32> to vector<16x1xi32>
        %gather3A_537 = vector.shape_cast %broadcast_in_dim3A_536 : vector<16x1xi32> to vector<16xi32>
        %gather3A_538 = tpu.dynamic_gather %mul3A_479[%gather3A_537] in [0] : vector<16xf32>, vector<16xi32> -> vector<16xf32>
        %add3A_539 = arith.constant 2 : i32
        %add3A_540 = arith.addi %mul3A_465, %add3A_539 : i32
        %get3A_541 = arith.constant 1 : i32
        %get3A_542 = arith.index_cast %get3A_541 : i32 to index
        %get3A_543 = arith.index_cast %add3A_540 : i32 to index
        %get3A_544 = arith.constant 0 : index
        %get3A_545 = tpu.vector_load %arg16[%get3A_542, %get3A_543, %get3A_544] {strides = array<i32>} : memref<5x80x16xf32, #tpu.memory_space<vmem>>, vector<16xf32>,
        %mul3A_546 = arith.mulf %get3A_545, %gather3A_538 : vector<16xf32>
        %swap3A_547 = arith.constant 1 : i32
        %swap3A_548 = arith.index_cast %swap3A_547 : i32 to index
        %swap3A_549 = arith.index_cast %add3A_540 : i32 to index
        %swap3A_550 = arith.constant 0 : index
        %swap3A_551 = tpu.vector_load %arg17[%swap3A_548, %swap3A_549, %swap3A_550] {strides = array<i32>} : memref<5x80x16xf32, #tpu.memory_space<vmem>>, vector<16xf32>,
        tpu.vector_store %arg17[%swap3A_548, %swap3A_549, %swap3A_550], %mul3A_546 {strides = array<i32>} : memref<5x80x16xf32, #tpu.memory_space<vmem>>, vector<16xf32>,
        %broadcast_in_dim3A_552 = arith.constant 3 : i32
        %broadcast_in_dim3A_553 = vector.broadcast %broadcast_in_dim3A_552 : i32 to vector<16xi32>
        %lt3A_554 = arith.constant 0 : i32
        %lt3A_555 = vector.broadcast %lt3A_554 : i32 to vector<16xi32>
        %lt3A_556 = arith.cmpi slt, %broadcast_in_dim3A_553, %lt3A_555 : vector<16xi32>
        %add3A_557 = arith.constant 16 : i32
        %add3A_558 = vector.broadcast %add3A_557 : i32 to vector<16xi32>
        %add3A_559 = arith.addi %broadcast_in_dim3A_553, %add3A_558 : vector<16xi32>
        %select_n3A_560 = arith.select %lt3A_556, %add3A_559, %broadcast_in_dim3A_553 : vector<16xi1>, vector<16xi32>
        %broadcast_in_dim3A_561 = vector.shape_cast %select_n3A_560 : vector<16xi32> to vector<16x1xi32>
        %gather3A_562 = vector.shape_cast %broadcast_in_dim3A_561 : vector<16x1xi32> to vector<16xi32>
        %gather3A_563 = tpu.dynamic_gather %mul3A_479[%gather3A_562] in [0] : vector<16xf32>, vector<16xi32> -> vector<16xf32>
        %add3A_564 = arith.constant 3 : i32
        %add3A_565 = arith.addi %mul3A_465, %add3A_564 : i32
        %get3A_566 = arith.constant 1 : i32
        %get3A_567 = arith.index_cast %get3A_566 : i32 to index
        %get3A_568 = arith.index_cast %add3A_565 : i32 to index
        %get3A_569 = arith.constant 0 : index
        %get3A_570 = tpu.vector_load %arg16[%get3A_567, %get3A_568, %get3A_569] {strides = array<i32>} : memref<5x80x16xf32, #tpu.memory_space<vmem>>, vector<16xf32>,
        %mul3A_571 = arith.mulf %get3A_570, %gather3A_563 : vector<16xf32>
        %swap3A_572 = arith.constant 1 : i32
        %swap3A_573 = arith.index_cast %swap3A_572 : i32 to index
        %swap3A_574 = arith.index_cast %add3A_565 : i32 to index
        %swap3A_575 = arith.constant 0 : index
        %swap3A_576 = tpu.vector_load %arg17[%swap3A_573, %swap3A_574, %swap3A_575] {strides = array<i32>} : memref<5x80x16xf32, #tpu.memory_space<vmem>>, vector<16xf32>,
        tpu.vector_store %arg17[%swap3A_573, %swap3A_574, %swap3A_575], %mul3A_571 {strides = array<i32>} : memref<5x80x16xf32, #tpu.memory_space<vmem>>, vector<16xf32>,
        %broadcast_in_dim3A_577 = arith.constant 4 : i32
        %broadcast_in_dim3A_578 = vector.broadcast %broadcast_in_dim3A_577 : i32 to vector<16xi32>
        %lt3A_579 = arith.constant 0 : i32
        %lt3A_580 = vector.broadcast %lt3A_579 : i32 to vector<16xi32>
        %lt3A_581 = arith.cmpi slt, %broadcast_in_dim3A_578, %lt3A_580 : vector<16xi32>
        %add3A_582 = arith.constant 16 : i32
        %add3A_583 = vector.broadcast %add3A_582 : i32 to vector<16xi32>
        %add3A_584 = arith.addi %broadcast_in_dim3A_578, %add3A_583 : vector<16xi32>
        %select_n3A_585 = arith.select %lt3A_581, %add3A_584, %broadcast_in_dim3A_578 : vector<16xi1>, vector<16xi32>
        %broadcast_in_dim3A_586 = vector.shape_cast %select_n3A_585 : vector<16xi32> to vector<16x1xi32>
        %gather3A_587 = vector.shape_cast %broadcast_in_dim3A_586 : vector<16x1xi32> to vector<16xi32>
        %gather3A_588 = tpu.dynamic_gather %mul3A_479[%gather3A_587] in [0] : vector<16xf32>, vector<16xi32> -> vector<16xf32>
        %add3A_589 = arith.constant 4 : i32
        %add3A_590 = arith.addi %mul3A_465, %add3A_589 : i32
        %get3A_591 = arith.constant 1 : i32
        %get3A_592 = arith.index_cast %get3A_591 : i32 to index
        %get3A_593 = arith.index_cast %add3A_590 : i32 to index
        %get3A_594 = arith.constant 0 : index
        %get3A_595 = tpu.vector_load %arg16[%get3A_592, %get3A_593, %get3A_594] {strides = array<i32>} : memref<5x80x16xf32, #tpu.memory_space<vmem>>, vector<16xf32>,
        %mul3A_596 = arith.mulf %get3A_595, %gather3A_588 : vector<16xf32>
        %swap3A_597 = arith.constant 1 : i32
        %swap3A_598 = arith.index_cast %swap3A_597 : i32 to index
        %swap3A_599 = arith.index_cast %add3A_590 : i32 to index
        %swap3A_600 = arith.constant 0 : index
        %swap3A_601 = tpu.vector_load %arg17[%swap3A_598, %swap3A_599, %swap3A_600] {strides = array<i32>} : memref<5x80x16xf32, #tpu.memory_space<vmem>>, vector<16xf32>,
        tpu.vector_store %arg17[%swap3A_598, %swap3A_599, %swap3A_600], %mul3A_596 {strides = array<i32>} : memref<5x80x16xf32, #tpu.memory_space<vmem>>, vector<16xf32>,
        %broadcast_in_dim3A_602 = arith.constant 5 : i32
        %broadcast_in_dim3A_603 = vector.broadcast %broadcast_in_dim3A_602 : i32 to vector<16xi32>
        %lt3A_604 = arith.constant 0 : i32
        %lt3A_605 = vector.broadcast %lt3A_604 : i32 to vector<16xi32>
        %lt3A_606 = arith.cmpi slt, %broadcast_in_dim3A_603, %lt3A_605 : vector<16xi32>
        %add3A_607 = arith.constant 16 : i32
        %add3A_608 = vector.broadcast %add3A_607 : i32 to vector<16xi32>
        %add3A_609 = arith.addi %broadcast_in_dim3A_603, %add3A_608 : vector<16xi32>
        %select_n3A_610 = arith.select %lt3A_606, %add3A_609, %broadcast_in_dim3A_603 : vector<16xi1>, vector<16xi32>
        %broadcast_in_dim3A_611 = vector.shape_cast %select_n3A_610 : vector<16xi32> to vector<16x1xi32>
        %gather3A_612 = vector.shape_cast %broadcast_in_dim3A_611 : vector<16x1xi32> to vector<16xi32>
        %gather3A_613 = tpu.dynamic_gather %mul3A_479[%gather3A_612] in [0] : vector<16xf32>, vector<16xi32> -> vector<16xf32>
        %add3A_614 = arith.constant 5 : i32
        %add3A_615 = arith.addi %mul3A_465, %add3A_614 : i32
        %get3A_616 = arith.constant 1 : i32
        %get3A_617 = arith.index_cast %get3A_616 : i32 to index
        %get3A_618 = arith.index_cast %add3A_615 : i32 to index
        %get3A_619 = arith.constant 0 : index
        %get3A_620 = tpu.vector_load %arg16[%get3A_617, %get3A_618, %get3A_619] {strides = array<i32>} : memref<5x80x16xf32, #tpu.memory_space<vmem>>, vector<16xf32>,
        %mul3A_621 = arith.mulf %get3A_620, %gather3A_613 : vector<16xf32>
        %swap3A_622 = arith.constant 1 : i32
        %swap3A_623 = arith.index_cast %swap3A_622 : i32 to index
        %swap3A_624 = arith.index_cast %add3A_615 : i32 to index
        %swap3A_625 = arith.constant 0 : index
        %swap3A_626 = tpu.vector_load %arg17[%swap3A_623, %swap3A_624, %swap3A_625] {strides = array<i32>} : memref<5x80x16xf32, #tpu.memory_space<vmem>>, vector<16xf32>,
        tpu.vector_store %arg17[%swap3A_623, %swap3A_624, %swap3A_625], %mul3A_621 {strides = array<i32>} : memref<5x80x16xf32, #tpu.memory_space<vmem>>, vector<16xf32>,
        %broadcast_in_dim3A_627 = arith.constant 6 : i32
        %broadcast_in_dim3A_628 = vector.broadcast %broadcast_in_dim3A_627 : i32 to vector<16xi32>
        %lt3A_629 = arith.constant 0 : i32
        %lt3A_630 = vector.broadcast %lt3A_629 : i32 to vector<16xi32>
        %lt3A_631 = arith.cmpi slt, %broadcast_in_dim3A_628, %lt3A_630 : vector<16xi32>
        %add3A_632 = arith.constant 16 : i32
        %add3A_633 = vector.broadcast %add3A_632 : i32 to vector<16xi32>
        %add3A_634 = arith.addi %broadcast_in_dim3A_628, %add3A_633 : vector<16xi32>
        %select_n3A_635 = arith.select %lt3A_631, %add3A_634, %broadcast_in_dim3A_628 : vector<16xi1>, vector<16xi32>
        %broadcast_in_dim3A_636 = vector.shape_cast %select_n3A_635 : vector<16xi32> to vector<16x1xi32>
        %gather3A_637 = vector.shape_cast %broadcast_in_dim3A_636 : vector<16x1xi32> to vector<16xi32>
        %gather3A_638 = tpu.dynamic_gather %mul3A_479[%gather3A_637] in [0] : vector<16xf32>, vector<16xi32> -> vector<16xf32>
        %add3A_639 = arith.constant 6 : i32
        %add3A_640 = arith.addi %mul3A_465, %add3A_639 : i32
        %get3A_641 = arith.constant 1 : i32
        %get3A_642 = arith.index_cast %get3A_641 : i32 to index
        %get3A_643 = arith.index_cast %add3A_640 : i32 to index
        %get3A_644 = arith.constant 0 : index
        %get3A_645 = tpu.vector_load %arg16[%get3A_642, %get3A_643, %get3A_644] {strides = array<i32>} : memref<5x80x16xf32, #tpu.memory_space<vmem>>, vector<16xf32>,
        %mul3A_646 = arith.mulf %get3A_645, %gather3A_638 : vector<16xf32>
        %swap3A_647 = arith.constant 1 : i32
        %swap3A_648 = arith.index_cast %swap3A_647 : i32 to index
        %swap3A_649 = arith.index_cast %add3A_640 : i32 to index
        %swap3A_650 = arith.constant 0 : index
        %swap3A_651 = tpu.vector_load %arg17[%swap3A_648, %swap3A_649, %swap3A_650] {strides = array<i32>} : memref<5x80x16xf32, #tpu.memory_space<vmem>>, vector<16xf32>,
        tpu.vector_store %arg17[%swap3A_648, %swap3A_649, %swap3A_650], %mul3A_646 {strides = array<i32>} : memref<5x80x16xf32, #tpu.memory_space<vmem>>, vector<16xf32>,
        %broadcast_in_dim3A_652 = arith.constant 7 : i32
        %broadcast_in_dim3A_653 = vector.broadcast %broadcast_in_dim3A_652 : i32 to vector<16xi32>
        %lt3A_654 = arith.constant 0 : i32
        %lt3A_655 = vector.broadcast %lt3A_654 : i32 to vector<16xi32>
        %lt3A_656 = arith.cmpi slt, %broadcast_in_dim3A_653, %lt3A_655 : vector<16xi32>
        %add3A_657 = arith.constant 16 : i32
        %add3A_658 = vector.broadcast %add3A_657 : i32 to vector<16xi32>
        %add3A_659 = arith.addi %broadcast_in_dim3A_653, %add3A_658 : vector<16xi32>
        %select_n3A_660 = arith.select %lt3A_656, %add3A_659, %broadcast_in_dim3A_653 : vector<16xi1>, vector<16xi32>
        %broadcast_in_dim3A_661 = vector.shape_cast %select_n3A_660 : vector<16xi32> to vector<16x1xi32>
        %gather3A_662 = vector.shape_cast %broadcast_in_dim3A_661 : vector<16x1xi32> to vector<16xi32>
        %gather3A_663 = tpu.dynamic_gather %mul3A_479[%gather3A_662] in [0] : vector<16xf32>, vector<16xi32> -> vector<16xf32>
        %add3A_664 = arith.constant 7 : i32
        %add3A_665 = arith.addi %mul3A_465, %add3A_664 : i32
        %get3A_666 = arith.constant 1 : i32
        %get3A_667 = arith.index_cast %get3A_666 : i32 to index
        %get3A_668 = arith.index_cast %add3A_665 : i32 to index
        %get3A_669 = arith.constant 0 : index
        %get3A_670 = tpu.vector_load %arg16[%get3A_667, %get3A_668, %get3A_669] {strides = array<i32>} : memref<5x80x16xf32, #tpu.memory_space<vmem>>, vector<16xf32>,
        %mul3A_671 = arith.mulf %get3A_670, %gather3A_663 : vector<16xf32>
        %swap3A_672 = arith.constant 1 : i32
        %swap3A_673 = arith.index_cast %swap3A_672 : i32 to index
        %swap3A_674 = arith.index_cast %add3A_665 : i32 to index
        %swap3A_675 = arith.constant 0 : index
        %swap3A_676 = tpu.vector_load %arg17[%swap3A_673, %swap3A_674, %swap3A_675] {strides = array<i32>} : memref<5x80x16xf32, #tpu.memory_space<vmem>>, vector<16xf32>,
        tpu.vector_store %arg17[%swap3A_673, %swap3A_674, %swap3A_675], %mul3A_671 {strides = array<i32>} : memref<5x80x16xf32, #tpu.memory_space<vmem>>, vector<16xf32>,
        %broadcast_in_dim3A_677 = arith.constant 8 : i32
        %broadcast_in_dim3A_678 = vector.broadcast %broadcast_in_dim3A_677 : i32 to vector<16xi32>
        %lt3A_679 = arith.constant 0 : i32
        %lt3A_680 = vector.broadcast %lt3A_679 : i32 to vector<16xi32>
        %lt3A_681 = arith.cmpi slt, %broadcast_in_dim3A_678, %lt3A_680 : vector<16xi32>
        %add3A_682 = arith.constant 16 : i32
        %add3A_683 = vector.broadcast %add3A_682 : i32 to vector<16xi32>
        %add3A_684 = arith.addi %broadcast_in_dim3A_678, %add3A_683 : vector<16xi32>
        %select_n3A_685 = arith.select %lt3A_681, %add3A_684, %broadcast_in_dim3A_678 : vector<16xi1>, vector<16xi32>
        %broadcast_in_dim3A_686 = vector.shape_cast %select_n3A_685 : vector<16xi32> to vector<16x1xi32>
        %gather3A_687 = vector.shape_cast %broadcast_in_dim3A_686 : vector<16x1xi32> to vector<16xi32>
        %gather3A_688 = tpu.dynamic_gather %mul3A_479[%gather3A_687] in [0] : vector<16xf32>, vector<16xi32> -> vector<16xf32>
        %add3A_689 = arith.constant 8 : i32
        %add3A_690 = arith.addi %mul3A_465, %add3A_689 : i32
        %get3A_691 = arith.constant 1 : i32
        %get3A_692 = arith.index_cast %get3A_691 : i32 to index
        %get3A_693 = arith.index_cast %add3A_690 : i32 to index
        %get3A_694 = arith.constant 0 : index
        %get3A_695 = tpu.vector_load %arg16[%get3A_692, %get3A_693, %get3A_694] {strides = array<i32>} : memref<5x80x16xf32, #tpu.memory_space<vmem>>, vector<16xf32>,
        %mul3A_696 = arith.mulf %get3A_695, %gather3A_688 : vector<16xf32>
        %swap3A_697 = arith.constant 1 : i32
        %swap3A_698 = arith.index_cast %swap3A_697 : i32 to index
        %swap3A_699 = arith.index_cast %add3A_690 : i32 to index
        %swap3A_700 = arith.constant 0 : index
        %swap3A_701 = tpu.vector_load %arg17[%swap3A_698, %swap3A_699, %swap3A_700] {strides = array<i32>} : memref<5x80x16xf32, #tpu.memory_space<vmem>>, vector<16xf32>,
        tpu.vector_store %arg17[%swap3A_698, %swap3A_699, %swap3A_700], %mul3A_696 {strides = array<i32>} : memref<5x80x16xf32, #tpu.memory_space<vmem>>, vector<16xf32>,
        %broadcast_in_dim3A_702 = arith.constant 9 : i32
        %broadcast_in_dim3A_703 = vector.broadcast %broadcast_in_dim3A_702 : i32 to vector<16xi32>
        %lt3A_704 = arith.constant 0 : i32
        %lt3A_705 = vector.broadcast %lt3A_704 : i32 to vector<16xi32>
        %lt3A_706 = arith.cmpi slt, %broadcast_in_dim3A_703, %lt3A_705 : vector<16xi32>
        %add3A_707 = arith.constant 16 : i32
        %add3A_708 = vector.broadcast %add3A_707 : i32 to vector<16xi32>
        %add3A_709 = arith.addi %broadcast_in_dim3A_703, %add3A_708 : vector<16xi32>
        %select_n3A_710 = arith.select %lt3A_706, %add3A_709, %broadcast_in_dim3A_703 : vector<16xi1>, vector<16xi32>
        %broadcast_in_dim3A_711 = vector.shape_cast %select_n3A_710 : vector<16xi32> to vector<16x1xi32>
        %gather3A_712 = vector.shape_cast %broadcast_in_dim3A_711 : vector<16x1xi32> to vector<16xi32>
        %gather3A_713 = tpu.dynamic_gather %mul3A_479[%gather3A_712] in [0] : vector<16xf32>, vector<16xi32> -> vector<16xf32>
        %add3A_714 = arith.constant 9 : i32
        %add3A_715 = arith.addi %mul3A_465, %add3A_714 : i32
        %get3A_716 = arith.constant 1 : i32
        %get3A_717 = arith.index_cast %get3A_716 : i32 to index
        %get3A_718 = arith.index_cast %add3A_715 : i32 to index
        %get3A_719 = arith.constant 0 : index
        %get3A_720 = tpu.vector_load %arg16[%get3A_717, %get3A_718, %get3A_719] {strides = array<i32>} : memref<5x80x16xf32, #tpu.memory_space<vmem>>, vector<16xf32>,
        %mul3A_721 = arith.mulf %get3A_720, %gather3A_713 : vector<16xf32>
        %swap3A_722 = arith.constant 1 : i32
        %swap3A_723 = arith.index_cast %swap3A_722 : i32 to index
        %swap3A_724 = arith.index_cast %add3A_715 : i32 to index
        %swap3A_725 = arith.constant 0 : index
        %swap3A_726 = tpu.vector_load %arg17[%swap3A_723, %swap3A_724, %swap3A_725] {strides = array<i32>} : memref<5x80x16xf32, #tpu.memory_space<vmem>>, vector<16xf32>,
        tpu.vector_store %arg17[%swap3A_723, %swap3A_724, %swap3A_725], %mul3A_721 {strides = array<i32>} : memref<5x80x16xf32, #tpu.memory_space<vmem>>, vector<16xf32>,
        %broadcast_in_dim3A_727 = arith.constant 10 : i32
        %broadcast_in_dim3A_728 = vector.broadcast %broadcast_in_dim3A_727 : i32 to vector<16xi32>
        %lt3A_729 = arith.constant 0 : i32
        %lt3A_730 = vector.broadcast %lt3A_729 : i32 to vector<16xi32>
        %lt3A_731 = arith.cmpi slt, %broadcast_in_dim3A_728, %lt3A_730 : vector<16xi32>
        %add3A_732 = arith.constant 16 : i32
        %add3A_733 = vector.broadcast %add3A_732 : i32 to vector<16xi32>
        %add3A_734 = arith.addi %broadcast_in_dim3A_728, %add3A_733 : vector<16xi32>
        %select_n3A_735 = arith.select %lt3A_731, %add3A_734, %broadcast_in_dim3A_728 : vector<16xi1>, vector<16xi32>
        %broadcast_in_dim3A_736 = vector.shape_cast %select_n3A_735 : vector<16xi32> to vector<16x1xi32>
        %gather3A_737 = vector.shape_cast %broadcast_in_dim3A_736 : vector<16x1xi32> to vector<16xi32>
        %gather3A_738 = tpu.dynamic_gather %mul3A_479[%gather3A_737] in [0] : vector<16xf32>, vector<16xi32> -> vector<16xf32>
        %add3A_739 = arith.constant 10 : i32
        %add3A_740 = arith.addi %mul3A_465, %add3A_739 : i32
        %get3A_741 = arith.constant 1 : i32
        %get3A_742 = arith.index_cast %get3A_741 : i32 to index
        %get3A_743 = arith.index_cast %add3A_740 : i32 to index
        %get3A_744 = arith.constant 0 : index
        %get3A_745 = tpu.vector_load %arg16[%get3A_742, %get3A_743, %get3A_744] {strides = array<i32>} : memref<5x80x16xf32, #tpu.memory_space<vmem>>, vector<16xf32>,
        %mul3A_746 = arith.mulf %get3A_745, %gather3A_738 : vector<16xf32>
        %swap3A_747 = arith.constant 1 : i32
        %swap3A_748 = arith.index_cast %swap3A_747 : i32 to index
        %swap3A_749 = arith.index_cast %add3A_740 : i32 to index
        %swap3A_750 = arith.constant 0 : index
        %swap3A_751 = tpu.vector_load %arg17[%swap3A_748, %swap3A_749, %swap3A_750] {strides = array<i32>} : memref<5x80x16xf32, #tpu.memory_space<vmem>>, vector<16xf32>,
        tpu.vector_store %arg17[%swap3A_748, %swap3A_749, %swap3A_750], %mul3A_746 {strides = array<i32>} : memref<5x80x16xf32, #tpu.memory_space<vmem>>, vector<16xf32>,
        %broadcast_in_dim3A_752 = arith.constant 11 : i32
        %broadcast_in_dim3A_753 = vector.broadcast %broadcast_in_dim3A_752 : i32 to vector<16xi32>
        %lt3A_754 = arith.constant 0 : i32
        %lt3A_755 = vector.broadcast %lt3A_754 : i32 to vector<16xi32>
        %lt3A_756 = arith.cmpi slt, %broadcast_in_dim3A_753, %lt3A_755 : vector<16xi32>
        %add3A_757 = arith.constant 16 : i32
        %add3A_758 = vector.broadcast %add3A_757 : i32 to vector<16xi32>
        %add3A_759 = arith.addi %broadcast_in_dim3A_753, %add3A_758 : vector<16xi32>
        %select_n3A_760 = arith.select %lt3A_756, %add3A_759, %broadcast_in_dim3A_753 : vector<16xi1>, vector<16xi32>
        %broadcast_in_dim3A_761 = vector.shape_cast %select_n3A_760 : vector<16xi32> to vector<16x1xi32>
        %gather3A_762 = vector.shape_cast %broadcast_in_dim3A_761 : vector<16x1xi32> to vector<16xi32>
        %gather3A_763 = tpu.dynamic_gather %mul3A_479[%gather3A_762] in [0] : vector<16xf32>, vector<16xi32> -> vector<16xf32>
        %add3A_764 = arith.constant 11 : i32
        %add3A_765 = arith.addi %mul3A_465, %add3A_764 : i32
        %get3A_766 = arith.constant 1 : i32
        %get3A_767 = arith.index_cast %get3A_766 : i32 to index
        %get3A_768 = arith.index_cast %add3A_765 : i32 to index
        %get3A_769 = arith.constant 0 : index
        %get3A_770 = tpu.vector_load %arg16[%get3A_767, %get3A_768, %get3A_769] {strides = array<i32>} : memref<5x80x16xf32, #tpu.memory_space<vmem>>, vector<16xf32>,
        %mul3A_771 = arith.mulf %get3A_770, %gather3A_763 : vector<16xf32>
        %swap3A_772 = arith.constant 1 : i32
        %swap3A_773 = arith.index_cast %swap3A_772 : i32 to index
        %swap3A_774 = arith.index_cast %add3A_765 : i32 to index
        %swap3A_775 = arith.constant 0 : index
        %swap3A_776 = tpu.vector_load %arg17[%swap3A_773, %swap3A_774, %swap3A_775] {strides = array<i32>} : memref<5x80x16xf32, #tpu.memory_space<vmem>>, vector<16xf32>,
        tpu.vector_store %arg17[%swap3A_773, %swap3A_774, %swap3A_775], %mul3A_771 {strides = array<i32>} : memref<5x80x16xf32, #tpu.memory_space<vmem>>, vector<16xf32>,
        %broadcast_in_dim3A_777 = arith.constant 12 : i32
        %broadcast_in_dim3A_778 = vector.broadcast %broadcast_in_dim3A_777 : i32 to vector<16xi32>
        %lt3A_779 = arith.constant 0 : i32
        %lt3A_780 = vector.broadcast %lt3A_779 : i32 to vector<16xi32>
        %lt3A_781 = arith.cmpi slt, %broadcast_in_dim3A_778, %lt3A_780 : vector<16xi32>
        %add3A_782 = arith.constant 16 : i32
        %add3A_783 = vector.broadcast %add3A_782 : i32 to vector<16xi32>
        %add3A_784 = arith.addi %broadcast_in_dim3A_778, %add3A_783 : vector<16xi32>
        %select_n3A_785 = arith.select %lt3A_781, %add3A_784, %broadcast_in_dim3A_778 : vector<16xi1>, vector<16xi32>
        %broadcast_in_dim3A_786 = vector.shape_cast %select_n3A_785 : vector<16xi32> to vector<16x1xi32>
        %gather3A_787 = vector.shape_cast %broadcast_in_dim3A_786 : vector<16x1xi32> to vector<16xi32>
        %gather3A_788 = tpu.dynamic_gather %mul3A_479[%gather3A_787] in [0] : vector<16xf32>, vector<16xi32> -> vector<16xf32>
        %add3A_789 = arith.constant 12 : i32
        %add3A_790 = arith.addi %mul3A_465, %add3A_789 : i32
        %get3A_791 = arith.constant 1 : i32
        %get3A_792 = arith.index_cast %get3A_791 : i32 to index
        %get3A_793 = arith.index_cast %add3A_790 : i32 to index
        %get3A_794 = arith.constant 0 : index
        %get3A_795 = tpu.vector_load %arg16[%get3A_792, %get3A_793, %get3A_794] {strides = array<i32>} : memref<5x80x16xf32, #tpu.memory_space<vmem>>, vector<16xf32>,
        %mul3A_796 = arith.mulf %get3A_795, %gather3A_788 : vector<16xf32>
        %swap3A_797 = arith.constant 1 : i32
        %swap3A_798 = arith.index_cast %swap3A_797 : i32 to index
        %swap3A_799 = arith.index_cast %add3A_790 : i32 to index
        %swap3A_800 = arith.constant 0 : index
        %swap3A_801 = tpu.vector_load %arg17[%swap3A_798, %swap3A_799, %swap3A_800] {strides = array<i32>} : memref<5x80x16xf32, #tpu.memory_space<vmem>>, vector<16xf32>,
        tpu.vector_store %arg17[%swap3A_798, %swap3A_799, %swap3A_800], %mul3A_796 {strides = array<i32>} : memref<5x80x16xf32, #tpu.memory_space<vmem>>, vector<16xf32>,
        %broadcast_in_dim3A_802 = arith.constant 13 : i32
        %broadcast_in_dim3A_803 = vector.broadcast %broadcast_in_dim3A_802 : i32 to vector<16xi32>
        %lt3A_804 = arith.constant 0 : i32
        %lt3A_805 = vector.broadcast %lt3A_804 : i32 to vector<16xi32>
        %lt3A_806 = arith.cmpi slt, %broadcast_in_dim3A_803, %lt3A_805 : vector<16xi32>
        %add3A_807 = arith.constant 16 : i32
        %add3A_808 = vector.broadcast %add3A_807 : i32 to vector<16xi32>
        %add3A_809 = arith.addi %broadcast_in_dim3A_803, %add3A_808 : vector<16xi32>
        %select_n3A_810 = arith.select %lt3A_806, %add3A_809, %broadcast_in_dim3A_803 : vector<16xi1>, vector<16xi32>
        %broadcast_in_dim3A_811 = vector.shape_cast %select_n3A_810 : vector<16xi32> to vector<16x1xi32>
        %gather3A_812 = vector.shape_cast %broadcast_in_dim3A_811 : vector<16x1xi32> to vector<16xi32>
        %gather3A_813 = tpu.dynamic_gather %mul3A_479[%gather3A_812] in [0] : vector<16xf32>, vector<16xi32> -> vector<16xf32>
        %add3A_814 = arith.constant 13 : i32
        %add3A_815 = arith.addi %mul3A_465, %add3A_814 : i32
        %get3A_816 = arith.constant 1 : i32
        %get3A_817 = arith.index_cast %get3A_816 : i32 to index
        %get3A_818 = arith.index_cast %add3A_815 : i32 to index
        %get3A_819 = arith.constant 0 : index
        %get3A_820 = tpu.vector_load %arg16[%get3A_817, %get3A_818, %get3A_819] {strides = array<i32>} : memref<5x80x16xf32, #tpu.memory_space<vmem>>, vector<16xf32>,
        %mul3A_821 = arith.mulf %get3A_820, %gather3A_813 : vector<16xf32>
        %swap3A_822 = arith.constant 1 : i32
        %swap3A_823 = arith.index_cast %swap3A_822 : i32 to index
        %swap3A_824 = arith.index_cast %add3A_815 : i32 to index
        %swap3A_825 = arith.constant 0 : index
        %swap3A_826 = tpu.vector_load %arg17[%swap3A_823, %swap3A_824, %swap3A_825] {strides = array<i32>} : memref<5x80x16xf32, #tpu.memory_space<vmem>>, vector<16xf32>,
        tpu.vector_store %arg17[%swap3A_823, %swap3A_824, %swap3A_825], %mul3A_821 {strides = array<i32>} : memref<5x80x16xf32, #tpu.memory_space<vmem>>, vector<16xf32>,
        %broadcast_in_dim3A_827 = arith.constant 14 : i32
        %broadcast_in_dim3A_828 = vector.broadcast %broadcast_in_dim3A_827 : i32 to vector<16xi32>
        %lt3A_829 = arith.constant 0 : i32
        %lt3A_830 = vector.broadcast %lt3A_829 : i32 to vector<16xi32>
        %lt3A_831 = arith.cmpi slt, %broadcast_in_dim3A_828, %lt3A_830 : vector<16xi32>
        %add3A_832 = arith.constant 16 : i32
        %add3A_833 = vector.broadcast %add3A_832 : i32 to vector<16xi32>
        %add3A_834 = arith.addi %broadcast_in_dim3A_828, %add3A_833 : vector<16xi32>
        %select_n3A_835 = arith.select %lt3A_831, %add3A_834, %broadcast_in_dim3A_828 : vector<16xi1>, vector<16xi32>
        %broadcast_in_dim3A_836 = vector.shape_cast %select_n3A_835 : vector<16xi32> to vector<16x1xi32>
        %gather3A_837 = vector.shape_cast %broadcast_in_dim3A_836 : vector<16x1xi32> to vector<16xi32>
        %gather3A_838 = tpu.dynamic_gather %mul3A_479[%gather3A_837] in [0] : vector<16xf32>, vector<16xi32> -> vector<16xf32>
        %add3A_839 = arith.constant 14 : i32
        %add3A_840 = arith.addi %mul3A_465, %add3A_839 : i32
        %get3A_841 = arith.constant 1 : i32
        %get3A_842 = arith.index_cast %get3A_841 : i32 to index
        %get3A_843 = arith.index_cast %add3A_840 : i32 to index
        %get3A_844 = arith.constant 0 : index
        %get3A_845 = tpu.vector_load %arg16[%get3A_842, %get3A_843, %get3A_844] {strides = array<i32>} : memref<5x80x16xf32, #tpu.memory_space<vmem>>, vector<16xf32>,
        %mul3A_846 = arith.mulf %get3A_845, %gather3A_838 : vector<16xf32>
        %swap3A_847 = arith.constant 1 : i32
        %swap3A_848 = arith.index_cast %swap3A_847 : i32 to index
        %swap3A_849 = arith.index_cast %add3A_840 : i32 to index
        %swap3A_850 = arith.constant 0 : index
        %swap3A_851 = tpu.vector_load %arg17[%swap3A_848, %swap3A_849, %swap3A_850] {strides = array<i32>} : memref<5x80x16xf32, #tpu.memory_space<vmem>>, vector<16xf32>,
        tpu.vector_store %arg17[%swap3A_848, %swap3A_849, %swap3A_850], %mul3A_846 {strides = array<i32>} : memref<5x80x16xf32, #tpu.memory_space<vmem>>, vector<16xf32>,
        %broadcast_in_dim3A_852 = arith.constant 15 : i32
        %broadcast_in_dim3A_853 = vector.broadcast %broadcast_in_dim3A_852 : i32 to vector<16xi32>
        %lt3A_854 = arith.constant 0 : i32
        %lt3A_855 = vector.broadcast %lt3A_854 : i32 to vector<16xi32>
        %lt3A_856 = arith.cmpi slt, %broadcast_in_dim3A_853, %lt3A_855 : vector<16xi32>
        %add3A_857 = arith.constant 16 : i32
        %add3A_858 = vector.broadcast %add3A_857 : i32 to vector<16xi32>
        %add3A_859 = arith.addi %broadcast_in_dim3A_853, %add3A_858 : vector<16xi32>
        %select_n3A_860 = arith.select %lt3A_856, %add3A_859, %broadcast_in_dim3A_853 : vector<16xi1>, vector<16xi32>
        %broadcast_in_dim3A_861 = vector.shape_cast %select_n3A_860 : vector<16xi32> to vector<16x1xi32>
        %gather3A_862 = vector.shape_cast %broadcast_in_dim3A_861 : vector<16x1xi32> to vector<16xi32>
        %gather3A_863 = tpu.dynamic_gather %mul3A_479[%gather3A_862] in [0] : vector<16xf32>, vector<16xi32> -> vector<16xf32>
        %add3A_864 = arith.constant 15 : i32
        %add3A_865 = arith.addi %mul3A_465, %add3A_864 : i32
        %get3A_866 = arith.constant 1 : i32
        %get3A_867 = arith.index_cast %get3A_866 : i32 to index
        %get3A_868 = arith.index_cast %add3A_865 : i32 to index
        %get3A_869 = arith.constant 0 : index
        %get3A_870 = tpu.vector_load %arg16[%get3A_867, %get3A_868, %get3A_869] {strides = array<i32>} : memref<5x80x16xf32, #tpu.memory_space<vmem>>, vector<16xf32>,
        %mul3A_871 = arith.mulf %get3A_870, %gather3A_863 : vector<16xf32>
        %swap3A_872 = arith.constant 1 : i32
        %swap3A_873 = arith.index_cast %swap3A_872 : i32 to index
        %swap3A_874 = arith.index_cast %add3A_865 : i32 to index
        %swap3A_875 = arith.constant 0 : index
        %swap3A_876 = tpu.vector_load %arg17[%swap3A_873, %swap3A_874, %swap3A_875] {strides = array<i32>} : memref<5x80x16xf32, #tpu.memory_space<vmem>>, vector<16xf32>,
        tpu.vector_store %arg17[%swap3A_873, %swap3A_874, %swap3A_875], %mul3A_871 {strides = array<i32>} : memref<5x80x16xf32, #tpu.memory_space<vmem>>, vector<16xf32>,
        %scan3A_877 = arith.constant 0 : i32
        scf.yield %scan3A_877 : i32
      }
      %scan3A_278 = arith.constant 5 : i32
      %dma_start3A_279 = arith.constant 1 : i32
      %dma_start3A_280 = arith.constant 1 : i32
      %dma_start3A_281 = arith.constant 0 : i32
      %dma_start3A_282 = arith.constant 0 : i32
      %dma_start3A_283 = tpu.memref_slice %arg17[%dma_start3A_279, %dma_start3A_281, %dma_start3A_282] : memref<5x80x16xf32, #tpu.memory_space<vmem>> -> memref<1x80x16xf32, #tpu.memory_space<vmem>>
      %dma_start3A_284 = tpu.memref_squeeze %dma_start3A_283 : memref<1x80x16xf32, #tpu.memory_space<vmem>> -> memref<80x16xf32, #tpu.memory_space<vmem>>
      %dma_start3A_285 = arith.constant 0 : i32
      %dma_start3A_286 = tpu.memref_slice %arg9[%arg0, %add3A_252, %dma_start3A_285] : memref<2x125x80xi32, #tpu.memory_space<vmem>> -> memref<1x1x80xi32, #tpu.memory_space<vmem>>
      %dma_start3A_287 = tpu.memref_squeeze %dma_start3A_286 : memref<1x1x80xi32, #tpu.memory_space<vmem>> -> memref<80xi32, #tpu.memory_space<vmem>>
      %dma_start3A_288 = arith.constant 0 : i32
      %dma_start3A_289 = arith.constant 0 : i32
      %dma_start3A_290 = tpu.memref_slice %arg21[%dma_start3A_288, %dma_start3A_289] : memref<10240x16xf32, #tpu.memory_space<vmem_shared>> -> memref<10240x16xf32, #tpu.memory_space<vmem_shared>>
      %dma_start3A_291 = tpu.memref_slice %arg23[%dma_start3A_280] : memref<5x!tpu.dma_semaphore, #tpu.memory_space<semaphore_mem>> -> memref<1x!tpu.dma_semaphore, #tpu.memory_space<semaphore_mem>>
      %dma_start3A_292 = tpu.memref_squeeze %dma_start3A_291 : memref<1x!tpu.dma_semaphore, #tpu.memory_space<semaphore_mem>> -> memref<!tpu.dma_semaphore, #tpu.memory_space<semaphore_mem>>
      tpu.enqueue_indirect_dma source(%dma_start3A_284 : memref<80x16xf32, #tpu.memory_space<vmem>>) target(%dma_start3A_290 : memref<10240x16xf32, #tpu.memory_space<vmem_shared>>) offsets(%dma_start3A_287 : memref<80xi32, #tpu.memory_space<vmem>>) semaphore(%dma_start3A_292 : memref<!tpu.dma_semaphore, #tpu.memory_space<semaphore_mem>>) {add = true}
      %add3A_293 = arith.constant 5 : i32
      %add3A_294 = arith.addi %add3A_252, %add3A_293 : i32
      %sub3A_295 = arith.constant 1 : i32
      %sub3A_296 = arith.subi %add3A_294, %sub3A_295 : i32
      %lt3A_297 = arith.constant 125 : i32
      %lt3A_298 = arith.cmpi slt, %sub3A_296, %lt3A_297 : i32
      %convert_element_type3A_299 = arith.extui %lt3A_298 : i1 to i32
      %cond3A_300 = arith.constant 0 : i32
      %cond3A_301 = arith.cmpi ne, %convert_element_type3A_299, %cond3A_300 : i32
      scf.if %cond3A_301 {
        %dma_start3A_462 = arith.constant 0 : i32
        %dma_start3A_463 = arith.constant 0 : i32
        %dma_start3A_464 = arith.constant 0 : i32
        %dma_start3A_465 = arith.constant 0 : i32
        %dma_start3A_466 = tpu.memref_slice %arg16[%dma_start3A_462, %dma_start3A_464, %dma_start3A_465] : memref<5x80x16xf32, #tpu.memory_space<vmem>> -> memref<1x80x16xf32, #tpu.memory_space<vmem>>
        %dma_start3A_467 = tpu.memref_squeeze %dma_start3A_466 : memref<1x80x16xf32, #tpu.memory_space<vmem>> -> memref<80x16xf32, #tpu.memory_space<vmem>>
        %dma_start3A_468 = arith.constant 0 : i32
        %dma_start3A_469 = tpu.memref_slice %arg8[%sub3A_296, %dma_start3A_468] : memref<125x80xi32, #tpu.memory_space<vmem>> -> memref<1x80xi32, #tpu.memory_space<vmem>>
        %dma_start3A_470 = tpu.memref_squeeze %dma_start3A_469 : memref<1x80xi32, #tpu.memory_space<vmem>> -> memref<80xi32, #tpu.memory_space<vmem>>
        %dma_start3A_471 = arith.constant 0 : i32
        %dma_start3A_472 = arith.constant 0 : i32
        %dma_start3A_473 = tpu.memref_slice %arg20[%dma_start3A_471, %dma_start3A_472] : memref<10240x16xf32, #tpu.memory_space<vmem_shared>> -> memref<10240x16xf32, #tpu.memory_space<vmem_shared>>
        %dma_start3A_474 = tpu.memref_slice %arg22[%dma_start3A_463] : memref<5x!tpu.dma_semaphore, #tpu.memory_space<semaphore_mem>> -> memref<1x!tpu.dma_semaphore, #tpu.memory_space<semaphore_mem>>
        %dma_start3A_475 = tpu.memref_squeeze %dma_start3A_474 : memref<1x!tpu.dma_semaphore, #tpu.memory_space<semaphore_mem>> -> memref<!tpu.dma_semaphore, #tpu.memory_space<semaphore_mem>>
        tpu.enqueue_indirect_dma source(%dma_start3A_473 : memref<10240x16xf32, #tpu.memory_space<vmem_shared>>) target(%dma_start3A_467 : memref<80x16xf32, #tpu.memory_space<vmem>>) offsets(%dma_start3A_470 : memref<80xi32, #tpu.memory_space<vmem>>) semaphore(%dma_start3A_475 : memref<!tpu.dma_semaphore, #tpu.memory_space<semaphore_mem>>)
      } else {
      }
      %mul3A_302 = arith.constant 5 : i32
      %mul3A_303 = arith.muli %scan3A_197, %mul3A_302 : i32
      %add3A_304 = arith.constant 2 : i32
      %add3A_305 = arith.addi %mul3A_303, %add3A_304 : i32
      %dma_wait3A_306 = arith.constant 2 : i32
      %dma_wait3A_307 = arith.constant 2 : i32
      %dma_wait3A_308 = arith.constant 0 : i32
      %dma_wait3A_309 = arith.constant 0 : i32
      %dma_wait3A_310 = tpu.memref_slice %arg16[%dma_wait3A_306, %dma_wait3A_308, %dma_wait3A_309] : memref<5x80x16xf32, #tpu.memory_space<vmem>> -> memref<1x80x16xf32, #tpu.memory_space<vmem>>
      %dma_wait3A_311 = tpu.memref_squeeze %dma_wait3A_310 : memref<1x80x16xf32, #tpu.memory_space<vmem>> -> memref<80x16xf32, #tpu.memory_space<vmem>>
      %dma_wait3A_312 = arith.constant 0 : i32
      %dma_wait3A_313 = tpu.memref_slice %arg8[%add3A_305, %dma_wait3A_312] : memref<125x80xi32, #tpu.memory_space<vmem>> -> memref<1x80xi32, #tpu.memory_space<vmem>>
      %dma_wait3A_314 = tpu.memref_squeeze %dma_wait3A_313 : memref<1x80xi32, #tpu.memory_space<vmem>> -> memref<80xi32, #tpu.memory_space<vmem>>
      %dma_wait3A_315 = arith.constant 0 : i32
      %dma_wait3A_316 = arith.constant 0 : i32
      %dma_wait3A_317 = tpu.memref_slice %arg20[%dma_wait3A_315, %dma_wait3A_316] : memref<10240x16xf32, #tpu.memory_space<vmem_shared>> -> memref<10240x16xf32, #tpu.memory_space<vmem_shared>>
      %dma_wait3A_318 = tpu.memref_slice %arg22[%dma_wait3A_307] : memref<5x!tpu.dma_semaphore, #tpu.memory_space<semaphore_mem>> -> memref<1x!tpu.dma_semaphore, #tpu.memory_space<semaphore_mem>>
      %dma_wait3A_319 = tpu.memref_squeeze %dma_wait3A_318 : memref<1x!tpu.dma_semaphore, #tpu.memory_space<semaphore_mem>> -> memref<!tpu.dma_semaphore, #tpu.memory_space<semaphore_mem>>
      tpu.wait_indirect_dma semaphore(%dma_wait3A_319 : memref<!tpu.dma_semaphore, #tpu.memory_space<semaphore_mem>>) src(%dma_wait3A_317 : memref<10240x16xf32, #tpu.memory_space<vmem_shared>>) dst(%dma_wait3A_311 : memref<80x16xf32, #tpu.memory_space<vmem>>)
      %gt3A_320 = arith.constant 0 : i32
      %gt3A_321 = arith.cmpi sgt, %scan3A_197, %gt3A_320 : i32
      %convert_element_type3A_322 = arith.extui %gt3A_321 : i1 to i32
      %cond3A_323 = arith.constant 0 : i32
      %cond3A_324 = arith.cmpi ne, %convert_element_type3A_322, %cond3A_323 : i32
      scf.if %cond3A_324 {
        %dma_wait3A_462 = arith.constant 2 : i32
        %dma_wait3A_463 = arith.constant 2 : i32
        %dma_wait3A_464 = arith.constant 0 : i32
        %dma_wait3A_465 = arith.constant 0 : i32
        %dma_wait3A_466 = tpu.memref_slice %arg17[%dma_wait3A_462, %dma_wait3A_464, %dma_wait3A_465] : memref<5x80x16xf32, #tpu.memory_space<vmem>> -> memref<1x80x16xf32, #tpu.memory_space<vmem>>
        %dma_wait3A_467 = tpu.memref_squeeze %dma_wait3A_466 : memref<1x80x16xf32, #tpu.memory_space<vmem>> -> memref<80x16xf32, #tpu.memory_space<vmem>>
        %dma_wait3A_468 = arith.constant 0 : i32
        %dma_wait3A_469 = tpu.memref_slice %arg9[%arg0, %add3A_305, %dma_wait3A_468] : memref<2x125x80xi32, #tpu.memory_space<vmem>> -> memref<1x1x80xi32, #tpu.memory_space<vmem>>
        %dma_wait3A_470 = tpu.memref_squeeze %dma_wait3A_469 : memref<1x1x80xi32, #tpu.memory_space<vmem>> -> memref<80xi32, #tpu.memory_space<vmem>>
        %dma_wait3A_471 = arith.constant 0 : i32
        %dma_wait3A_472 = arith.constant 0 : i32
        %dma_wait3A_473 = tpu.memref_slice %arg21[%dma_wait3A_471, %dma_wait3A_472] : memref<10240x16xf32, #tpu.memory_space<vmem_shared>> -> memref<10240x16xf32, #tpu.memory_space<vmem_shared>>
        %dma_wait3A_474 = tpu.memref_slice %arg23[%dma_wait3A_463] : memref<5x!tpu.dma_semaphore, #tpu.memory_space<semaphore_mem>> -> memref<1x!tpu.dma_semaphore, #tpu.memory_space<semaphore_mem>>
        %dma_wait3A_475 = tpu.memref_squeeze %dma_wait3A_474 : memref<1x!tpu.dma_semaphore, #tpu.memory_space<semaphore_mem>> -> memref<!tpu.dma_semaphore, #tpu.memory_space<semaphore_mem>>
        tpu.wait_indirect_dma semaphore(%dma_wait3A_475 : memref<!tpu.dma_semaphore, #tpu.memory_space<semaphore_mem>>) src(%dma_wait3A_467 : memref<80x16xf32, #tpu.memory_space<vmem>>) dst(%dma_wait3A_473 : memref<10240x16xf32, #tpu.memory_space<vmem_shared>>)
      } else {
      }
      %scan3A_325 = arith.constant 0 : i32
      %scan3A_326 = arith.constant 0 : i32
      %scan3A_327 = arith.constant 5 : i32
      %scan3A_328 = arith.addi %scan3A_326, %scan3A_327 : i32
      %scan3A_329 = arith.constant 1 : i32
      %scan3A_330 = scf.for %scan3A_462 = %scan3A_326 to %scan3A_328 step %scan3A_329 iter_args(%scan3A_463 = %scan3A_325) -> (i32)  : i32 {
        %mul3A_464 = arith.constant 16 : i32
        %mul3A_465 = arith.muli %scan3A_462, %mul3A_464 : i32
        %get3A_466 = arith.index_cast %add3A_305 : i32 to index
        %get3A_467 = arith.index_cast %mul3A_465 : i32 to index
        %get3A_468 = tpu.vector_load %arg8[%get3A_466, %get3A_467] {strides = array<i32>} : memref<125x80xi32, #tpu.memory_space<vmem>>, vector<16xi32>,
        %get3A_469 = arith.index_cast %arg0 : i32 to index
        %get3A_470 = arith.index_cast %add3A_305 : i32 to index
        %get3A_471 = arith.index_cast %mul3A_465 : i32 to index
        %get3A_472 = tpu.vector_load %arg9[%get3A_469, %get3A_470, %get3A_471] {strides = array<i32>} : memref<2x125x80xi32, #tpu.memory_space<vmem>>, vector<16xi32>,
        %get3A_473 = arith.index_cast %arg0 : i32 to index
        %get3A_474 = arith.index_cast %add3A_305 : i32 to index
        %get3A_475 = arith.index_cast %mul3A_465 : i32 to index
        %get3A_476 = tpu.vector_load %arg10[%get3A_473, %get3A_474, %get3A_475] {strides = array<i32>} : memref<2x125x80xf32, #tpu.memory_space<vmem>>, vector<16xf32>,
        %gather3A = tpu.vector_load_idx %arg13[%get3A_468] : memref<10240xf32, #tpu.memory_space<vmem>>[vector<16xi32>], vector<16xf32>,
        %mul3A_477 = arith.mulf %gather3A, %get3A_476 : vector<16xf32>
        %gather3A_478 = tpu.vector_load_idx %arg13[%get3A_472] : memref<10240xf32, #tpu.memory_space<vmem>>[vector<16xi32>], vector<16xf32>,
        %mul3A_479 = arith.mulf %mul3A_477, %gather3A_478 : vector<16xf32>
        %broadcast_in_dim3A = arith.constant 0 : i32
        %broadcast_in_dim3A_480 = vector.broadcast %broadcast_in_dim3A : i32 to vector<16xi32>
        %lt3A_481 = arith.constant 0 : i32
        %lt3A_482 = vector.broadcast %lt3A_481 : i32 to vector<16xi32>
        %lt3A_483 = arith.cmpi slt, %broadcast_in_dim3A_480, %lt3A_482 : vector<16xi32>
        %add3A_484 = arith.constant 16 : i32
        %add3A_485 = vector.broadcast %add3A_484 : i32 to vector<16xi32>
        %add3A_486 = arith.addi %broadcast_in_dim3A_480, %add3A_485 : vector<16xi32>
        %select_n3A = arith.select %lt3A_483, %add3A_486, %broadcast_in_dim3A_480 : vector<16xi1>, vector<16xi32>
        %broadcast_in_dim3A_487 = vector.shape_cast %select_n3A : vector<16xi32> to vector<16x1xi32>
        %gather3A_488 = vector.shape_cast %broadcast_in_dim3A_487 : vector<16x1xi32> to vector<16xi32>
        %gather3A_489 = tpu.dynamic_gather %mul3A_479[%gather3A_488] in [0] : vector<16xf32>, vector<16xi32> -> vector<16xf32>
        %add3A_490 = arith.constant 0 : i32
        %add3A_491 = arith.addi %mul3A_465, %add3A_490 : i32
        %get3A_492 = arith.constant 2 : i32
        %get3A_493 = arith.index_cast %get3A_492 : i32 to index
        %get3A_494 = arith.index_cast %add3A_491 : i32 to index
        %get3A_495 = arith.constant 0 : index
        %get3A_496 = tpu.vector_load %arg16[%get3A_493, %get3A_494, %get3A_495] {strides = array<i32>} : memref<5x80x16xf32, #tpu.memory_space<vmem>>, vector<16xf32>,
        %mul3A_497 = arith.mulf %get3A_496, %gather3A_489 : vector<16xf32>
        %swap3A = arith.constant 2 : i32
        %swap3A_498 = arith.index_cast %swap3A : i32 to index
        %swap3A_499 = arith.index_cast %add3A_491 : i32 to index
        %swap3A_500 = arith.constant 0 : index
        %swap3A_501 = tpu.vector_load %arg17[%swap3A_498, %swap3A_499, %swap3A_500] {strides = array<i32>} : memref<5x80x16xf32, #tpu.memory_space<vmem>>, vector<16xf32>,
        tpu.vector_store %arg17[%swap3A_498, %swap3A_499, %swap3A_500], %mul3A_497 {strides = array<i32>} : memref<5x80x16xf32, #tpu.memory_space<vmem>>, vector<16xf32>,
        %broadcast_in_dim3A_502 = arith.constant 1 : i32
        %broadcast_in_dim3A_503 = vector.broadcast %broadcast_in_dim3A_502 : i32 to vector<16xi32>
        %lt3A_504 = arith.constant 0 : i32
        %lt3A_505 = vector.broadcast %lt3A_504 : i32 to vector<16xi32>
        %lt3A_506 = arith.cmpi slt, %broadcast_in_dim3A_503, %lt3A_505 : vector<16xi32>
        %add3A_507 = arith.constant 16 : i32
        %add3A_508 = vector.broadcast %add3A_507 : i32 to vector<16xi32>
        %add3A_509 = arith.addi %broadcast_in_dim3A_503, %add3A_508 : vector<16xi32>
        %select_n3A_510 = arith.select %lt3A_506, %add3A_509, %broadcast_in_dim3A_503 : vector<16xi1>, vector<16xi32>
        %broadcast_in_dim3A_511 = vector.shape_cast %select_n3A_510 : vector<16xi32> to vector<16x1xi32>
        %gather3A_512 = vector.shape_cast %broadcast_in_dim3A_511 : vector<16x1xi32> to vector<16xi32>
        %gather3A_513 = tpu.dynamic_gather %mul3A_479[%gather3A_512] in [0] : vector<16xf32>, vector<16xi32> -> vector<16xf32>
        %add3A_514 = arith.constant 1 : i32
        %add3A_515 = arith.addi %mul3A_465, %add3A_514 : i32
        %get3A_516 = arith.constant 2 : i32
        %get3A_517 = arith.index_cast %get3A_516 : i32 to index
        %get3A_518 = arith.index_cast %add3A_515 : i32 to index
        %get3A_519 = arith.constant 0 : index
        %get3A_520 = tpu.vector_load %arg16[%get3A_517, %get3A_518, %get3A_519] {strides = array<i32>} : memref<5x80x16xf32, #tpu.memory_space<vmem>>, vector<16xf32>,
        %mul3A_521 = arith.mulf %get3A_520, %gather3A_513 : vector<16xf32>
        %swap3A_522 = arith.constant 2 : i32
        %swap3A_523 = arith.index_cast %swap3A_522 : i32 to index
        %swap3A_524 = arith.index_cast %add3A_515 : i32 to index
        %swap3A_525 = arith.constant 0 : index
        %swap3A_526 = tpu.vector_load %arg17[%swap3A_523, %swap3A_524, %swap3A_525] {strides = array<i32>} : memref<5x80x16xf32, #tpu.memory_space<vmem>>, vector<16xf32>,
        tpu.vector_store %arg17[%swap3A_523, %swap3A_524, %swap3A_525], %mul3A_521 {strides = array<i32>} : memref<5x80x16xf32, #tpu.memory_space<vmem>>, vector<16xf32>,
        %broadcast_in_dim3A_527 = arith.constant 2 : i32
        %broadcast_in_dim3A_528 = vector.broadcast %broadcast_in_dim3A_527 : i32 to vector<16xi32>
        %lt3A_529 = arith.constant 0 : i32
        %lt3A_530 = vector.broadcast %lt3A_529 : i32 to vector<16xi32>
        %lt3A_531 = arith.cmpi slt, %broadcast_in_dim3A_528, %lt3A_530 : vector<16xi32>
        %add3A_532 = arith.constant 16 : i32
        %add3A_533 = vector.broadcast %add3A_532 : i32 to vector<16xi32>
        %add3A_534 = arith.addi %broadcast_in_dim3A_528, %add3A_533 : vector<16xi32>
        %select_n3A_535 = arith.select %lt3A_531, %add3A_534, %broadcast_in_dim3A_528 : vector<16xi1>, vector<16xi32>
        %broadcast_in_dim3A_536 = vector.shape_cast %select_n3A_535 : vector<16xi32> to vector<16x1xi32>
        %gather3A_537 = vector.shape_cast %broadcast_in_dim3A_536 : vector<16x1xi32> to vector<16xi32>
        %gather3A_538 = tpu.dynamic_gather %mul3A_479[%gather3A_537] in [0] : vector<16xf32>, vector<16xi32> -> vector<16xf32>
        %add3A_539 = arith.constant 2 : i32
        %add3A_540 = arith.addi %mul3A_465, %add3A_539 : i32
        %get3A_541 = arith.constant 2 : i32
        %get3A_542 = arith.index_cast %get3A_541 : i32 to index
        %get3A_543 = arith.index_cast %add3A_540 : i32 to index
        %get3A_544 = arith.constant 0 : index
        %get3A_545 = tpu.vector_load %arg16[%get3A_542, %get3A_543, %get3A_544] {strides = array<i32>} : memref<5x80x16xf32, #tpu.memory_space<vmem>>, vector<16xf32>,
        %mul3A_546 = arith.mulf %get3A_545, %gather3A_538 : vector<16xf32>
        %swap3A_547 = arith.constant 2 : i32
        %swap3A_548 = arith.index_cast %swap3A_547 : i32 to index
        %swap3A_549 = arith.index_cast %add3A_540 : i32 to index
        %swap3A_550 = arith.constant 0 : index
        %swap3A_551 = tpu.vector_load %arg17[%swap3A_548, %swap3A_549, %swap3A_550] {strides = array<i32>} : memref<5x80x16xf32, #tpu.memory_space<vmem>>, vector<16xf32>,
        tpu.vector_store %arg17[%swap3A_548, %swap3A_549, %swap3A_550], %mul3A_546 {strides = array<i32>} : memref<5x80x16xf32, #tpu.memory_space<vmem>>, vector<16xf32>,
        %broadcast_in_dim3A_552 = arith.constant 3 : i32
        %broadcast_in_dim3A_553 = vector.broadcast %broadcast_in_dim3A_552 : i32 to vector<16xi32>
        %lt3A_554 = arith.constant 0 : i32
        %lt3A_555 = vector.broadcast %lt3A_554 : i32 to vector<16xi32>
        %lt3A_556 = arith.cmpi slt, %broadcast_in_dim3A_553, %lt3A_555 : vector<16xi32>
        %add3A_557 = arith.constant 16 : i32
        %add3A_558 = vector.broadcast %add3A_557 : i32 to vector<16xi32>
        %add3A_559 = arith.addi %broadcast_in_dim3A_553, %add3A_558 : vector<16xi32>
        %select_n3A_560 = arith.select %lt3A_556, %add3A_559, %broadcast_in_dim3A_553 : vector<16xi1>, vector<16xi32>
        %broadcast_in_dim3A_561 = vector.shape_cast %select_n3A_560 : vector<16xi32> to vector<16x1xi32>
        %gather3A_562 = vector.shape_cast %broadcast_in_dim3A_561 : vector<16x1xi32> to vector<16xi32>
        %gather3A_563 = tpu.dynamic_gather %mul3A_479[%gather3A_562] in [0] : vector<16xf32>, vector<16xi32> -> vector<16xf32>
        %add3A_564 = arith.constant 3 : i32
        %add3A_565 = arith.addi %mul3A_465, %add3A_564 : i32
        %get3A_566 = arith.constant 2 : i32
        %get3A_567 = arith.index_cast %get3A_566 : i32 to index
        %get3A_568 = arith.index_cast %add3A_565 : i32 to index
        %get3A_569 = arith.constant 0 : index
        %get3A_570 = tpu.vector_load %arg16[%get3A_567, %get3A_568, %get3A_569] {strides = array<i32>} : memref<5x80x16xf32, #tpu.memory_space<vmem>>, vector<16xf32>,
        %mul3A_571 = arith.mulf %get3A_570, %gather3A_563 : vector<16xf32>
        %swap3A_572 = arith.constant 2 : i32
        %swap3A_573 = arith.index_cast %swap3A_572 : i32 to index
        %swap3A_574 = arith.index_cast %add3A_565 : i32 to index
        %swap3A_575 = arith.constant 0 : index
        %swap3A_576 = tpu.vector_load %arg17[%swap3A_573, %swap3A_574, %swap3A_575] {strides = array<i32>} : memref<5x80x16xf32, #tpu.memory_space<vmem>>, vector<16xf32>,
        tpu.vector_store %arg17[%swap3A_573, %swap3A_574, %swap3A_575], %mul3A_571 {strides = array<i32>} : memref<5x80x16xf32, #tpu.memory_space<vmem>>, vector<16xf32>,
        %broadcast_in_dim3A_577 = arith.constant 4 : i32
        %broadcast_in_dim3A_578 = vector.broadcast %broadcast_in_dim3A_577 : i32 to vector<16xi32>
        %lt3A_579 = arith.constant 0 : i32
        %lt3A_580 = vector.broadcast %lt3A_579 : i32 to vector<16xi32>
        %lt3A_581 = arith.cmpi slt, %broadcast_in_dim3A_578, %lt3A_580 : vector<16xi32>
        %add3A_582 = arith.constant 16 : i32
        %add3A_583 = vector.broadcast %add3A_582 : i32 to vector<16xi32>
        %add3A_584 = arith.addi %broadcast_in_dim3A_578, %add3A_583 : vector<16xi32>
        %select_n3A_585 = arith.select %lt3A_581, %add3A_584, %broadcast_in_dim3A_578 : vector<16xi1>, vector<16xi32>
        %broadcast_in_dim3A_586 = vector.shape_cast %select_n3A_585 : vector<16xi32> to vector<16x1xi32>
        %gather3A_587 = vector.shape_cast %broadcast_in_dim3A_586 : vector<16x1xi32> to vector<16xi32>
        %gather3A_588 = tpu.dynamic_gather %mul3A_479[%gather3A_587] in [0] : vector<16xf32>, vector<16xi32> -> vector<16xf32>
        %add3A_589 = arith.constant 4 : i32
        %add3A_590 = arith.addi %mul3A_465, %add3A_589 : i32
        %get3A_591 = arith.constant 2 : i32
        %get3A_592 = arith.index_cast %get3A_591 : i32 to index
        %get3A_593 = arith.index_cast %add3A_590 : i32 to index
        %get3A_594 = arith.constant 0 : index
        %get3A_595 = tpu.vector_load %arg16[%get3A_592, %get3A_593, %get3A_594] {strides = array<i32>} : memref<5x80x16xf32, #tpu.memory_space<vmem>>, vector<16xf32>,
        %mul3A_596 = arith.mulf %get3A_595, %gather3A_588 : vector<16xf32>
        %swap3A_597 = arith.constant 2 : i32
        %swap3A_598 = arith.index_cast %swap3A_597 : i32 to index
        %swap3A_599 = arith.index_cast %add3A_590 : i32 to index
        %swap3A_600 = arith.constant 0 : index
        %swap3A_601 = tpu.vector_load %arg17[%swap3A_598, %swap3A_599, %swap3A_600] {strides = array<i32>} : memref<5x80x16xf32, #tpu.memory_space<vmem>>, vector<16xf32>,
        tpu.vector_store %arg17[%swap3A_598, %swap3A_599, %swap3A_600], %mul3A_596 {strides = array<i32>} : memref<5x80x16xf32, #tpu.memory_space<vmem>>, vector<16xf32>,
        %broadcast_in_dim3A_602 = arith.constant 5 : i32
        %broadcast_in_dim3A_603 = vector.broadcast %broadcast_in_dim3A_602 : i32 to vector<16xi32>
        %lt3A_604 = arith.constant 0 : i32
        %lt3A_605 = vector.broadcast %lt3A_604 : i32 to vector<16xi32>
        %lt3A_606 = arith.cmpi slt, %broadcast_in_dim3A_603, %lt3A_605 : vector<16xi32>
        %add3A_607 = arith.constant 16 : i32
        %add3A_608 = vector.broadcast %add3A_607 : i32 to vector<16xi32>
        %add3A_609 = arith.addi %broadcast_in_dim3A_603, %add3A_608 : vector<16xi32>
        %select_n3A_610 = arith.select %lt3A_606, %add3A_609, %broadcast_in_dim3A_603 : vector<16xi1>, vector<16xi32>
        %broadcast_in_dim3A_611 = vector.shape_cast %select_n3A_610 : vector<16xi32> to vector<16x1xi32>
        %gather3A_612 = vector.shape_cast %broadcast_in_dim3A_611 : vector<16x1xi32> to vector<16xi32>
        %gather3A_613 = tpu.dynamic_gather %mul3A_479[%gather3A_612] in [0] : vector<16xf32>, vector<16xi32> -> vector<16xf32>
        %add3A_614 = arith.constant 5 : i32
        %add3A_615 = arith.addi %mul3A_465, %add3A_614 : i32
        %get3A_616 = arith.constant 2 : i32
        %get3A_617 = arith.index_cast %get3A_616 : i32 to index
        %get3A_618 = arith.index_cast %add3A_615 : i32 to index
        %get3A_619 = arith.constant 0 : index
        %get3A_620 = tpu.vector_load %arg16[%get3A_617, %get3A_618, %get3A_619] {strides = array<i32>} : memref<5x80x16xf32, #tpu.memory_space<vmem>>, vector<16xf32>,
        %mul3A_621 = arith.mulf %get3A_620, %gather3A_613 : vector<16xf32>
        %swap3A_622 = arith.constant 2 : i32
        %swap3A_623 = arith.index_cast %swap3A_622 : i32 to index
        %swap3A_624 = arith.index_cast %add3A_615 : i32 to index
        %swap3A_625 = arith.constant 0 : index
        %swap3A_626 = tpu.vector_load %arg17[%swap3A_623, %swap3A_624, %swap3A_625] {strides = array<i32>} : memref<5x80x16xf32, #tpu.memory_space<vmem>>, vector<16xf32>,
        tpu.vector_store %arg17[%swap3A_623, %swap3A_624, %swap3A_625], %mul3A_621 {strides = array<i32>} : memref<5x80x16xf32, #tpu.memory_space<vmem>>, vector<16xf32>,
        %broadcast_in_dim3A_627 = arith.constant 6 : i32
        %broadcast_in_dim3A_628 = vector.broadcast %broadcast_in_dim3A_627 : i32 to vector<16xi32>
        %lt3A_629 = arith.constant 0 : i32
        %lt3A_630 = vector.broadcast %lt3A_629 : i32 to vector<16xi32>
        %lt3A_631 = arith.cmpi slt, %broadcast_in_dim3A_628, %lt3A_630 : vector<16xi32>
        %add3A_632 = arith.constant 16 : i32
        %add3A_633 = vector.broadcast %add3A_632 : i32 to vector<16xi32>
        %add3A_634 = arith.addi %broadcast_in_dim3A_628, %add3A_633 : vector<16xi32>
        %select_n3A_635 = arith.select %lt3A_631, %add3A_634, %broadcast_in_dim3A_628 : vector<16xi1>, vector<16xi32>
        %broadcast_in_dim3A_636 = vector.shape_cast %select_n3A_635 : vector<16xi32> to vector<16x1xi32>
        %gather3A_637 = vector.shape_cast %broadcast_in_dim3A_636 : vector<16x1xi32> to vector<16xi32>
        %gather3A_638 = tpu.dynamic_gather %mul3A_479[%gather3A_637] in [0] : vector<16xf32>, vector<16xi32> -> vector<16xf32>
        %add3A_639 = arith.constant 6 : i32
        %add3A_640 = arith.addi %mul3A_465, %add3A_639 : i32
        %get3A_641 = arith.constant 2 : i32
        %get3A_642 = arith.index_cast %get3A_641 : i32 to index
        %get3A_643 = arith.index_cast %add3A_640 : i32 to index
        %get3A_644 = arith.constant 0 : index
        %get3A_645 = tpu.vector_load %arg16[%get3A_642, %get3A_643, %get3A_644] {strides = array<i32>} : memref<5x80x16xf32, #tpu.memory_space<vmem>>, vector<16xf32>,
        %mul3A_646 = arith.mulf %get3A_645, %gather3A_638 : vector<16xf32>
        %swap3A_647 = arith.constant 2 : i32
        %swap3A_648 = arith.index_cast %swap3A_647 : i32 to index
        %swap3A_649 = arith.index_cast %add3A_640 : i32 to index
        %swap3A_650 = arith.constant 0 : index
        %swap3A_651 = tpu.vector_load %arg17[%swap3A_648, %swap3A_649, %swap3A_650] {strides = array<i32>} : memref<5x80x16xf32, #tpu.memory_space<vmem>>, vector<16xf32>,
        tpu.vector_store %arg17[%swap3A_648, %swap3A_649, %swap3A_650], %mul3A_646 {strides = array<i32>} : memref<5x80x16xf32, #tpu.memory_space<vmem>>, vector<16xf32>,
        %broadcast_in_dim3A_652 = arith.constant 7 : i32
        %broadcast_in_dim3A_653 = vector.broadcast %broadcast_in_dim3A_652 : i32 to vector<16xi32>
        %lt3A_654 = arith.constant 0 : i32
        %lt3A_655 = vector.broadcast %lt3A_654 : i32 to vector<16xi32>
        %lt3A_656 = arith.cmpi slt, %broadcast_in_dim3A_653, %lt3A_655 : vector<16xi32>
        %add3A_657 = arith.constant 16 : i32
        %add3A_658 = vector.broadcast %add3A_657 : i32 to vector<16xi32>
        %add3A_659 = arith.addi %broadcast_in_dim3A_653, %add3A_658 : vector<16xi32>
        %select_n3A_660 = arith.select %lt3A_656, %add3A_659, %broadcast_in_dim3A_653 : vector<16xi1>, vector<16xi32>
        %broadcast_in_dim3A_661 = vector.shape_cast %select_n3A_660 : vector<16xi32> to vector<16x1xi32>
        %gather3A_662 = vector.shape_cast %broadcast_in_dim3A_661 : vector<16x1xi32> to vector<16xi32>
        %gather3A_663 = tpu.dynamic_gather %mul3A_479[%gather3A_662] in [0] : vector<16xf32>, vector<16xi32> -> vector<16xf32>
        %add3A_664 = arith.constant 7 : i32
        %add3A_665 = arith.addi %mul3A_465, %add3A_664 : i32
        %get3A_666 = arith.constant 2 : i32
        %get3A_667 = arith.index_cast %get3A_666 : i32 to index
        %get3A_668 = arith.index_cast %add3A_665 : i32 to index
        %get3A_669 = arith.constant 0 : index
        %get3A_670 = tpu.vector_load %arg16[%get3A_667, %get3A_668, %get3A_669] {strides = array<i32>} : memref<5x80x16xf32, #tpu.memory_space<vmem>>, vector<16xf32>,
        %mul3A_671 = arith.mulf %get3A_670, %gather3A_663 : vector<16xf32>
        %swap3A_672 = arith.constant 2 : i32
        %swap3A_673 = arith.index_cast %swap3A_672 : i32 to index
        %swap3A_674 = arith.index_cast %add3A_665 : i32 to index
        %swap3A_675 = arith.constant 0 : index
        %swap3A_676 = tpu.vector_load %arg17[%swap3A_673, %swap3A_674, %swap3A_675] {strides = array<i32>} : memref<5x80x16xf32, #tpu.memory_space<vmem>>, vector<16xf32>,
        tpu.vector_store %arg17[%swap3A_673, %swap3A_674, %swap3A_675], %mul3A_671 {strides = array<i32>} : memref<5x80x16xf32, #tpu.memory_space<vmem>>, vector<16xf32>,
        %broadcast_in_dim3A_677 = arith.constant 8 : i32
        %broadcast_in_dim3A_678 = vector.broadcast %broadcast_in_dim3A_677 : i32 to vector<16xi32>
        %lt3A_679 = arith.constant 0 : i32
        %lt3A_680 = vector.broadcast %lt3A_679 : i32 to vector<16xi32>
        %lt3A_681 = arith.cmpi slt, %broadcast_in_dim3A_678, %lt3A_680 : vector<16xi32>
        %add3A_682 = arith.constant 16 : i32
        %add3A_683 = vector.broadcast %add3A_682 : i32 to vector<16xi32>
        %add3A_684 = arith.addi %broadcast_in_dim3A_678, %add3A_683 : vector<16xi32>
        %select_n3A_685 = arith.select %lt3A_681, %add3A_684, %broadcast_in_dim3A_678 : vector<16xi1>, vector<16xi32>
        %broadcast_in_dim3A_686 = vector.shape_cast %select_n3A_685 : vector<16xi32> to vector<16x1xi32>
        %gather3A_687 = vector.shape_cast %broadcast_in_dim3A_686 : vector<16x1xi32> to vector<16xi32>
        %gather3A_688 = tpu.dynamic_gather %mul3A_479[%gather3A_687] in [0] : vector<16xf32>, vector<16xi32> -> vector<16xf32>
        %add3A_689 = arith.constant 8 : i32
        %add3A_690 = arith.addi %mul3A_465, %add3A_689 : i32
        %get3A_691 = arith.constant 2 : i32
        %get3A_692 = arith.index_cast %get3A_691 : i32 to index
        %get3A_693 = arith.index_cast %add3A_690 : i32 to index
        %get3A_694 = arith.constant 0 : index
        %get3A_695 = tpu.vector_load %arg16[%get3A_692, %get3A_693, %get3A_694] {strides = array<i32>} : memref<5x80x16xf32, #tpu.memory_space<vmem>>, vector<16xf32>,
        %mul3A_696 = arith.mulf %get3A_695, %gather3A_688 : vector<16xf32>
        %swap3A_697 = arith.constant 2 : i32
        %swap3A_698 = arith.index_cast %swap3A_697 : i32 to index
        %swap3A_699 = arith.index_cast %add3A_690 : i32 to index
        %swap3A_700 = arith.constant 0 : index
        %swap3A_701 = tpu.vector_load %arg17[%swap3A_698, %swap3A_699, %swap3A_700] {strides = array<i32>} : memref<5x80x16xf32, #tpu.memory_space<vmem>>, vector<16xf32>,
        tpu.vector_store %arg17[%swap3A_698, %swap3A_699, %swap3A_700], %mul3A_696 {strides = array<i32>} : memref<5x80x16xf32, #tpu.memory_space<vmem>>, vector<16xf32>,
        %broadcast_in_dim3A_702 = arith.constant 9 : i32
        %broadcast_in_dim3A_703 = vector.broadcast %broadcast_in_dim3A_702 : i32 to vector<16xi32>
        %lt3A_704 = arith.constant 0 : i32
        %lt3A_705 = vector.broadcast %lt3A_704 : i32 to vector<16xi32>
        %lt3A_706 = arith.cmpi slt, %broadcast_in_dim3A_703, %lt3A_705 : vector<16xi32>
        %add3A_707 = arith.constant 16 : i32
        %add3A_708 = vector.broadcast %add3A_707 : i32 to vector<16xi32>
        %add3A_709 = arith.addi %broadcast_in_dim3A_703, %add3A_708 : vector<16xi32>
        %select_n3A_710 = arith.select %lt3A_706, %add3A_709, %broadcast_in_dim3A_703 : vector<16xi1>, vector<16xi32>
        %broadcast_in_dim3A_711 = vector.shape_cast %select_n3A_710 : vector<16xi32> to vector<16x1xi32>
        %gather3A_712 = vector.shape_cast %broadcast_in_dim3A_711 : vector<16x1xi32> to vector<16xi32>
        %gather3A_713 = tpu.dynamic_gather %mul3A_479[%gather3A_712] in [0] : vector<16xf32>, vector<16xi32> -> vector<16xf32>
        %add3A_714 = arith.constant 9 : i32
        %add3A_715 = arith.addi %mul3A_465, %add3A_714 : i32
        %get3A_716 = arith.constant 2 : i32
        %get3A_717 = arith.index_cast %get3A_716 : i32 to index
        %get3A_718 = arith.index_cast %add3A_715 : i32 to index
        %get3A_719 = arith.constant 0 : index
        %get3A_720 = tpu.vector_load %arg16[%get3A_717, %get3A_718, %get3A_719] {strides = array<i32>} : memref<5x80x16xf32, #tpu.memory_space<vmem>>, vector<16xf32>,
        %mul3A_721 = arith.mulf %get3A_720, %gather3A_713 : vector<16xf32>
        %swap3A_722 = arith.constant 2 : i32
        %swap3A_723 = arith.index_cast %swap3A_722 : i32 to index
        %swap3A_724 = arith.index_cast %add3A_715 : i32 to index
        %swap3A_725 = arith.constant 0 : index
        %swap3A_726 = tpu.vector_load %arg17[%swap3A_723, %swap3A_724, %swap3A_725] {strides = array<i32>} : memref<5x80x16xf32, #tpu.memory_space<vmem>>, vector<16xf32>,
        tpu.vector_store %arg17[%swap3A_723, %swap3A_724, %swap3A_725], %mul3A_721 {strides = array<i32>} : memref<5x80x16xf32, #tpu.memory_space<vmem>>, vector<16xf32>,
        %broadcast_in_dim3A_727 = arith.constant 10 : i32
        %broadcast_in_dim3A_728 = vector.broadcast %broadcast_in_dim3A_727 : i32 to vector<16xi32>
        %lt3A_729 = arith.constant 0 : i32
        %lt3A_730 = vector.broadcast %lt3A_729 : i32 to vector<16xi32>
        %lt3A_731 = arith.cmpi slt, %broadcast_in_dim3A_728, %lt3A_730 : vector<16xi32>
        %add3A_732 = arith.constant 16 : i32
        %add3A_733 = vector.broadcast %add3A_732 : i32 to vector<16xi32>
        %add3A_734 = arith.addi %broadcast_in_dim3A_728, %add3A_733 : vector<16xi32>
        %select_n3A_735 = arith.select %lt3A_731, %add3A_734, %broadcast_in_dim3A_728 : vector<16xi1>, vector<16xi32>
        %broadcast_in_dim3A_736 = vector.shape_cast %select_n3A_735 : vector<16xi32> to vector<16x1xi32>
        %gather3A_737 = vector.shape_cast %broadcast_in_dim3A_736 : vector<16x1xi32> to vector<16xi32>
        %gather3A_738 = tpu.dynamic_gather %mul3A_479[%gather3A_737] in [0] : vector<16xf32>, vector<16xi32> -> vector<16xf32>
        %add3A_739 = arith.constant 10 : i32
        %add3A_740 = arith.addi %mul3A_465, %add3A_739 : i32
        %get3A_741 = arith.constant 2 : i32
        %get3A_742 = arith.index_cast %get3A_741 : i32 to index
        %get3A_743 = arith.index_cast %add3A_740 : i32 to index
        %get3A_744 = arith.constant 0 : index
        %get3A_745 = tpu.vector_load %arg16[%get3A_742, %get3A_743, %get3A_744] {strides = array<i32>} : memref<5x80x16xf32, #tpu.memory_space<vmem>>, vector<16xf32>,
        %mul3A_746 = arith.mulf %get3A_745, %gather3A_738 : vector<16xf32>
        %swap3A_747 = arith.constant 2 : i32
        %swap3A_748 = arith.index_cast %swap3A_747 : i32 to index
        %swap3A_749 = arith.index_cast %add3A_740 : i32 to index
        %swap3A_750 = arith.constant 0 : index
        %swap3A_751 = tpu.vector_load %arg17[%swap3A_748, %swap3A_749, %swap3A_750] {strides = array<i32>} : memref<5x80x16xf32, #tpu.memory_space<vmem>>, vector<16xf32>,
        tpu.vector_store %arg17[%swap3A_748, %swap3A_749, %swap3A_750], %mul3A_746 {strides = array<i32>} : memref<5x80x16xf32, #tpu.memory_space<vmem>>, vector<16xf32>,
        %broadcast_in_dim3A_752 = arith.constant 11 : i32
        %broadcast_in_dim3A_753 = vector.broadcast %broadcast_in_dim3A_752 : i32 to vector<16xi32>
        %lt3A_754 = arith.constant 0 : i32
        %lt3A_755 = vector.broadcast %lt3A_754 : i32 to vector<16xi32>
        %lt3A_756 = arith.cmpi slt, %broadcast_in_dim3A_753, %lt3A_755 : vector<16xi32>
        %add3A_757 = arith.constant 16 : i32
        %add3A_758 = vector.broadcast %add3A_757 : i32 to vector<16xi32>
        %add3A_759 = arith.addi %broadcast_in_dim3A_753, %add3A_758 : vector<16xi32>
        %select_n3A_760 = arith.select %lt3A_756, %add3A_759, %broadcast_in_dim3A_753 : vector<16xi1>, vector<16xi32>
        %broadcast_in_dim3A_761 = vector.shape_cast %select_n3A_760 : vector<16xi32> to vector<16x1xi32>
        %gather3A_762 = vector.shape_cast %broadcast_in_dim3A_761 : vector<16x1xi32> to vector<16xi32>
        %gather3A_763 = tpu.dynamic_gather %mul3A_479[%gather3A_762] in [0] : vector<16xf32>, vector<16xi32> -> vector<16xf32>
        %add3A_764 = arith.constant 11 : i32
        %add3A_765 = arith.addi %mul3A_465, %add3A_764 : i32
        %get3A_766 = arith.constant 2 : i32
        %get3A_767 = arith.index_cast %get3A_766 : i32 to index
        %get3A_768 = arith.index_cast %add3A_765 : i32 to index
        %get3A_769 = arith.constant 0 : index
        %get3A_770 = tpu.vector_load %arg16[%get3A_767, %get3A_768, %get3A_769] {strides = array<i32>} : memref<5x80x16xf32, #tpu.memory_space<vmem>>, vector<16xf32>,
        %mul3A_771 = arith.mulf %get3A_770, %gather3A_763 : vector<16xf32>
        %swap3A_772 = arith.constant 2 : i32
        %swap3A_773 = arith.index_cast %swap3A_772 : i32 to index
        %swap3A_774 = arith.index_cast %add3A_765 : i32 to index
        %swap3A_775 = arith.constant 0 : index
        %swap3A_776 = tpu.vector_load %arg17[%swap3A_773, %swap3A_774, %swap3A_775] {strides = array<i32>} : memref<5x80x16xf32, #tpu.memory_space<vmem>>, vector<16xf32>,
        tpu.vector_store %arg17[%swap3A_773, %swap3A_774, %swap3A_775], %mul3A_771 {strides = array<i32>} : memref<5x80x16xf32, #tpu.memory_space<vmem>>, vector<16xf32>,
        %broadcast_in_dim3A_777 = arith.constant 12 : i32
        %broadcast_in_dim3A_778 = vector.broadcast %broadcast_in_dim3A_777 : i32 to vector<16xi32>
        %lt3A_779 = arith.constant 0 : i32
        %lt3A_780 = vector.broadcast %lt3A_779 : i32 to vector<16xi32>
        %lt3A_781 = arith.cmpi slt, %broadcast_in_dim3A_778, %lt3A_780 : vector<16xi32>
        %add3A_782 = arith.constant 16 : i32
        %add3A_783 = vector.broadcast %add3A_782 : i32 to vector<16xi32>
        %add3A_784 = arith.addi %broadcast_in_dim3A_778, %add3A_783 : vector<16xi32>
        %select_n3A_785 = arith.select %lt3A_781, %add3A_784, %broadcast_in_dim3A_778 : vector<16xi1>, vector<16xi32>
        %broadcast_in_dim3A_786 = vector.shape_cast %select_n3A_785 : vector<16xi32> to vector<16x1xi32>
        %gather3A_787 = vector.shape_cast %broadcast_in_dim3A_786 : vector<16x1xi32> to vector<16xi32>
        %gather3A_788 = tpu.dynamic_gather %mul3A_479[%gather3A_787] in [0] : vector<16xf32>, vector<16xi32> -> vector<16xf32>
        %add3A_789 = arith.constant 12 : i32
        %add3A_790 = arith.addi %mul3A_465, %add3A_789 : i32
        %get3A_791 = arith.constant 2 : i32
        %get3A_792 = arith.index_cast %get3A_791 : i32 to index
        %get3A_793 = arith.index_cast %add3A_790 : i32 to index
        %get3A_794 = arith.constant 0 : index
        %get3A_795 = tpu.vector_load %arg16[%get3A_792, %get3A_793, %get3A_794] {strides = array<i32>} : memref<5x80x16xf32, #tpu.memory_space<vmem>>, vector<16xf32>,
        %mul3A_796 = arith.mulf %get3A_795, %gather3A_788 : vector<16xf32>
        %swap3A_797 = arith.constant 2 : i32
        %swap3A_798 = arith.index_cast %swap3A_797 : i32 to index
        %swap3A_799 = arith.index_cast %add3A_790 : i32 to index
        %swap3A_800 = arith.constant 0 : index
        %swap3A_801 = tpu.vector_load %arg17[%swap3A_798, %swap3A_799, %swap3A_800] {strides = array<i32>} : memref<5x80x16xf32, #tpu.memory_space<vmem>>, vector<16xf32>,
        tpu.vector_store %arg17[%swap3A_798, %swap3A_799, %swap3A_800], %mul3A_796 {strides = array<i32>} : memref<5x80x16xf32, #tpu.memory_space<vmem>>, vector<16xf32>,
        %broadcast_in_dim3A_802 = arith.constant 13 : i32
        %broadcast_in_dim3A_803 = vector.broadcast %broadcast_in_dim3A_802 : i32 to vector<16xi32>
        %lt3A_804 = arith.constant 0 : i32
        %lt3A_805 = vector.broadcast %lt3A_804 : i32 to vector<16xi32>
        %lt3A_806 = arith.cmpi slt, %broadcast_in_dim3A_803, %lt3A_805 : vector<16xi32>
        %add3A_807 = arith.constant 16 : i32
        %add3A_808 = vector.broadcast %add3A_807 : i32 to vector<16xi32>
        %add3A_809 = arith.addi %broadcast_in_dim3A_803, %add3A_808 : vector<16xi32>
        %select_n3A_810 = arith.select %lt3A_806, %add3A_809, %broadcast_in_dim3A_803 : vector<16xi1>, vector<16xi32>
        %broadcast_in_dim3A_811 = vector.shape_cast %select_n3A_810 : vector<16xi32> to vector<16x1xi32>
        %gather3A_812 = vector.shape_cast %broadcast_in_dim3A_811 : vector<16x1xi32> to vector<16xi32>
        %gather3A_813 = tpu.dynamic_gather %mul3A_479[%gather3A_812] in [0] : vector<16xf32>, vector<16xi32> -> vector<16xf32>
        %add3A_814 = arith.constant 13 : i32
        %add3A_815 = arith.addi %mul3A_465, %add3A_814 : i32
        %get3A_816 = arith.constant 2 : i32
        %get3A_817 = arith.index_cast %get3A_816 : i32 to index
        %get3A_818 = arith.index_cast %add3A_815 : i32 to index
        %get3A_819 = arith.constant 0 : index
        %get3A_820 = tpu.vector_load %arg16[%get3A_817, %get3A_818, %get3A_819] {strides = array<i32>} : memref<5x80x16xf32, #tpu.memory_space<vmem>>, vector<16xf32>,
        %mul3A_821 = arith.mulf %get3A_820, %gather3A_813 : vector<16xf32>
        %swap3A_822 = arith.constant 2 : i32
        %swap3A_823 = arith.index_cast %swap3A_822 : i32 to index
        %swap3A_824 = arith.index_cast %add3A_815 : i32 to index
        %swap3A_825 = arith.constant 0 : index
        %swap3A_826 = tpu.vector_load %arg17[%swap3A_823, %swap3A_824, %swap3A_825] {strides = array<i32>} : memref<5x80x16xf32, #tpu.memory_space<vmem>>, vector<16xf32>,
        tpu.vector_store %arg17[%swap3A_823, %swap3A_824, %swap3A_825], %mul3A_821 {strides = array<i32>} : memref<5x80x16xf32, #tpu.memory_space<vmem>>, vector<16xf32>,
        %broadcast_in_dim3A_827 = arith.constant 14 : i32
        %broadcast_in_dim3A_828 = vector.broadcast %broadcast_in_dim3A_827 : i32 to vector<16xi32>
        %lt3A_829 = arith.constant 0 : i32
        %lt3A_830 = vector.broadcast %lt3A_829 : i32 to vector<16xi32>
        %lt3A_831 = arith.cmpi slt, %broadcast_in_dim3A_828, %lt3A_830 : vector<16xi32>
        %add3A_832 = arith.constant 16 : i32
        %add3A_833 = vector.broadcast %add3A_832 : i32 to vector<16xi32>
        %add3A_834 = arith.addi %broadcast_in_dim3A_828, %add3A_833 : vector<16xi32>
        %select_n3A_835 = arith.select %lt3A_831, %add3A_834, %broadcast_in_dim3A_828 : vector<16xi1>, vector<16xi32>
        %broadcast_in_dim3A_836 = vector.shape_cast %select_n3A_835 : vector<16xi32> to vector<16x1xi32>
        %gather3A_837 = vector.shape_cast %broadcast_in_dim3A_836 : vector<16x1xi32> to vector<16xi32>
        %gather3A_838 = tpu.dynamic_gather %mul3A_479[%gather3A_837] in [0] : vector<16xf32>, vector<16xi32> -> vector<16xf32>
        %add3A_839 = arith.constant 14 : i32
        %add3A_840 = arith.addi %mul3A_465, %add3A_839 : i32
        %get3A_841 = arith.constant 2 : i32
        %get3A_842 = arith.index_cast %get3A_841 : i32 to index
        %get3A_843 = arith.index_cast %add3A_840 : i32 to index
        %get3A_844 = arith.constant 0 : index
        %get3A_845 = tpu.vector_load %arg16[%get3A_842, %get3A_843, %get3A_844] {strides = array<i32>} : memref<5x80x16xf32, #tpu.memory_space<vmem>>, vector<16xf32>,
        %mul3A_846 = arith.mulf %get3A_845, %gather3A_838 : vector<16xf32>
        %swap3A_847 = arith.constant 2 : i32
        %swap3A_848 = arith.index_cast %swap3A_847 : i32 to index
        %swap3A_849 = arith.index_cast %add3A_840 : i32 to index
        %swap3A_850 = arith.constant 0 : index
        %swap3A_851 = tpu.vector_load %arg17[%swap3A_848, %swap3A_849, %swap3A_850] {strides = array<i32>} : memref<5x80x16xf32, #tpu.memory_space<vmem>>, vector<16xf32>,
        tpu.vector_store %arg17[%swap3A_848, %swap3A_849, %swap3A_850], %mul3A_846 {strides = array<i32>} : memref<5x80x16xf32, #tpu.memory_space<vmem>>, vector<16xf32>,
        %broadcast_in_dim3A_852 = arith.constant 15 : i32
        %broadcast_in_dim3A_853 = vector.broadcast %broadcast_in_dim3A_852 : i32 to vector<16xi32>
        %lt3A_854 = arith.constant 0 : i32
        %lt3A_855 = vector.broadcast %lt3A_854 : i32 to vector<16xi32>
        %lt3A_856 = arith.cmpi slt, %broadcast_in_dim3A_853, %lt3A_855 : vector<16xi32>
        %add3A_857 = arith.constant 16 : i32
        %add3A_858 = vector.broadcast %add3A_857 : i32 to vector<16xi32>
        %add3A_859 = arith.addi %broadcast_in_dim3A_853, %add3A_858 : vector<16xi32>
        %select_n3A_860 = arith.select %lt3A_856, %add3A_859, %broadcast_in_dim3A_853 : vector<16xi1>, vector<16xi32>
        %broadcast_in_dim3A_861 = vector.shape_cast %select_n3A_860 : vector<16xi32> to vector<16x1xi32>
        %gather3A_862 = vector.shape_cast %broadcast_in_dim3A_861 : vector<16x1xi32> to vector<16xi32>
        %gather3A_863 = tpu.dynamic_gather %mul3A_479[%gather3A_862] in [0] : vector<16xf32>, vector<16xi32> -> vector<16xf32>
        %add3A_864 = arith.constant 15 : i32
        %add3A_865 = arith.addi %mul3A_465, %add3A_864 : i32
        %get3A_866 = arith.constant 2 : i32
        %get3A_867 = arith.index_cast %get3A_866 : i32 to index
        %get3A_868 = arith.index_cast %add3A_865 : i32 to index
        %get3A_869 = arith.constant 0 : index
        %get3A_870 = tpu.vector_load %arg16[%get3A_867, %get3A_868, %get3A_869] {strides = array<i32>} : memref<5x80x16xf32, #tpu.memory_space<vmem>>, vector<16xf32>,
        %mul3A_871 = arith.mulf %get3A_870, %gather3A_863 : vector<16xf32>
        %swap3A_872 = arith.constant 2 : i32
        %swap3A_873 = arith.index_cast %swap3A_872 : i32 to index
        %swap3A_874 = arith.index_cast %add3A_865 : i32 to index
        %swap3A_875 = arith.constant 0 : index
        %swap3A_876 = tpu.vector_load %arg17[%swap3A_873, %swap3A_874, %swap3A_875] {strides = array<i32>} : memref<5x80x16xf32, #tpu.memory_space<vmem>>, vector<16xf32>,
        tpu.vector_store %arg17[%swap3A_873, %swap3A_874, %swap3A_875], %mul3A_871 {strides = array<i32>} : memref<5x80x16xf32, #tpu.memory_space<vmem>>, vector<16xf32>,
        %scan3A_877 = arith.constant 0 : i32
        scf.yield %scan3A_877 : i32
      }
      %scan3A_331 = arith.constant 5 : i32
      %dma_start3A_332 = arith.constant 2 : i32
      %dma_start3A_333 = arith.constant 2 : i32
      %dma_start3A_334 = arith.constant 0 : i32
      %dma_start3A_335 = arith.constant 0 : i32
      %dma_start3A_336 = tpu.memref_slice %arg17[%dma_start3A_332, %dma_start3A_334, %dma_start3A_335] : memref<5x80x16xf32, #tpu.memory_space<vmem>> -> memref<1x80x16xf32, #tpu.memory_space<vmem>>
      %dma_start3A_337 = tpu.memref_squeeze %dma_start3A_336 : memref<1x80x16xf32, #tpu.memory_space<vmem>> -> memref<80x16xf32, #tpu.memory_space<vmem>>
      %dma_start3A_338 = arith.constant 0 : i32
      %dma_start3A_339 = tpu.memref_slice %arg9[%arg0, %add3A_305, %dma_start3A_338] : memref<2x125x80xi32, #tpu.memory_space<vmem>> -> memref<1x1x80xi32, #tpu.memory_space<vmem>>
      %dma_start3A_340 = tpu.memref_squeeze %dma_start3A_339 : memref<1x1x80xi32, #tpu.memory_space<vmem>> -> memref<80xi32, #tpu.memory_space<vmem>>
      %dma_start3A_341 = arith.constant 0 : i32
      %dma_start3A_342 = arith.constant 0 : i32
      %dma_start3A_343 = tpu.memref_slice %arg21[%dma_start3A_341, %dma_start3A_342] : memref<10240x16xf32, #tpu.memory_space<vmem_shared>> -> memref<10240x16xf32, #tpu.memory_space<vmem_shared>>
      %dma_start3A_344 = tpu.memref_slice %arg23[%dma_start3A_333] : memref<5x!tpu.dma_semaphore, #tpu.memory_space<semaphore_mem>> -> memref<1x!tpu.dma_semaphore, #tpu.memory_space<semaphore_mem>>
      %dma_start3A_345 = tpu.memref_squeeze %dma_start3A_344 : memref<1x!tpu.dma_semaphore, #tpu.memory_space<semaphore_mem>> -> memref<!tpu.dma_semaphore, #tpu.memory_space<semaphore_mem>>
      tpu.enqueue_indirect_dma source(%dma_start3A_337 : memref<80x16xf32, #tpu.memory_space<vmem>>) target(%dma_start3A_343 : memref<10240x16xf32, #tpu.memory_space<vmem_shared>>) offsets(%dma_start3A_340 : memref<80xi32, #tpu.memory_space<vmem>>) semaphore(%dma_start3A_345 : memref<!tpu.dma_semaphore, #tpu.memory_space<semaphore_mem>>) {add = true}
      %add3A_346 = arith.constant 5 : i32
      %add3A_347 = arith.addi %add3A_305, %add3A_346 : i32
      %sub3A_348 = arith.constant 1 : i32
      %sub3A_349 = arith.subi %add3A_347, %sub3A_348 : i32
      %lt3A_350 = arith.constant 125 : i32
      %lt3A_351 = arith.cmpi slt, %sub3A_349, %lt3A_350 : i32
      %convert_element_type3A_352 = arith.extui %lt3A_351 : i1 to i32
      %cond3A_353 = arith.constant 0 : i32
      %cond3A_354 = arith.cmpi ne, %convert_element_type3A_352, %cond3A_353 : i32
      scf.if %cond3A_354 {
        %dma_start3A_462 = arith.constant 1 : i32
        %dma_start3A_463 = arith.constant 1 : i32
        %dma_start3A_464 = arith.constant 0 : i32
        %dma_start3A_465 = arith.constant 0 : i32
        %dma_start3A_466 = tpu.memref_slice %arg16[%dma_start3A_462, %dma_start3A_464, %dma_start3A_465] : memref<5x80x16xf32, #tpu.memory_space<vmem>> -> memref<1x80x16xf32, #tpu.memory_space<vmem>>
        %dma_start3A_467 = tpu.memref_squeeze %dma_start3A_466 : memref<1x80x16xf32, #tpu.memory_space<vmem>> -> memref<80x16xf32, #tpu.memory_space<vmem>>
        %dma_start3A_468 = arith.constant 0 : i32
        %dma_start3A_469 = tpu.memref_slice %arg8[%sub3A_349, %dma_start3A_468] : memref<125x80xi32, #tpu.memory_space<vmem>> -> memref<1x80xi32, #tpu.memory_space<vmem>>
        %dma_start3A_470 = tpu.memref_squeeze %dma_start3A_469 : memref<1x80xi32, #tpu.memory_space<vmem>> -> memref<80xi32, #tpu.memory_space<vmem>>
        %dma_start3A_471 = arith.constant 0 : i32
        %dma_start3A_472 = arith.constant 0 : i32
        %dma_start3A_473 = tpu.memref_slice %arg20[%dma_start3A_471, %dma_start3A_472] : memref<10240x16xf32, #tpu.memory_space<vmem_shared>> -> memref<10240x16xf32, #tpu.memory_space<vmem_shared>>
        %dma_start3A_474 = tpu.memref_slice %arg22[%dma_start3A_463] : memref<5x!tpu.dma_semaphore, #tpu.memory_space<semaphore_mem>> -> memref<1x!tpu.dma_semaphore, #tpu.memory_space<semaphore_mem>>
        %dma_start3A_475 = tpu.memref_squeeze %dma_start3A_474 : memref<1x!tpu.dma_semaphore, #tpu.memory_space<semaphore_mem>> -> memref<!tpu.dma_semaphore, #tpu.memory_space<semaphore_mem>>
        tpu.enqueue_indirect_dma source(%dma_start3A_473 : memref<10240x16xf32, #tpu.memory_space<vmem_shared>>) target(%dma_start3A_467 : memref<80x16xf32, #tpu.memory_space<vmem>>) offsets(%dma_start3A_470 : memref<80xi32, #tpu.memory_space<vmem>>) semaphore(%dma_start3A_475 : memref<!tpu.dma_semaphore, #tpu.memory_space<semaphore_mem>>)
      } else {
      }
      %mul3A_355 = arith.constant 5 : i32
      %mul3A_356 = arith.muli %scan3A_197, %mul3A_355 : i32
      %add3A_357 = arith.constant 3 : i32
      %add3A_358 = arith.addi %mul3A_356, %add3A_357 : i32
      %dma_wait3A_359 = arith.constant 3 : i32
      %dma_wait3A_360 = arith.constant 3 : i32
      %dma_wait3A_361 = arith.constant 0 : i32
      %dma_wait3A_362 = arith.constant 0 : i32
      %dma_wait3A_363 = tpu.memref_slice %arg16[%dma_wait3A_359, %dma_wait3A_361, %dma_wait3A_362] : memref<5x80x16xf32, #tpu.memory_space<vmem>> -> memref<1x80x16xf32, #tpu.memory_space<vmem>>
      %dma_wait3A_364 = tpu.memref_squeeze %dma_wait3A_363 : memref<1x80x16xf32, #tpu.memory_space<vmem>> -> memref<80x16xf32, #tpu.memory_space<vmem>>
      %dma_wait3A_365 = arith.constant 0 : i32
      %dma_wait3A_366 = tpu.memref_slice %arg8[%add3A_358, %dma_wait3A_365] : memref<125x80xi32, #tpu.memory_space<vmem>> -> memref<1x80xi32, #tpu.memory_space<vmem>>
      %dma_wait3A_367 = tpu.memref_squeeze %dma_wait3A_366 : memref<1x80xi32, #tpu.memory_space<vmem>> -> memref<80xi32, #tpu.memory_space<vmem>>
      %dma_wait3A_368 = arith.constant 0 : i32
      %dma_wait3A_369 = arith.constant 0 : i32
      %dma_wait3A_370 = tpu.memref_slice %arg20[%dma_wait3A_368, %dma_wait3A_369] : memref<10240x16xf32, #tpu.memory_space<vmem_shared>> -> memref<10240x16xf32, #tpu.memory_space<vmem_shared>>
      %dma_wait3A_371 = tpu.memref_slice %arg22[%dma_wait3A_360] : memref<5x!tpu.dma_semaphore, #tpu.memory_space<semaphore_mem>> -> memref<1x!tpu.dma_semaphore, #tpu.memory_space<semaphore_mem>>
      %dma_wait3A_372 = tpu.memref_squeeze %dma_wait3A_371 : memref<1x!tpu.dma_semaphore, #tpu.memory_space<semaphore_mem>> -> memref<!tpu.dma_semaphore, #tpu.memory_space<semaphore_mem>>
      tpu.wait_indirect_dma semaphore(%dma_wait3A_372 : memref<!tpu.dma_semaphore, #tpu.memory_space<semaphore_mem>>) src(%dma_wait3A_370 : memref<10240x16xf32, #tpu.memory_space<vmem_shared>>) dst(%dma_wait3A_364 : memref<80x16xf32, #tpu.memory_space<vmem>>)
      %gt3A_373 = arith.constant 0 : i32
      %gt3A_374 = arith.cmpi sgt, %scan3A_197, %gt3A_373 : i32
      %convert_element_type3A_375 = arith.extui %gt3A_374 : i1 to i32
      %cond3A_376 = arith.constant 0 : i32
      %cond3A_377 = arith.cmpi ne, %convert_element_type3A_375, %cond3A_376 : i32
      scf.if %cond3A_377 {
        %dma_wait3A_462 = arith.constant 3 : i32
        %dma_wait3A_463 = arith.constant 3 : i32
        %dma_wait3A_464 = arith.constant 0 : i32
        %dma_wait3A_465 = arith.constant 0 : i32
        %dma_wait3A_466 = tpu.memref_slice %arg17[%dma_wait3A_462, %dma_wait3A_464, %dma_wait3A_465] : memref<5x80x16xf32, #tpu.memory_space<vmem>> -> memref<1x80x16xf32, #tpu.memory_space<vmem>>
        %dma_wait3A_467 = tpu.memref_squeeze %dma_wait3A_466 : memref<1x80x16xf32, #tpu.memory_space<vmem>> -> memref<80x16xf32, #tpu.memory_space<vmem>>
        %dma_wait3A_468 = arith.constant 0 : i32
        %dma_wait3A_469 = tpu.memref_slice %arg9[%arg0, %add3A_358, %dma_wait3A_468] : memref<2x125x80xi32, #tpu.memory_space<vmem>> -> memref<1x1x80xi32, #tpu.memory_space<vmem>>
        %dma_wait3A_470 = tpu.memref_squeeze %dma_wait3A_469 : memref<1x1x80xi32, #tpu.memory_space<vmem>> -> memref<80xi32, #tpu.memory_space<vmem>>
        %dma_wait3A_471 = arith.constant 0 : i32
        %dma_wait3A_472 = arith.constant 0 : i32
        %dma_wait3A_473 = tpu.memref_slice %arg21[%dma_wait3A_471, %dma_wait3A_472] : memref<10240x16xf32, #tpu.memory_space<vmem_shared>> -> memref<10240x16xf32, #tpu.memory_space<vmem_shared>>
        %dma_wait3A_474 = tpu.memref_slice %arg23[%dma_wait3A_463] : memref<5x!tpu.dma_semaphore, #tpu.memory_space<semaphore_mem>> -> memref<1x!tpu.dma_semaphore, #tpu.memory_space<semaphore_mem>>
        %dma_wait3A_475 = tpu.memref_squeeze %dma_wait3A_474 : memref<1x!tpu.dma_semaphore, #tpu.memory_space<semaphore_mem>> -> memref<!tpu.dma_semaphore, #tpu.memory_space<semaphore_mem>>
        tpu.wait_indirect_dma semaphore(%dma_wait3A_475 : memref<!tpu.dma_semaphore, #tpu.memory_space<semaphore_mem>>) src(%dma_wait3A_467 : memref<80x16xf32, #tpu.memory_space<vmem>>) dst(%dma_wait3A_473 : memref<10240x16xf32, #tpu.memory_space<vmem_shared>>)
      } else {
      }
      %scan3A_378 = arith.constant 0 : i32
      %scan3A_379 = arith.constant 0 : i32
      %scan3A_380 = arith.constant 5 : i32
      %scan3A_381 = arith.addi %scan3A_379, %scan3A_380 : i32
      %scan3A_382 = arith.constant 1 : i32
      %scan3A_383 = scf.for %scan3A_462 = %scan3A_379 to %scan3A_381 step %scan3A_382 iter_args(%scan3A_463 = %scan3A_378) -> (i32)  : i32 {
        %mul3A_464 = arith.constant 16 : i32
        %mul3A_465 = arith.muli %scan3A_462, %mul3A_464 : i32
        %get3A_466 = arith.index_cast %add3A_358 : i32 to index
        %get3A_467 = arith.index_cast %mul3A_465 : i32 to index
        %get3A_468 = tpu.vector_load %arg8[%get3A_466, %get3A_467] {strides = array<i32>} : memref<125x80xi32, #tpu.memory_space<vmem>>, vector<16xi32>,
        %get3A_469 = arith.index_cast %arg0 : i32 to index
        %get3A_470 = arith.index_cast %add3A_358 : i32 to index
        %get3A_471 = arith.index_cast %mul3A_465 : i32 to index
        %get3A_472 = tpu.vector_load %arg9[%get3A_469, %get3A_470, %get3A_471] {strides = array<i32>} : memref<2x125x80xi32, #tpu.memory_space<vmem>>, vector<16xi32>,
        %get3A_473 = arith.index_cast %arg0 : i32 to index
        %get3A_474 = arith.index_cast %add3A_358 : i32 to index
        %get3A_475 = arith.index_cast %mul3A_465 : i32 to index
        %get3A_476 = tpu.vector_load %arg10[%get3A_473, %get3A_474, %get3A_475] {strides = array<i32>} : memref<2x125x80xf32, #tpu.memory_space<vmem>>, vector<16xf32>,
        %gather3A = tpu.vector_load_idx %arg13[%get3A_468] : memref<10240xf32, #tpu.memory_space<vmem>>[vector<16xi32>], vector<16xf32>,
        %mul3A_477 = arith.mulf %gather3A, %get3A_476 : vector<16xf32>
        %gather3A_478 = tpu.vector_load_idx %arg13[%get3A_472] : memref<10240xf32, #tpu.memory_space<vmem>>[vector<16xi32>], vector<16xf32>,
        %mul3A_479 = arith.mulf %mul3A_477, %gather3A_478 : vector<16xf32>
        %broadcast_in_dim3A = arith.constant 0 : i32
        %broadcast_in_dim3A_480 = vector.broadcast %broadcast_in_dim3A : i32 to vector<16xi32>
        %lt3A_481 = arith.constant 0 : i32
        %lt3A_482 = vector.broadcast %lt3A_481 : i32 to vector<16xi32>
        %lt3A_483 = arith.cmpi slt, %broadcast_in_dim3A_480, %lt3A_482 : vector<16xi32>
        %add3A_484 = arith.constant 16 : i32
        %add3A_485 = vector.broadcast %add3A_484 : i32 to vector<16xi32>
        %add3A_486 = arith.addi %broadcast_in_dim3A_480, %add3A_485 : vector<16xi32>
        %select_n3A = arith.select %lt3A_483, %add3A_486, %broadcast_in_dim3A_480 : vector<16xi1>, vector<16xi32>
        %broadcast_in_dim3A_487 = vector.shape_cast %select_n3A : vector<16xi32> to vector<16x1xi32>
        %gather3A_488 = vector.shape_cast %broadcast_in_dim3A_487 : vector<16x1xi32> to vector<16xi32>
        %gather3A_489 = tpu.dynamic_gather %mul3A_479[%gather3A_488] in [0] : vector<16xf32>, vector<16xi32> -> vector<16xf32>
        %add3A_490 = arith.constant 0 : i32
        %add3A_491 = arith.addi %mul3A_465, %add3A_490 : i32
        %get3A_492 = arith.constant 3 : i32
        %get3A_493 = arith.index_cast %get3A_492 : i32 to index
        %get3A_494 = arith.index_cast %add3A_491 : i32 to index
        %get3A_495 = arith.constant 0 : index
        %get3A_496 = tpu.vector_load %arg16[%get3A_493, %get3A_494, %get3A_495] {strides = array<i32>} : memref<5x80x16xf32, #tpu.memory_space<vmem>>, vector<16xf32>,
        %mul3A_497 = arith.mulf %get3A_496, %gather3A_489 : vector<16xf32>
        %swap3A = arith.constant 3 : i32
        %swap3A_498 = arith.index_cast %swap3A : i32 to index
        %swap3A_499 = arith.index_cast %add3A_491 : i32 to index
        %swap3A_500 = arith.constant 0 : index
        %swap3A_501 = tpu.vector_load %arg17[%swap3A_498, %swap3A_499, %swap3A_500] {strides = array<i32>} : memref<5x80x16xf32, #tpu.memory_space<vmem>>, vector<16xf32>,
        tpu.vector_store %arg17[%swap3A_498, %swap3A_499, %swap3A_500], %mul3A_497 {strides = array<i32>} : memref<5x80x16xf32, #tpu.memory_space<vmem>>, vector<16xf32>,
        %broadcast_in_dim3A_502 = arith.constant 1 : i32
        %broadcast_in_dim3A_503 = vector.broadcast %broadcast_in_dim3A_502 : i32 to vector<16xi32>
        %lt3A_504 = arith.constant 0 : i32
        %lt3A_505 = vector.broadcast %lt3A_504 : i32 to vector<16xi32>
        %lt3A_506 = arith.cmpi slt, %broadcast_in_dim3A_503, %lt3A_505 : vector<16xi32>
        %add3A_507 = arith.constant 16 : i32
        %add3A_508 = vector.broadcast %add3A_507 : i32 to vector<16xi32>
        %add3A_509 = arith.addi %broadcast_in_dim3A_503, %add3A_508 : vector<16xi32>
        %select_n3A_510 = arith.select %lt3A_506, %add3A_509, %broadcast_in_dim3A_503 : vector<16xi1>, vector<16xi32>
        %broadcast_in_dim3A_511 = vector.shape_cast %select_n3A_510 : vector<16xi32> to vector<16x1xi32>
        %gather3A_512 = vector.shape_cast %broadcast_in_dim3A_511 : vector<16x1xi32> to vector<16xi32>
        %gather3A_513 = tpu.dynamic_gather %mul3A_479[%gather3A_512] in [0] : vector<16xf32>, vector<16xi32> -> vector<16xf32>
        %add3A_514 = arith.constant 1 : i32
        %add3A_515 = arith.addi %mul3A_465, %add3A_514 : i32
        %get3A_516 = arith.constant 3 : i32
        %get3A_517 = arith.index_cast %get3A_516 : i32 to index
        %get3A_518 = arith.index_cast %add3A_515 : i32 to index
        %get3A_519 = arith.constant 0 : index
        %get3A_520 = tpu.vector_load %arg16[%get3A_517, %get3A_518, %get3A_519] {strides = array<i32>} : memref<5x80x16xf32, #tpu.memory_space<vmem>>, vector<16xf32>,
        %mul3A_521 = arith.mulf %get3A_520, %gather3A_513 : vector<16xf32>
        %swap3A_522 = arith.constant 3 : i32
        %swap3A_523 = arith.index_cast %swap3A_522 : i32 to index
        %swap3A_524 = arith.index_cast %add3A_515 : i32 to index
        %swap3A_525 = arith.constant 0 : index
        %swap3A_526 = tpu.vector_load %arg17[%swap3A_523, %swap3A_524, %swap3A_525] {strides = array<i32>} : memref<5x80x16xf32, #tpu.memory_space<vmem>>, vector<16xf32>,
        tpu.vector_store %arg17[%swap3A_523, %swap3A_524, %swap3A_525], %mul3A_521 {strides = array<i32>} : memref<5x80x16xf32, #tpu.memory_space<vmem>>, vector<16xf32>,
        %broadcast_in_dim3A_527 = arith.constant 2 : i32
        %broadcast_in_dim3A_528 = vector.broadcast %broadcast_in_dim3A_527 : i32 to vector<16xi32>
        %lt3A_529 = arith.constant 0 : i32
        %lt3A_530 = vector.broadcast %lt3A_529 : i32 to vector<16xi32>
        %lt3A_531 = arith.cmpi slt, %broadcast_in_dim3A_528, %lt3A_530 : vector<16xi32>
        %add3A_532 = arith.constant 16 : i32
        %add3A_533 = vector.broadcast %add3A_532 : i32 to vector<16xi32>
        %add3A_534 = arith.addi %broadcast_in_dim3A_528, %add3A_533 : vector<16xi32>
        %select_n3A_535 = arith.select %lt3A_531, %add3A_534, %broadcast_in_dim3A_528 : vector<16xi1>, vector<16xi32>
        %broadcast_in_dim3A_536 = vector.shape_cast %select_n3A_535 : vector<16xi32> to vector<16x1xi32>
        %gather3A_537 = vector.shape_cast %broadcast_in_dim3A_536 : vector<16x1xi32> to vector<16xi32>
        %gather3A_538 = tpu.dynamic_gather %mul3A_479[%gather3A_537] in [0] : vector<16xf32>, vector<16xi32> -> vector<16xf32>
        %add3A_539 = arith.constant 2 : i32
        %add3A_540 = arith.addi %mul3A_465, %add3A_539 : i32
        %get3A_541 = arith.constant 3 : i32
        %get3A_542 = arith.index_cast %get3A_541 : i32 to index
        %get3A_543 = arith.index_cast %add3A_540 : i32 to index
        %get3A_544 = arith.constant 0 : index
        %get3A_545 = tpu.vector_load %arg16[%get3A_542, %get3A_543, %get3A_544] {strides = array<i32>} : memref<5x80x16xf32, #tpu.memory_space<vmem>>, vector<16xf32>,
        %mul3A_546 = arith.mulf %get3A_545, %gather3A_538 : vector<16xf32>
        %swap3A_547 = arith.constant 3 : i32
        %swap3A_548 = arith.index_cast %swap3A_547 : i32 to index
        %swap3A_549 = arith.index_cast %add3A_540 : i32 to index
        %swap3A_550 = arith.constant 0 : index
        %swap3A_551 = tpu.vector_load %arg17[%swap3A_548, %swap3A_549, %swap3A_550] {strides = array<i32>} : memref<5x80x16xf32, #tpu.memory_space<vmem>>, vector<16xf32>,
        tpu.vector_store %arg17[%swap3A_548, %swap3A_549, %swap3A_550], %mul3A_546 {strides = array<i32>} : memref<5x80x16xf32, #tpu.memory_space<vmem>>, vector<16xf32>,
        %broadcast_in_dim3A_552 = arith.constant 3 : i32
        %broadcast_in_dim3A_553 = vector.broadcast %broadcast_in_dim3A_552 : i32 to vector<16xi32>
        %lt3A_554 = arith.constant 0 : i32
        %lt3A_555 = vector.broadcast %lt3A_554 : i32 to vector<16xi32>
        %lt3A_556 = arith.cmpi slt, %broadcast_in_dim3A_553, %lt3A_555 : vector<16xi32>
        %add3A_557 = arith.constant 16 : i32
        %add3A_558 = vector.broadcast %add3A_557 : i32 to vector<16xi32>
        %add3A_559 = arith.addi %broadcast_in_dim3A_553, %add3A_558 : vector<16xi32>
        %select_n3A_560 = arith.select %lt3A_556, %add3A_559, %broadcast_in_dim3A_553 : vector<16xi1>, vector<16xi32>
        %broadcast_in_dim3A_561 = vector.shape_cast %select_n3A_560 : vector<16xi32> to vector<16x1xi32>
        %gather3A_562 = vector.shape_cast %broadcast_in_dim3A_561 : vector<16x1xi32> to vector<16xi32>
        %gather3A_563 = tpu.dynamic_gather %mul3A_479[%gather3A_562] in [0] : vector<16xf32>, vector<16xi32> -> vector<16xf32>
        %add3A_564 = arith.constant 3 : i32
        %add3A_565 = arith.addi %mul3A_465, %add3A_564 : i32
        %get3A_566 = arith.constant 3 : i32
        %get3A_567 = arith.index_cast %get3A_566 : i32 to index
        %get3A_568 = arith.index_cast %add3A_565 : i32 to index
        %get3A_569 = arith.constant 0 : index
        %get3A_570 = tpu.vector_load %arg16[%get3A_567, %get3A_568, %get3A_569] {strides = array<i32>} : memref<5x80x16xf32, #tpu.memory_space<vmem>>, vector<16xf32>,
        %mul3A_571 = arith.mulf %get3A_570, %gather3A_563 : vector<16xf32>
        %swap3A_572 = arith.constant 3 : i32
        %swap3A_573 = arith.index_cast %swap3A_572 : i32 to index
        %swap3A_574 = arith.index_cast %add3A_565 : i32 to index
        %swap3A_575 = arith.constant 0 : index
        %swap3A_576 = tpu.vector_load %arg17[%swap3A_573, %swap3A_574, %swap3A_575] {strides = array<i32>} : memref<5x80x16xf32, #tpu.memory_space<vmem>>, vector<16xf32>,
        tpu.vector_store %arg17[%swap3A_573, %swap3A_574, %swap3A_575], %mul3A_571 {strides = array<i32>} : memref<5x80x16xf32, #tpu.memory_space<vmem>>, vector<16xf32>,
        %broadcast_in_dim3A_577 = arith.constant 4 : i32
        %broadcast_in_dim3A_578 = vector.broadcast %broadcast_in_dim3A_577 : i32 to vector<16xi32>
        %lt3A_579 = arith.constant 0 : i32
        %lt3A_580 = vector.broadcast %lt3A_579 : i32 to vector<16xi32>
        %lt3A_581 = arith.cmpi slt, %broadcast_in_dim3A_578, %lt3A_580 : vector<16xi32>
        %add3A_582 = arith.constant 16 : i32
        %add3A_583 = vector.broadcast %add3A_582 : i32 to vector<16xi32>
        %add3A_584 = arith.addi %broadcast_in_dim3A_578, %add3A_583 : vector<16xi32>
        %select_n3A_585 = arith.select %lt3A_581, %add3A_584, %broadcast_in_dim3A_578 : vector<16xi1>, vector<16xi32>
        %broadcast_in_dim3A_586 = vector.shape_cast %select_n3A_585 : vector<16xi32> to vector<16x1xi32>
        %gather3A_587 = vector.shape_cast %broadcast_in_dim3A_586 : vector<16x1xi32> to vector<16xi32>
        %gather3A_588 = tpu.dynamic_gather %mul3A_479[%gather3A_587] in [0] : vector<16xf32>, vector<16xi32> -> vector<16xf32>
        %add3A_589 = arith.constant 4 : i32
        %add3A_590 = arith.addi %mul3A_465, %add3A_589 : i32
        %get3A_591 = arith.constant 3 : i32
        %get3A_592 = arith.index_cast %get3A_591 : i32 to index
        %get3A_593 = arith.index_cast %add3A_590 : i32 to index
        %get3A_594 = arith.constant 0 : index
        %get3A_595 = tpu.vector_load %arg16[%get3A_592, %get3A_593, %get3A_594] {strides = array<i32>} : memref<5x80x16xf32, #tpu.memory_space<vmem>>, vector<16xf32>,
        %mul3A_596 = arith.mulf %get3A_595, %gather3A_588 : vector<16xf32>
        %swap3A_597 = arith.constant 3 : i32
        %swap3A_598 = arith.index_cast %swap3A_597 : i32 to index
        %swap3A_599 = arith.index_cast %add3A_590 : i32 to index
        %swap3A_600 = arith.constant 0 : index
        %swap3A_601 = tpu.vector_load %arg17[%swap3A_598, %swap3A_599, %swap3A_600] {strides = array<i32>} : memref<5x80x16xf32, #tpu.memory_space<vmem>>, vector<16xf32>,
        tpu.vector_store %arg17[%swap3A_598, %swap3A_599, %swap3A_600], %mul3A_596 {strides = array<i32>} : memref<5x80x16xf32, #tpu.memory_space<vmem>>, vector<16xf32>,
        %broadcast_in_dim3A_602 = arith.constant 5 : i32
        %broadcast_in_dim3A_603 = vector.broadcast %broadcast_in_dim3A_602 : i32 to vector<16xi32>
        %lt3A_604 = arith.constant 0 : i32
        %lt3A_605 = vector.broadcast %lt3A_604 : i32 to vector<16xi32>
        %lt3A_606 = arith.cmpi slt, %broadcast_in_dim3A_603, %lt3A_605 : vector<16xi32>
        %add3A_607 = arith.constant 16 : i32
        %add3A_608 = vector.broadcast %add3A_607 : i32 to vector<16xi32>
        %add3A_609 = arith.addi %broadcast_in_dim3A_603, %add3A_608 : vector<16xi32>
        %select_n3A_610 = arith.select %lt3A_606, %add3A_609, %broadcast_in_dim3A_603 : vector<16xi1>, vector<16xi32>
        %broadcast_in_dim3A_611 = vector.shape_cast %select_n3A_610 : vector<16xi32> to vector<16x1xi32>
        %gather3A_612 = vector.shape_cast %broadcast_in_dim3A_611 : vector<16x1xi32> to vector<16xi32>
        %gather3A_613 = tpu.dynamic_gather %mul3A_479[%gather3A_612] in [0] : vector<16xf32>, vector<16xi32> -> vector<16xf32>
        %add3A_614 = arith.constant 5 : i32
        %add3A_615 = arith.addi %mul3A_465, %add3A_614 : i32
        %get3A_616 = arith.constant 3 : i32
        %get3A_617 = arith.index_cast %get3A_616 : i32 to index
        %get3A_618 = arith.index_cast %add3A_615 : i32 to index
        %get3A_619 = arith.constant 0 : index
        %get3A_620 = tpu.vector_load %arg16[%get3A_617, %get3A_618, %get3A_619] {strides = array<i32>} : memref<5x80x16xf32, #tpu.memory_space<vmem>>, vector<16xf32>,
        %mul3A_621 = arith.mulf %get3A_620, %gather3A_613 : vector<16xf32>
        %swap3A_622 = arith.constant 3 : i32
        %swap3A_623 = arith.index_cast %swap3A_622 : i32 to index
        %swap3A_624 = arith.index_cast %add3A_615 : i32 to index
        %swap3A_625 = arith.constant 0 : index
        %swap3A_626 = tpu.vector_load %arg17[%swap3A_623, %swap3A_624, %swap3A_625] {strides = array<i32>} : memref<5x80x16xf32, #tpu.memory_space<vmem>>, vector<16xf32>,
        tpu.vector_store %arg17[%swap3A_623, %swap3A_624, %swap3A_625], %mul3A_621 {strides = array<i32>} : memref<5x80x16xf32, #tpu.memory_space<vmem>>, vector<16xf32>,
        %broadcast_in_dim3A_627 = arith.constant 6 : i32
        %broadcast_in_dim3A_628 = vector.broadcast %broadcast_in_dim3A_627 : i32 to vector<16xi32>
        %lt3A_629 = arith.constant 0 : i32
        %lt3A_630 = vector.broadcast %lt3A_629 : i32 to vector<16xi32>
        %lt3A_631 = arith.cmpi slt, %broadcast_in_dim3A_628, %lt3A_630 : vector<16xi32>
        %add3A_632 = arith.constant 16 : i32
        %add3A_633 = vector.broadcast %add3A_632 : i32 to vector<16xi32>
        %add3A_634 = arith.addi %broadcast_in_dim3A_628, %add3A_633 : vector<16xi32>
        %select_n3A_635 = arith.select %lt3A_631, %add3A_634, %broadcast_in_dim3A_628 : vector<16xi1>, vector<16xi32>
        %broadcast_in_dim3A_636 = vector.shape_cast %select_n3A_635 : vector<16xi32> to vector<16x1xi32>
        %gather3A_637 = vector.shape_cast %broadcast_in_dim3A_636 : vector<16x1xi32> to vector<16xi32>
        %gather3A_638 = tpu.dynamic_gather %mul3A_479[%gather3A_637] in [0] : vector<16xf32>, vector<16xi32> -> vector<16xf32>
        %add3A_639 = arith.constant 6 : i32
        %add3A_640 = arith.addi %mul3A_465, %add3A_639 : i32
        %get3A_641 = arith.constant 3 : i32
        %get3A_642 = arith.index_cast %get3A_641 : i32 to index
        %get3A_643 = arith.index_cast %add3A_640 : i32 to index
        %get3A_644 = arith.constant 0 : index
        %get3A_645 = tpu.vector_load %arg16[%get3A_642, %get3A_643, %get3A_644] {strides = array<i32>} : memref<5x80x16xf32, #tpu.memory_space<vmem>>, vector<16xf32>,
        %mul3A_646 = arith.mulf %get3A_645, %gather3A_638 : vector<16xf32>
        %swap3A_647 = arith.constant 3 : i32
        %swap3A_648 = arith.index_cast %swap3A_647 : i32 to index
        %swap3A_649 = arith.index_cast %add3A_640 : i32 to index
        %swap3A_650 = arith.constant 0 : index
        %swap3A_651 = tpu.vector_load %arg17[%swap3A_648, %swap3A_649, %swap3A_650] {strides = array<i32>} : memref<5x80x16xf32, #tpu.memory_space<vmem>>, vector<16xf32>,
        tpu.vector_store %arg17[%swap3A_648, %swap3A_649, %swap3A_650], %mul3A_646 {strides = array<i32>} : memref<5x80x16xf32, #tpu.memory_space<vmem>>, vector<16xf32>,
        %broadcast_in_dim3A_652 = arith.constant 7 : i32
        %broadcast_in_dim3A_653 = vector.broadcast %broadcast_in_dim3A_652 : i32 to vector<16xi32>
        %lt3A_654 = arith.constant 0 : i32
        %lt3A_655 = vector.broadcast %lt3A_654 : i32 to vector<16xi32>
        %lt3A_656 = arith.cmpi slt, %broadcast_in_dim3A_653, %lt3A_655 : vector<16xi32>
        %add3A_657 = arith.constant 16 : i32
        %add3A_658 = vector.broadcast %add3A_657 : i32 to vector<16xi32>
        %add3A_659 = arith.addi %broadcast_in_dim3A_653, %add3A_658 : vector<16xi32>
        %select_n3A_660 = arith.select %lt3A_656, %add3A_659, %broadcast_in_dim3A_653 : vector<16xi1>, vector<16xi32>
        %broadcast_in_dim3A_661 = vector.shape_cast %select_n3A_660 : vector<16xi32> to vector<16x1xi32>
        %gather3A_662 = vector.shape_cast %broadcast_in_dim3A_661 : vector<16x1xi32> to vector<16xi32>
        %gather3A_663 = tpu.dynamic_gather %mul3A_479[%gather3A_662] in [0] : vector<16xf32>, vector<16xi32> -> vector<16xf32>
        %add3A_664 = arith.constant 7 : i32
        %add3A_665 = arith.addi %mul3A_465, %add3A_664 : i32
        %get3A_666 = arith.constant 3 : i32
        %get3A_667 = arith.index_cast %get3A_666 : i32 to index
        %get3A_668 = arith.index_cast %add3A_665 : i32 to index
        %get3A_669 = arith.constant 0 : index
        %get3A_670 = tpu.vector_load %arg16[%get3A_667, %get3A_668, %get3A_669] {strides = array<i32>} : memref<5x80x16xf32, #tpu.memory_space<vmem>>, vector<16xf32>,
        %mul3A_671 = arith.mulf %get3A_670, %gather3A_663 : vector<16xf32>
        %swap3A_672 = arith.constant 3 : i32
        %swap3A_673 = arith.index_cast %swap3A_672 : i32 to index
        %swap3A_674 = arith.index_cast %add3A_665 : i32 to index
        %swap3A_675 = arith.constant 0 : index
        %swap3A_676 = tpu.vector_load %arg17[%swap3A_673, %swap3A_674, %swap3A_675] {strides = array<i32>} : memref<5x80x16xf32, #tpu.memory_space<vmem>>, vector<16xf32>,
        tpu.vector_store %arg17[%swap3A_673, %swap3A_674, %swap3A_675], %mul3A_671 {strides = array<i32>} : memref<5x80x16xf32, #tpu.memory_space<vmem>>, vector<16xf32>,
        %broadcast_in_dim3A_677 = arith.constant 8 : i32
        %broadcast_in_dim3A_678 = vector.broadcast %broadcast_in_dim3A_677 : i32 to vector<16xi32>
        %lt3A_679 = arith.constant 0 : i32
        %lt3A_680 = vector.broadcast %lt3A_679 : i32 to vector<16xi32>
        %lt3A_681 = arith.cmpi slt, %broadcast_in_dim3A_678, %lt3A_680 : vector<16xi32>
        %add3A_682 = arith.constant 16 : i32
        %add3A_683 = vector.broadcast %add3A_682 : i32 to vector<16xi32>
        %add3A_684 = arith.addi %broadcast_in_dim3A_678, %add3A_683 : vector<16xi32>
        %select_n3A_685 = arith.select %lt3A_681, %add3A_684, %broadcast_in_dim3A_678 : vector<16xi1>, vector<16xi32>
        %broadcast_in_dim3A_686 = vector.shape_cast %select_n3A_685 : vector<16xi32> to vector<16x1xi32>
        %gather3A_687 = vector.shape_cast %broadcast_in_dim3A_686 : vector<16x1xi32> to vector<16xi32>
        %gather3A_688 = tpu.dynamic_gather %mul3A_479[%gather3A_687] in [0] : vector<16xf32>, vector<16xi32> -> vector<16xf32>
        %add3A_689 = arith.constant 8 : i32
        %add3A_690 = arith.addi %mul3A_465, %add3A_689 : i32
        %get3A_691 = arith.constant 3 : i32
        %get3A_692 = arith.index_cast %get3A_691 : i32 to index
        %get3A_693 = arith.index_cast %add3A_690 : i32 to index
        %get3A_694 = arith.constant 0 : index
        %get3A_695 = tpu.vector_load %arg16[%get3A_692, %get3A_693, %get3A_694] {strides = array<i32>} : memref<5x80x16xf32, #tpu.memory_space<vmem>>, vector<16xf32>,
        %mul3A_696 = arith.mulf %get3A_695, %gather3A_688 : vector<16xf32>
        %swap3A_697 = arith.constant 3 : i32
        %swap3A_698 = arith.index_cast %swap3A_697 : i32 to index
        %swap3A_699 = arith.index_cast %add3A_690 : i32 to index
        %swap3A_700 = arith.constant 0 : index
        %swap3A_701 = tpu.vector_load %arg17[%swap3A_698, %swap3A_699, %swap3A_700] {strides = array<i32>} : memref<5x80x16xf32, #tpu.memory_space<vmem>>, vector<16xf32>,
        tpu.vector_store %arg17[%swap3A_698, %swap3A_699, %swap3A_700], %mul3A_696 {strides = array<i32>} : memref<5x80x16xf32, #tpu.memory_space<vmem>>, vector<16xf32>,
        %broadcast_in_dim3A_702 = arith.constant 9 : i32
        %broadcast_in_dim3A_703 = vector.broadcast %broadcast_in_dim3A_702 : i32 to vector<16xi32>
        %lt3A_704 = arith.constant 0 : i32
        %lt3A_705 = vector.broadcast %lt3A_704 : i32 to vector<16xi32>
        %lt3A_706 = arith.cmpi slt, %broadcast_in_dim3A_703, %lt3A_705 : vector<16xi32>
        %add3A_707 = arith.constant 16 : i32
        %add3A_708 = vector.broadcast %add3A_707 : i32 to vector<16xi32>
        %add3A_709 = arith.addi %broadcast_in_dim3A_703, %add3A_708 : vector<16xi32>
        %select_n3A_710 = arith.select %lt3A_706, %add3A_709, %broadcast_in_dim3A_703 : vector<16xi1>, vector<16xi32>
        %broadcast_in_dim3A_711 = vector.shape_cast %select_n3A_710 : vector<16xi32> to vector<16x1xi32>
        %gather3A_712 = vector.shape_cast %broadcast_in_dim3A_711 : vector<16x1xi32> to vector<16xi32>
        %gather3A_713 = tpu.dynamic_gather %mul3A_479[%gather3A_712] in [0] : vector<16xf32>, vector<16xi32> -> vector<16xf32>
        %add3A_714 = arith.constant 9 : i32
        %add3A_715 = arith.addi %mul3A_465, %add3A_714 : i32
        %get3A_716 = arith.constant 3 : i32
        %get3A_717 = arith.index_cast %get3A_716 : i32 to index
        %get3A_718 = arith.index_cast %add3A_715 : i32 to index
        %get3A_719 = arith.constant 0 : index
        %get3A_720 = tpu.vector_load %arg16[%get3A_717, %get3A_718, %get3A_719] {strides = array<i32>} : memref<5x80x16xf32, #tpu.memory_space<vmem>>, vector<16xf32>,
        %mul3A_721 = arith.mulf %get3A_720, %gather3A_713 : vector<16xf32>
        %swap3A_722 = arith.constant 3 : i32
        %swap3A_723 = arith.index_cast %swap3A_722 : i32 to index
        %swap3A_724 = arith.index_cast %add3A_715 : i32 to index
        %swap3A_725 = arith.constant 0 : index
        %swap3A_726 = tpu.vector_load %arg17[%swap3A_723, %swap3A_724, %swap3A_725] {strides = array<i32>} : memref<5x80x16xf32, #tpu.memory_space<vmem>>, vector<16xf32>,
        tpu.vector_store %arg17[%swap3A_723, %swap3A_724, %swap3A_725], %mul3A_721 {strides = array<i32>} : memref<5x80x16xf32, #tpu.memory_space<vmem>>, vector<16xf32>,
        %broadcast_in_dim3A_727 = arith.constant 10 : i32
        %broadcast_in_dim3A_728 = vector.broadcast %broadcast_in_dim3A_727 : i32 to vector<16xi32>
        %lt3A_729 = arith.constant 0 : i32
        %lt3A_730 = vector.broadcast %lt3A_729 : i32 to vector<16xi32>
        %lt3A_731 = arith.cmpi slt, %broadcast_in_dim3A_728, %lt3A_730 : vector<16xi32>
        %add3A_732 = arith.constant 16 : i32
        %add3A_733 = vector.broadcast %add3A_732 : i32 to vector<16xi32>
        %add3A_734 = arith.addi %broadcast_in_dim3A_728, %add3A_733 : vector<16xi32>
        %select_n3A_735 = arith.select %lt3A_731, %add3A_734, %broadcast_in_dim3A_728 : vector<16xi1>, vector<16xi32>
        %broadcast_in_dim3A_736 = vector.shape_cast %select_n3A_735 : vector<16xi32> to vector<16x1xi32>
        %gather3A_737 = vector.shape_cast %broadcast_in_dim3A_736 : vector<16x1xi32> to vector<16xi32>
        %gather3A_738 = tpu.dynamic_gather %mul3A_479[%gather3A_737] in [0] : vector<16xf32>, vector<16xi32> -> vector<16xf32>
        %add3A_739 = arith.constant 10 : i32
        %add3A_740 = arith.addi %mul3A_465, %add3A_739 : i32
        %get3A_741 = arith.constant 3 : i32
        %get3A_742 = arith.index_cast %get3A_741 : i32 to index
        %get3A_743 = arith.index_cast %add3A_740 : i32 to index
        %get3A_744 = arith.constant 0 : index
        %get3A_745 = tpu.vector_load %arg16[%get3A_742, %get3A_743, %get3A_744] {strides = array<i32>} : memref<5x80x16xf32, #tpu.memory_space<vmem>>, vector<16xf32>,
        %mul3A_746 = arith.mulf %get3A_745, %gather3A_738 : vector<16xf32>
        %swap3A_747 = arith.constant 3 : i32
        %swap3A_748 = arith.index_cast %swap3A_747 : i32 to index
        %swap3A_749 = arith.index_cast %add3A_740 : i32 to index
        %swap3A_750 = arith.constant 0 : index
        %swap3A_751 = tpu.vector_load %arg17[%swap3A_748, %swap3A_749, %swap3A_750] {strides = array<i32>} : memref<5x80x16xf32, #tpu.memory_space<vmem>>, vector<16xf32>,
        tpu.vector_store %arg17[%swap3A_748, %swap3A_749, %swap3A_750], %mul3A_746 {strides = array<i32>} : memref<5x80x16xf32, #tpu.memory_space<vmem>>, vector<16xf32>,
        %broadcast_in_dim3A_752 = arith.constant 11 : i32
        %broadcast_in_dim3A_753 = vector.broadcast %broadcast_in_dim3A_752 : i32 to vector<16xi32>
        %lt3A_754 = arith.constant 0 : i32
        %lt3A_755 = vector.broadcast %lt3A_754 : i32 to vector<16xi32>
        %lt3A_756 = arith.cmpi slt, %broadcast_in_dim3A_753, %lt3A_755 : vector<16xi32>
        %add3A_757 = arith.constant 16 : i32
        %add3A_758 = vector.broadcast %add3A_757 : i32 to vector<16xi32>
        %add3A_759 = arith.addi %broadcast_in_dim3A_753, %add3A_758 : vector<16xi32>
        %select_n3A_760 = arith.select %lt3A_756, %add3A_759, %broadcast_in_dim3A_753 : vector<16xi1>, vector<16xi32>
        %broadcast_in_dim3A_761 = vector.shape_cast %select_n3A_760 : vector<16xi32> to vector<16x1xi32>
        %gather3A_762 = vector.shape_cast %broadcast_in_dim3A_761 : vector<16x1xi32> to vector<16xi32>
        %gather3A_763 = tpu.dynamic_gather %mul3A_479[%gather3A_762] in [0] : vector<16xf32>, vector<16xi32> -> vector<16xf32>
        %add3A_764 = arith.constant 11 : i32
        %add3A_765 = arith.addi %mul3A_465, %add3A_764 : i32
        %get3A_766 = arith.constant 3 : i32
        %get3A_767 = arith.index_cast %get3A_766 : i32 to index
        %get3A_768 = arith.index_cast %add3A_765 : i32 to index
        %get3A_769 = arith.constant 0 : index
        %get3A_770 = tpu.vector_load %arg16[%get3A_767, %get3A_768, %get3A_769] {strides = array<i32>} : memref<5x80x16xf32, #tpu.memory_space<vmem>>, vector<16xf32>,
        %mul3A_771 = arith.mulf %get3A_770, %gather3A_763 : vector<16xf32>
        %swap3A_772 = arith.constant 3 : i32
        %swap3A_773 = arith.index_cast %swap3A_772 : i32 to index
        %swap3A_774 = arith.index_cast %add3A_765 : i32 to index
        %swap3A_775 = arith.constant 0 : index
        %swap3A_776 = tpu.vector_load %arg17[%swap3A_773, %swap3A_774, %swap3A_775] {strides = array<i32>} : memref<5x80x16xf32, #tpu.memory_space<vmem>>, vector<16xf32>,
        tpu.vector_store %arg17[%swap3A_773, %swap3A_774, %swap3A_775], %mul3A_771 {strides = array<i32>} : memref<5x80x16xf32, #tpu.memory_space<vmem>>, vector<16xf32>,
        %broadcast_in_dim3A_777 = arith.constant 12 : i32
        %broadcast_in_dim3A_778 = vector.broadcast %broadcast_in_dim3A_777 : i32 to vector<16xi32>
        %lt3A_779 = arith.constant 0 : i32
        %lt3A_780 = vector.broadcast %lt3A_779 : i32 to vector<16xi32>
        %lt3A_781 = arith.cmpi slt, %broadcast_in_dim3A_778, %lt3A_780 : vector<16xi32>
        %add3A_782 = arith.constant 16 : i32
        %add3A_783 = vector.broadcast %add3A_782 : i32 to vector<16xi32>
        %add3A_784 = arith.addi %broadcast_in_dim3A_778, %add3A_783 : vector<16xi32>
        %select_n3A_785 = arith.select %lt3A_781, %add3A_784, %broadcast_in_dim3A_778 : vector<16xi1>, vector<16xi32>
        %broadcast_in_dim3A_786 = vector.shape_cast %select_n3A_785 : vector<16xi32> to vector<16x1xi32>
        %gather3A_787 = vector.shape_cast %broadcast_in_dim3A_786 : vector<16x1xi32> to vector<16xi32>
        %gather3A_788 = tpu.dynamic_gather %mul3A_479[%gather3A_787] in [0] : vector<16xf32>, vector<16xi32> -> vector<16xf32>
        %add3A_789 = arith.constant 12 : i32
        %add3A_790 = arith.addi %mul3A_465, %add3A_789 : i32
        %get3A_791 = arith.constant 3 : i32
        %get3A_792 = arith.index_cast %get3A_791 : i32 to index
        %get3A_793 = arith.index_cast %add3A_790 : i32 to index
        %get3A_794 = arith.constant 0 : index
        %get3A_795 = tpu.vector_load %arg16[%get3A_792, %get3A_793, %get3A_794] {strides = array<i32>} : memref<5x80x16xf32, #tpu.memory_space<vmem>>, vector<16xf32>,
        %mul3A_796 = arith.mulf %get3A_795, %gather3A_788 : vector<16xf32>
        %swap3A_797 = arith.constant 3 : i32
        %swap3A_798 = arith.index_cast %swap3A_797 : i32 to index
        %swap3A_799 = arith.index_cast %add3A_790 : i32 to index
        %swap3A_800 = arith.constant 0 : index
        %swap3A_801 = tpu.vector_load %arg17[%swap3A_798, %swap3A_799, %swap3A_800] {strides = array<i32>} : memref<5x80x16xf32, #tpu.memory_space<vmem>>, vector<16xf32>,
        tpu.vector_store %arg17[%swap3A_798, %swap3A_799, %swap3A_800], %mul3A_796 {strides = array<i32>} : memref<5x80x16xf32, #tpu.memory_space<vmem>>, vector<16xf32>,
        %broadcast_in_dim3A_802 = arith.constant 13 : i32
        %broadcast_in_dim3A_803 = vector.broadcast %broadcast_in_dim3A_802 : i32 to vector<16xi32>
        %lt3A_804 = arith.constant 0 : i32
        %lt3A_805 = vector.broadcast %lt3A_804 : i32 to vector<16xi32>
        %lt3A_806 = arith.cmpi slt, %broadcast_in_dim3A_803, %lt3A_805 : vector<16xi32>
        %add3A_807 = arith.constant 16 : i32
        %add3A_808 = vector.broadcast %add3A_807 : i32 to vector<16xi32>
        %add3A_809 = arith.addi %broadcast_in_dim3A_803, %add3A_808 : vector<16xi32>
        %select_n3A_810 = arith.select %lt3A_806, %add3A_809, %broadcast_in_dim3A_803 : vector<16xi1>, vector<16xi32>
        %broadcast_in_dim3A_811 = vector.shape_cast %select_n3A_810 : vector<16xi32> to vector<16x1xi32>
        %gather3A_812 = vector.shape_cast %broadcast_in_dim3A_811 : vector<16x1xi32> to vector<16xi32>
        %gather3A_813 = tpu.dynamic_gather %mul3A_479[%gather3A_812] in [0] : vector<16xf32>, vector<16xi32> -> vector<16xf32>
        %add3A_814 = arith.constant 13 : i32
        %add3A_815 = arith.addi %mul3A_465, %add3A_814 : i32
        %get3A_816 = arith.constant 3 : i32
        %get3A_817 = arith.index_cast %get3A_816 : i32 to index
        %get3A_818 = arith.index_cast %add3A_815 : i32 to index
        %get3A_819 = arith.constant 0 : index
        %get3A_820 = tpu.vector_load %arg16[%get3A_817, %get3A_818, %get3A_819] {strides = array<i32>} : memref<5x80x16xf32, #tpu.memory_space<vmem>>, vector<16xf32>,
        %mul3A_821 = arith.mulf %get3A_820, %gather3A_813 : vector<16xf32>
        %swap3A_822 = arith.constant 3 : i32
        %swap3A_823 = arith.index_cast %swap3A_822 : i32 to index
        %swap3A_824 = arith.index_cast %add3A_815 : i32 to index
        %swap3A_825 = arith.constant 0 : index
        %swap3A_826 = tpu.vector_load %arg17[%swap3A_823, %swap3A_824, %swap3A_825] {strides = array<i32>} : memref<5x80x16xf32, #tpu.memory_space<vmem>>, vector<16xf32>,
        tpu.vector_store %arg17[%swap3A_823, %swap3A_824, %swap3A_825], %mul3A_821 {strides = array<i32>} : memref<5x80x16xf32, #tpu.memory_space<vmem>>, vector<16xf32>,
        %broadcast_in_dim3A_827 = arith.constant 14 : i32
        %broadcast_in_dim3A_828 = vector.broadcast %broadcast_in_dim3A_827 : i32 to vector<16xi32>
        %lt3A_829 = arith.constant 0 : i32
        %lt3A_830 = vector.broadcast %lt3A_829 : i32 to vector<16xi32>
        %lt3A_831 = arith.cmpi slt, %broadcast_in_dim3A_828, %lt3A_830 : vector<16xi32>
        %add3A_832 = arith.constant 16 : i32
        %add3A_833 = vector.broadcast %add3A_832 : i32 to vector<16xi32>
        %add3A_834 = arith.addi %broadcast_in_dim3A_828, %add3A_833 : vector<16xi32>
        %select_n3A_835 = arith.select %lt3A_831, %add3A_834, %broadcast_in_dim3A_828 : vector<16xi1>, vector<16xi32>
        %broadcast_in_dim3A_836 = vector.shape_cast %select_n3A_835 : vector<16xi32> to vector<16x1xi32>
        %gather3A_837 = vector.shape_cast %broadcast_in_dim3A_836 : vector<16x1xi32> to vector<16xi32>
        %gather3A_838 = tpu.dynamic_gather %mul3A_479[%gather3A_837] in [0] : vector<16xf32>, vector<16xi32> -> vector<16xf32>
        %add3A_839 = arith.constant 14 : i32
        %add3A_840 = arith.addi %mul3A_465, %add3A_839 : i32
        %get3A_841 = arith.constant 3 : i32
        %get3A_842 = arith.index_cast %get3A_841 : i32 to index
        %get3A_843 = arith.index_cast %add3A_840 : i32 to index
        %get3A_844 = arith.constant 0 : index
        %get3A_845 = tpu.vector_load %arg16[%get3A_842, %get3A_843, %get3A_844] {strides = array<i32>} : memref<5x80x16xf32, #tpu.memory_space<vmem>>, vector<16xf32>,
        %mul3A_846 = arith.mulf %get3A_845, %gather3A_838 : vector<16xf32>
        %swap3A_847 = arith.constant 3 : i32
        %swap3A_848 = arith.index_cast %swap3A_847 : i32 to index
        %swap3A_849 = arith.index_cast %add3A_840 : i32 to index
        %swap3A_850 = arith.constant 0 : index
        %swap3A_851 = tpu.vector_load %arg17[%swap3A_848, %swap3A_849, %swap3A_850] {strides = array<i32>} : memref<5x80x16xf32, #tpu.memory_space<vmem>>, vector<16xf32>,
        tpu.vector_store %arg17[%swap3A_848, %swap3A_849, %swap3A_850], %mul3A_846 {strides = array<i32>} : memref<5x80x16xf32, #tpu.memory_space<vmem>>, vector<16xf32>,
        %broadcast_in_dim3A_852 = arith.constant 15 : i32
        %broadcast_in_dim3A_853 = vector.broadcast %broadcast_in_dim3A_852 : i32 to vector<16xi32>
        %lt3A_854 = arith.constant 0 : i32
        %lt3A_855 = vector.broadcast %lt3A_854 : i32 to vector<16xi32>
        %lt3A_856 = arith.cmpi slt, %broadcast_in_dim3A_853, %lt3A_855 : vector<16xi32>
        %add3A_857 = arith.constant 16 : i32
        %add3A_858 = vector.broadcast %add3A_857 : i32 to vector<16xi32>
        %add3A_859 = arith.addi %broadcast_in_dim3A_853, %add3A_858 : vector<16xi32>
        %select_n3A_860 = arith.select %lt3A_856, %add3A_859, %broadcast_in_dim3A_853 : vector<16xi1>, vector<16xi32>
        %broadcast_in_dim3A_861 = vector.shape_cast %select_n3A_860 : vector<16xi32> to vector<16x1xi32>
        %gather3A_862 = vector.shape_cast %broadcast_in_dim3A_861 : vector<16x1xi32> to vector<16xi32>
        %gather3A_863 = tpu.dynamic_gather %mul3A_479[%gather3A_862] in [0] : vector<16xf32>, vector<16xi32> -> vector<16xf32>
        %add3A_864 = arith.constant 15 : i32
        %add3A_865 = arith.addi %mul3A_465, %add3A_864 : i32
        %get3A_866 = arith.constant 3 : i32
        %get3A_867 = arith.index_cast %get3A_866 : i32 to index
        %get3A_868 = arith.index_cast %add3A_865 : i32 to index
        %get3A_869 = arith.constant 0 : index
        %get3A_870 = tpu.vector_load %arg16[%get3A_867, %get3A_868, %get3A_869] {strides = array<i32>} : memref<5x80x16xf32, #tpu.memory_space<vmem>>, vector<16xf32>,
        %mul3A_871 = arith.mulf %get3A_870, %gather3A_863 : vector<16xf32>
        %swap3A_872 = arith.constant 3 : i32
        %swap3A_873 = arith.index_cast %swap3A_872 : i32 to index
        %swap3A_874 = arith.index_cast %add3A_865 : i32 to index
        %swap3A_875 = arith.constant 0 : index
        %swap3A_876 = tpu.vector_load %arg17[%swap3A_873, %swap3A_874, %swap3A_875] {strides = array<i32>} : memref<5x80x16xf32, #tpu.memory_space<vmem>>, vector<16xf32>,
        tpu.vector_store %arg17[%swap3A_873, %swap3A_874, %swap3A_875], %mul3A_871 {strides = array<i32>} : memref<5x80x16xf32, #tpu.memory_space<vmem>>, vector<16xf32>,
        %scan3A_877 = arith.constant 0 : i32
        scf.yield %scan3A_877 : i32
      }
      %scan3A_384 = arith.constant 5 : i32
      %dma_start3A_385 = arith.constant 3 : i32
      %dma_start3A_386 = arith.constant 3 : i32
      %dma_start3A_387 = arith.constant 0 : i32
      %dma_start3A_388 = arith.constant 0 : i32
      %dma_start3A_389 = tpu.memref_slice %arg17[%dma_start3A_385, %dma_start3A_387, %dma_start3A_388] : memref<5x80x16xf32, #tpu.memory_space<vmem>> -> memref<1x80x16xf32, #tpu.memory_space<vmem>>
      %dma_start3A_390 = tpu.memref_squeeze %dma_start3A_389 : memref<1x80x16xf32, #tpu.memory_space<vmem>> -> memref<80x16xf32, #tpu.memory_space<vmem>>
      %dma_start3A_391 = arith.constant 0 : i32
      %dma_start3A_392 = tpu.memref_slice %arg9[%arg0, %add3A_358, %dma_start3A_391] : memref<2x125x80xi32, #tpu.memory_space<vmem>> -> memref<1x1x80xi32, #tpu.memory_space<vmem>>
      %dma_start3A_393 = tpu.memref_squeeze %dma_start3A_392 : memref<1x1x80xi32, #tpu.memory_space<vmem>> -> memref<80xi32, #tpu.memory_space<vmem>>
      %dma_start3A_394 = arith.constant 0 : i32
      %dma_start3A_395 = arith.constant 0 : i32
      %dma_start3A_396 = tpu.memref_slice %arg21[%dma_start3A_394, %dma_start3A_395] : memref<10240x16xf32, #tpu.memory_space<vmem_shared>> -> memref<10240x16xf32, #tpu.memory_space<vmem_shared>>
      %dma_start3A_397 = tpu.memref_slice %arg23[%dma_start3A_386] : memref<5x!tpu.dma_semaphore, #tpu.memory_space<semaphore_mem>> -> memref<1x!tpu.dma_semaphore, #tpu.memory_space<semaphore_mem>>
      %dma_start3A_398 = tpu.memref_squeeze %dma_start3A_397 : memref<1x!tpu.dma_semaphore, #tpu.memory_space<semaphore_mem>> -> memref<!tpu.dma_semaphore, #tpu.memory_space<semaphore_mem>>
      tpu.enqueue_indirect_dma source(%dma_start3A_390 : memref<80x16xf32, #tpu.memory_space<vmem>>) target(%dma_start3A_396 : memref<10240x16xf32, #tpu.memory_space<vmem_shared>>) offsets(%dma_start3A_393 : memref<80xi32, #tpu.memory_space<vmem>>) semaphore(%dma_start3A_398 : memref<!tpu.dma_semaphore, #tpu.memory_space<semaphore_mem>>) {add = true}
      %add3A_399 = arith.constant 5 : i32
      %add3A_400 = arith.addi %add3A_358, %add3A_399 : i32
      %sub3A_401 = arith.constant 1 : i32
      %sub3A_402 = arith.subi %add3A_400, %sub3A_401 : i32
      %lt3A_403 = arith.constant 125 : i32
      %lt3A_404 = arith.cmpi slt, %sub3A_402, %lt3A_403 : i32
      %convert_element_type3A_405 = arith.extui %lt3A_404 : i1 to i32
      %cond3A_406 = arith.constant 0 : i32
      %cond3A_407 = arith.cmpi ne, %convert_element_type3A_405, %cond3A_406 : i32
      scf.if %cond3A_407 {
        %dma_start3A_462 = arith.constant 2 : i32
        %dma_start3A_463 = arith.constant 2 : i32
        %dma_start3A_464 = arith.constant 0 : i32
        %dma_start3A_465 = arith.constant 0 : i32
        %dma_start3A_466 = tpu.memref_slice %arg16[%dma_start3A_462, %dma_start3A_464, %dma_start3A_465] : memref<5x80x16xf32, #tpu.memory_space<vmem>> -> memref<1x80x16xf32, #tpu.memory_space<vmem>>
        %dma_start3A_467 = tpu.memref_squeeze %dma_start3A_466 : memref<1x80x16xf32, #tpu.memory_space<vmem>> -> memref<80x16xf32, #tpu.memory_space<vmem>>
        %dma_start3A_468 = arith.constant 0 : i32
        %dma_start3A_469 = tpu.memref_slice %arg8[%sub3A_402, %dma_start3A_468] : memref<125x80xi32, #tpu.memory_space<vmem>> -> memref<1x80xi32, #tpu.memory_space<vmem>>
        %dma_start3A_470 = tpu.memref_squeeze %dma_start3A_469 : memref<1x80xi32, #tpu.memory_space<vmem>> -> memref<80xi32, #tpu.memory_space<vmem>>
        %dma_start3A_471 = arith.constant 0 : i32
        %dma_start3A_472 = arith.constant 0 : i32
        %dma_start3A_473 = tpu.memref_slice %arg20[%dma_start3A_471, %dma_start3A_472] : memref<10240x16xf32, #tpu.memory_space<vmem_shared>> -> memref<10240x16xf32, #tpu.memory_space<vmem_shared>>
        %dma_start3A_474 = tpu.memref_slice %arg22[%dma_start3A_463] : memref<5x!tpu.dma_semaphore, #tpu.memory_space<semaphore_mem>> -> memref<1x!tpu.dma_semaphore, #tpu.memory_space<semaphore_mem>>
        %dma_start3A_475 = tpu.memref_squeeze %dma_start3A_474 : memref<1x!tpu.dma_semaphore, #tpu.memory_space<semaphore_mem>> -> memref<!tpu.dma_semaphore, #tpu.memory_space<semaphore_mem>>
        tpu.enqueue_indirect_dma source(%dma_start3A_473 : memref<10240x16xf32, #tpu.memory_space<vmem_shared>>) target(%dma_start3A_467 : memref<80x16xf32, #tpu.memory_space<vmem>>) offsets(%dma_start3A_470 : memref<80xi32, #tpu.memory_space<vmem>>) semaphore(%dma_start3A_475 : memref<!tpu.dma_semaphore, #tpu.memory_space<semaphore_mem>>)
      } else {
      }
      %mul3A_408 = arith.constant 5 : i32
      %mul3A_409 = arith.muli %scan3A_197, %mul3A_408 : i32
      %add3A_410 = arith.constant 4 : i32
      %add3A_411 = arith.addi %mul3A_409, %add3A_410 : i32
      %dma_wait3A_412 = arith.constant 4 : i32
      %dma_wait3A_413 = arith.constant 4 : i32
      %dma_wait3A_414 = arith.constant 0 : i32
      %dma_wait3A_415 = arith.constant 0 : i32
      %dma_wait3A_416 = tpu.memref_slice %arg16[%dma_wait3A_412, %dma_wait3A_414, %dma_wait3A_415] : memref<5x80x16xf32, #tpu.memory_space<vmem>> -> memref<1x80x16xf32, #tpu.memory_space<vmem>>
      %dma_wait3A_417 = tpu.memref_squeeze %dma_wait3A_416 : memref<1x80x16xf32, #tpu.memory_space<vmem>> -> memref<80x16xf32, #tpu.memory_space<vmem>>
      %dma_wait3A_418 = arith.constant 0 : i32
      %dma_wait3A_419 = tpu.memref_slice %arg8[%add3A_411, %dma_wait3A_418] : memref<125x80xi32, #tpu.memory_space<vmem>> -> memref<1x80xi32, #tpu.memory_space<vmem>>
      %dma_wait3A_420 = tpu.memref_squeeze %dma_wait3A_419 : memref<1x80xi32, #tpu.memory_space<vmem>> -> memref<80xi32, #tpu.memory_space<vmem>>
      %dma_wait3A_421 = arith.constant 0 : i32
      %dma_wait3A_422 = arith.constant 0 : i32
      %dma_wait3A_423 = tpu.memref_slice %arg20[%dma_wait3A_421, %dma_wait3A_422] : memref<10240x16xf32, #tpu.memory_space<vmem_shared>> -> memref<10240x16xf32, #tpu.memory_space<vmem_shared>>
      %dma_wait3A_424 = tpu.memref_slice %arg22[%dma_wait3A_413] : memref<5x!tpu.dma_semaphore, #tpu.memory_space<semaphore_mem>> -> memref<1x!tpu.dma_semaphore, #tpu.memory_space<semaphore_mem>>
      %dma_wait3A_425 = tpu.memref_squeeze %dma_wait3A_424 : memref<1x!tpu.dma_semaphore, #tpu.memory_space<semaphore_mem>> -> memref<!tpu.dma_semaphore, #tpu.memory_space<semaphore_mem>>
      tpu.wait_indirect_dma semaphore(%dma_wait3A_425 : memref<!tpu.dma_semaphore, #tpu.memory_space<semaphore_mem>>) src(%dma_wait3A_423 : memref<10240x16xf32, #tpu.memory_space<vmem_shared>>) dst(%dma_wait3A_417 : memref<80x16xf32, #tpu.memory_space<vmem>>)
      %gt3A_426 = arith.constant 0 : i32
      %gt3A_427 = arith.cmpi sgt, %scan3A_197, %gt3A_426 : i32
      %convert_element_type3A_428 = arith.extui %gt3A_427 : i1 to i32
      %cond3A_429 = arith.constant 0 : i32
      %cond3A_430 = arith.cmpi ne, %convert_element_type3A_428, %cond3A_429 : i32
      scf.if %cond3A_430 {
        %dma_wait3A_462 = arith.constant 4 : i32
        %dma_wait3A_463 = arith.constant 4 : i32
        %dma_wait3A_464 = arith.constant 0 : i32
        %dma_wait3A_465 = arith.constant 0 : i32
        %dma_wait3A_466 = tpu.memref_slice %arg17[%dma_wait3A_462, %dma_wait3A_464, %dma_wait3A_465] : memref<5x80x16xf32, #tpu.memory_space<vmem>> -> memref<1x80x16xf32, #tpu.memory_space<vmem>>
        %dma_wait3A_467 = tpu.memref_squeeze %dma_wait3A_466 : memref<1x80x16xf32, #tpu.memory_space<vmem>> -> memref<80x16xf32, #tpu.memory_space<vmem>>
        %dma_wait3A_468 = arith.constant 0 : i32
        %dma_wait3A_469 = tpu.memref_slice %arg9[%arg0, %add3A_411, %dma_wait3A_468] : memref<2x125x80xi32, #tpu.memory_space<vmem>> -> memref<1x1x80xi32, #tpu.memory_space<vmem>>
        %dma_wait3A_470 = tpu.memref_squeeze %dma_wait3A_469 : memref<1x1x80xi32, #tpu.memory_space<vmem>> -> memref<80xi32, #tpu.memory_space<vmem>>
        %dma_wait3A_471 = arith.constant 0 : i32
        %dma_wait3A_472 = arith.constant 0 : i32
        %dma_wait3A_473 = tpu.memref_slice %arg21[%dma_wait3A_471, %dma_wait3A_472] : memref<10240x16xf32, #tpu.memory_space<vmem_shared>> -> memref<10240x16xf32, #tpu.memory_space<vmem_shared>>
        %dma_wait3A_474 = tpu.memref_slice %arg23[%dma_wait3A_463] : memref<5x!tpu.dma_semaphore, #tpu.memory_space<semaphore_mem>> -> memref<1x!tpu.dma_semaphore, #tpu.memory_space<semaphore_mem>>
        %dma_wait3A_475 = tpu.memref_squeeze %dma_wait3A_474 : memref<1x!tpu.dma_semaphore, #tpu.memory_space<semaphore_mem>> -> memref<!tpu.dma_semaphore, #tpu.memory_space<semaphore_mem>>
        tpu.wait_indirect_dma semaphore(%dma_wait3A_475 : memref<!tpu.dma_semaphore, #tpu.memory_space<semaphore_mem>>) src(%dma_wait3A_467 : memref<80x16xf32, #tpu.memory_space<vmem>>) dst(%dma_wait3A_473 : memref<10240x16xf32, #tpu.memory_space<vmem_shared>>)
      } else {
      }
      %scan3A_431 = arith.constant 0 : i32
      %scan3A_432 = arith.constant 0 : i32
      %scan3A_433 = arith.constant 5 : i32
      %scan3A_434 = arith.addi %scan3A_432, %scan3A_433 : i32
      %scan3A_435 = arith.constant 1 : i32
      %scan3A_436 = scf.for %scan3A_462 = %scan3A_432 to %scan3A_434 step %scan3A_435 iter_args(%scan3A_463 = %scan3A_431) -> (i32)  : i32 {
        %mul3A_464 = arith.constant 16 : i32
        %mul3A_465 = arith.muli %scan3A_462, %mul3A_464 : i32
        %get3A_466 = arith.index_cast %add3A_411 : i32 to index
        %get3A_467 = arith.index_cast %mul3A_465 : i32 to index
        %get3A_468 = tpu.vector_load %arg8[%get3A_466, %get3A_467] {strides = array<i32>} : memref<125x80xi32, #tpu.memory_space<vmem>>, vector<16xi32>,
        %get3A_469 = arith.index_cast %arg0 : i32 to index
        %get3A_470 = arith.index_cast %add3A_411 : i32 to index
        %get3A_471 = arith.index_cast %mul3A_465 : i32 to index
        %get3A_472 = tpu.vector_load %arg9[%get3A_469, %get3A_470, %get3A_471] {strides = array<i32>} : memref<2x125x80xi32, #tpu.memory_space<vmem>>, vector<16xi32>,
        %get3A_473 = arith.index_cast %arg0 : i32 to index
        %get3A_474 = arith.index_cast %add3A_411 : i32 to index
        %get3A_475 = arith.index_cast %mul3A_465 : i32 to index
        %get3A_476 = tpu.vector_load %arg10[%get3A_473, %get3A_474, %get3A_475] {strides = array<i32>} : memref<2x125x80xf32, #tpu.memory_space<vmem>>, vector<16xf32>,
        %gather3A = tpu.vector_load_idx %arg13[%get3A_468] : memref<10240xf32, #tpu.memory_space<vmem>>[vector<16xi32>], vector<16xf32>,
        %mul3A_477 = arith.mulf %gather3A, %get3A_476 : vector<16xf32>
        %gather3A_478 = tpu.vector_load_idx %arg13[%get3A_472] : memref<10240xf32, #tpu.memory_space<vmem>>[vector<16xi32>], vector<16xf32>,
        %mul3A_479 = arith.mulf %mul3A_477, %gather3A_478 : vector<16xf32>
        %broadcast_in_dim3A = arith.constant 0 : i32
        %broadcast_in_dim3A_480 = vector.broadcast %broadcast_in_dim3A : i32 to vector<16xi32>
        %lt3A_481 = arith.constant 0 : i32
        %lt3A_482 = vector.broadcast %lt3A_481 : i32 to vector<16xi32>
        %lt3A_483 = arith.cmpi slt, %broadcast_in_dim3A_480, %lt3A_482 : vector<16xi32>
        %add3A_484 = arith.constant 16 : i32
        %add3A_485 = vector.broadcast %add3A_484 : i32 to vector<16xi32>
        %add3A_486 = arith.addi %broadcast_in_dim3A_480, %add3A_485 : vector<16xi32>
        %select_n3A = arith.select %lt3A_483, %add3A_486, %broadcast_in_dim3A_480 : vector<16xi1>, vector<16xi32>
        %broadcast_in_dim3A_487 = vector.shape_cast %select_n3A : vector<16xi32> to vector<16x1xi32>
        %gather3A_488 = vector.shape_cast %broadcast_in_dim3A_487 : vector<16x1xi32> to vector<16xi32>
        %gather3A_489 = tpu.dynamic_gather %mul3A_479[%gather3A_488] in [0] : vector<16xf32>, vector<16xi32> -> vector<16xf32>
        %add3A_490 = arith.constant 0 : i32
        %add3A_491 = arith.addi %mul3A_465, %add3A_490 : i32
        %get3A_492 = arith.constant 4 : i32
        %get3A_493 = arith.index_cast %get3A_492 : i32 to index
        %get3A_494 = arith.index_cast %add3A_491 : i32 to index
        %get3A_495 = arith.constant 0 : index
        %get3A_496 = tpu.vector_load %arg16[%get3A_493, %get3A_494, %get3A_495] {strides = array<i32>} : memref<5x80x16xf32, #tpu.memory_space<vmem>>, vector<16xf32>,
        %mul3A_497 = arith.mulf %get3A_496, %gather3A_489 : vector<16xf32>
        %swap3A = arith.constant 4 : i32
        %swap3A_498 = arith.index_cast %swap3A : i32 to index
        %swap3A_499 = arith.index_cast %add3A_491 : i32 to index
        %swap3A_500 = arith.constant 0 : index
        %swap3A_501 = tpu.vector_load %arg17[%swap3A_498, %swap3A_499, %swap3A_500] {strides = array<i32>} : memref<5x80x16xf32, #tpu.memory_space<vmem>>, vector<16xf32>,
        tpu.vector_store %arg17[%swap3A_498, %swap3A_499, %swap3A_500], %mul3A_497 {strides = array<i32>} : memref<5x80x16xf32, #tpu.memory_space<vmem>>, vector<16xf32>,
        %broadcast_in_dim3A_502 = arith.constant 1 : i32
        %broadcast_in_dim3A_503 = vector.broadcast %broadcast_in_dim3A_502 : i32 to vector<16xi32>
        %lt3A_504 = arith.constant 0 : i32
        %lt3A_505 = vector.broadcast %lt3A_504 : i32 to vector<16xi32>
        %lt3A_506 = arith.cmpi slt, %broadcast_in_dim3A_503, %lt3A_505 : vector<16xi32>
        %add3A_507 = arith.constant 16 : i32
        %add3A_508 = vector.broadcast %add3A_507 : i32 to vector<16xi32>
        %add3A_509 = arith.addi %broadcast_in_dim3A_503, %add3A_508 : vector<16xi32>
        %select_n3A_510 = arith.select %lt3A_506, %add3A_509, %broadcast_in_dim3A_503 : vector<16xi1>, vector<16xi32>
        %broadcast_in_dim3A_511 = vector.shape_cast %select_n3A_510 : vector<16xi32> to vector<16x1xi32>
        %gather3A_512 = vector.shape_cast %broadcast_in_dim3A_511 : vector<16x1xi32> to vector<16xi32>
        %gather3A_513 = tpu.dynamic_gather %mul3A_479[%gather3A_512] in [0] : vector<16xf32>, vector<16xi32> -> vector<16xf32>
        %add3A_514 = arith.constant 1 : i32
        %add3A_515 = arith.addi %mul3A_465, %add3A_514 : i32
        %get3A_516 = arith.constant 4 : i32
        %get3A_517 = arith.index_cast %get3A_516 : i32 to index
        %get3A_518 = arith.index_cast %add3A_515 : i32 to index
        %get3A_519 = arith.constant 0 : index
        %get3A_520 = tpu.vector_load %arg16[%get3A_517, %get3A_518, %get3A_519] {strides = array<i32>} : memref<5x80x16xf32, #tpu.memory_space<vmem>>, vector<16xf32>,
        %mul3A_521 = arith.mulf %get3A_520, %gather3A_513 : vector<16xf32>
        %swap3A_522 = arith.constant 4 : i32
        %swap3A_523 = arith.index_cast %swap3A_522 : i32 to index
        %swap3A_524 = arith.index_cast %add3A_515 : i32 to index
        %swap3A_525 = arith.constant 0 : index
        %swap3A_526 = tpu.vector_load %arg17[%swap3A_523, %swap3A_524, %swap3A_525] {strides = array<i32>} : memref<5x80x16xf32, #tpu.memory_space<vmem>>, vector<16xf32>,
        tpu.vector_store %arg17[%swap3A_523, %swap3A_524, %swap3A_525], %mul3A_521 {strides = array<i32>} : memref<5x80x16xf32, #tpu.memory_space<vmem>>, vector<16xf32>,
        %broadcast_in_dim3A_527 = arith.constant 2 : i32
        %broadcast_in_dim3A_528 = vector.broadcast %broadcast_in_dim3A_527 : i32 to vector<16xi32>
        %lt3A_529 = arith.constant 0 : i32
        %lt3A_530 = vector.broadcast %lt3A_529 : i32 to vector<16xi32>
        %lt3A_531 = arith.cmpi slt, %broadcast_in_dim3A_528, %lt3A_530 : vector<16xi32>
        %add3A_532 = arith.constant 16 : i32
        %add3A_533 = vector.broadcast %add3A_532 : i32 to vector<16xi32>
        %add3A_534 = arith.addi %broadcast_in_dim3A_528, %add3A_533 : vector<16xi32>
        %select_n3A_535 = arith.select %lt3A_531, %add3A_534, %broadcast_in_dim3A_528 : vector<16xi1>, vector<16xi32>
        %broadcast_in_dim3A_536 = vector.shape_cast %select_n3A_535 : vector<16xi32> to vector<16x1xi32>
        %gather3A_537 = vector.shape_cast %broadcast_in_dim3A_536 : vector<16x1xi32> to vector<16xi32>
        %gather3A_538 = tpu.dynamic_gather %mul3A_479[%gather3A_537] in [0] : vector<16xf32>, vector<16xi32> -> vector<16xf32>
        %add3A_539 = arith.constant 2 : i32
        %add3A_540 = arith.addi %mul3A_465, %add3A_539 : i32
        %get3A_541 = arith.constant 4 : i32
        %get3A_542 = arith.index_cast %get3A_541 : i32 to index
        %get3A_543 = arith.index_cast %add3A_540 : i32 to index
        %get3A_544 = arith.constant 0 : index
        %get3A_545 = tpu.vector_load %arg16[%get3A_542, %get3A_543, %get3A_544] {strides = array<i32>} : memref<5x80x16xf32, #tpu.memory_space<vmem>>, vector<16xf32>,
        %mul3A_546 = arith.mulf %get3A_545, %gather3A_538 : vector<16xf32>
        %swap3A_547 = arith.constant 4 : i32
        %swap3A_548 = arith.index_cast %swap3A_547 : i32 to index
        %swap3A_549 = arith.index_cast %add3A_540 : i32 to index
        %swap3A_550 = arith.constant 0 : index
        %swap3A_551 = tpu.vector_load %arg17[%swap3A_548, %swap3A_549, %swap3A_550] {strides = array<i32>} : memref<5x80x16xf32, #tpu.memory_space<vmem>>, vector<16xf32>,
        tpu.vector_store %arg17[%swap3A_548, %swap3A_549, %swap3A_550], %mul3A_546 {strides = array<i32>} : memref<5x80x16xf32, #tpu.memory_space<vmem>>, vector<16xf32>,
        %broadcast_in_dim3A_552 = arith.constant 3 : i32
        %broadcast_in_dim3A_553 = vector.broadcast %broadcast_in_dim3A_552 : i32 to vector<16xi32>
        %lt3A_554 = arith.constant 0 : i32
        %lt3A_555 = vector.broadcast %lt3A_554 : i32 to vector<16xi32>
        %lt3A_556 = arith.cmpi slt, %broadcast_in_dim3A_553, %lt3A_555 : vector<16xi32>
        %add3A_557 = arith.constant 16 : i32
        %add3A_558 = vector.broadcast %add3A_557 : i32 to vector<16xi32>
        %add3A_559 = arith.addi %broadcast_in_dim3A_553, %add3A_558 : vector<16xi32>
        %select_n3A_560 = arith.select %lt3A_556, %add3A_559, %broadcast_in_dim3A_553 : vector<16xi1>, vector<16xi32>
        %broadcast_in_dim3A_561 = vector.shape_cast %select_n3A_560 : vector<16xi32> to vector<16x1xi32>
        %gather3A_562 = vector.shape_cast %broadcast_in_dim3A_561 : vector<16x1xi32> to vector<16xi32>
        %gather3A_563 = tpu.dynamic_gather %mul3A_479[%gather3A_562] in [0] : vector<16xf32>, vector<16xi32> -> vector<16xf32>
        %add3A_564 = arith.constant 3 : i32
        %add3A_565 = arith.addi %mul3A_465, %add3A_564 : i32
        %get3A_566 = arith.constant 4 : i32
        %get3A_567 = arith.index_cast %get3A_566 : i32 to index
        %get3A_568 = arith.index_cast %add3A_565 : i32 to index
        %get3A_569 = arith.constant 0 : index
        %get3A_570 = tpu.vector_load %arg16[%get3A_567, %get3A_568, %get3A_569] {strides = array<i32>} : memref<5x80x16xf32, #tpu.memory_space<vmem>>, vector<16xf32>,
        %mul3A_571 = arith.mulf %get3A_570, %gather3A_563 : vector<16xf32>
        %swap3A_572 = arith.constant 4 : i32
        %swap3A_573 = arith.index_cast %swap3A_572 : i32 to index
        %swap3A_574 = arith.index_cast %add3A_565 : i32 to index
        %swap3A_575 = arith.constant 0 : index
        %swap3A_576 = tpu.vector_load %arg17[%swap3A_573, %swap3A_574, %swap3A_575] {strides = array<i32>} : memref<5x80x16xf32, #tpu.memory_space<vmem>>, vector<16xf32>,
        tpu.vector_store %arg17[%swap3A_573, %swap3A_574, %swap3A_575], %mul3A_571 {strides = array<i32>} : memref<5x80x16xf32, #tpu.memory_space<vmem>>, vector<16xf32>,
        %broadcast_in_dim3A_577 = arith.constant 4 : i32
        %broadcast_in_dim3A_578 = vector.broadcast %broadcast_in_dim3A_577 : i32 to vector<16xi32>
        %lt3A_579 = arith.constant 0 : i32
        %lt3A_580 = vector.broadcast %lt3A_579 : i32 to vector<16xi32>
        %lt3A_581 = arith.cmpi slt, %broadcast_in_dim3A_578, %lt3A_580 : vector<16xi32>
        %add3A_582 = arith.constant 16 : i32
        %add3A_583 = vector.broadcast %add3A_582 : i32 to vector<16xi32>
        %add3A_584 = arith.addi %broadcast_in_dim3A_578, %add3A_583 : vector<16xi32>
        %select_n3A_585 = arith.select %lt3A_581, %add3A_584, %broadcast_in_dim3A_578 : vector<16xi1>, vector<16xi32>
        %broadcast_in_dim3A_586 = vector.shape_cast %select_n3A_585 : vector<16xi32> to vector<16x1xi32>
        %gather3A_587 = vector.shape_cast %broadcast_in_dim3A_586 : vector<16x1xi32> to vector<16xi32>
        %gather3A_588 = tpu.dynamic_gather %mul3A_479[%gather3A_587] in [0] : vector<16xf32>, vector<16xi32> -> vector<16xf32>
        %add3A_589 = arith.constant 4 : i32
        %add3A_590 = arith.addi %mul3A_465, %add3A_589 : i32
        %get3A_591 = arith.constant 4 : i32
        %get3A_592 = arith.index_cast %get3A_591 : i32 to index
        %get3A_593 = arith.index_cast %add3A_590 : i32 to index
        %get3A_594 = arith.constant 0 : index
        %get3A_595 = tpu.vector_load %arg16[%get3A_592, %get3A_593, %get3A_594] {strides = array<i32>} : memref<5x80x16xf32, #tpu.memory_space<vmem>>, vector<16xf32>,
        %mul3A_596 = arith.mulf %get3A_595, %gather3A_588 : vector<16xf32>
        %swap3A_597 = arith.constant 4 : i32
        %swap3A_598 = arith.index_cast %swap3A_597 : i32 to index
        %swap3A_599 = arith.index_cast %add3A_590 : i32 to index
        %swap3A_600 = arith.constant 0 : index
        %swap3A_601 = tpu.vector_load %arg17[%swap3A_598, %swap3A_599, %swap3A_600] {strides = array<i32>} : memref<5x80x16xf32, #tpu.memory_space<vmem>>, vector<16xf32>,
        tpu.vector_store %arg17[%swap3A_598, %swap3A_599, %swap3A_600], %mul3A_596 {strides = array<i32>} : memref<5x80x16xf32, #tpu.memory_space<vmem>>, vector<16xf32>,
        %broadcast_in_dim3A_602 = arith.constant 5 : i32
        %broadcast_in_dim3A_603 = vector.broadcast %broadcast_in_dim3A_602 : i32 to vector<16xi32>
        %lt3A_604 = arith.constant 0 : i32
        %lt3A_605 = vector.broadcast %lt3A_604 : i32 to vector<16xi32>
        %lt3A_606 = arith.cmpi slt, %broadcast_in_dim3A_603, %lt3A_605 : vector<16xi32>
        %add3A_607 = arith.constant 16 : i32
        %add3A_608 = vector.broadcast %add3A_607 : i32 to vector<16xi32>
        %add3A_609 = arith.addi %broadcast_in_dim3A_603, %add3A_608 : vector<16xi32>
        %select_n3A_610 = arith.select %lt3A_606, %add3A_609, %broadcast_in_dim3A_603 : vector<16xi1>, vector<16xi32>
        %broadcast_in_dim3A_611 = vector.shape_cast %select_n3A_610 : vector<16xi32> to vector<16x1xi32>
        %gather3A_612 = vector.shape_cast %broadcast_in_dim3A_611 : vector<16x1xi32> to vector<16xi32>
        %gather3A_613 = tpu.dynamic_gather %mul3A_479[%gather3A_612] in [0] : vector<16xf32>, vector<16xi32> -> vector<16xf32>
        %add3A_614 = arith.constant 5 : i32
        %add3A_615 = arith.addi %mul3A_465, %add3A_614 : i32
        %get3A_616 = arith.constant 4 : i32
        %get3A_617 = arith.index_cast %get3A_616 : i32 to index
        %get3A_618 = arith.index_cast %add3A_615 : i32 to index
        %get3A_619 = arith.constant 0 : index
        %get3A_620 = tpu.vector_load %arg16[%get3A_617, %get3A_618, %get3A_619] {strides = array<i32>} : memref<5x80x16xf32, #tpu.memory_space<vmem>>, vector<16xf32>,
        %mul3A_621 = arith.mulf %get3A_620, %gather3A_613 : vector<16xf32>
        %swap3A_622 = arith.constant 4 : i32
        %swap3A_623 = arith.index_cast %swap3A_622 : i32 to index
        %swap3A_624 = arith.index_cast %add3A_615 : i32 to index
        %swap3A_625 = arith.constant 0 : index
        %swap3A_626 = tpu.vector_load %arg17[%swap3A_623, %swap3A_624, %swap3A_625] {strides = array<i32>} : memref<5x80x16xf32, #tpu.memory_space<vmem>>, vector<16xf32>,
        tpu.vector_store %arg17[%swap3A_623, %swap3A_624, %swap3A_625], %mul3A_621 {strides = array<i32>} : memref<5x80x16xf32, #tpu.memory_space<vmem>>, vector<16xf32>,
        %broadcast_in_dim3A_627 = arith.constant 6 : i32
        %broadcast_in_dim3A_628 = vector.broadcast %broadcast_in_dim3A_627 : i32 to vector<16xi32>
        %lt3A_629 = arith.constant 0 : i32
        %lt3A_630 = vector.broadcast %lt3A_629 : i32 to vector<16xi32>
        %lt3A_631 = arith.cmpi slt, %broadcast_in_dim3A_628, %lt3A_630 : vector<16xi32>
        %add3A_632 = arith.constant 16 : i32
        %add3A_633 = vector.broadcast %add3A_632 : i32 to vector<16xi32>
        %add3A_634 = arith.addi %broadcast_in_dim3A_628, %add3A_633 : vector<16xi32>
        %select_n3A_635 = arith.select %lt3A_631, %add3A_634, %broadcast_in_dim3A_628 : vector<16xi1>, vector<16xi32>
        %broadcast_in_dim3A_636 = vector.shape_cast %select_n3A_635 : vector<16xi32> to vector<16x1xi32>
        %gather3A_637 = vector.shape_cast %broadcast_in_dim3A_636 : vector<16x1xi32> to vector<16xi32>
        %gather3A_638 = tpu.dynamic_gather %mul3A_479[%gather3A_637] in [0] : vector<16xf32>, vector<16xi32> -> vector<16xf32>
        %add3A_639 = arith.constant 6 : i32
        %add3A_640 = arith.addi %mul3A_465, %add3A_639 : i32
        %get3A_641 = arith.constant 4 : i32
        %get3A_642 = arith.index_cast %get3A_641 : i32 to index
        %get3A_643 = arith.index_cast %add3A_640 : i32 to index
        %get3A_644 = arith.constant 0 : index
        %get3A_645 = tpu.vector_load %arg16[%get3A_642, %get3A_643, %get3A_644] {strides = array<i32>} : memref<5x80x16xf32, #tpu.memory_space<vmem>>, vector<16xf32>,
        %mul3A_646 = arith.mulf %get3A_645, %gather3A_638 : vector<16xf32>
        %swap3A_647 = arith.constant 4 : i32
        %swap3A_648 = arith.index_cast %swap3A_647 : i32 to index
        %swap3A_649 = arith.index_cast %add3A_640 : i32 to index
        %swap3A_650 = arith.constant 0 : index
        %swap3A_651 = tpu.vector_load %arg17[%swap3A_648, %swap3A_649, %swap3A_650] {strides = array<i32>} : memref<5x80x16xf32, #tpu.memory_space<vmem>>, vector<16xf32>,
        tpu.vector_store %arg17[%swap3A_648, %swap3A_649, %swap3A_650], %mul3A_646 {strides = array<i32>} : memref<5x80x16xf32, #tpu.memory_space<vmem>>, vector<16xf32>,
        %broadcast_in_dim3A_652 = arith.constant 7 : i32
        %broadcast_in_dim3A_653 = vector.broadcast %broadcast_in_dim3A_652 : i32 to vector<16xi32>
        %lt3A_654 = arith.constant 0 : i32
        %lt3A_655 = vector.broadcast %lt3A_654 : i32 to vector<16xi32>
        %lt3A_656 = arith.cmpi slt, %broadcast_in_dim3A_653, %lt3A_655 : vector<16xi32>
        %add3A_657 = arith.constant 16 : i32
        %add3A_658 = vector.broadcast %add3A_657 : i32 to vector<16xi32>
        %add3A_659 = arith.addi %broadcast_in_dim3A_653, %add3A_658 : vector<16xi32>
        %select_n3A_660 = arith.select %lt3A_656, %add3A_659, %broadcast_in_dim3A_653 : vector<16xi1>, vector<16xi32>
        %broadcast_in_dim3A_661 = vector.shape_cast %select_n3A_660 : vector<16xi32> to vector<16x1xi32>
        %gather3A_662 = vector.shape_cast %broadcast_in_dim3A_661 : vector<16x1xi32> to vector<16xi32>
        %gather3A_663 = tpu.dynamic_gather %mul3A_479[%gather3A_662] in [0] : vector<16xf32>, vector<16xi32> -> vector<16xf32>
        %add3A_664 = arith.constant 7 : i32
        %add3A_665 = arith.addi %mul3A_465, %add3A_664 : i32
        %get3A_666 = arith.constant 4 : i32
        %get3A_667 = arith.index_cast %get3A_666 : i32 to index
        %get3A_668 = arith.index_cast %add3A_665 : i32 to index
        %get3A_669 = arith.constant 0 : index
        %get3A_670 = tpu.vector_load %arg16[%get3A_667, %get3A_668, %get3A_669] {strides = array<i32>} : memref<5x80x16xf32, #tpu.memory_space<vmem>>, vector<16xf32>,
        %mul3A_671 = arith.mulf %get3A_670, %gather3A_663 : vector<16xf32>
        %swap3A_672 = arith.constant 4 : i32
        %swap3A_673 = arith.index_cast %swap3A_672 : i32 to index
        %swap3A_674 = arith.index_cast %add3A_665 : i32 to index
        %swap3A_675 = arith.constant 0 : index
        %swap3A_676 = tpu.vector_load %arg17[%swap3A_673, %swap3A_674, %swap3A_675] {strides = array<i32>} : memref<5x80x16xf32, #tpu.memory_space<vmem>>, vector<16xf32>,
        tpu.vector_store %arg17[%swap3A_673, %swap3A_674, %swap3A_675], %mul3A_671 {strides = array<i32>} : memref<5x80x16xf32, #tpu.memory_space<vmem>>, vector<16xf32>,
        %broadcast_in_dim3A_677 = arith.constant 8 : i32
        %broadcast_in_dim3A_678 = vector.broadcast %broadcast_in_dim3A_677 : i32 to vector<16xi32>
        %lt3A_679 = arith.constant 0 : i32
        %lt3A_680 = vector.broadcast %lt3A_679 : i32 to vector<16xi32>
        %lt3A_681 = arith.cmpi slt, %broadcast_in_dim3A_678, %lt3A_680 : vector<16xi32>
        %add3A_682 = arith.constant 16 : i32
        %add3A_683 = vector.broadcast %add3A_682 : i32 to vector<16xi32>
        %add3A_684 = arith.addi %broadcast_in_dim3A_678, %add3A_683 : vector<16xi32>
        %select_n3A_685 = arith.select %lt3A_681, %add3A_684, %broadcast_in_dim3A_678 : vector<16xi1>, vector<16xi32>
        %broadcast_in_dim3A_686 = vector.shape_cast %select_n3A_685 : vector<16xi32> to vector<16x1xi32>
        %gather3A_687 = vector.shape_cast %broadcast_in_dim3A_686 : vector<16x1xi32> to vector<16xi32>
        %gather3A_688 = tpu.dynamic_gather %mul3A_479[%gather3A_687] in [0] : vector<16xf32>, vector<16xi32> -> vector<16xf32>
        %add3A_689 = arith.constant 8 : i32
        %add3A_690 = arith.addi %mul3A_465, %add3A_689 : i32
        %get3A_691 = arith.constant 4 : i32
        %get3A_692 = arith.index_cast %get3A_691 : i32 to index
        %get3A_693 = arith.index_cast %add3A_690 : i32 to index
        %get3A_694 = arith.constant 0 : index
        %get3A_695 = tpu.vector_load %arg16[%get3A_692, %get3A_693, %get3A_694] {strides = array<i32>} : memref<5x80x16xf32, #tpu.memory_space<vmem>>, vector<16xf32>,
        %mul3A_696 = arith.mulf %get3A_695, %gather3A_688 : vector<16xf32>
        %swap3A_697 = arith.constant 4 : i32
        %swap3A_698 = arith.index_cast %swap3A_697 : i32 to index
        %swap3A_699 = arith.index_cast %add3A_690 : i32 to index
        %swap3A_700 = arith.constant 0 : index
        %swap3A_701 = tpu.vector_load %arg17[%swap3A_698, %swap3A_699, %swap3A_700] {strides = array<i32>} : memref<5x80x16xf32, #tpu.memory_space<vmem>>, vector<16xf32>,
        tpu.vector_store %arg17[%swap3A_698, %swap3A_699, %swap3A_700], %mul3A_696 {strides = array<i32>} : memref<5x80x16xf32, #tpu.memory_space<vmem>>, vector<16xf32>,
        %broadcast_in_dim3A_702 = arith.constant 9 : i32
        %broadcast_in_dim3A_703 = vector.broadcast %broadcast_in_dim3A_702 : i32 to vector<16xi32>
        %lt3A_704 = arith.constant 0 : i32
        %lt3A_705 = vector.broadcast %lt3A_704 : i32 to vector<16xi32>
        %lt3A_706 = arith.cmpi slt, %broadcast_in_dim3A_703, %lt3A_705 : vector<16xi32>
        %add3A_707 = arith.constant 16 : i32
        %add3A_708 = vector.broadcast %add3A_707 : i32 to vector<16xi32>
        %add3A_709 = arith.addi %broadcast_in_dim3A_703, %add3A_708 : vector<16xi32>
        %select_n3A_710 = arith.select %lt3A_706, %add3A_709, %broadcast_in_dim3A_703 : vector<16xi1>, vector<16xi32>
        %broadcast_in_dim3A_711 = vector.shape_cast %select_n3A_710 : vector<16xi32> to vector<16x1xi32>
        %gather3A_712 = vector.shape_cast %broadcast_in_dim3A_711 : vector<16x1xi32> to vector<16xi32>
        %gather3A_713 = tpu.dynamic_gather %mul3A_479[%gather3A_712] in [0] : vector<16xf32>, vector<16xi32> -> vector<16xf32>
        %add3A_714 = arith.constant 9 : i32
        %add3A_715 = arith.addi %mul3A_465, %add3A_714 : i32
        %get3A_716 = arith.constant 4 : i32
        %get3A_717 = arith.index_cast %get3A_716 : i32 to index
        %get3A_718 = arith.index_cast %add3A_715 : i32 to index
        %get3A_719 = arith.constant 0 : index
        %get3A_720 = tpu.vector_load %arg16[%get3A_717, %get3A_718, %get3A_719] {strides = array<i32>} : memref<5x80x16xf32, #tpu.memory_space<vmem>>, vector<16xf32>,
        %mul3A_721 = arith.mulf %get3A_720, %gather3A_713 : vector<16xf32>
        %swap3A_722 = arith.constant 4 : i32
        %swap3A_723 = arith.index_cast %swap3A_722 : i32 to index
        %swap3A_724 = arith.index_cast %add3A_715 : i32 to index
        %swap3A_725 = arith.constant 0 : index
        %swap3A_726 = tpu.vector_load %arg17[%swap3A_723, %swap3A_724, %swap3A_725] {strides = array<i32>} : memref<5x80x16xf32, #tpu.memory_space<vmem>>, vector<16xf32>,
        tpu.vector_store %arg17[%swap3A_723, %swap3A_724, %swap3A_725], %mul3A_721 {strides = array<i32>} : memref<5x80x16xf32, #tpu.memory_space<vmem>>, vector<16xf32>,
        %broadcast_in_dim3A_727 = arith.constant 10 : i32
        %broadcast_in_dim3A_728 = vector.broadcast %broadcast_in_dim3A_727 : i32 to vector<16xi32>
        %lt3A_729 = arith.constant 0 : i32
        %lt3A_730 = vector.broadcast %lt3A_729 : i32 to vector<16xi32>
        %lt3A_731 = arith.cmpi slt, %broadcast_in_dim3A_728, %lt3A_730 : vector<16xi32>
        %add3A_732 = arith.constant 16 : i32
        %add3A_733 = vector.broadcast %add3A_732 : i32 to vector<16xi32>
        %add3A_734 = arith.addi %broadcast_in_dim3A_728, %add3A_733 : vector<16xi32>
        %select_n3A_735 = arith.select %lt3A_731, %add3A_734, %broadcast_in_dim3A_728 : vector<16xi1>, vector<16xi32>
        %broadcast_in_dim3A_736 = vector.shape_cast %select_n3A_735 : vector<16xi32> to vector<16x1xi32>
        %gather3A_737 = vector.shape_cast %broadcast_in_dim3A_736 : vector<16x1xi32> to vector<16xi32>
        %gather3A_738 = tpu.dynamic_gather %mul3A_479[%gather3A_737] in [0] : vector<16xf32>, vector<16xi32> -> vector<16xf32>
        %add3A_739 = arith.constant 10 : i32
        %add3A_740 = arith.addi %mul3A_465, %add3A_739 : i32
        %get3A_741 = arith.constant 4 : i32
        %get3A_742 = arith.index_cast %get3A_741 : i32 to index
        %get3A_743 = arith.index_cast %add3A_740 : i32 to index
        %get3A_744 = arith.constant 0 : index
        %get3A_745 = tpu.vector_load %arg16[%get3A_742, %get3A_743, %get3A_744] {strides = array<i32>} : memref<5x80x16xf32, #tpu.memory_space<vmem>>, vector<16xf32>,
        %mul3A_746 = arith.mulf %get3A_745, %gather3A_738 : vector<16xf32>
        %swap3A_747 = arith.constant 4 : i32
        %swap3A_748 = arith.index_cast %swap3A_747 : i32 to index
        %swap3A_749 = arith.index_cast %add3A_740 : i32 to index
        %swap3A_750 = arith.constant 0 : index
        %swap3A_751 = tpu.vector_load %arg17[%swap3A_748, %swap3A_749, %swap3A_750] {strides = array<i32>} : memref<5x80x16xf32, #tpu.memory_space<vmem>>, vector<16xf32>,
        tpu.vector_store %arg17[%swap3A_748, %swap3A_749, %swap3A_750], %mul3A_746 {strides = array<i32>} : memref<5x80x16xf32, #tpu.memory_space<vmem>>, vector<16xf32>,
        %broadcast_in_dim3A_752 = arith.constant 11 : i32
        %broadcast_in_dim3A_753 = vector.broadcast %broadcast_in_dim3A_752 : i32 to vector<16xi32>
        %lt3A_754 = arith.constant 0 : i32
        %lt3A_755 = vector.broadcast %lt3A_754 : i32 to vector<16xi32>
        %lt3A_756 = arith.cmpi slt, %broadcast_in_dim3A_753, %lt3A_755 : vector<16xi32>
        %add3A_757 = arith.constant 16 : i32
        %add3A_758 = vector.broadcast %add3A_757 : i32 to vector<16xi32>
        %add3A_759 = arith.addi %broadcast_in_dim3A_753, %add3A_758 : vector<16xi32>
        %select_n3A_760 = arith.select %lt3A_756, %add3A_759, %broadcast_in_dim3A_753 : vector<16xi1>, vector<16xi32>
        %broadcast_in_dim3A_761 = vector.shape_cast %select_n3A_760 : vector<16xi32> to vector<16x1xi32>
        %gather3A_762 = vector.shape_cast %broadcast_in_dim3A_761 : vector<16x1xi32> to vector<16xi32>
        %gather3A_763 = tpu.dynamic_gather %mul3A_479[%gather3A_762] in [0] : vector<16xf32>, vector<16xi32> -> vector<16xf32>
        %add3A_764 = arith.constant 11 : i32
        %add3A_765 = arith.addi %mul3A_465, %add3A_764 : i32
        %get3A_766 = arith.constant 4 : i32
        %get3A_767 = arith.index_cast %get3A_766 : i32 to index
        %get3A_768 = arith.index_cast %add3A_765 : i32 to index
        %get3A_769 = arith.constant 0 : index
        %get3A_770 = tpu.vector_load %arg16[%get3A_767, %get3A_768, %get3A_769] {strides = array<i32>} : memref<5x80x16xf32, #tpu.memory_space<vmem>>, vector<16xf32>,
        %mul3A_771 = arith.mulf %get3A_770, %gather3A_763 : vector<16xf32>
        %swap3A_772 = arith.constant 4 : i32
        %swap3A_773 = arith.index_cast %swap3A_772 : i32 to index
        %swap3A_774 = arith.index_cast %add3A_765 : i32 to index
        %swap3A_775 = arith.constant 0 : index
        %swap3A_776 = tpu.vector_load %arg17[%swap3A_773, %swap3A_774, %swap3A_775] {strides = array<i32>} : memref<5x80x16xf32, #tpu.memory_space<vmem>>, vector<16xf32>,
        tpu.vector_store %arg17[%swap3A_773, %swap3A_774, %swap3A_775], %mul3A_771 {strides = array<i32>} : memref<5x80x16xf32, #tpu.memory_space<vmem>>, vector<16xf32>,
        %broadcast_in_dim3A_777 = arith.constant 12 : i32
        %broadcast_in_dim3A_778 = vector.broadcast %broadcast_in_dim3A_777 : i32 to vector<16xi32>
        %lt3A_779 = arith.constant 0 : i32
        %lt3A_780 = vector.broadcast %lt3A_779 : i32 to vector<16xi32>
        %lt3A_781 = arith.cmpi slt, %broadcast_in_dim3A_778, %lt3A_780 : vector<16xi32>
        %add3A_782 = arith.constant 16 : i32
        %add3A_783 = vector.broadcast %add3A_782 : i32 to vector<16xi32>
        %add3A_784 = arith.addi %broadcast_in_dim3A_778, %add3A_783 : vector<16xi32>
        %select_n3A_785 = arith.select %lt3A_781, %add3A_784, %broadcast_in_dim3A_778 : vector<16xi1>, vector<16xi32>
        %broadcast_in_dim3A_786 = vector.shape_cast %select_n3A_785 : vector<16xi32> to vector<16x1xi32>
        %gather3A_787 = vector.shape_cast %broadcast_in_dim3A_786 : vector<16x1xi32> to vector<16xi32>
        %gather3A_788 = tpu.dynamic_gather %mul3A_479[%gather3A_787] in [0] : vector<16xf32>, vector<16xi32> -> vector<16xf32>
        %add3A_789 = arith.constant 12 : i32
        %add3A_790 = arith.addi %mul3A_465, %add3A_789 : i32
        %get3A_791 = arith.constant 4 : i32
        %get3A_792 = arith.index_cast %get3A_791 : i32 to index
        %get3A_793 = arith.index_cast %add3A_790 : i32 to index
        %get3A_794 = arith.constant 0 : index
        %get3A_795 = tpu.vector_load %arg16[%get3A_792, %get3A_793, %get3A_794] {strides = array<i32>} : memref<5x80x16xf32, #tpu.memory_space<vmem>>, vector<16xf32>,
        %mul3A_796 = arith.mulf %get3A_795, %gather3A_788 : vector<16xf32>
        %swap3A_797 = arith.constant 4 : i32
        %swap3A_798 = arith.index_cast %swap3A_797 : i32 to index
        %swap3A_799 = arith.index_cast %add3A_790 : i32 to index
        %swap3A_800 = arith.constant 0 : index
        %swap3A_801 = tpu.vector_load %arg17[%swap3A_798, %swap3A_799, %swap3A_800] {strides = array<i32>} : memref<5x80x16xf32, #tpu.memory_space<vmem>>, vector<16xf32>,
        tpu.vector_store %arg17[%swap3A_798, %swap3A_799, %swap3A_800], %mul3A_796 {strides = array<i32>} : memref<5x80x16xf32, #tpu.memory_space<vmem>>, vector<16xf32>,
        %broadcast_in_dim3A_802 = arith.constant 13 : i32
        %broadcast_in_dim3A_803 = vector.broadcast %broadcast_in_dim3A_802 : i32 to vector<16xi32>
        %lt3A_804 = arith.constant 0 : i32
        %lt3A_805 = vector.broadcast %lt3A_804 : i32 to vector<16xi32>
        %lt3A_806 = arith.cmpi slt, %broadcast_in_dim3A_803, %lt3A_805 : vector<16xi32>
        %add3A_807 = arith.constant 16 : i32
        %add3A_808 = vector.broadcast %add3A_807 : i32 to vector<16xi32>
        %add3A_809 = arith.addi %broadcast_in_dim3A_803, %add3A_808 : vector<16xi32>
        %select_n3A_810 = arith.select %lt3A_806, %add3A_809, %broadcast_in_dim3A_803 : vector<16xi1>, vector<16xi32>
        %broadcast_in_dim3A_811 = vector.shape_cast %select_n3A_810 : vector<16xi32> to vector<16x1xi32>
        %gather3A_812 = vector.shape_cast %broadcast_in_dim3A_811 : vector<16x1xi32> to vector<16xi32>
        %gather3A_813 = tpu.dynamic_gather %mul3A_479[%gather3A_812] in [0] : vector<16xf32>, vector<16xi32> -> vector<16xf32>
        %add3A_814 = arith.constant 13 : i32
        %add3A_815 = arith.addi %mul3A_465, %add3A_814 : i32
        %get3A_816 = arith.constant 4 : i32
        %get3A_817 = arith.index_cast %get3A_816 : i32 to index
        %get3A_818 = arith.index_cast %add3A_815 : i32 to index
        %get3A_819 = arith.constant 0 : index
        %get3A_820 = tpu.vector_load %arg16[%get3A_817, %get3A_818, %get3A_819] {strides = array<i32>} : memref<5x80x16xf32, #tpu.memory_space<vmem>>, vector<16xf32>,
        %mul3A_821 = arith.mulf %get3A_820, %gather3A_813 : vector<16xf32>
        %swap3A_822 = arith.constant 4 : i32
        %swap3A_823 = arith.index_cast %swap3A_822 : i32 to index
        %swap3A_824 = arith.index_cast %add3A_815 : i32 to index
        %swap3A_825 = arith.constant 0 : index
        %swap3A_826 = tpu.vector_load %arg17[%swap3A_823, %swap3A_824, %swap3A_825] {strides = array<i32>} : memref<5x80x16xf32, #tpu.memory_space<vmem>>, vector<16xf32>,
        tpu.vector_store %arg17[%swap3A_823, %swap3A_824, %swap3A_825], %mul3A_821 {strides = array<i32>} : memref<5x80x16xf32, #tpu.memory_space<vmem>>, vector<16xf32>,
        %broadcast_in_dim3A_827 = arith.constant 14 : i32
        %broadcast_in_dim3A_828 = vector.broadcast %broadcast_in_dim3A_827 : i32 to vector<16xi32>
        %lt3A_829 = arith.constant 0 : i32
        %lt3A_830 = vector.broadcast %lt3A_829 : i32 to vector<16xi32>
        %lt3A_831 = arith.cmpi slt, %broadcast_in_dim3A_828, %lt3A_830 : vector<16xi32>
        %add3A_832 = arith.constant 16 : i32
        %add3A_833 = vector.broadcast %add3A_832 : i32 to vector<16xi32>
        %add3A_834 = arith.addi %broadcast_in_dim3A_828, %add3A_833 : vector<16xi32>
        %select_n3A_835 = arith.select %lt3A_831, %add3A_834, %broadcast_in_dim3A_828 : vector<16xi1>, vector<16xi32>
        %broadcast_in_dim3A_836 = vector.shape_cast %select_n3A_835 : vector<16xi32> to vector<16x1xi32>
        %gather3A_837 = vector.shape_cast %broadcast_in_dim3A_836 : vector<16x1xi32> to vector<16xi32>
        %gather3A_838 = tpu.dynamic_gather %mul3A_479[%gather3A_837] in [0] : vector<16xf32>, vector<16xi32> -> vector<16xf32>
        %add3A_839 = arith.constant 14 : i32
        %add3A_840 = arith.addi %mul3A_465, %add3A_839 : i32
        %get3A_841 = arith.constant 4 : i32
        %get3A_842 = arith.index_cast %get3A_841 : i32 to index
        %get3A_843 = arith.index_cast %add3A_840 : i32 to index
        %get3A_844 = arith.constant 0 : index
        %get3A_845 = tpu.vector_load %arg16[%get3A_842, %get3A_843, %get3A_844] {strides = array<i32>} : memref<5x80x16xf32, #tpu.memory_space<vmem>>, vector<16xf32>,
        %mul3A_846 = arith.mulf %get3A_845, %gather3A_838 : vector<16xf32>
        %swap3A_847 = arith.constant 4 : i32
        %swap3A_848 = arith.index_cast %swap3A_847 : i32 to index
        %swap3A_849 = arith.index_cast %add3A_840 : i32 to index
        %swap3A_850 = arith.constant 0 : index
        %swap3A_851 = tpu.vector_load %arg17[%swap3A_848, %swap3A_849, %swap3A_850] {strides = array<i32>} : memref<5x80x16xf32, #tpu.memory_space<vmem>>, vector<16xf32>,
        tpu.vector_store %arg17[%swap3A_848, %swap3A_849, %swap3A_850], %mul3A_846 {strides = array<i32>} : memref<5x80x16xf32, #tpu.memory_space<vmem>>, vector<16xf32>,
        %broadcast_in_dim3A_852 = arith.constant 15 : i32
        %broadcast_in_dim3A_853 = vector.broadcast %broadcast_in_dim3A_852 : i32 to vector<16xi32>
        %lt3A_854 = arith.constant 0 : i32
        %lt3A_855 = vector.broadcast %lt3A_854 : i32 to vector<16xi32>
        %lt3A_856 = arith.cmpi slt, %broadcast_in_dim3A_853, %lt3A_855 : vector<16xi32>
        %add3A_857 = arith.constant 16 : i32
        %add3A_858 = vector.broadcast %add3A_857 : i32 to vector<16xi32>
        %add3A_859 = arith.addi %broadcast_in_dim3A_853, %add3A_858 : vector<16xi32>
        %select_n3A_860 = arith.select %lt3A_856, %add3A_859, %broadcast_in_dim3A_853 : vector<16xi1>, vector<16xi32>
        %broadcast_in_dim3A_861 = vector.shape_cast %select_n3A_860 : vector<16xi32> to vector<16x1xi32>
        %gather3A_862 = vector.shape_cast %broadcast_in_dim3A_861 : vector<16x1xi32> to vector<16xi32>
        %gather3A_863 = tpu.dynamic_gather %mul3A_479[%gather3A_862] in [0] : vector<16xf32>, vector<16xi32> -> vector<16xf32>
        %add3A_864 = arith.constant 15 : i32
        %add3A_865 = arith.addi %mul3A_465, %add3A_864 : i32
        %get3A_866 = arith.constant 4 : i32
        %get3A_867 = arith.index_cast %get3A_866 : i32 to index
        %get3A_868 = arith.index_cast %add3A_865 : i32 to index
        %get3A_869 = arith.constant 0 : index
        %get3A_870 = tpu.vector_load %arg16[%get3A_867, %get3A_868, %get3A_869] {strides = array<i32>} : memref<5x80x16xf32, #tpu.memory_space<vmem>>, vector<16xf32>,
        %mul3A_871 = arith.mulf %get3A_870, %gather3A_863 : vector<16xf32>
        %swap3A_872 = arith.constant 4 : i32
        %swap3A_873 = arith.index_cast %swap3A_872 : i32 to index
        %swap3A_874 = arith.index_cast %add3A_865 : i32 to index
        %swap3A_875 = arith.constant 0 : index
        %swap3A_876 = tpu.vector_load %arg17[%swap3A_873, %swap3A_874, %swap3A_875] {strides = array<i32>} : memref<5x80x16xf32, #tpu.memory_space<vmem>>, vector<16xf32>,
        tpu.vector_store %arg17[%swap3A_873, %swap3A_874, %swap3A_875], %mul3A_871 {strides = array<i32>} : memref<5x80x16xf32, #tpu.memory_space<vmem>>, vector<16xf32>,
        %scan3A_877 = arith.constant 0 : i32
        scf.yield %scan3A_877 : i32
      }
      %scan3A_437 = arith.constant 5 : i32
      %dma_start3A_438 = arith.constant 4 : i32
      %dma_start3A_439 = arith.constant 4 : i32
      %dma_start3A_440 = arith.constant 0 : i32
      %dma_start3A_441 = arith.constant 0 : i32
      %dma_start3A_442 = tpu.memref_slice %arg17[%dma_start3A_438, %dma_start3A_440, %dma_start3A_441] : memref<5x80x16xf32, #tpu.memory_space<vmem>> -> memref<1x80x16xf32, #tpu.memory_space<vmem>>
      %dma_start3A_443 = tpu.memref_squeeze %dma_start3A_442 : memref<1x80x16xf32, #tpu.memory_space<vmem>> -> memref<80x16xf32, #tpu.memory_space<vmem>>
      %dma_start3A_444 = arith.constant 0 : i32
      %dma_start3A_445 = tpu.memref_slice %arg9[%arg0, %add3A_411, %dma_start3A_444] : memref<2x125x80xi32, #tpu.memory_space<vmem>> -> memref<1x1x80xi32, #tpu.memory_space<vmem>>
      %dma_start3A_446 = tpu.memref_squeeze %dma_start3A_445 : memref<1x1x80xi32, #tpu.memory_space<vmem>> -> memref<80xi32, #tpu.memory_space<vmem>>
      %dma_start3A_447 = arith.constant 0 : i32
      %dma_start3A_448 = arith.constant 0 : i32
      %dma_start3A_449 = tpu.memref_slice %arg21[%dma_start3A_447, %dma_start3A_448] : memref<10240x16xf32, #tpu.memory_space<vmem_shared>> -> memref<10240x16xf32, #tpu.memory_space<vmem_shared>>
      %dma_start3A_450 = tpu.memref_slice %arg23[%dma_start3A_439] : memref<5x!tpu.dma_semaphore, #tpu.memory_space<semaphore_mem>> -> memref<1x!tpu.dma_semaphore, #tpu.memory_space<semaphore_mem>>
      %dma_start3A_451 = tpu.memref_squeeze %dma_start3A_450 : memref<1x!tpu.dma_semaphore, #tpu.memory_space<semaphore_mem>> -> memref<!tpu.dma_semaphore, #tpu.memory_space<semaphore_mem>>
      tpu.enqueue_indirect_dma source(%dma_start3A_443 : memref<80x16xf32, #tpu.memory_space<vmem>>) target(%dma_start3A_449 : memref<10240x16xf32, #tpu.memory_space<vmem_shared>>) offsets(%dma_start3A_446 : memref<80xi32, #tpu.memory_space<vmem>>) semaphore(%dma_start3A_451 : memref<!tpu.dma_semaphore, #tpu.memory_space<semaphore_mem>>) {add = true}
      %add3A_452 = arith.constant 5 : i32
      %add3A_453 = arith.addi %add3A_411, %add3A_452 : i32
      %sub3A_454 = arith.constant 1 : i32
      %sub3A_455 = arith.subi %add3A_453, %sub3A_454 : i32
      %lt3A_456 = arith.constant 125 : i32
      %lt3A_457 = arith.cmpi slt, %sub3A_455, %lt3A_456 : i32
      %convert_element_type3A_458 = arith.extui %lt3A_457 : i1 to i32
      %cond3A_459 = arith.constant 0 : i32
      %cond3A_460 = arith.cmpi ne, %convert_element_type3A_458, %cond3A_459 : i32
      scf.if %cond3A_460 {
        %dma_start3A_462 = arith.constant 3 : i32
        %dma_start3A_463 = arith.constant 3 : i32
        %dma_start3A_464 = arith.constant 0 : i32
        %dma_start3A_465 = arith.constant 0 : i32
        %dma_start3A_466 = tpu.memref_slice %arg16[%dma_start3A_462, %dma_start3A_464, %dma_start3A_465] : memref<5x80x16xf32, #tpu.memory_space<vmem>> -> memref<1x80x16xf32, #tpu.memory_space<vmem>>
        %dma_start3A_467 = tpu.memref_squeeze %dma_start3A_466 : memref<1x80x16xf32, #tpu.memory_space<vmem>> -> memref<80x16xf32, #tpu.memory_space<vmem>>
        %dma_start3A_468 = arith.constant 0 : i32
        %dma_start3A_469 = tpu.memref_slice %arg8[%sub3A_455, %dma_start3A_468] : memref<125x80xi32, #tpu.memory_space<vmem>> -> memref<1x80xi32, #tpu.memory_space<vmem>>
        %dma_start3A_470 = tpu.memref_squeeze %dma_start3A_469 : memref<1x80xi32, #tpu.memory_space<vmem>> -> memref<80xi32, #tpu.memory_space<vmem>>
        %dma_start3A_471 = arith.constant 0 : i32
        %dma_start3A_472 = arith.constant 0 : i32
        %dma_start3A_473 = tpu.memref_slice %arg20[%dma_start3A_471, %dma_start3A_472] : memref<10240x16xf32, #tpu.memory_space<vmem_shared>> -> memref<10240x16xf32, #tpu.memory_space<vmem_shared>>
        %dma_start3A_474 = tpu.memref_slice %arg22[%dma_start3A_463] : memref<5x!tpu.dma_semaphore, #tpu.memory_space<semaphore_mem>> -> memref<1x!tpu.dma_semaphore, #tpu.memory_space<semaphore_mem>>
        %dma_start3A_475 = tpu.memref_squeeze %dma_start3A_474 : memref<1x!tpu.dma_semaphore, #tpu.memory_space<semaphore_mem>> -> memref<!tpu.dma_semaphore, #tpu.memory_space<semaphore_mem>>
        tpu.enqueue_indirect_dma source(%dma_start3A_473 : memref<10240x16xf32, #tpu.memory_space<vmem_shared>>) target(%dma_start3A_467 : memref<80x16xf32, #tpu.memory_space<vmem>>) offsets(%dma_start3A_470 : memref<80xi32, #tpu.memory_space<vmem>>) semaphore(%dma_start3A_475 : memref<!tpu.dma_semaphore, #tpu.memory_space<semaphore_mem>>)
      } else {
      }
      %scan3A_461 = arith.constant 0 : i32
      scf.yield %scan3A_461 : i32
    }
    %scan3A_114 = arith.constant 25 : i32
    %dma_wait3A = arith.constant 0 : i32
    %dma_wait3A_115 = arith.constant 0 : i32
    %dma_wait3A_116 = arith.constant 0 : i32
    %dma_wait3A_117 = arith.constant 0 : i32
    %dma_wait3A_118 = arith.constant 0 : i32
    %dma_wait3A_119 = arith.constant 0 : i32
    %dma_wait3A_120 = tpu.memref_slice %arg17[%dma_wait3A, %dma_wait3A_118, %dma_wait3A_119] : memref<5x80x16xf32, #tpu.memory_space<vmem>> -> memref<1x80x16xf32, #tpu.memory_space<vmem>>
    %dma_wait3A_121 = tpu.memref_squeeze %dma_wait3A_120 : memref<1x80x16xf32, #tpu.memory_space<vmem>> -> memref<80x16xf32, #tpu.memory_space<vmem>>
    %dma_wait3A_122 = arith.constant 0 : i32
    %dma_wait3A_123 = tpu.memref_slice %arg9[%dma_wait3A_115, %dma_wait3A_116, %dma_wait3A_122] : memref<2x125x80xi32, #tpu.memory_space<vmem>> -> memref<1x1x80xi32, #tpu.memory_space<vmem>>
    %dma_wait3A_124 = tpu.memref_squeeze %dma_wait3A_123 : memref<1x1x80xi32, #tpu.memory_space<vmem>> -> memref<80xi32, #tpu.memory_space<vmem>>
    %dma_wait3A_125 = arith.constant 0 : i32
    %dma_wait3A_126 = arith.constant 0 : i32
    %dma_wait3A_127 = tpu.memref_slice %arg21[%dma_wait3A_125, %dma_wait3A_126] : memref<10240x16xf32, #tpu.memory_space<vmem_shared>> -> memref<10240x16xf32, #tpu.memory_space<vmem_shared>>
    %dma_wait3A_128 = tpu.memref_slice %arg23[%dma_wait3A_117] : memref<5x!tpu.dma_semaphore, #tpu.memory_space<semaphore_mem>> -> memref<1x!tpu.dma_semaphore, #tpu.memory_space<semaphore_mem>>
    %dma_wait3A_129 = tpu.memref_squeeze %dma_wait3A_128 : memref<1x!tpu.dma_semaphore, #tpu.memory_space<semaphore_mem>> -> memref<!tpu.dma_semaphore, #tpu.memory_space<semaphore_mem>>
    tpu.wait_indirect_dma semaphore(%dma_wait3A_129 : memref<!tpu.dma_semaphore, #tpu.memory_space<semaphore_mem>>) src(%dma_wait3A_121 : memref<80x16xf32, #tpu.memory_space<vmem>>) dst(%dma_wait3A_127 : memref<10240x16xf32, #tpu.memory_space<vmem_shared>>)
    %dma_wait3A_130 = arith.constant 1 : i32
    %dma_wait3A_131 = arith.constant 0 : i32
    %dma_wait3A_132 = arith.constant 0 : i32
    %dma_wait3A_133 = arith.constant 1 : i32
    %dma_wait3A_134 = arith.constant 0 : i32
    %dma_wait3A_135 = arith.constant 0 : i32
    %dma_wait3A_136 = tpu.memref_slice %arg17[%dma_wait3A_130, %dma_wait3A_134, %dma_wait3A_135] : memref<5x80x16xf32, #tpu.memory_space<vmem>> -> memref<1x80x16xf32, #tpu.memory_space<vmem>>
    %dma_wait3A_137 = tpu.memref_squeeze %dma_wait3A_136 : memref<1x80x16xf32, #tpu.memory_space<vmem>> -> memref<80x16xf32, #tpu.memory_space<vmem>>
    %dma_wait3A_138 = arith.constant 0 : i32
    %dma_wait3A_139 = tpu.memref_slice %arg9[%dma_wait3A_131, %dma_wait3A_132, %dma_wait3A_138] : memref<2x125x80xi32, #tpu.memory_space<vmem>> -> memref<1x1x80xi32, #tpu.memory_space<vmem>>
    %dma_wait3A_140 = tpu.memref_squeeze %dma_wait3A_139 : memref<1x1x80xi32, #tpu.memory_space<vmem>> -> memref<80xi32, #tpu.memory_space<vmem>>
    %dma_wait3A_141 = arith.constant 0 : i32
    %dma_wait3A_142 = arith.constant 0 : i32
    %dma_wait3A_143 = tpu.memref_slice %arg21[%dma_wait3A_141, %dma_wait3A_142] : memref<10240x16xf32, #tpu.memory_space<vmem_shared>> -> memref<10240x16xf32, #tpu.memory_space<vmem_shared>>
    %dma_wait3A_144 = tpu.memref_slice %arg23[%dma_wait3A_133] : memref<5x!tpu.dma_semaphore, #tpu.memory_space<semaphore_mem>> -> memref<1x!tpu.dma_semaphore, #tpu.memory_space<semaphore_mem>>
    %dma_wait3A_145 = tpu.memref_squeeze %dma_wait3A_144 : memref<1x!tpu.dma_semaphore, #tpu.memory_space<semaphore_mem>> -> memref<!tpu.dma_semaphore, #tpu.memory_space<semaphore_mem>>
    tpu.wait_indirect_dma semaphore(%dma_wait3A_145 : memref<!tpu.dma_semaphore, #tpu.memory_space<semaphore_mem>>) src(%dma_wait3A_137 : memref<80x16xf32, #tpu.memory_space<vmem>>) dst(%dma_wait3A_143 : memref<10240x16xf32, #tpu.memory_space<vmem_shared>>)
    %dma_wait3A_146 = arith.constant 2 : i32
    %dma_wait3A_147 = arith.constant 0 : i32
    %dma_wait3A_148 = arith.constant 0 : i32
    %dma_wait3A_149 = arith.constant 2 : i32
    %dma_wait3A_150 = arith.constant 0 : i32
    %dma_wait3A_151 = arith.constant 0 : i32
    %dma_wait3A_152 = tpu.memref_slice %arg17[%dma_wait3A_146, %dma_wait3A_150, %dma_wait3A_151] : memref<5x80x16xf32, #tpu.memory_space<vmem>> -> memref<1x80x16xf32, #tpu.memory_space<vmem>>
    %dma_wait3A_153 = tpu.memref_squeeze %dma_wait3A_152 : memref<1x80x16xf32, #tpu.memory_space<vmem>> -> memref<80x16xf32, #tpu.memory_space<vmem>>
    %dma_wait3A_154 = arith.constant 0 : i32
    %dma_wait3A_155 = tpu.memref_slice %arg9[%dma_wait3A_147, %dma_wait3A_148, %dma_wait3A_154] : memref<2x125x80xi32, #tpu.memory_space<vmem>> -> memref<1x1x80xi32, #tpu.memory_space<vmem>>
    %dma_wait3A_156 = tpu.memref_squeeze %dma_wait3A_155 : memref<1x1x80xi32, #tpu.memory_space<vmem>> -> memref<80xi32, #tpu.memory_space<vmem>>
    %dma_wait3A_157 = arith.constant 0 : i32
    %dma_wait3A_158 = arith.constant 0 : i32
    %dma_wait3A_159 = tpu.memref_slice %arg21[%dma_wait3A_157, %dma_wait3A_158] : memref<10240x16xf32, #tpu.memory_space<vmem_shared>> -> memref<10240x16xf32, #tpu.memory_space<vmem_shared>>
    %dma_wait3A_160 = tpu.memref_slice %arg23[%dma_wait3A_149] : memref<5x!tpu.dma_semaphore, #tpu.memory_space<semaphore_mem>> -> memref<1x!tpu.dma_semaphore, #tpu.memory_space<semaphore_mem>>
    %dma_wait3A_161 = tpu.memref_squeeze %dma_wait3A_160 : memref<1x!tpu.dma_semaphore, #tpu.memory_space<semaphore_mem>> -> memref<!tpu.dma_semaphore, #tpu.memory_space<semaphore_mem>>
    tpu.wait_indirect_dma semaphore(%dma_wait3A_161 : memref<!tpu.dma_semaphore, #tpu.memory_space<semaphore_mem>>) src(%dma_wait3A_153 : memref<80x16xf32, #tpu.memory_space<vmem>>) dst(%dma_wait3A_159 : memref<10240x16xf32, #tpu.memory_space<vmem_shared>>)
    %dma_wait3A_162 = arith.constant 3 : i32
    %dma_wait3A_163 = arith.constant 0 : i32
    %dma_wait3A_164 = arith.constant 0 : i32
    %dma_wait3A_165 = arith.constant 3 : i32
    %dma_wait3A_166 = arith.constant 0 : i32
    %dma_wait3A_167 = arith.constant 0 : i32
    %dma_wait3A_168 = tpu.memref_slice %arg17[%dma_wait3A_162, %dma_wait3A_166, %dma_wait3A_167] : memref<5x80x16xf32, #tpu.memory_space<vmem>> -> memref<1x80x16xf32, #tpu.memory_space<vmem>>
    %dma_wait3A_169 = tpu.memref_squeeze %dma_wait3A_168 : memref<1x80x16xf32, #tpu.memory_space<vmem>> -> memref<80x16xf32, #tpu.memory_space<vmem>>
    %dma_wait3A_170 = arith.constant 0 : i32
    %dma_wait3A_171 = tpu.memref_slice %arg9[%dma_wait3A_163, %dma_wait3A_164, %dma_wait3A_170] : memref<2x125x80xi32, #tpu.memory_space<vmem>> -> memref<1x1x80xi32, #tpu.memory_space<vmem>>
    %dma_wait3A_172 = tpu.memref_squeeze %dma_wait3A_171 : memref<1x1x80xi32, #tpu.memory_space<vmem>> -> memref<80xi32, #tpu.memory_space<vmem>>
    %dma_wait3A_173 = arith.constant 0 : i32
    %dma_wait3A_174 = arith.constant 0 : i32
    %dma_wait3A_175 = tpu.memref_slice %arg21[%dma_wait3A_173, %dma_wait3A_174] : memref<10240x16xf32, #tpu.memory_space<vmem_shared>> -> memref<10240x16xf32, #tpu.memory_space<vmem_shared>>
    %dma_wait3A_176 = tpu.memref_slice %arg23[%dma_wait3A_165] : memref<5x!tpu.dma_semaphore, #tpu.memory_space<semaphore_mem>> -> memref<1x!tpu.dma_semaphore, #tpu.memory_space<semaphore_mem>>
    %dma_wait3A_177 = tpu.memref_squeeze %dma_wait3A_176 : memref<1x!tpu.dma_semaphore, #tpu.memory_space<semaphore_mem>> -> memref<!tpu.dma_semaphore, #tpu.memory_space<semaphore_mem>>
    tpu.wait_indirect_dma semaphore(%dma_wait3A_177 : memref<!tpu.dma_semaphore, #tpu.memory_space<semaphore_mem>>) src(%dma_wait3A_169 : memref<80x16xf32, #tpu.memory_space<vmem>>) dst(%dma_wait3A_175 : memref<10240x16xf32, #tpu.memory_space<vmem_shared>>)
    %dma_wait3A_178 = arith.constant 4 : i32
    %dma_wait3A_179 = arith.constant 0 : i32
    %dma_wait3A_180 = arith.constant 0 : i32
    %dma_wait3A_181 = arith.constant 4 : i32
    %dma_wait3A_182 = arith.constant 0 : i32
    %dma_wait3A_183 = arith.constant 0 : i32
    %dma_wait3A_184 = tpu.memref_slice %arg17[%dma_wait3A_178, %dma_wait3A_182, %dma_wait3A_183] : memref<5x80x16xf32, #tpu.memory_space<vmem>> -> memref<1x80x16xf32, #tpu.memory_space<vmem>>
    %dma_wait3A_185 = tpu.memref_squeeze %dma_wait3A_184 : memref<1x80x16xf32, #tpu.memory_space<vmem>> -> memref<80x16xf32, #tpu.memory_space<vmem>>
    %dma_wait3A_186 = arith.constant 0 : i32
    %dma_wait3A_187 = tpu.memref_slice %arg9[%dma_wait3A_179, %dma_wait3A_180, %dma_wait3A_186] : memref<2x125x80xi32, #tpu.memory_space<vmem>> -> memref<1x1x80xi32, #tpu.memory_space<vmem>>
    %dma_wait3A_188 = tpu.memref_squeeze %dma_wait3A_187 : memref<1x1x80xi32, #tpu.memory_space<vmem>> -> memref<80xi32, #tpu.memory_space<vmem>>
    %dma_wait3A_189 = arith.constant 0 : i32
    %dma_wait3A_190 = arith.constant 0 : i32
    %dma_wait3A_191 = tpu.memref_slice %arg21[%dma_wait3A_189, %dma_wait3A_190] : memref<10240x16xf32, #tpu.memory_space<vmem_shared>> -> memref<10240x16xf32, #tpu.memory_space<vmem_shared>>
    %dma_wait3A_192 = tpu.memref_slice %arg23[%dma_wait3A_181] : memref<5x!tpu.dma_semaphore, #tpu.memory_space<semaphore_mem>> -> memref<1x!tpu.dma_semaphore, #tpu.memory_space<semaphore_mem>>
    %dma_wait3A_193 = tpu.memref_squeeze %dma_wait3A_192 : memref<1x!tpu.dma_semaphore, #tpu.memory_space<semaphore_mem>> -> memref<!tpu.dma_semaphore, #tpu.memory_space<semaphore_mem>>
    tpu.wait_indirect_dma semaphore(%dma_wait3A_193 : memref<!tpu.dma_semaphore, #tpu.memory_space<semaphore_mem>>) src(%dma_wait3A_185 : memref<80x16xf32, #tpu.memory_space<vmem>>) dst(%dma_wait3A_191 : memref<10240x16xf32, #tpu.memory_space<vmem_shared>>)
    "tpu.trace_stop"() : () -> ()
    %barrier3A_194 = arith.constant 0 : index
    tpu.barrier barrier_id(%barrier3A_194)
    "tpu.trace_start"() <{level = 10 : i32, message = "extract"}> : () -> ()
    %mul3A_195 = arith.constant 640 : i32
    %mul3A_196 = arith.muli %arg1, %mul3A_195 : i32
    "tpu.region"() ({
      %run_scoped3A = tpu.sem_alloc : memref<!tpu.dma_semaphore, #tpu.memory_space<semaphore_mem>>
      %dma_start3A_197 = arith.constant 0 : i32
      %dma_start3A_198 = arith.constant 0 : i32
      %dma_start3A_199 = tpu.memref_slice %arg7[%arg0, %arg1, %dma_start3A_197, %dma_start3A_198] : memref<2x16x640x16xf32, #tpu.memory_space<hbm>> -> memref<1x1x640x16xf32, #tpu.memory_space<hbm>>
      %dma_start3A_200 = tpu.memref_squeeze %dma_start3A_199 : memref<1x1x640x16xf32, #tpu.memory_space<hbm>> -> memref<640x16xf32, #tpu.memory_space<hbm>>
      %dma_start3A_201 = arith.constant 0 : i32
      %dma_start3A_202 = tpu.memref_slice %arg21[%mul3A_196, %dma_start3A_201] : memref<10240x16xf32, #tpu.memory_space<vmem_shared>> -> memref<640x16xf32, #tpu.memory_space<vmem_shared>>
      tpu.enqueue_dma source(%dma_start3A_202 : memref<640x16xf32, #tpu.memory_space<vmem_shared>>) target(%dma_start3A_200 : memref<640x16xf32, #tpu.memory_space<hbm>>) target_semaphore(%run_scoped3A : memref<!tpu.dma_semaphore, #tpu.memory_space<semaphore_mem>>)
      %dma_wait3A_203 = arith.constant 0 : i32
      %dma_wait3A_204 = arith.constant 0 : i32
      %dma_wait3A_205 = tpu.memref_slice %arg7[%arg0, %arg1, %dma_wait3A_203, %dma_wait3A_204] : memref<2x16x640x16xf32, #tpu.memory_space<hbm>> -> memref<1x1x640x16xf32, #tpu.memory_space<hbm>>
      %dma_wait3A_206 = tpu.memref_squeeze %dma_wait3A_205 : memref<1x1x640x16xf32, #tpu.memory_space<hbm>> -> memref<640x16xf32, #tpu.memory_space<hbm>>
      %dma_wait3A_207 = arith.constant 0 : i32
      %dma_wait3A_208 = tpu.memref_slice %arg21[%mul3A_196, %dma_wait3A_207] : memref<10240x16xf32, #tpu.memory_space<vmem_shared>> -> memref<640x16xf32, #tpu.memory_space<vmem_shared>>
      tpu.wait_dma2 semaphore(%run_scoped3A : memref<!tpu.dma_semaphore, #tpu.memory_space<semaphore_mem>>) src(%dma_wait3A_208 : memref<640x16xf32, #tpu.memory_space<vmem_shared>>) dst(%dma_wait3A_206 : memref<640x16xf32, #tpu.memory_space<hbm>>)
      tpu.yield
    }) : () -> ()
    "tpu.trace_stop"() : () -> ()
    return
  }
}

module attributes {stable_mosaic.version = 14 : i64} {
  func.func @_deint_body(%arg0: memref<2x320000xi32, #tpu.memory_space<vmem>>, %arg1: memref<320000xi32, #tpu.memory_space<vmem>>, %arg2: memref<320000xi32, #tpu.memory_space<vmem>>) attributes {dimension_semantics = [], scalar_prefetch = 0 : i64, scratch_operands = 0 : i64, tpu.core_type = #tpu.core_type<tc>} {
    %get3A = arith.constant 0 : index
    %get3A_0 = arith.constant 0 : index
    %get3A_1 = vector.load %arg0[%get3A, %get3A_0] : memref<2x320000xi32, #tpu.memory_space<vmem>>, vector<2x320000xi32>
    %slice3A = vector.extract_strided_slice %get3A_1 {offsets = [0, 0], sizes = [1, 320000], strides = [1, 1]} : vector<2x320000xi32> to vector<1x320000xi32>
    %squeeze3A = vector.shape_cast %slice3A : vector<1x320000xi32> to vector<320000xi32>
    %swap3A = arith.constant 0 : index
    %swap3A_2 = vector.load %arg1[%swap3A] : memref<320000xi32, #tpu.memory_space<vmem>>, vector<320000xi32>
    tpu.vector_store %arg1[%swap3A], %squeeze3A {strides = array<i32>} : memref<320000xi32, #tpu.memory_space<vmem>>, vector<320000xi32>,
    %slice3A_3 = vector.extract_strided_slice %get3A_1 {offsets = [1, 0], sizes = [1, 320000], strides = [1, 1]} : vector<2x320000xi32> to vector<1x320000xi32>
    %squeeze3A_4 = vector.shape_cast %slice3A_3 : vector<1x320000xi32> to vector<320000xi32>
    %swap3A_5 = arith.constant 0 : index
    %swap3A_6 = vector.load %arg2[%swap3A_5] : memref<320000xi32, #tpu.memory_space<vmem>>, vector<320000xi32>
    tpu.vector_store %arg2[%swap3A_5], %squeeze3A_4 {strides = array<i32>} : memref<320000xi32, #tpu.memory_space<vmem>>, vector<320000xi32>,
    return
  }
}

module attributes {stable_mosaic.version = 14 : i64} {
  func.func @_matmul_body(%arg0: i32, %arg1: memref<2560x128xf32, #tpu.memory_space<vmem>>, %arg2: memref<128x16xf32, #tpu.memory_space<vmem>>, %arg3: memref<2560x16xf32, #tpu.memory_space<vmem>>) attributes {dimension_semantics = [#tpu.dimension_semantics<arbitrary>], iteration_bounds = array<i64: 4>, scalar_prefetch = 0 : i64, scratch_operands = 0 : i64, tpu.core_type = #tpu.core_type<tc>, window_params = [{transform_indices = @transform_0, window_bounds = array<i64: 2560, 128>}, {pipeline_mode = #tpu.pipeline_mode<synchronous>, transform_indices = @transform_1, window_bounds = array<i64: 128, 16>}, {transform_indices = @transform_2, window_bounds = array<i64: 2560, 16>}]} {
    %get3A = arith.constant 0 : index
    %get3A_0 = arith.constant 0 : index
    %get3A_1 = vector.load %arg1[%get3A, %get3A_0] : memref<2560x128xf32, #tpu.memory_space<vmem>>, vector<2560x128xf32>
    %get3A_2 = arith.constant 0 : index
    %get3A_3 = arith.constant 0 : index
    %get3A_4 = vector.load %arg2[%get3A_2, %get3A_3] : memref<128x16xf32, #tpu.memory_space<vmem>>, vector<128x16xf32>
    %dot_general3A = arith.constant dense<0.000000e+00> : vector<2560x16xf32>
    %dot_general3A_5 = tpu.matmul %get3A_1, %get3A_4, %dot_general3A {dimension_numbers = #tpu.dot_dimension_numbers<[1], [0], [0], [1], [0, 0, 1, 1], [], []>, precision = #tpu.contract_precision<fp32>, transpose_lhs_hint = false} : vector<2560x128xf32>, vector<128x16xf32>, vector<2560x16xf32> -> vector<2560x16xf32>
    %swap3A = arith.constant 0 : index
    %swap3A_6 = arith.constant 0 : index
    %swap3A_7 = vector.load %arg3[%swap3A, %swap3A_6] : memref<2560x16xf32, #tpu.memory_space<vmem>>, vector<2560x16xf32>
    tpu.vector_store %arg3[%swap3A, %swap3A_6], %dot_general3A_5 {strides = array<i32>} : memref<2560x16xf32, #tpu.memory_space<vmem>>, vector<2560x16xf32>,
    return
  }
  func.func @transform_0(%arg0: i32) -> (i32, i32) {
    %c0_i32 = arith.constant 0 : i32
    %c0_i32_0 = arith.constant 0 : i32
    return %arg0, %c0_i32 : i32, i32
  }
  func.func @transform_1(%arg0: i32) -> (i32, i32) {
    %c0_i32 = arith.constant 0 : i32
    %c0_i32_0 = arith.constant 0 : i32
    %c0_i32_1 = arith.constant 0 : i32
    return %c0_i32, %c0_i32_0 : i32, i32
  }
  func.func @transform_2(%arg0: i32) -> (i32, i32) {
    %c0_i32 = arith.constant 0 : i32
    %c0_i32_0 = arith.constant 0 : i32
    return %arg0, %c0_i32 : i32, i32
  }
}

module attributes {stable_mosaic.version = 14 : i64} {
  func.func @_final_body(%arg0: i32, %arg1: memref<2x4x640x16xf32, #tpu.memory_space<vmem>>, %arg2: memref<16x2560xf32, #tpu.memory_space<vmem>>) attributes {dimension_semantics = [#tpu.dimension_semantics<arbitrary>], iteration_bounds = array<i64: 4>, scalar_prefetch = 0 : i64, scratch_operands = 0 : i64, tpu.core_type = #tpu.core_type<tc>, window_params = [{transform_indices = @transform_0, window_bounds = array<i64: 2, 4, 640, 16>}, {transform_indices = @transform_1, window_bounds = array<i64: 16, 2560>}]} {
    %get3A = arith.constant 0 : index
    %get3A_0 = arith.constant 0 : index
    %get3A_1 = arith.constant 0 : index
    %get3A_2 = arith.constant 0 : index
    %get3A_3 = vector.load %arg1[%get3A, %get3A_0, %get3A_1, %get3A_2] : memref<2x4x640x16xf32, #tpu.memory_space<vmem>>, vector<2x4x640x16xf32>
    %reshape3A = vector.shape_cast %get3A_3 : vector<2x4x640x16xf32> to vector<2x2560x16xf32>
    %slice3A = vector.extract_strided_slice %reshape3A {offsets = [0, 0, 0], sizes = [1, 2560, 16], strides = [1, 1, 1]} : vector<2x2560x16xf32> to vector<1x2560x16xf32>
    %squeeze3A = vector.shape_cast %slice3A : vector<1x2560x16xf32> to vector<2560x16xf32>
    %slice3A_4 = vector.extract_strided_slice %reshape3A {offsets = [1, 0, 0], sizes = [1, 2560, 16], strides = [1, 1, 1]} : vector<2x2560x16xf32> to vector<1x2560x16xf32>
    %squeeze3A_5 = vector.shape_cast %slice3A_4 : vector<1x2560x16xf32> to vector<2560x16xf32>
    %add3A = arith.addf %squeeze3A, %squeeze3A_5 : vector<2560x16xf32>
    %transpose3A = tpu.transpose %add3A, [1, 0] : vector<2560x16xf32> -> vector<16x2560xf32>
    %swap3A = arith.constant 0 : index
    %swap3A_6 = arith.constant 0 : index
    %swap3A_7 = vector.load %arg2[%swap3A, %swap3A_6] : memref<16x2560xf32, #tpu.memory_space<vmem>>, vector<16x2560xf32>
    tpu.vector_store %arg2[%swap3A, %swap3A_6], %transpose3A {strides = array<i32>} : memref<16x2560xf32, #tpu.memory_space<vmem>>, vector<16x2560xf32>,
    return
  }
  func.func @transform_0(%arg0: i32) -> (i32, i32, i32, i32) {
    %c0_i32 = arith.constant 0 : i32
    %c0_i32_0 = arith.constant 0 : i32
    %c0_i32_1 = arith.constant 0 : i32
    %c0_i32_2 = arith.constant 0 : i32
    return %c0_i32, %arg0, %c0_i32_0, %c0_i32_1 : i32, i32, i32, i32
  }
  func.func @transform_1(%arg0: i32) -> (i32, i32) {
    %c0_i32 = arith.constant 0 : i32
    %c0_i32_0 = arith.constant 0 : i32
    return %c0_i32, %arg0 : i32, i32
  }
}

</mosaic_0001>

<sc_bundles>
// kernel: kernel.6.cloned.1.call-start
scs
__scs_entry_jumppad:
0x0: {  	(pc) =	sbr.rel $0x88, $3  }
0x1: {  	(tag) =	ssettag $0x0;
	lr =	simm.s32 $0x1  }
0x2: {  	[smem:$0x3F9C] =	sst lr;
	_ =	strace $0xD0000000  }
0x3: {  	_ = 	snop  }
0x4: {  	_ = 	snop  }
0x5: {  	_ = 	snop  }
0x6: {  	_ = 	snop  }
0x7: {  	_ = 	snop  }
__scs_overlays_trampoline_lowered:
0x8: {  	[smem:$0x3FAB] =	sst s0  }
0x9: {  	[smem:$0x3FAC] =	sst s1  }
0xa: {  	[smem:$0x3FAD] =	sst s2  }
0xb: {  	[smem:$0x3FAE] =	sst s3  }
0xc: {  	[smem:$0x3FAF] =	sst s4  }
0xd: {  	[smem:$0x3FB0] =	sst s5  }
0xe: {  	[smem:$0x3FB1] =	sst s6  }
0xf: {  	[smem:$0x3FB2] =	sst s7  }
0x10: {  	[smem:$0x3FB3] =	sst s8  }
0x11: {  	[smem:$0x3FB4] =	sst s9;
	s0 =	simm.s32 @!p0 $0x0  }
0x12: {  	s1 =	sld [smem:$0x3F9A];
	s0 =	simm.s32 @p0 $0x1  }
0x13: {  	[smem:$0x3FB5] =	sst s0;
	s0 =	simm.s32 @!p1 $0x0  }
0x14: {  	s2 =	sld [smem:$0x3F99];
	s0 =	simm.s32 @p1 $0x1  }
0x15: {  	[smem:$0x3FB6] =	sst s0;
	s0 =	simm.s32 @!p2 $0x0  }
0x16: {  	s3 =	sld [smem:$0x3FDB];
	s0 =	simm.s32 @p2 $0x1  }
0x17: {  	s4 =	simm.s32 $0x1BF5;
	[smem:$0x3FB8] =	sst s0  }
0x18: {  	s0 =	sld [smem:$0x3F9B];
	_ =	swait.ge [sflag:s4], $0x0  }
0x19: {  	s7 =	sld [smem:$0x3F9C]  }
0x1a: {  	s8 =	sadd.s32 $0xFFFFE003, lr  }
0x1b: {  	s9 =	sadd.s32 $0xFFFFFEF7, lr;
	s5 =	simm.s32 $0xFFFFFFFF;
	p2 =	slt.u32 s8, $0xFFFFF086  }
0x1c: {  	p1 =	slt.u32 s9, $0xF7A;
	s5 =	simm.s32 @!p2 $0x0  }
0x1d: {  	s5 =	simm.s32 @p1 $0x1;
	p0 =	seq.s32 s7, s2  }
0x1e: {  	s7 =	smul.u32 @!p0 $0xF7A, s2;
	p2 =	seq.s32 @!p0 s5, $0x0  }
0x1f: {  	s9 =	smul.u32 $0xF7A, s1;
	s8 =	simm.s32 @!p0 $0x1BF5;
	p2 =	por !p2, p0  }
0x20: {  	[sflag:s8] =	ssyncset.s32 @!p0 $0xFFFFF086;
	s6 =	sadd.s32 @!p0 s3, s7;
	s7 =	simm.s32 @!p0 $0x108  }
0x21: {  	s3 =	sadd.s32 s3, s9;
	s6 =	sadd.s32 @!p0 $0x88, s6;
	s7 =	simm.s32 @p2 $0x1082  }
0x22: {  	[simem:s7], [sflag:s8] =	dma.local @!p0 [hbm:s6], $0xF7A  }
0x23: {  	s9 =	sor.u32 $0xD0000000, s2;
	s6 =	simm.s32 $0x108;
	_ =	swait.ge @!p0 [sflag:s8], $0x0  }
0x24: {  	s3 =	sadd.s32 $0x88, s3;
	s6 =	simm.s32 @!p1 $0x1082;
	[sflag:s4] =	ssyncset.s32 $0xFFFFF086  }
0x25: {  	[simem:s6], [sflag:s4] =	dma.local [hbm:s3], $0xF7A  }
0x26: {  	[smem:$0x3F9C] =	sst s1;
	(tag) =	ssettag s2;
	_ =	strace s9  }
0x27: {  	s1 =	sld [smem:$0x3FAC]  }
0x28: {  	s2 =	sld [smem:$0x3FAD]  }
0x29: {  	s4 =	sld [smem:$0x3FAF]  }
0x2a: {  	p0 =	seq.s32 s5, $0x0;
	s5 =	sld [smem:$0x3FB0]  }
0x2b: {  	s6 =	sld [smem:$0x3FB1]  }
0x2c: {  	s7 =	sld [smem:$0x3FB2]  }
0x2d: {  	s3 =	simm.s32 $0x108;
	s8 =	sld [smem:$0x3FB3]  }
0x2e: {  	s3 =	simm.s32 @!p0 $0x1082;
	s9 =	sld [smem:$0x3FB4]  }
0x2f: {  	lr =	sadd.s32 s0, s3;
	s0 =	sld [smem:$0x3FAB]  }
0x30: {  	s3 =	sld [smem:$0x3FAE]  }
0x31: {  	[smem:$0x3FB7] =	sst s10  }
0x32: {  	s10 =	sld [smem:$0x3FB5];
	_ =	sdelay $0x3  }
0x33: {  	p0 =	seq.s32 s10, $0x1;
	s10 =	sld [smem:$0x3FB7];
	_ =	sdelay $0x3  }
0x34: {  	[smem:$0x3FB7] =	sst s10  }
0x35: {  	s10 =	sld [smem:$0x3FB6];
	_ =	sdelay $0x3  }
0x36: {  	p1 =	seq.s32 s10, $0x1;
	s10 =	sld [smem:$0x3FB7];
	_ =	sdelay $0x3  }
0x37: {  	[smem:$0x3FB7] =	sst s10  }
0x38: {  	s10 =	sld [smem:$0x3FB8]  }
0x39: {  	_ = 	snop;
	(pc) =	sbr.ind lr, $3  }
0x3a: {  	_ = 	snop  }
0x3b: {  	_ = 	snop  }
0x3c: {  	p2 =	seq.s32 s10, $0x1;
	s10 =	sld [smem:$0x3FB7]  }
0x3d: {  	_ =	shalt  }
0x3e: {  	_ =	shalt  }
0x3f: {  	_ =	shalt  }
0x40: {  	_ =	shalt  }
0x41: {  	_ =	shalt  }
0x42: {  	_ =	shalt  }
0x43: {  	_ =	shalt  }
0x44: {  	_ =	shalt  }
0x45: {  	_ =	shalt  }
0x46: {  	_ =	shalt  }
0x47: {  	_ =	shalt  }
0x48: {  	_ =	shalt  }
0x49: {  	_ =	shalt  }
0x4a: {  	_ =	shalt  }
0x4b: {  	_ =	shalt  }
0x4c: {  	_ =	shalt  }
0x4d: {  	_ =	shalt  }
0x4e: {  	_ =	shalt  }
0x4f: {  	_ =	shalt  }
0x50: {  	_ =	shalt  }
0x51: {  	_ =	shalt  }
0x52: {  	_ =	shalt  }
0x53: {  	_ =	shalt  }
0x54: {  	_ =	shalt  }
0x55: {  	_ =	shalt  }
0x56: {  	_ =	shalt  }
0x57: {  	_ =	shalt  }
0x58: {  	_ =	shalt  }
0x59: {  	_ =	shalt  }
0x5a: {  	_ =	shalt  }
0x5b: {  	_ =	shalt  }
0x5c: {  	_ =	shalt  }
0x5d: {  	_ =	shalt  }
0x5e: {  	_ =	shalt  }
0x5f: {  	_ =	shalt  }
0x60: {  	_ =	shalt  }
0x61: {  	_ =	shalt  }
0x62: {  	_ =	shalt  }
0x63: {  	_ =	shalt  }
0x64: {  	_ =	shalt  }
0x65: {  	_ =	shalt  }
0x66: {  	_ =	shalt  }
0x67: {  	_ =	shalt  }
0x68: {  	_ =	shalt  }
0x69: {  	_ =	shalt  }
0x6a: {  	_ =	shalt  }
0x6b: {  	_ =	shalt  }
0x6c: {  	_ =	shalt  }
0x6d: {  	_ =	shalt  }
0x6e: {  	_ =	shalt  }
0x6f: {  	_ =	shalt  }
0x70: {  	_ =	shalt  }
0x71: {  	_ =	shalt  }
0x72: {  	_ =	shalt  }
0x73: {  	_ =	shalt  }
0x74: {  	_ =	shalt  }
0x75: {  	_ =	shalt  }
0x76: {  	_ =	shalt  }
0x77: {  	_ =	shalt  }
0x78: {  	_ =	shalt  }
0x79: {  	_ =	shalt  }
0x7a: {  	_ =	shalt  }
0x7b: {  	_ =	shalt  }
0x7c: {  	_ =	shalt  }
0x7d: {  	_ =	shalt  }
0x7e: {  	_ =	shalt  }
0x7f: {  	_ =	shalt  }
0x80: {  	_ =	shalt  }
0x81: {  	_ =	shalt  }
0x82: {  	_ =	shalt  }
0x83: {  	_ =	shalt  }
0x84: {  	_ =	shalt  }
0x85: {  	_ =	shalt  }
0x86: {  	_ =	shalt  }
0x87: {  	_ =	shalt  }
.Lfunc_end0:
.L_simem_size_0:
called_computation_lowered:
.L_overlay_start_0:
0x88: {  	s2 =	sld [smem:$0x3FD9]  }
0x89: {  	s3 =	sld [smem:$0x3FFE];
	_ =	sdelay $0x1  }
0x8a: {  	s1 =	srdreg.scid  }
0x8b: {  	s0 =	sand.u32 $0x1, s1  }
0x8c: {  	s17 =	sshll.u32 s0, $0xA;
	s2 =	sadd.s32 s3, s2  }
0x8d: {  	s2 =	sadd.s32 s2, s17  }
0x8e: {  	[smem:$0x3FC3] =	sst s2  }
0x8f: {  	_ = 	snop  }
0x90: {  	s2 =	sld [smem:$0x3FC7]  }
0x91: {  	s18 =	sld [smem:$0x3FC5];
	(tm) =	ssettm $0x1  }
0x92: {  	s4 =	sld [smem:$0x3FFB];
	_ =	sdelay $0x3  }
0x93: {  	_ =	strace s4  }
0x94: {  	s4 =	sld [smem:$0x3FFC];
	_ =	sdelay $0x3  }
0x95: {  	_ =	strace s4  }
0x96: {  	s4 =	sld [smem:$0x3FFD];
	_ =	sdelay $0x3  }
0x97: {  	_ =	strace s4  }
0x98: {  	_ =	strace $0x8FFFFFFF  }
0x99: {  	s19 =	sld [smem:$0x3FDB];
	_ =	sdelay $0x1  }
0x9a: {  	s5 =	simm.s32 $_scs_section_size  }
0x9b: {  	s6 =	simm.s32 $_size__tile_overlayer_lowered;
	s7 =	simm.s32 $_tile_overlayer_lowered  }
0x9c: {  	s22 =	simm.s32 $0x1BFF;
	s21 =	sshll.u32 s7, $0x1;
	s4 =	sadd.s32 s5, s19  }
0x9d: {  	s8 =	simm.s32 $0x0;
	s20 =	sshll.u32 s6, $0x1;
	s6 =	sadd.s32 s21, s4  }
0x9e: {  	[timem:s8], [sflag:s22] =	dma.local [hbm:s6], s20  }
0x9f: {  	_ =	swait.ge [sflag:s22], s20  }
0xa0: {  	s5 =	ssub.s32 $0x0, s20;
	[sflag:s22] =	ssyncset.done $0x0  }
0xa1: {  	[sflag:s22] =	ssyncadd.s32 s5;
	_ =	sdelay $0x1  }
0xa2: {  	s23 =	simm.s32 $0x1B8B  }
0xa3: {  	_ =	swait.ge [sflag:s23], $0x1  }
0xa4: {  	[sflag:s23] =	ssyncset.done $0x0  }
0xa5: {  	s25 =	simm.s32 $0x1B8E;
	s24 =	sld [smem:$0x3FFE];
	[sflag:s23] =	ssyncadd.s32 $0xFFFFFFFF  }
0xa6: {  	s26 =	simm.s32 $execute0_lowered;
	[smem:$0x3FD2] =	sst s25  }
0xa7: {  	s6 =	sshll.u32 s26, $0x1;
	_ =	strace $0x80000046;
	[dreg:$0x1] =	wrdreg $0xFFFFFFFF  }
0xa8: {  	s28 =	simm.s32 $_size_execute0_lowered;
	s4 =	sadd.s32 s4, s6;
	[dreg:$0x0] =	wrdreg $0x0  }
0xa9: {  	s6 =	sshll.u32 s28, $0x1;
	[dreg:$0x2] =	wrdreg s4  }
0xaa: {  	[dreg:$0x3] =	wrdreg s6  }
0xab: {  	[dreg:$0x4] =	wrdreg $0xC0  }
0xac: {  	_ =	task [dreg:s8], $0x5FFFF  }
0xad: {  	[dreg:$0x1] =	wrdreg $0xFFFFFFFF  }
0xae: {  	[dreg:$0x0] =	wrdreg $0x60  }
0xaf: {  	[dreg:$0x2] =	wrdreg s24  }
0xb0: {  	[dreg:$0x3] =	wrdreg s2  }
0xb1: {  	[dreg:$0x4] =	wrdreg s18  }
0xb2: {  	[dreg:$0x5] =	wrdreg $0x19A600  }
0xb3: {  	[dreg:$0x6] =	wrdreg $0x16FE00  }
0xb4: {  	[dreg:$0x7] =	wrdreg $0x197E00  }
0xb5: {  	[dreg:$0x8] =	wrdreg $0x1C2600  }
0xb6: {  	[dreg:$0x9] =	wrdreg $0x9  }
0xb7: {  	_ =	task.clear_ibuf [dreg:s8], $0xAFFFF;
	_ =	strace $0x90000046  }
0xb8: {  	s29 =	simm.s32 $0x9;
	_ =	strace $0x8000004E  }
0xb9: {  	_ =	swait.ge [sflag:s29], $0x1  }
0xba: {  	[sflag:s29] =	ssyncadd.s32 $0xFFFFFFFF  }
0xbb: {  	_ =	strace $0x9000004E  }
0xbc: {  	_ =	sfence  }
0xbd: {  	s30 =	sld [smem:$0x0];
	_ =	sdelay $0x2  }
0xbe: {  	s31 =	sshll.u32 s1, $0xD;
	s1 =	sshrl.u32 s1, $0x2  }
0xbf: {  	s3 =	sand.u32 $0x4000, s31;
	s1 =	sadd.s32 s1, s30  }
0xc0: {  	s0 =	sor.u32 s3, s0;
	s1 =	sshll.u32 s1, $0x11  }
0xc1: {  	s0 =	sor.u32 s1, s0  }
0xc2: {  	s0 =	sadd.s32 $0x8F2B, s0  }
0xc3: {  	[sflag:s0] =	ssyncadd.remote.s32 $0x1  }
0xc4: {  	_ =	sfence.sel $0xFFFF  }
0xc5: {  	[dreg:$0x0] =	wrdreg $0xFFFFFFFF;
	(pc) =	sbr.abs _section_cstart, $3  }
0xc6: {  	[dreg:$0x1] =	wrdreg $0xFFFFFFFF  }
0xc7: {  	_ =	task.clear_ibuf [dreg:s8], $0x2FFFF;
	_ =	strace $0x9FFFFFFF  }
0xc8: {  	(tm) =	ssettm $0x7FFFFFFF  }
0xc9: {  	_ =	shalt  }
tec
execute0_lowered:
.L_overlay_start_1:
0x0: {  	(tag) =	ssettag $0x1  }
0x1: {  	s0 =	rddreg [dreg:$0x0]  }
0x2: {  	s1 =	rddreg [dreg:$0x1];
	s2 =	srdreg.scid  }
0x3: {  	s12 =	stileid.u32;
	s13 =	rddreg [dreg:$0x3]  }
0x4: {  	s4 =	rddreg [dreg:$0x4];
	s5 =	smul.u32 $0x9C4, s12  }
0x5: {  	s14 =	rddreg [dreg:$0x5];
	s6 =	smul.u32 $0x2800, s12  }
0x6: {  	s15 =	rddreg [dreg:$0x6];
	s2 =	sand.u32 $0x1, s2;
	s24 =	smul.u32 $0xA00, s12  }
0x7: {  	s7 =	simm.s32 $0x0;
	s3 =	sshll.u32 s12, $0x1;
	s21 =	smul.u32 $0x28000, s2  }
0x8: {  	[smem:$0x7FF] =	sst s7;
	s3 =	sor.u32 s2, s3;
	s28 =	smul.u32 $0x2710, s2  }
0x9: {  	_ =	strace $0x80000047;
	s10 =	ssub.s32 $0x2, s2;
	s30 =	smul.u32 $0x9C40, s2  }
0xa: {  	p0 =	seq.s32 s2, $0x1;
	s8 =	sadd.s32 s5, s0;
	s1 =	sadd.s32 s1, s5  }
0xb: {  	s9 =	sshrl.u32 s6, $0x3;
	s26 =	sadd.s32 s6, s13;
	[dreg:$0xa] =	wrdreg s1  }
0xc: {  	s11 =	sshrl.u32 s10, $0x1;
	s29 =	sadd.s32 s6, s4;
	[dreg:$0xc] =	wrdreg s26  }
0xd: {  	s9 =	sadd.s32 s9, s0;
	s23 =	sadd.s32 $0xAC00, s8;
	[dreg:$0xd] =	wrdreg s29  }
0xe: {  	s22 =	ssub.s32 s10, s11;
	s8 =	sadd.s32 s6, s15;
	[dreg:$0x9] =	wrdreg s23  }
0xf: {  	s1 =	sshrl.u32 s24, $0x2;
	s25 =	sadd.s32 $0x14A00, s9;
	[dreg:$0x10] =	wrdreg s8  }
0x10: {  	s4 =	sadd.s32 s1, s4;
	s1 =	sadd.s32 s1, s14;
	[dreg:$0xb] =	wrdreg s25  }
0x11: {  	s31 =	sshrl.u32 s30, $0x2;
	s2 =	smax.u32 s22, $0x1;
	[dreg:$0xf] =	wrdreg s1  }
0x12: {  	s5 =	sadd.s32 $0x2710, s31;
	[dreg:$0x12] =	wrdreg s2  }
0x13: {  	s7 =	sadd.s32 s6, s21;
	s6 =	sadd.s32 $0x7580, s31;
	[dreg:$0x14] =	wrdreg s5  }
0x14: {  	s9 =	sadd.s32 $0x75D0, s31;
	[dreg:$0x15] =	wrdreg s6  }
0x15: {  	s10 =	sadd.s32 $0x27B0, s31;
	[dreg:$0x17] =	wrdreg s9  }
0x16: {  	s11 =	sadd.s32 $0x7620, s31;
	[dreg:$0x18] =	wrdreg s10  }
0x17: {  	s12 =	sadd.s32 $0x2800, s31;
	[dreg:$0x19] =	wrdreg s11  }
0x18: {  	s3 =	smul.u32 $0x4E2, s3;
	s13 =	sadd.s32 $0x7670, s31;
	[dreg:$0x1a] =	wrdreg s12  }
0x19: {  	s14 =	sadd.s32 $0x2850, s31;
	[dreg:$0x1b] =	wrdreg s13  }
0x1a: {  	s3 =	sadd.s32 s3, s0;
	[dreg:$0x1c] =	wrdreg s14  }
0x1b: {  	s7 =	sshrl.u32 s7, $0x3;
	s3 =	sadd.s32 $0xE00, s3;
	[dreg:$0xe] =	wrdreg s4  }
0x1c: {  	s0 =	sadd.s32 s7, s0;
	s7 =	sadd.s32 $0x2760, s31;
	[dreg:$0x8] =	wrdreg s3  }
0x1d: {  	s15 =	sadd.s32 $0x2800, s4;
	[dreg:$0x16] =	wrdreg s7  }
0x1e: {  	s17 =	sadd.s32 $0x5000, s4;
	[dreg:$0x1d] =	wrdreg s15  }
0x1f: {  	s18 =	sadd.s32 $0x7800, s4;
	[dreg:$0x1e] =	wrdreg s17  }
0x20: {  	s19 =	sadd.s32 $0xA000, s4;
	[dreg:$0x1f] =	wrdreg s18  }
0x21: {  	s20 =	sadd.s32 $0xC800, s4;
	[smem:$0x7F2] =	sst s19  }
0x22: {  	s21 =	sadd.s32 $0xF000, s4;
	[smem:$0x7F3] =	sst s20  }
0x23: {  	s22 =	sadd.s32 $0x11800, s4;
	[smem:$0x7F4] =	sst s21  }
0x24: {  	s23 =	sadd.s32 $0x14000, s4;
	[smem:$0x7F5] =	sst s22  }
0x25: {  	s24 =	sadd.s32 $0x16800, s4;
	[smem:$0x7F6] =	sst s23  }
0x26: {  	s25 =	sadd.s32 $0x19000, s4;
	[smem:$0x7F7] =	sst s24  }
0x27: {  	s16 =	sadd.s32 $0x2710, s28;
	s26 =	sadd.s32 $0x1B800, s4;
	[smem:$0x7F8] =	sst s25  }
0x28: {  	s28 =	sadd.s32 $0x1E000, s4;
	s29 =	sadd.s32 $0x20800, s4;
	[smem:$0x7F9] =	sst s26  }
0x29: {  	v0 =	vimm.f32 $0.0e+00;
	v1 =	vimm.s32 $0x0;
	s30 =	sadd.s32 $0x23000, s4;
	s9 =	simm.s32 $0xB;
	[smem:$0x7FA] =	sst s28  }
.Ltmp0:
0x2a: {  	v2 =	vimm.s32 $0x1;
	v3 =	vimm.s32 $0x2;
	v4 =	vimm.s32 $0x3;
	s10 =	simm.s32 $0x115D0;
	[smem:$0x7FB] =	sst s29;
	(pc) =	sbr.rel .LBB2_1-.Ltmp0, $4  }
0x2b: {  	v5 =	vimm.s32 $0x4;
	v6 =	vimm.s32 $0x5;
	v7 =	vimm.s32 $0x6;
	s1 =	simm.s32 $0xEDD0;
	s0 =	sadd.s32 $0x19A00, s0;
	[smem:$0x7FC] =	sst s30  }
0x2c: {  	v8 =	vimm.s32 $0x7;
	v9 =	vimm.s32 $0x8;
	v10 =	vimm.s32 $0x9;
	s2 =	simm.s32 $0x0;
	s3 =	sadd.s32 $0x7530, s31;
	[dreg:$0x11] =	wrdreg s0  }
0x2d: {  	v11 =	vimm.s32 $0xA;
	v12 =	vimm.s32 $0xB;
	v13 =	vimm.s32 $0xC;
	s31 =	sadd.s32 $0x25800, s4;
	s20 =	simm.s32 $0x50;
	[dreg:$0x13] =	wrdreg s3  }
0x2e: {  	v14 =	vimm.s32 $0xD;
	v15 =	vimm.s32 $0xE;
	v16 =	vimm.s32 $0xF;
	s24 =	simm.s32 $0x50;
	[smem:$0x7FD] =	sst s31;
	s3 =	simm.s32 $0xC350  }
.LBB2_32:
0x2f: {  	s0 =	simm.s32 $0x6  }
0x30: {  	_ =	swait.ge [sflag:s0], $0x500  }
0x31: {  	[sflag:s0] =	ssyncset.done $0x0  }
0x32: {  	s23 =	simm.s32 $0x7;
	[sflag:s0] =	ssyncadd.s32 $0xFFFFFB00  }
0x33: {  	_ =	swait.ge [sflag:s23], $0x500  }
0x34: {  	[sflag:s23] =	ssyncset.done $0x0  }
0x35: {  	s25 =	simm.s32 $0x8;
	[sflag:s23] =	ssyncadd.s32 $0xFFFFFB00  }
0x36: {  	_ =	swait.ge [sflag:s25], $0x500  }
0x37: {  	[sflag:s25] =	ssyncset.done $0x0  }
0x38: {  	s26 =	simm.s32 $0x9;
	[sflag:s25] =	ssyncadd.s32 $0xFFFFFB00  }
0x39: {  	_ =	swait.ge [sflag:s26], $0x500  }
0x3a: {  	[sflag:s26] =	ssyncset.done $0x0  }
0x3b: {  	s28 =	simm.s32 $0xA;
	[sflag:s26] =	ssyncadd.s32 $0xFFFFFB00  }
0x3c: {  	_ =	swait.ge [sflag:s28], $0x500  }
0x3d: {  	[sflag:s28] =	ssyncset.done $0x0  }
0x3e: {  	[sflag:s28] =	ssyncadd.s32 $0xFFFFFB00  }
0x3f: {  	_ =	strace $0x9000004C  }
0x40: {  	[bflag:$0x0] =	sbarrier.arrive $0xFFFF  }
0x41: {  	s29 =	stileid.u32;
	_ =	strace $0x8000004D  }
0x42: {  	s9 =	simm.s32 $0xB;
	s0 =	sshll.u32 s29, $0x6;
	s8 =	rddreg [dreg:$0x10]  }
0x43: {  	s0 =	sor.u32 $0x1C0B, s0;
	s4 =	rddreg [dreg:$0x11];
	s2 =	sshrl.u32 s8, $0x3  }
0x44: {  	[hbm:s4], [sflag:s0] =	dma.local [spmem:s2], $0x500  }
0x45: {  	_ =	swait.ge [sflag:s9], $0x500  }
0x46: {  	s30 =	sld [smem:$0x7F1];
	_ =	sdelay $0x2  }
0x47: {  	s31 =	rddreg [dreg:$0x12];
	s2 =	sadd.s32 $0x1, s30  }
0x48: {  	p1 =	sne.s32 s2, s31  }
.Ltmp1:
0x49: {  	_ = 	snop;
	(pc) =	sbr.rel @!p1 .LBB2_33-.Ltmp1, $4  }
0x4a: {  	_ = 	snop  }
0x4b: {  	[sflag:s9] =	ssyncset.done $0x0  }
0x4c: {  	[sflag:s9] =	ssyncadd.s32 $0xFFFFFB00  }
0x4d: {  	s10 =	simm.s32 $0x115D0;
	_ =	strace $0x9000004D  }
.LBB2_1:
0x4e: {  	[smem:$0x7F1] =	sst s2  }
0x4f: {  	_ =	strace $0x80000048  }
0x50: {  	s22 =	simm.s32 $0x0;
	s0 =	rddreg [dreg:$0x8]  }
0x51: {  	[tilespmem:s22], [sflag:$0xB] =	stream.linear.gather [hbm4b:s0+s22], $0x2710, $0x200038;
	[tilespmem:$0x1EA60] =	vst v63  }
0x52: {  	_ =	swait.ge [sflag:s9], $0x2710  }
0x53: {  	[sflag:s9] =	ssyncset.done $0x0  }
0x54: {  	s4 =	simm.s32 $0x2710;
	s23 =	rddreg [dreg:$0x9];
	[sflag:s9] =	ssyncadd.s32 $0xFFFFD8F0  }
0x55: {  	[tilespmem:s4], [sflag:$0xB] =	stream.linear.gather [hbm4b:s23+s22], $0x4E20, $0x200038;
	[tilespmem:$0x1EA60] =	vst v63  }
0x56: {  	_ =	swait.ge [sflag:s9], $0x4E20  }
0x57: {  	[sflag:s9] =	ssyncset.done $0x0  }
0x58: {  	s26 =	simm.s32 $0x7530;
	s25 =	rddreg [dreg:$0xa];
	[sflag:s9] =	ssyncadd.s32 $0xFFFFB1E0  }
0x59: {  	[tilespmem:s26], [sflag:$0xB] =	stream.linear.gather [hbm4b:s25+s22], $0x4E20, $0x200038;
	[tilespmem:$0x1EA60] =	vst v63  }
0x5a: {  	_ =	swait.ge [sflag:s9], $0x4E20  }
0x5b: {  	[sflag:s9] =	ssyncset.done $0x0  }
0x5c: {  	[sflag:s9] =	ssyncadd.s32 $0xFFFFB1E0  }
0x5d: {  	s29 =	simm.s32 $0x13DD0;
	s28 =	rddreg [dreg:$0x2]  }
0x5e: {  	[tilespmem:s29], [sflag:$0xB] =	stream.linear.gather [hbm4b:s28+s22], $0x10, $0x200038;
	[tilespmem:$0x1EA60] =	vst v63  }
0x5f: {  	_ =	swait.ge [sflag:s9], $0x10  }
0x60: {  	[sflag:s9] =	ssyncset.done $0x0  }
0x61: {  	s30 =	rddreg [dreg:$0xb];
	[sflag:s9] =	ssyncadd.s32 $0xFFFFFFF0  }
0x62: {  	[tilespmem:s10], [sflag:$0xB] =	stream.linear.gather [hbm4b:s30+s22], $0x2800, $0x200038;
	[tilespmem:$0x1EA60] =	vst v63  }
0x63: {  	_ =	swait.ge [sflag:s9], $0x2800  }
0x64: {  	[sflag:s9] =	ssyncset.done $0x0  }
0x65: {  	s31 =	rddreg [dreg:$0xc];
	[sflag:s9] =	ssyncadd.s32 $0xFFFFD800  }
0x66: {  	[spmem:s31] =	stream.linear.scatter [tilespmem:s10], [sflag:$0xB], $0x2800, $0x200038;
	[tilespmem:$0x1EA60] =	vst v63  }
0x67: {  	_ =	swait.ge [sflag:s9], $0x2800  }
0x68: {  	[sflag:s9] =	ssyncset.done $0x0  }
0x69: {  	[sflag:s9] =	ssyncadd.s32 $0xFFFFD800  }
0x6a: {  	_ =	strace $0x90000048  }
0x6b: {  	s2 =	simm.s32 $0x70;
	s0 =	simm.s32 $0x3C0;
	_ =	strace $0x80000049  }
.LBB2_2:
0x6c: {  	p1 =	sne.s32 s0, $0x9FC0;
	[tilespmem:s2+$0xC350] =	vst v0  }
0x6d: {  	[tilespmem:s2+$0xC2E0] =	vst v0  }
0x6e: {  	[tilespmem:s2+$0xC2F0] =	vst v0  }
.Ltmp2:
0x6f: {  	[tilespmem:s2+$0xC300] =	vst v0;
	(pc) =	sbr.rel @p1 .LBB2_2-.Ltmp2, $4  }
0x70: {  	[tilespmem:s2+$0xC310] =	vst v0  }
0x71: {  	[tilespmem:s2+$0xC320] =	vst v0  }
0x72: {  	[tilespmem:s2+$0xC330] =	vst v0  }
0x73: {  	[tilespmem:s2+$0xC340] =	vst v0;
	s2 =	sshra.s32 s0, $0x2;
	s0 =	sadd.s32 $0x200, s0  }
0x74: {  	[tilespmem:s2+$0xC350] =	vst v0  }
0x75: {  	[tilespmem:s2+$0xC2E0] =	vst v0  }
0x76: {  	[tilespmem:s2+$0xC2F0] =	vst v0  }
0x77: {  	[tilespmem:s2+$0xC300] =	vst v0  }
0x78: {  	[tilespmem:s2+$0xC310] =	vst v0  }
0x79: {  	[tilespmem:s2+$0xC320] =	vst v0  }
0x7a: {  	[tilespmem:s2+$0xC330] =	vst v0  }
0x7b: {  	s0 =	simm.s32 $0x0;
	[tilespmem:s2+$0xC340] =	vst v0;
	s2 =	simm.s32 $0x0  }
.LBB2_4:
0x7c: {  	s4 =	sshra.s32 s2, $0x2  }
0x7d: {  	v17 =	vld [tilespmem:s4+$0x2710];
	_ =	sdelay $0x2  }
0x7e: {  	v18 =	vld [tilespmem:s4+$0x7530];
	_ =	sdelay $0x4  }
0x7f: {  	[tilespmem:v17+s3+$0x0] =	vst.idx.add.f32.msk $0xffff, v18  }
0x80: {  	v17 =	vld [tilespmem:s4+$0x2720];
	_ =	sdelay $0x2  }
0x81: {  	v18 =	vld [tilespmem:s4+$0x7540];
	_ =	sdelay $0x4  }
0x82: {  	[tilespmem:v17+s3+$0x0] =	vst.idx.add.f32.msk $0xffff, v18  }
0x83: {  	v17 =	vld [tilespmem:s4+$0x2730];
	_ =	sdelay $0x2  }
0x84: {  	v18 =	vld [tilespmem:s4+$0x7550];
	_ =	sdelay $0x4  }
0x85: {  	[tilespmem:v17+s3+$0x0] =	vst.idx.add.f32.msk $0xffff, v18  }
0x86: {  	v17 =	vld [tilespmem:s4+$0x2740];
	_ =	sdelay $0x2  }
0x87: {  	v18 =	vld [tilespmem:s4+$0x7560];
	_ =	sdelay $0x4  }
0x88: {  	[tilespmem:v17+s3+$0x0] =	vst.idx.add.f32.msk $0xffff, v18  }
0x89: {  	v17 =	vld [tilespmem:s4+$0x2750];
	_ =	sdelay $0x2  }
0x8a: {  	p1 =	sne.s32 s2, $0x9B00;
	v18 =	vld [tilespmem:s4+$0x7570]  }
.Ltmp3:
0x8b: {  	_ = 	snop;
	(pc) =	sbr.rel @p1 .LBB2_4-.Ltmp3, $2  }
0x8c: {  	_ =	sdelay $0x2  }
0x8d: {  	s2 =	sadd.s32 $0x140, s2;
	[tilespmem:v17+s3+$0x0] =	vst.idx.add.f32.msk $0xffff, v18  }
.LBB2_5:
0x8e: {  	s2 =	sshra.s32 s0, $0x2  }
0x8f: {  	v17 =	vld [tilespmem:s2+$0x4E20];
	_ =	sdelay $0x2  }
0x90: {  	v18 =	vld [tilespmem:s2+$0x9C40];
	_ =	sdelay $0x4  }
0x91: {  	[tilespmem:v17+s3+$0x0] =	vst.idx.add.f32.msk $0xffff, v18  }
0x92: {  	v17 =	vld [tilespmem:s2+$0x4E30];
	_ =	sdelay $0x2  }
0x93: {  	v18 =	vld [tilespmem:s2+$0x9C50];
	_ =	sdelay $0x4  }
0x94: {  	[tilespmem:v17+s3+$0x0] =	vst.idx.add.f32.msk $0xffff, v18  }
0x95: {  	v17 =	vld [tilespmem:s2+$0x4E40];
	_ =	sdelay $0x2  }
0x96: {  	v18 =	vld [tilespmem:s2+$0x9C60];
	_ =	sdelay $0x4  }
0x97: {  	[tilespmem:v17+s3+$0x0] =	vst.idx.add.f32.msk $0xffff, v18  }
0x98: {  	v17 =	vld [tilespmem:s2+$0x4E50];
	_ =	sdelay $0x2  }
0x99: {  	v18 =	vld [tilespmem:s2+$0x9C70];
	_ =	sdelay $0x4  }
0x9a: {  	[tilespmem:v17+s3+$0x0] =	vst.idx.add.f32.msk $0xffff, v18  }
0x9b: {  	v17 =	vld [tilespmem:s2+$0x4E60];
	_ =	sdelay $0x2  }
0x9c: {  	p1 =	sne.s32 s0, $0x9B00;
	v18 =	vld [tilespmem:s2+$0x9C80]  }
.Ltmp4:
0x9d: {  	_ = 	snop;
	(pc) =	sbr.rel @p1 .LBB2_5-.Ltmp4, $2  }
0x9e: {  	_ =	sdelay $0x2  }
0x9f: {  	s0 =	sadd.s32 $0x140, s0;
	[tilespmem:v17+s3+$0x0] =	vst.idx.add.f32.msk $0xffff, v18  }
0xa0: {  	s0 =	rddreg [dreg:$0xd]  }
0xa1: {  	[spmem:s0] =	stream.linear.scatter [tilespmem:s3], [sflag:$0xB], $0x2800, $0x200038;
	[tilespmem:$0x1EA60] =	vst v63  }
0xa2: {  	_ =	swait.ge [sflag:s9], $0x2800  }
0xa3: {  	[sflag:s9] =	ssyncset.done $0x0  }
0xa4: {  	[sflag:s9] =	ssyncadd.s32 $0xFFFFD800  }
0xa5: {  	_ =	strace $0x90000049  }
0xa6: {  	[bflag:$0x0] =	sbarrier.arrive $0xFFFF  }
0xa7: {  	_ =	strace $0x8000004A  }
0xa8: {  	s19 =	rddreg [dreg:$0xe]  }
0xa9: {  	[tilespmem:s3], [sflag:$0xB] =	stream.linear.gather [spmem:s19], $0x280, $0x200038;
	[tilespmem:$0x1EA60] =	vst v63  }
0xaa: {  	_ =	swait.ge [sflag:s9], $0x280  }
0xab: {  	[sflag:s9] =	ssyncset.done $0x0  }
0xac: {  	s2 =	simm.s32 $0xC5D0;
	s21 =	rddreg [dreg:$0x1d];
	[sflag:s9] =	ssyncadd.s32 $0xFFFFFD80  }
0xad: {  	[tilespmem:s2], [sflag:$0xB] =	stream.linear.gather [spmem:s21], $0x280, $0x200038;
	[tilespmem:$0x1EA60] =	vst v63  }
0xae: {  	_ =	swait.ge [sflag:s9], $0x280  }
0xaf: {  	[sflag:s9] =	ssyncset.done $0x0  }
0xb0: {  	s23 =	simm.s32 $0xC850;
	s22 =	rddreg [dreg:$0x1e];
	[sflag:s9] =	ssyncadd.s32 $0xFFFFFD80  }
0xb1: {  	[tilespmem:s23], [sflag:$0xB] =	stream.linear.gather [spmem:s22], $0x280, $0x200038;
	[tilespmem:$0x1EA60] =	vst v63  }
0xb2: {  	_ =	swait.ge [sflag:s9], $0x280  }
0xb3: {  	[sflag:s9] =	ssyncset.done $0x0  }
0xb4: {  	s26 =	simm.s32 $0xCAD0;
	s25 =	rddreg [dreg:$0x1f];
	[sflag:s9] =	ssyncadd.s32 $0xFFFFFD80  }
0xb5: {  	[tilespmem:s26], [sflag:$0xB] =	stream.linear.gather [spmem:s25], $0x280, $0x200038;
	[tilespmem:$0x1EA60] =	vst v63  }
0xb6: {  	_ =	swait.ge [sflag:s9], $0x280  }
0xb7: {  	s28 =	sld [smem:$0x7F2]  }
0xb8: {  	[sflag:s9] =	ssyncset.done $0x0  }
0xb9: {  	s29 =	simm.s32 $0xCD50;
	[sflag:s9] =	ssyncadd.s32 $0xFFFFFD80  }
0xba: {  	[tilespmem:s29], [sflag:$0xB] =	stream.linear.gather [spmem:s28], $0x280, $0x200038;
	[tilespmem:$0x1EA60] =	vst v63  }
0xbb: {  	_ =	swait.ge [sflag:s9], $0x280  }
0xbc: {  	s30 =	sld [smem:$0x7F3]  }
0xbd: {  	[sflag:s9] =	ssyncset.done $0x0  }
0xbe: {  	s31 =	simm.s32 $0xCFD0;
	[sflag:s9] =	ssyncadd.s32 $0xFFFFFD80  }
0xbf: {  	[tilespmem:s31], [sflag:$0xB] =	stream.linear.gather [spmem:s30], $0x280, $0x200038;
	[tilespmem:$0x1EA60] =	vst v63  }
0xc0: {  	_ =	swait.ge [sflag:s9], $0x280  }
0xc1: {  	s2 =	sld [smem:$0x7F4]  }
0xc2: {  	[sflag:s9] =	ssyncset.done $0x0  }
0xc3: {  	s4 =	simm.s32 $0xD250;
	[sflag:s9] =	ssyncadd.s32 $0xFFFFFD80  }
0xc4: {  	[tilespmem:s4], [sflag:$0xB] =	stream.linear.gather [spmem:s2], $0x280, $0x200038;
	[tilespmem:$0x1EA60] =	vst v63  }
0xc5: {  	_ =	swait.ge [sflag:s9], $0x280  }
0xc6: {  	s5 =	sld [smem:$0x7F5]  }
0xc7: {  	[sflag:s9] =	ssyncset.done $0x0  }
0xc8: {  	s6 =	simm.s32 $0xD4D0;
	[sflag:s9] =	ssyncadd.s32 $0xFFFFFD80  }
0xc9: {  	[tilespmem:s6], [sflag:$0xB] =	stream.linear.gather [spmem:s5], $0x280, $0x200038;
	[tilespmem:$0x1EA60] =	vst v63  }
0xca: {  	_ =	swait.ge [sflag:s9], $0x280  }
0xcb: {  	s7 =	sld [smem:$0x7F6]  }
0xcc: {  	[sflag:s9] =	ssyncset.done $0x0  }
0xcd: {  	s11 =	simm.s32 $0xD750;
	[sflag:s9] =	ssyncadd.s32 $0xFFFFFD80  }
0xce: {  	[tilespmem:s11], [sflag:$0xB] =	stream.linear.gather [spmem:s7], $0x280, $0x200038;
	[tilespmem:$0x1EA60] =	vst v63  }
0xcf: {  	_ =	swait.ge [sflag:s9], $0x280  }
0xd0: {  	s12 =	sld [smem:$0x7F7]  }
0xd1: {  	[sflag:s9] =	ssyncset.done $0x0  }
0xd2: {  	s13 =	simm.s32 $0xD9D0;
	[sflag:s9] =	ssyncadd.s32 $0xFFFFFD80  }
0xd3: {  	[tilespmem:s13], [sflag:$0xB] =	stream.linear.gather [spmem:s12], $0x280, $0x200038;
	[tilespmem:$0x1EA60] =	vst v63  }
0xd4: {  	_ =	swait.ge [sflag:s9], $0x280  }
0xd5: {  	s14 =	sld [smem:$0x7F8]  }
0xd6: {  	[sflag:s9] =	ssyncset.done $0x0  }
0xd7: {  	s15 =	simm.s32 $0xDC50;
	[sflag:s9] =	ssyncadd.s32 $0xFFFFFD80  }
0xd8: {  	[tilespmem:s15], [sflag:$0xB] =	stream.linear.gather [spmem:s14], $0x280, $0x200038;
	[tilespmem:$0x1EA60] =	vst v63  }
0xd9: {  	_ =	swait.ge [sflag:s9], $0x280  }
0xda: {  	s17 =	sld [smem:$0x7F9]  }
0xdb: {  	[sflag:s9] =	ssyncset.done $0x0  }
0xdc: {  	s18 =	simm.s32 $0xDED0;
	[sflag:s9] =	ssyncadd.s32 $0xFFFFFD80  }
0xdd: {  	[tilespmem:s18], [sflag:$0xB] =	stream.linear.gather [spmem:s17], $0x280, $0x200038;
	[tilespmem:$0x1EA60] =	vst v63  }
0xde: {  	_ =	swait.ge [sflag:s9], $0x280  }
0xdf: {  	s19 =	sld [smem:$0x7FA]  }
0xe0: {  	[sflag:s9] =	ssyncset.done $0x0  }
0xe1: {  	s21 =	simm.s32 $0xE150;
	[sflag:s9] =	ssyncadd.s32 $0xFFFFFD80  }
0xe2: {  	[tilespmem:s21], [sflag:$0xB] =	stream.linear.gather [spmem:s19], $0x280, $0x200038;
	[tilespmem:$0x1EA60] =	vst v63  }
0xe3: {  	_ =	swait.ge [sflag:s9], $0x280  }
0xe4: {  	s22 =	sld [smem:$0x7FB]  }
0xe5: {  	[sflag:s9] =	ssyncset.done $0x0  }
0xe6: {  	s23 =	simm.s32 $0xE3D0;
	[sflag:s9] =	ssyncadd.s32 $0xFFFFFD80  }
0xe7: {  	[tilespmem:s23], [sflag:$0xB] =	stream.linear.gather [spmem:s22], $0x280, $0x200038;
	[tilespmem:$0x1EA60] =	vst v63  }
0xe8: {  	_ =	swait.ge [sflag:s9], $0x280  }
0xe9: {  	s25 =	sld [smem:$0x7FC]  }
0xea: {  	[sflag:s9] =	ssyncset.done $0x0  }
0xeb: {  	s26 =	simm.s32 $0xE650;
	[sflag:s9] =	ssyncadd.s32 $0xFFFFFD80  }
0xec: {  	[tilespmem:s26], [sflag:$0xB] =	stream.linear.gather [spmem:s25], $0x280, $0x200038;
	[tilespmem:$0x1EA60] =	vst v63  }
0xed: {  	_ =	swait.ge [sflag:s9], $0x280  }
0xee: {  	s28 =	sld [smem:$0x7FD]  }
0xef: {  	[sflag:s9] =	ssyncset.done $0x0  }
0xf0: {  	s29 =	simm.s32 $0xE8D0;
	[sflag:s9] =	ssyncadd.s32 $0xFFFFFD80  }
0xf1: {  	[tilespmem:s29], [sflag:$0xB] =	stream.linear.gather [spmem:s28], $0x280, $0x200038;
	[tilespmem:$0x1EA60] =	vst v63  }
0xf2: {  	s30 =	simm.s32 $0x0;
	s31 =	simm.s32 $0x0;
	_ =	swait.ge [sflag:s9], $0x280  }
0xf3: {  	s0 =	sand.u32 $0x70, s30;
	s2 =	sand.u32 $0x380, s31;
	[sflag:s9] =	ssyncset.done $0x0  }
0xf4: {  	s0 =	sor.u32 s0, s2;
	[sflag:s9] =	ssyncadd.s32 $0xFFFFFD80  }
0xf5: {  	v17 =	vld [tilespmem:s0+$0xC350];
	_ =	sdelay $0x1  }
0xf6: {  	v18 =	vld [tilespmem:s0+$0xC5D0];
	_ =	sdelay $0x1  }
0xf7: {  	v19 =	vld [tilespmem:s0+$0xC850]  }
0xf8: {  	v17 =	vadd.f32 $0.0e+00, v17  }
0xf9: {  	v20 =	vld [tilespmem:s0+$0xCAD0]  }
0xfa: {  	v17 =	vadd.f32 v18, v17  }
0xfb: {  	v18 =	vld [tilespmem:s0+$0xCD50]  }
0xfc: {  	v17 =	vadd.f32 v19, v17  }
0xfd: {  	v19 =	vld [tilespmem:s0+$0xCFD0]  }
0xfe: {  	v17 =	vadd.f32 v20, v17  }
0xff: {  	v59 =	vld [tilespmem:s0+$0xD250]  }
0x100: {  	v17 =	vadd.f32 v18, v17  }
0x101: {  	v18 =	vld [tilespmem:s0+$0xD4D0]  }
0x102: {  	v17 =	vadd.f32 v19, v17  }
0x103: {  	v19 =	vld [tilespmem:s0+$0xD750]  }
0x104: {  	v17 =	vadd.f32 v59, v17  }
0x105: {  	v60 =	vld [tilespmem:s0+$0xD9D0]  }
0x106: {  	v17 =	vadd.f32 v18, v17  }
0x107: {  	v18 =	vld [tilespmem:s0+$0xDC50]  }
0x108: {  	v17 =	vadd.f32 v19, v17  }
0x109: {  	v19 =	vld [tilespmem:s0+$0xDED0]  }
0x10a: {  	v17 =	vadd.f32 v60, v17  }
0x10b: {  	v61 =	vld [tilespmem:s0+$0xE150]  }
0x10c: {  	v17 =	vadd.f32 v18, v17  }
0x10d: {  	v18 =	vld [tilespmem:s0+$0xE3D0]  }
0x10e: {  	v17 =	vadd.f32 v19, v17  }
0x10f: {  	v19 =	vld [tilespmem:s0+$0xE650]  }
0x110: {  	v17 =	vadd.f32 v61, v17  }
0x111: {  	v62 =	vld [tilespmem:s0+$0xE8D0]  }
0x112: {  	v17 =	vadd.f32 v18, v17;
	_ =	sdelay $0x1  }
0x113: {  	v17 =	vadd.f32 v19, v17;
	_ =	sdelay $0x1  }
0x114: {  	v17 =	vadd.f32 v62, v17;
	_ =	sdelay $0x1  }
0x115: {  	v18 =	vadd.f32 $1.000000000e+00, v17;
	_ =	sdelay $0x1  }
0x116: {  	v17 =	vshra.s32 v18, $0x1;
	v19 =	vmul.f32 $5.000000000e-01, v18  }
0x117: {  	v17 =	vsub.s32 $0x5F3759DF, v17  }
0x118: {  	v63 =	vmul.f32 v17, v19;
	_ =	sdelay $0x1  }
0x119: {  	v20 =	vmul.f32 v17, v63;
	_ =	sdelay $0x1  }
0x11a: {  	v20 =	vsub.f32 $1.500000000e+00, v20;
	_ =	sdelay $0x1  }
0x11b: {  	v17 =	vmul.f32 v17, v20;
	_ =	sdelay $0x1  }
0x11c: {  	v20 =	vmul.f32 v17, v19;
	_ =	sdelay $0x1  }
0x11d: {  	v20 =	vmul.f32 v20, v17;
	_ =	sdelay $0x1  }
0x11e: {  	v20 =	vsub.f32 $1.500000000e+00, v20;
	_ =	sdelay $0x1  }
0x11f: {  	v17 =	vmul.f32 v20, v17;
	_ =	sdelay $0x1  }
0x120: {  	v19 =	vmul.f32 v17, v19;
	_ =	sdelay $0x1  }
0x121: {  	v19 =	vmul.f32 v19, v17;
	_ =	sdelay $0x1  }
0x122: {  	v19 =	vsub.f32 $1.500000000e+00, v19;
	_ =	sdelay $0x1  }
0x123: {  	s4 =	simm.s32 $0x80;
	s2 =	simm.s32 $0x10;
	v17 =	vmul.f32 v19, v17  }
0x124: {  	s6 =	simm.s32 $0x0;
	s7 =	simm.s32 $0x10;
	s0 =	simm.s32 $0x40;
	vm0 =	vgt.f32 v18, $0.0e+00  }
.LBB2_7:
0x125: {  	p1 =	sne.s32 s4, $0x9C0;
	s5 =	sand.u32 $0x70, s2;
	s7 =	sand.u32 $0x380, s7;
	v17 =	vnsel vm0, $0x0, v17  }
0x126: {  	s7 =	sor.u32 s5, s7;
	[tilespmem:s6+$0xEB50] =	vst v17;
	s6 =	smov.u32 s0;
	s0 =	smov.u32 s4  }
0x127: {  	v17 =	vld [tilespmem:s7+$0xC350];
	_ =	sdelay $0x1  }
0x128: {  	v18 =	vld [tilespmem:s7+$0xC5D0];
	_ =	sdelay $0x1  }
0x129: {  	v19 =	vld [tilespmem:s7+$0xC850]  }
0x12a: {  	v17 =	vadd.f32 $0.0e+00, v17  }
0x12b: {  	v20 =	vld [tilespmem:s7+$0xCAD0]  }
0x12c: {  	v17 =	vadd.f32 v18, v17  }
0x12d: {  	v18 =	vld [tilespmem:s7+$0xCD50]  }
0x12e: {  	v17 =	vadd.f32 v19, v17  }
0x12f: {  	v19 =	vld [tilespmem:s7+$0xCFD0]  }
0x130: {  	v17 =	vadd.f32 v20, v17  }
0x131: {  	v20 =	vld [tilespmem:s7+$0xD250]  }
0x132: {  	v17 =	vadd.f32 v18, v17  }
0x133: {  	v18 =	vld [tilespmem:s7+$0xD4D0]  }
0x134: {  	v17 =	vadd.f32 v19, v17  }
0x135: {  	v19 =	vld [tilespmem:s7+$0xD750]  }
0x136: {  	v17 =	vadd.f32 v20, v17  }
0x137: {  	v20 =	vld [tilespmem:s7+$0xD9D0]  }
0x138: {  	v17 =	vadd.f32 v18, v17  }
0x139: {  	v18 =	vld [tilespmem:s7+$0xDC50]  }
0x13a: {  	v17 =	vadd.f32 v19, v17  }
0x13b: {  	v19 =	vld [tilespmem:s7+$0xDED0]  }
0x13c: {  	v17 =	vadd.f32 v20, v17  }
0x13d: {  	v20 =	vld [tilespmem:s7+$0xE150]  }
0x13e: {  	v17 =	vadd.f32 v18, v17  }
0x13f: {  	v18 =	vld [tilespmem:s7+$0xE3D0]  }
0x140: {  	v17 =	vadd.f32 v19, v17  }
0x141: {  	v19 =	vld [tilespmem:s7+$0xE650]  }
0x142: {  	v17 =	vadd.f32 v20, v17  }
0x143: {  	v20 =	vld [tilespmem:s7+$0xE8D0]  }
0x144: {  	v17 =	vadd.f32 v18, v17;
	_ =	sdelay $0x1  }
0x145: {  	v17 =	vadd.f32 v19, v17;
	_ =	sdelay $0x1  }
0x146: {  	v17 =	vadd.f32 v20, v17;
	_ =	sdelay $0x1  }
0x147: {  	v18 =	vadd.f32 $1.000000000e+00, v17;
	_ =	sdelay $0x1  }
0x148: {  	v17 =	vshra.s32 v18, $0x1;
	v19 =	vmul.f32 $5.000000000e-01, v18  }
0x149: {  	v17 =	vsub.s32 $0x5F3759DF, v17  }
0x14a: {  	v20 =	vmul.f32 v17, v19;
	_ =	sdelay $0x1  }
0x14b: {  	v20 =	vmul.f32 v17, v20;
	_ =	sdelay $0x1  }
0x14c: {  	v20 =	vsub.f32 $1.500000000e+00, v20;
	_ =	sdelay $0x1  }
0x14d: {  	v17 =	vmul.f32 v17, v20;
	_ =	sdelay $0x1  }
0x14e: {  	v20 =	vmul.f32 v17, v19;
	_ =	sdelay $0x1  }
0x14f: {  	v20 =	vmul.f32 v20, v17;
	_ =	sdelay $0x1  }
0x150: {  	v20 =	vsub.f32 $1.500000000e+00, v20;
	_ =	sdelay $0x1  }
0x151: {  	v17 =	vmul.f32 v20, v17;
	_ =	sdelay $0x1  }
0x152: {  	v19 =	vmul.f32 v17, v19;
	_ =	sdelay $0x1  }
0x153: {  	v19 =	vmul.f32 v19, v17  }
.Ltmp5:
0x154: {  	(pc) =	sbr.rel @p1 .LBB2_7-.Ltmp5, $3  }
0x155: {  	v19 =	vsub.f32 $1.500000000e+00, v19;
	_ =	sdelay $0x1  }
0x156: {  	s2 =	sadd.s32 $0x10, s2;
	v17 =	vmul.f32 v19, v17  }
0x157: {  	s4 =	sadd.s32 $0x40, s4;
	s6 =	sshra.s32 s6, $0x2;
	s7 =	sshrl.u32 s0, $0x2;
	vm0 =	vgt.f32 v18, $0.0e+00  }
0x158: {  	s2 =	sand.u32 $0x70, s2;
	s4 =	sand.u32 $0x380, s7;
	v17 =	vnsel vm0, $0x0, v17  }
0x159: {  	s2 =	sor.u32 s2, s4;
	[tilespmem:s6+$0xEB50] =	vst v17  }
0x15a: {  	v17 =	vld [tilespmem:s2+$0xC350];
	_ =	sdelay $0x1  }
0x15b: {  	v18 =	vld [tilespmem:s2+$0xC5D0];
	_ =	sdelay $0x1  }
0x15c: {  	v19 =	vld [tilespmem:s2+$0xC850]  }
0x15d: {  	v17 =	vadd.f32 $0.0e+00, v17  }
0x15e: {  	v20 =	vld [tilespmem:s2+$0xCAD0]  }
0x15f: {  	v17 =	vadd.f32 v18, v17  }
0x160: {  	v18 =	vld [tilespmem:s2+$0xCD50]  }
0x161: {  	v17 =	vadd.f32 v19, v17  }
0x162: {  	v19 =	vld [tilespmem:s2+$0xCFD0]  }
0x163: {  	v17 =	vadd.f32 v20, v17  }
0x164: {  	v59 =	vld [tilespmem:s2+$0xD250]  }
0x165: {  	v17 =	vadd.f32 v18, v17  }
0x166: {  	v18 =	vld [tilespmem:s2+$0xD4D0]  }
0x167: {  	v17 =	vadd.f32 v19, v17  }
0x168: {  	v19 =	vld [tilespmem:s2+$0xD750]  }
0x169: {  	v17 =	vadd.f32 v59, v17  }
0x16a: {  	v60 =	vld [tilespmem:s2+$0xD9D0]  }
0x16b: {  	v17 =	vadd.f32 v18, v17  }
0x16c: {  	v18 =	vld [tilespmem:s2+$0xDC50]  }
0x16d: {  	v17 =	vadd.f32 v19, v17  }
0x16e: {  	v19 =	vld [tilespmem:s2+$0xDED0]  }
0x16f: {  	v17 =	vadd.f32 v60, v17  }
0x170: {  	v61 =	vld [tilespmem:s2+$0xE150]  }
0x171: {  	v17 =	vadd.f32 v18, v17  }
0x172: {  	v18 =	vld [tilespmem:s2+$0xE3D0]  }
0x173: {  	v17 =	vadd.f32 v19, v17  }
0x174: {  	v19 =	vld [tilespmem:s2+$0xE650]  }
0x175: {  	v17 =	vadd.f32 v61, v17  }
0x176: {  	v62 =	vld [tilespmem:s2+$0xE8D0]  }
0x177: {  	v17 =	vadd.f32 v18, v17;
	_ =	sdelay $0x1  }
0x178: {  	v17 =	vadd.f32 v19, v17;
	_ =	sdelay $0x1  }
0x179: {  	v17 =	vadd.f32 v62, v17;
	_ =	sdelay $0x1  }
0x17a: {  	v17 =	vadd.f32 $1.000000000e+00, v17;
	_ =	sdelay $0x1  }
0x17b: {  	v18 =	vshra.s32 v17, $0x1;
	v19 =	vmul.f32 $5.000000000e-01, v17  }
0x17c: {  	v18 =	vsub.s32 $0x5F3759DF, v18  }
0x17d: {  	v63 =	vmul.f32 v18, v19;
	_ =	sdelay $0x1  }
0x17e: {  	v20 =	vmul.f32 v18, v63;
	_ =	sdelay $0x1  }
0x17f: {  	v20 =	vsub.f32 $1.500000000e+00, v20;
	_ =	sdelay $0x1  }
0x180: {  	v18 =	vmul.f32 v18, v20;
	_ =	sdelay $0x1  }
0x181: {  	v20 =	vmul.f32 v18, v19;
	_ =	sdelay $0x1  }
0x182: {  	v20 =	vmul.f32 v20, v18;
	_ =	sdelay $0x1  }
0x183: {  	v20 =	vsub.f32 $1.500000000e+00, v20;
	_ =	sdelay $0x1  }
0x184: {  	v18 =	vmul.f32 v20, v18;
	_ =	sdelay $0x1  }
0x185: {  	v19 =	vmul.f32 v18, v19;
	_ =	sdelay $0x1  }
0x186: {  	v19 =	vmul.f32 v19, v18;
	_ =	sdelay $0x1  }
0x187: {  	v19 =	vsub.f32 $1.500000000e+00, v19;
	_ =	sdelay $0x1  }
0x188: {  	v18 =	vmul.f32 v19, v18  }
0x189: {  	vm15 =	vgt.f32 v17, $0.0e+00  }
0x18a: {  	s0 =	sshra.s32 s0, $0x2;
	v17 =	vnsel vm15, $0x0, v18  }
0x18b: {  	s30 =	rddreg [dreg:$0xf];
	s31 =	simm.s32 $0xEB50;
	[tilespmem:s0+$0xEB50] =	vst v17  }
0x18c: {  	[spmem:s30] =	stream.linear.scatter [tilespmem:s31], [sflag:$0xB], $0x280, $0x200038;
	[tilespmem:$0x1EA60] =	vst v63  }
.Ltmp6:
0x18d: {  	_ =	swait.ge [sflag:s9], $0x280;
	(pc) =	sbr.rel @!p0 .LBB2_9-.Ltmp6, $4  }
0x18e: {  	[sflag:s9] =	ssyncset.done $0x0  }
0x18f: {  	[sflag:s9] =	ssyncadd.s32 $0xFFFFFD80  }
0x190: {  	_ =	strace $0x9000004A  }
0x191: {  	_ =	strace $0x8000004B  }
0x192: {  	s0 =	simm.s32 $0x40;
	s2 =	simm.s32 $0x0  }
.LBB2_13:
0x193: {  	p1 =	sne.s32 s0, $0x9FC0;
	[tilespmem:s2+$0x115D0] =	vst v0;
	s2 =	smov.u32 s0;
	s0 =	sadd.s32 $0x40, s0  }
.Ltmp7:
0x194: {  	(pc) =	sbr.rel @p1 .LBB2_13-.Ltmp7, $2  }
0x195: {  	_ =	sdelay $0x2  }
0x196: {  	s2 =	sshra.s32 s2, $0x2  }
.Ltmp8:
0x197: {  	(pc) =	sbr.rel .LBB2_15-.Ltmp8, $2  }
0x198: {  	_ =	sdelay $0x2  }
0x199: {  	[tilespmem:s2+$0x115D0] =	vst v0  }
.LBB2_9:
0x19a: {  	s0 =	simm.s32 $0x0  }
0x19b: {  	v18 =	vld [tilespmem:s0+$0xEB50];
	_ =	sdelay $0x3  }
0x19c: {  	v17 =	vld [tilespmem:$0x13DD0];
	s0 =	simm.s32 $0x11650  }
0x19d: {  	v19 =	vld [tilespmem:s0+$0xFFFFFF80];
	v18 =	vmul.f32 v18, v18  }
0x19e: {  	v20 =	vld [tilespmem:s0+$0xFFFFFF90]  }
0x19f: {  	v21 =	vld [tilespmem:s0+$0xFFFFFFA0];
	v23 =	vperm.xlane v18, v1  }
0x1a0: {  	v22 =	vld [tilespmem:s0+$0xFFFFFFB0];
	v24 =	vperm.xlane v18, v2;
	v26 =	vperm.xlane v18, v3  }
0x1a1: {  	v28 =	vld [tilespmem:s0+$0xFFFFFFF0];
	v27 =	vperm.xlane v18, v4;
	v32 =	vperm.xlane v18, v5  }
0x1a2: {  	v25 =	vld [tilespmem:s0+$0xFFFFFFC0];
	v33 =	vperm.xlane v18, v6;
	v19 =	vmul.f32 v19, v23  }
0x1a3: {  	v35 =	vld [tilespmem:s0+$0x10];
	v34 =	vperm.xlane v18, v7;
	v20 =	vmul.f32 v20, v24  }
0x1a4: {  	v63 =	vld [tilespmem:s0+$0xFFFFFFE0];
	v37 =	vperm.xlane v18, v8;
	v21 =	vmul.f32 v21, v26;
	v19 =	vadd.f32 v19, v17  }
0x1a5: {  	v41 =	vld [tilespmem:s0+$0x30];
	v40 =	vperm.xlane v18, v9;
	v22 =	vmul.f32 v22, v27;
	v20 =	vadd.f32 v20, v17  }
0x1a6: {  	v29 =	vld [tilespmem:s0+$0x0];
	v43 =	vperm.xlane v18, v10;
	v42 =	vmul.f32 v28, v37;
	v21 =	vadd.f32 v21, v17;
	[tilespmem:s0+$0xFFFFFF80] =	vst v19  }
0x1a7: {  	v47 =	vld [tilespmem:s0+$0x50];
	v46 =	vperm.xlane v18, v11;
	v22 =	vadd.f32 v22, v17;
	v19 =	vmul.f32 v25, v32;
	[tilespmem:s0+$0xFFFFFF90] =	vst v20  }
0x1a8: {  	v38 =	vld [tilespmem:s0+$0x20];
	v50 =	vperm.xlane v18, v12;
	v49 =	vmul.f32 v35, v43;
	v48 =	vadd.f32 v42, v17;
	[tilespmem:s0+$0xFFFFFFA0] =	vst v21  }
0x1a9: {  	v54 =	vld [tilespmem:s0+$0x70];
	v53 =	vperm.xlane v18, v13;
	v39 =	vmul.f32 v63, v34;
	[tilespmem:s0+$0xFFFFFFB0] =	vst v22;
	v19 =	vadd.f32 v19, v17  }
0x1aa: {  	v44 =	vld [tilespmem:s0+$0x40];
	v57 =	vperm.xlane v18, v14;
	v56 =	vmul.f32 v41, v50;
	v55 =	vadd.f32 v49, v17;
	[tilespmem:s0+$0xFFFFFFF0] =	vst v48  }
0x1ab: {  	v62 =	vld [tilespmem:s0+$0xFFFFFFD0];
	v59 =	vperm.xlane v18, v15;
	v45 =	vmul.f32 v29, v40;
	[tilespmem:s0+$0xFFFFFFC0] =	vst v19;
	v19 =	vadd.f32 v39, v17  }
0x1ac: {  	v51 =	vld [tilespmem:s0+$0x60];
	v18 =	vperm.xlane v18, v16;
	v61 =	vmul.f32 v47, v57;
	v60 =	vadd.f32 v56, v17;
	[tilespmem:s0+$0x10] =	vst v55  }
0x1ad: {  	v52 =	vmul.f32 v38, v46;
	[tilespmem:s0+$0xFFFFFFE0] =	vst v19;
	v19 =	vadd.f32 v45, v17  }
0x1ae: {  	v18 =	vmul.f32 v54, v18;
	v63 =	vadd.f32 v61, v17;
	[tilespmem:s0+$0x30] =	vst v60  }
0x1af: {  	v58 =	vmul.f32 v44, v53;
	[tilespmem:s0+$0x0] =	vst v19;
	v19 =	vadd.f32 v52, v17  }
0x1b0: {  	v36 =	vmul.f32 v62, v33;
	v18 =	vadd.f32 v18, v17;
	[tilespmem:s0+$0x50] =	vst v63  }
0x1b1: {  	v62 =	vmul.f32 v51, v59;
	[tilespmem:s0+$0x20] =	vst v19;
	v19 =	vadd.f32 v58, v17  }
0x1b2: {  	v20 =	vadd.f32 v36, v17;
	[tilespmem:s0+$0x70] =	vst v18  }
0x1b3: {  	[tilespmem:s0+$0x40] =	vst v19;
	v19 =	vadd.f32 v62, v17  }
0x1b4: {  	[tilespmem:s0+$0xFFFFFFD0] =	vst v20  }
0x1b5: {  	s4 =	simm.s32 $0x10;
	s2 =	simm.s32 $0x80;
	[tilespmem:s0+$0x60] =	vst v19  }
.LBB2_10:
0x1b6: {  	p1 =	seq.s32 s2, $0x9C0;
	v18 =	vld [tilespmem:s4+$0xEB50]  }
0x1b7: {  	s0 =	sadd.s32 $0x100, s0  }
0x1b8: {  	v19 =	vld [tilespmem:s0+$0xFFFFFFB0]  }
0x1b9: {  	v20 =	vld [tilespmem:s0+$0xFFFFFF90]  }
0x1ba: {  	v21 =	vld [tilespmem:s0+$0xFFFFFF80]  }
0x1bb: {  	v18 =	vmul.f32 v18, v18;
	v22 =	vld [tilespmem:s0+$0xFFFFFFA0];
	_ =	sdelay $0x1  }
0x1bc: {  	v23 =	vperm.xlane v18, v1;
	v24 =	vperm.xlane v18, v2  }
0x1bd: {  	v25 =	vperm.xlane v18, v3;
	v26 =	vperm.xlane v18, v4;
	v27 =	vld [tilespmem:s0+$0xFFFFFFC0]  }
0x1be: {  	v21 =	vmul.f32 v21, v23;
	v20 =	vmul.f32 v20, v24;
	v23 =	vld [tilespmem:s0+$0xFFFFFFD0]  }
0x1bf: {  	v19 =	vmul.f32 v19, v26;
	v22 =	vmul.f32 v22, v25;
	v24 =	vld [tilespmem:s0+$0xFFFFFFE0]  }
0x1c0: {  	v25 =	vperm.xlane v18, v5;
	v21 =	vadd.f32 v21, v17;
	v20 =	vadd.f32 v20, v17;
	v26 =	vld [tilespmem:s0+$0xFFFFFFF0]  }
0x1c1: {  	v28 =	vperm.xlane v18, v6;
	v19 =	vadd.f32 v19, v17;
	v22 =	vadd.f32 v22, v17;
	v29 =	vld [tilespmem:s0+$0x0]  }
0x1c2: {  	[tilespmem:s0+$0xFFFFFF80] =	vst v21;
	v21 =	vmul.f32 v27, v25;
	v25 =	vperm.xlane v18, v7;
	v27 =	vld [tilespmem:s0+$0x10]  }
0x1c3: {  	[tilespmem:s0+$0xFFFFFF90] =	vst v20;
	v20 =	vmul.f32 v23, v28;
	v23 =	vperm.xlane v18, v8;
	v28 =	vld [tilespmem:s0+$0x20]  }
0x1c4: {  	[tilespmem:s0+$0xFFFFFFA0] =	vst v22;
	v21 =	vadd.f32 v21, v17;
	v22 =	vmul.f32 v24, v25;
	v24 =	vperm.xlane v18, v9;
	v25 =	vld [tilespmem:s0+$0x30]  }
0x1c5: {  	[tilespmem:s0+$0xFFFFFFB0] =	vst v19;
	v19 =	vadd.f32 v20, v17;
	v20 =	vmul.f32 v26, v23;
	v23 =	vperm.xlane v18, v10;
	v26 =	vld [tilespmem:s0+$0x40]  }
0x1c6: {  	[tilespmem:s0+$0xFFFFFFC0] =	vst v21;
	v21 =	vadd.f32 v22, v17;
	v22 =	vmul.f32 v29, v24;
	v24 =	vperm.xlane v18, v11;
	v29 =	vld [tilespmem:s0+$0x50]  }
0x1c7: {  	[tilespmem:s0+$0xFFFFFFD0] =	vst v19;
	v19 =	vadd.f32 v20, v17;
	v20 =	vmul.f32 v27, v23;
	v23 =	vperm.xlane v18, v12;
	v27 =	vld [tilespmem:s0+$0x60]  }
0x1c8: {  	[tilespmem:s0+$0xFFFFFFE0] =	vst v21;
	v21 =	vadd.f32 v22, v17;
	v22 =	vmul.f32 v28, v24;
	v24 =	vperm.xlane v18, v13;
	v28 =	vld [tilespmem:s0+$0x70]  }
0x1c9: {  	[tilespmem:s0+$0xFFFFFFF0] =	vst v19;
	v19 =	vadd.f32 v20, v17;
	v20 =	vmul.f32 v25, v23;
	v23 =	vperm.xlane v18, v14  }
0x1ca: {  	[tilespmem:s0+$0x0] =	vst v21;
	v21 =	vadd.f32 v22, v17;
	v22 =	vmul.f32 v26, v24;
	v24 =	vperm.xlane v18, v15  }
0x1cb: {  	v18 =	vperm.xlane v18, v16;
	[tilespmem:s0+$0x10] =	vst v19;
	v19 =	vadd.f32 v20, v17;
	v20 =	vmul.f32 v29, v23  }
0x1cc: {  	[tilespmem:s0+$0x20] =	vst v21;
	v21 =	vadd.f32 v22, v17;
	v22 =	vmul.f32 v27, v24  }
.Ltmp9:
0x1cd: {  	[tilespmem:s0+$0x30] =	vst v19;
	v19 =	vadd.f32 v20, v17;
	v18 =	vmul.f32 v28, v18;
	(pc) =	sbr.rel @!p1 .LBB2_10-.Ltmp9, $4  }
0x1ce: {  	[tilespmem:s0+$0x40] =	vst v21;
	v20 =	vadd.f32 v22, v17  }
0x1cf: {  	[tilespmem:s0+$0x50] =	vst v19;
	v18 =	vadd.f32 v18, v17  }
0x1d0: {  	[tilespmem:s0+$0x60] =	vst v20  }
0x1d1: {  	s4 =	sshra.s32 s2, $0x2;
	s2 =	sadd.s32 $0x40, s2;
	[tilespmem:s0+$0x70] =	vst v18  }
0x1d2: {  	v18 =	vld [tilespmem:s4+$0xEB50];
	_ =	sdelay $0x2  }
0x1d3: {  	s0 =	sadd.s32 $0x100, s0  }
0x1d4: {  	v19 =	vld [tilespmem:s0+$0xFFFFFF80]  }
0x1d5: {  	v20 =	vld [tilespmem:s0+$0xFFFFFF90];
	v18 =	vmul.f32 v18, v18  }
0x1d6: {  	v21 =	vld [tilespmem:s0+$0xFFFFFFA0]  }
0x1d7: {  	v22 =	vld [tilespmem:s0+$0xFFFFFFB0];
	v23 =	vperm.xlane v18, v1  }
0x1d8: {  	v25 =	vld [tilespmem:s0+$0xFFFFFFC0];
	v24 =	vperm.xlane v18, v2  }
0x1d9: {  	v28 =	vld [tilespmem:s0+$0xFFFFFFF0];
	v26 =	vperm.xlane v18, v3;
	v19 =	vmul.f32 v19, v23  }
0x1da: {  	v63 =	vld [tilespmem:s0+$0xFFFFFFE0];
	v27 =	vperm.xlane v18, v4;
	v20 =	vmul.f32 v20, v24  }
0x1db: {  	v35 =	vld [tilespmem:s0+$0x10];
	v32 =	vperm.xlane v18, v5;
	v21 =	vmul.f32 v21, v26;
	v19 =	vadd.f32 v19, v17  }
0x1dc: {  	v29 =	vld [tilespmem:s0+$0x0];
	v37 =	vperm.xlane v18, v8;
	v22 =	vmul.f32 v22, v27;
	v20 =	vadd.f32 v20, v17  }
0x1dd: {  	v41 =	vld [tilespmem:s0+$0x30];
	v34 =	vperm.xlane v18, v7;
	v21 =	vadd.f32 v21, v17;
	[tilespmem:s0+$0xFFFFFF80] =	vst v19;
	v19 =	vmul.f32 v25, v32  }
0x1de: {  	v38 =	vld [tilespmem:s0+$0x20];
	v43 =	vperm.xlane v18, v10;
	v42 =	vmul.f32 v28, v37;
	v22 =	vadd.f32 v22, v17;
	[tilespmem:s0+$0xFFFFFF90] =	vst v20  }
0x1df: {  	v47 =	vld [tilespmem:s0+$0x50];
	v40 =	vperm.xlane v18, v9;
	v39 =	vmul.f32 v63, v34;
	[tilespmem:s0+$0xFFFFFFA0] =	vst v21;
	v19 =	vadd.f32 v19, v17  }
0x1e0: {  	v44 =	vld [tilespmem:s0+$0x40];
	v50 =	vperm.xlane v18, v12;
	v49 =	vmul.f32 v35, v43;
	v48 =	vadd.f32 v42, v17;
	[tilespmem:s0+$0xFFFFFFB0] =	vst v22  }
0x1e1: {  	v62 =	vld [tilespmem:s0+$0xFFFFFFD0];
	v46 =	vperm.xlane v18, v11;
	v45 =	vmul.f32 v29, v40;
	[tilespmem:s0+$0xFFFFFFC0] =	vst v19;
	v19 =	vadd.f32 v39, v17  }
0x1e2: {  	v51 =	vld [tilespmem:s0+$0x60];
	v57 =	vperm.xlane v18, v14;
	v56 =	vmul.f32 v41, v50;
	v55 =	vadd.f32 v49, v17;
	[tilespmem:s0+$0xFFFFFFF0] =	vst v48  }
0x1e3: {  	v54 =	vld [tilespmem:s0+$0x70];
	v53 =	vperm.xlane v18, v13;
	v52 =	vmul.f32 v38, v46;
	[tilespmem:s0+$0xFFFFFFE0] =	vst v19;
	v19 =	vadd.f32 v45, v17  }
0x1e4: {  	v33 =	vperm.xlane v18, v6;
	v61 =	vmul.f32 v47, v57;
	v60 =	vadd.f32 v56, v17;
	[tilespmem:s0+$0x10] =	vst v55  }
0x1e5: {  	v59 =	vperm.xlane v18, v15;
	v58 =	vmul.f32 v44, v53;
	[tilespmem:s0+$0x0] =	vst v19;
	v19 =	vadd.f32 v52, v17  }
0x1e6: {  	v18 =	vperm.xlane v18, v16;
	v36 =	vmul.f32 v62, v33;
	v63 =	vadd.f32 v61, v17;
	[tilespmem:s0+$0x30] =	vst v60  }
0x1e7: {  	v62 =	vmul.f32 v51, v59;
	[tilespmem:s0+$0x20] =	vst v19;
	v19 =	vadd.f32 v58, v17  }
0x1e8: {  	v18 =	vmul.f32 v54, v18;
	v20 =	vadd.f32 v36, v17;
	[tilespmem:s0+$0x50] =	vst v63  }
0x1e9: {  	[tilespmem:s0+$0x40] =	vst v19;
	v19 =	vadd.f32 v62, v17  }
0x1ea: {  	[tilespmem:s0+$0xFFFFFFD0] =	vst v20;
	v17 =	vadd.f32 v18, v17  }
0x1eb: {  	[tilespmem:s0+$0x60] =	vst v19  }
0x1ec: {  	[tilespmem:s0+$0x70] =	vst v17  }
.LBB2_15:
0x1ed: {  	[spmem:s8] =	stream.linear.scatter [tilespmem:s10], [sflag:$0xB], $0x2800, $0x200038;
	[tilespmem:$0x1EA60] =	vst v63  }
0x1ee: {  	_ =	swait.ge [sflag:s9], $0x2800  }
0x1ef: {  	[sflag:s9] =	ssyncset.done $0x0  }
0x1f0: {  	[sflag:s9] =	ssyncadd.s32 $0xFFFFD800  }
0x1f1: {  	_ =	strace $0x9000004B  }
0x1f2: {  	[bflag:$0x0] =	sbarrier.arrive $0xFFFF  }
0x1f3: {  	_ =	strace $0x8000004C  }
0x1f4: {  	s0 =	rddreg [dreg:$0x5]  }
0x1f5: {  	[tilespmem:s1], [sflag:$0xB] =	stream.linear.gather [spmem:s0], $0x2800, $0x200038;
	[tilespmem:$0x1EA60] =	vst v63  }
0x1f6: {  	_ =	swait.ge [sflag:s9], $0x2800  }
0x1f7: {  	s15 =	rddreg [dreg:$0x1a]  }
0x1f8: {  	s6 =	rddreg [dreg:$0x19]  }
0x1f9: {  	s28 =	rddreg [dreg:$0x18]  }
0x1fa: {  	s4 =	rddreg [dreg:$0x17]  }
0x1fb: {  	s0 =	rddreg [dreg:$0x16]  }
0x1fc: {  	s29 =	simm.s32 $0x50;
	[sflag:s9] =	ssyncset.done $0x0;
	s10 =	rddreg [dreg:$0x14]  }
0x1fd: {  	s13 =	simm.s32 $0x0;
	s12 =	rddreg [dreg:$0x13];
	[sflag:s9] =	ssyncadd.s32 $0xFFFFD800  }
0x1fe: {  	s2 =	simm.s32 $0x13DE0;
	s25 =	simm.s32 $0x142E0;
	s22 =	rddreg [dreg:$0x3]  }
0x1ff: {  	[tilespmem:s2], [sflag:$0x1] =	stream.indirect.gather [spmem:s22], $0x10, s13, s29, $0x2000b8;
	[tilespmem:$0x1EA60] =	vst v63  }
0x200: {  	s31 =	simm.s32 $0xA0;
	s26 =	simm.s32 $0x147E0;
	s9 =	rddreg [dreg:$0x15]  }
0x201: {  	[tilespmem:s25], [sflag:$0x2] =	stream.indirect.gather [spmem:s22], $0x10, s29, s29, $0x2000b8;
	[tilespmem:$0x1EA60] =	vst v63  }
0x202: {  	s23 =	simm.s32 $0xF0;
	s30 =	simm.s32 $0x14CE0;
	s25 =	rddreg [dreg:$0x1c]  }
0x203: {  	[tilespmem:s26], [sflag:$0x3] =	stream.indirect.gather [spmem:s22], $0x10, s31, s29, $0x2000b8;
	[tilespmem:$0x1EA60] =	vst v63  }
0x204: {  	s21 =	simm.s32 $0x140;
	s17 =	simm.s32 $0x0;
	s26 =	rddreg [dreg:$0x1b]  }
0x205: {  	[tilespmem:s30], [sflag:$0x4] =	stream.indirect.gather [spmem:s22], $0x10, s23, s29, $0x2000b8;
	[tilespmem:$0x1EA60] =	vst v63  }
.LBB2_16:
0x206: {  	[smem:$0x7F0] =	sst s21;
	s2 =	simm.s32 $0x1  }
0x207: {  	_ =	swait.ge [sflag:s2], $0x500  }
0x208: {  	p1 =	seq.s32 s17, $0x0;
	v17 =	vmov s13;
	[sflag:s2] =	ssyncset.done $0x0  }
0x209: {  	[sflag:s2] =	ssyncadd.s32 $0xFFFFFB00;
	s2 =	simm.s32 @!p1 $0x6  }
0x20a: {  	v18 =	vmov s10;
	_ =	swait.ge @!p1 [sflag:s2], $0x500  }
0x20b: {  	[sflag:s2] =	ssyncset.done @!p1 $0x0  }
0x20c: {  	s22 =	simm.s32 $0x0;
	[sflag:s2] =	ssyncadd.s32 @!p1 $0xFFFFFB00  }
0x20d: {  	v20 =	vld.idx.msk [tilespmem:v17+s22+$0x0 ss:$0x1], $0xffff;
	_ =	sdelay $0x1  }
0x20e: {  	v19 =	vmov s12;
	v21 =	vld.idx.msk [tilespmem:v18+s22+$0x0 ss:$0x1], $0xffff;
	_ =	sdelay $0x4  }
0x20f: {  	v22 =	vld.idx.msk [tilespmem:v19+s22+$0x0 ss:$0x1], $0xffff  }
0x210: {  	v20 =	vld.idx.msk [tilespmem:v20+s1+$0x0], $0xffff;
	_ =	sdelay $0x1  }
0x211: {  	v21 =	vld.idx.msk [tilespmem:v21+s1+$0x0], $0xffff;
	_ =	sdelay $0x2  }
0x212: {  	s19 =	simm.s32 $0x13E60;
	v20 =	vmul.f32 v20, v22  }
0x213: {  	v22 =	vld [tilespmem:s19+$0xFFFFFF80]  }
0x214: {  	v20 =	vmul.f32 v21, v20;
	_ =	sdelay $0x1  }
0x215: {  	v21 =	vperm.xlane v20, v1;
	_ =	sdelay $0x1  }
0x216: {  	v21 =	vmul.f32 v22, v21  }
0x217: {  	s11 =	simm.s32 $0x15760  }
0x218: {  	[tilespmem:s11+$0xFFFFFF80] =	vst v21  }
0x219: {  	v21 =	vld [tilespmem:s19+$0xFFFFFF90];
	_ =	sdelay $0x2  }
0x21a: {  	v22 =	vperm.xlane v20, v2;
	_ =	sdelay $0x1  }
0x21b: {  	v21 =	vmul.f32 v21, v22;
	_ =	sdelay $0x1  }
0x21c: {  	[tilespmem:s11+$0xFFFFFF90] =	vst v21  }
0x21d: {  	v21 =	vld [tilespmem:s19+$0xFFFFFFA0];
	_ =	sdelay $0x2  }
0x21e: {  	v22 =	vperm.xlane v20, v3;
	_ =	sdelay $0x1  }
0x21f: {  	v21 =	vmul.f32 v21, v22;
	_ =	sdelay $0x1  }
0x220: {  	[tilespmem:s11+$0xFFFFFFA0] =	vst v21  }
0x221: {  	v21 =	vld [tilespmem:s19+$0xFFFFFFB0];
	_ =	sdelay $0x2  }
0x222: {  	v22 =	vperm.xlane v20, v4;
	_ =	sdelay $0x1  }
0x223: {  	v21 =	vmul.f32 v21, v22;
	_ =	sdelay $0x1  }
0x224: {  	[tilespmem:s11+$0xFFFFFFB0] =	vst v21  }
0x225: {  	v21 =	vld [tilespmem:s19+$0xFFFFFFC0];
	_ =	sdelay $0x2  }
0x226: {  	v22 =	vperm.xlane v20, v5;
	_ =	sdelay $0x1  }
0x227: {  	v21 =	vmul.f32 v21, v22;
	_ =	sdelay $0x1  }
0x228: {  	[tilespmem:s11+$0xFFFFFFC0] =	vst v21  }
0x229: {  	v21 =	vld [tilespmem:s19+$0xFFFFFFD0];
	_ =	sdelay $0x2  }
0x22a: {  	v22 =	vperm.xlane v20, v6;
	_ =	sdelay $0x1  }
0x22b: {  	v21 =	vmul.f32 v21, v22;
	_ =	sdelay $0x1  }
0x22c: {  	[tilespmem:s11+$0xFFFFFFD0] =	vst v21  }
0x22d: {  	v21 =	vld [tilespmem:s19+$0xFFFFFFE0];
	_ =	sdelay $0x2  }
0x22e: {  	v22 =	vperm.xlane v20, v7;
	_ =	sdelay $0x1  }
0x22f: {  	v21 =	vmul.f32 v21, v22;
	_ =	sdelay $0x1  }
0x230: {  	[tilespmem:s11+$0xFFFFFFE0] =	vst v21  }
0x231: {  	v21 =	vld [tilespmem:s19+$0xFFFFFFF0];
	_ =	sdelay $0x2  }
0x232: {  	v22 =	vperm.xlane v20, v8;
	_ =	sdelay $0x1  }
0x233: {  	v21 =	vmul.f32 v21, v22;
	_ =	sdelay $0x1  }
0x234: {  	[tilespmem:s11+$0xFFFFFFF0] =	vst v21  }
0x235: {  	v21 =	vld [tilespmem:s19+$0x0];
	_ =	sdelay $0x2  }
0x236: {  	v22 =	vperm.xlane v20, v9;
	_ =	sdelay $0x1  }
0x237: {  	v21 =	vmul.f32 v21, v22;
	_ =	sdelay $0x1  }
0x238: {  	[tilespmem:s11+$0x0] =	vst v21  }
0x239: {  	v21 =	vld [tilespmem:s19+$0x10];
	_ =	sdelay $0x2  }
0x23a: {  	v22 =	vperm.xlane v20, v10;
	_ =	sdelay $0x1  }
0x23b: {  	v21 =	vmul.f32 v21, v22;
	_ =	sdelay $0x1  }
0x23c: {  	[tilespmem:s11+$0x10] =	vst v21  }
0x23d: {  	v21 =	vld [tilespmem:s19+$0x20];
	_ =	sdelay $0x2  }
0x23e: {  	v22 =	vperm.xlane v20, v11;
	_ =	sdelay $0x1  }
0x23f: {  	v21 =	vmul.f32 v21, v22;
	_ =	sdelay $0x1  }
0x240: {  	[tilespmem:s11+$0x20] =	vst v21  }
0x241: {  	v21 =	vld [tilespmem:s19+$0x30];
	_ =	sdelay $0x2  }
0x242: {  	v22 =	vperm.xlane v20, v12;
	_ =	sdelay $0x1  }
0x243: {  	v21 =	vmul.f32 v21, v22;
	_ =	sdelay $0x1  }
0x244: {  	[tilespmem:s11+$0x30] =	vst v21  }
0x245: {  	v21 =	vld [tilespmem:s19+$0x40];
	_ =	sdelay $0x2  }
0x246: {  	v22 =	vperm.xlane v20, v13;
	_ =	sdelay $0x1  }
0x247: {  	v21 =	vmul.f32 v21, v22;
	_ =	sdelay $0x1  }
0x248: {  	[tilespmem:s11+$0x40] =	vst v21  }
0x249: {  	v21 =	vld [tilespmem:s19+$0x50];
	_ =	sdelay $0x2  }
0x24a: {  	v22 =	vperm.xlane v20, v14;
	_ =	sdelay $0x1  }
0x24b: {  	v21 =	vmul.f32 v21, v22;
	_ =	sdelay $0x1  }
0x24c: {  	[tilespmem:s11+$0x50] =	vst v21  }
0x24d: {  	v21 =	vld [tilespmem:s19+$0x60];
	_ =	sdelay $0x2  }
0x24e: {  	v22 =	vperm.xlane v20, v15;
	_ =	sdelay $0x1  }
0x24f: {  	v21 =	vmul.f32 v21, v22;
	_ =	sdelay $0x1  }
0x250: {  	[tilespmem:s11+$0x60] =	vst v21  }
0x251: {  	v21 =	vld [tilespmem:s19+$0x70];
	_ =	sdelay $0x2  }
0x252: {  	v20 =	vperm.xlane v20, v16  }
0x253: {  	s30 =	smul.u32 $0x5, s17  }
0x254: {  	s14 =	simm.s32 $0x40;
	s7 =	simm.s32 $0x15860;
	s2 =	simm.s32 $0x80;
	v20 =	vmul.f32 v21, v20  }
.LBB2_17:
0x255: {  	s5 =	sshra.s32 s14, $0x2;
	s19 =	sadd.s32 $0x100, s19  }
0x256: {  	[tilespmem:s11+$0x70] =	vst v20;
	s14 =	smov.u32 s2;
	s18 =	sadd.s32 $0x40, s2;
	s11 =	smov.u32 s7  }
0x257: {  	p2 =	sne.s32 s2, $0x100;
	v20 =	vld.idx.msk [tilespmem:v17+s5+$0x0 ss:$0x1], $0xffff;
	_ =	sdelay $0x1  }
0x258: {  	v21 =	vld.idx.msk [tilespmem:v18+s5+$0x0 ss:$0x1], $0xffff;
	_ =	sdelay $0x4  }
0x259: {  	v22 =	vld.idx.msk [tilespmem:v19+s5+$0x0 ss:$0x1], $0xffff  }
0x25a: {  	v20 =	vld.idx.msk [tilespmem:v20+s1+$0x0], $0xffff;
	_ =	sdelay $0x1  }
0x25b: {  	v21 =	vld.idx.msk [tilespmem:v21+s1+$0x0], $0xffff;
	_ =	sdelay $0x3  }
0x25c: {  	v20 =	vmul.f32 v20, v22  }
0x25d: {  	v22 =	vld [tilespmem:s19+$0xFFFFFF80]  }
0x25e: {  	v20 =	vmul.f32 v21, v20;
	_ =	sdelay $0x1  }
0x25f: {  	v21 =	vperm.xlane v20, v1;
	_ =	sdelay $0x1  }
0x260: {  	v21 =	vmul.f32 v22, v21;
	_ =	sdelay $0x1  }
0x261: {  	[tilespmem:s7+$0xFFFFFF80] =	vst v21  }
0x262: {  	v21 =	vld [tilespmem:s19+$0xFFFFFF90];
	_ =	sdelay $0x2  }
0x263: {  	v22 =	vperm.xlane v20, v2;
	_ =	sdelay $0x1  }
0x264: {  	v21 =	vmul.f32 v21, v22;
	_ =	sdelay $0x1  }
0x265: {  	[tilespmem:s7+$0xFFFFFF90] =	vst v21  }
0x266: {  	v21 =	vld [tilespmem:s19+$0xFFFFFFA0];
	_ =	sdelay $0x2  }
0x267: {  	v22 =	vperm.xlane v20, v3;
	_ =	sdelay $0x1  }
0x268: {  	v21 =	vmul.f32 v21, v22;
	_ =	sdelay $0x1  }
0x269: {  	[tilespmem:s7+$0xFFFFFFA0] =	vst v21  }
0x26a: {  	v21 =	vld [tilespmem:s19+$0xFFFFFFB0];
	_ =	sdelay $0x2  }
0x26b: {  	v22 =	vperm.xlane v20, v4;
	_ =	sdelay $0x1  }
0x26c: {  	v21 =	vmul.f32 v21, v22;
	_ =	sdelay $0x1  }
0x26d: {  	[tilespmem:s7+$0xFFFFFFB0] =	vst v21  }
0x26e: {  	v21 =	vld [tilespmem:s19+$0xFFFFFFC0];
	_ =	sdelay $0x2  }
0x26f: {  	v22 =	vperm.xlane v20, v5;
	_ =	sdelay $0x1  }
0x270: {  	v21 =	vmul.f32 v21, v22;
	_ =	sdelay $0x1  }
0x271: {  	[tilespmem:s7+$0xFFFFFFC0] =	vst v21  }
0x272: {  	v21 =	vld [tilespmem:s19+$0xFFFFFFD0];
	_ =	sdelay $0x2  }
0x273: {  	v22 =	vperm.xlane v20, v6;
	_ =	sdelay $0x1  }
0x274: {  	v21 =	vmul.f32 v21, v22;
	_ =	sdelay $0x1  }
0x275: {  	[tilespmem:s7+$0xFFFFFFD0] =	vst v21  }
0x276: {  	v21 =	vld [tilespmem:s19+$0xFFFFFFE0];
	_ =	sdelay $0x2  }
0x277: {  	v22 =	vperm.xlane v20, v7;
	_ =	sdelay $0x1  }
0x278: {  	v21 =	vmul.f32 v21, v22;
	_ =	sdelay $0x1  }
0x279: {  	[tilespmem:s7+$0xFFFFFFE0] =	vst v21  }
0x27a: {  	v21 =	vld [tilespmem:s19+$0xFFFFFFF0];
	_ =	sdelay $0x2  }
0x27b: {  	v22 =	vperm.xlane v20, v8;
	_ =	sdelay $0x1  }
0x27c: {  	v21 =	vmul.f32 v21, v22;
	_ =	sdelay $0x1  }
0x27d: {  	[tilespmem:s7+$0xFFFFFFF0] =	vst v21  }
0x27e: {  	v21 =	vld [tilespmem:s19+$0x0];
	_ =	sdelay $0x2  }
0x27f: {  	v22 =	vperm.xlane v20, v9;
	_ =	sdelay $0x1  }
0x280: {  	v21 =	vmul.f32 v21, v22;
	_ =	sdelay $0x1  }
0x281: {  	[tilespmem:s7+$0x0] =	vst v21  }
0x282: {  	v21 =	vld [tilespmem:s19+$0x10];
	_ =	sdelay $0x2  }
0x283: {  	v22 =	vperm.xlane v20, v10;
	_ =	sdelay $0x1  }
0x284: {  	v21 =	vmul.f32 v21, v22;
	_ =	sdelay $0x1  }
0x285: {  	[tilespmem:s7+$0x10] =	vst v21  }
0x286: {  	v21 =	vld [tilespmem:s19+$0x20];
	_ =	sdelay $0x2  }
0x287: {  	v22 =	vperm.xlane v20, v11;
	_ =	sdelay $0x1  }
0x288: {  	v21 =	vmul.f32 v21, v22;
	_ =	sdelay $0x1  }
0x289: {  	[tilespmem:s7+$0x20] =	vst v21  }
0x28a: {  	v21 =	vld [tilespmem:s19+$0x30];
	_ =	sdelay $0x2  }
0x28b: {  	v22 =	vperm.xlane v20, v12;
	_ =	sdelay $0x1  }
0x28c: {  	v21 =	vmul.f32 v21, v22;
	_ =	sdelay $0x1  }
0x28d: {  	[tilespmem:s7+$0x30] =	vst v21  }
0x28e: {  	v21 =	vld [tilespmem:s19+$0x40];
	_ =	sdelay $0x2  }
0x28f: {  	v22 =	vperm.xlane v20, v13;
	_ =	sdelay $0x1  }
0x290: {  	v21 =	vmul.f32 v21, v22;
	_ =	sdelay $0x1  }
0x291: {  	[tilespmem:s7+$0x40] =	vst v21  }
0x292: {  	v21 =	vld [tilespmem:s19+$0x50];
	_ =	sdelay $0x2  }
0x293: {  	v22 =	vperm.xlane v20, v14;
	_ =	sdelay $0x1  }
0x294: {  	v21 =	vmul.f32 v21, v22;
	_ =	sdelay $0x1  }
0x295: {  	[tilespmem:s7+$0x50] =	vst v21  }
0x296: {  	v21 =	vld [tilespmem:s19+$0x60];
	_ =	sdelay $0x2  }
0x297: {  	v22 =	vperm.xlane v20, v15;
	_ =	sdelay $0x1  }
0x298: {  	v21 =	vmul.f32 v21, v22;
	_ =	sdelay $0x1  }
0x299: {  	[tilespmem:s7+$0x60] =	vst v21  }
0x29a: {  	v21 =	vld [tilespmem:s19+$0x70];
	_ =	sdelay $0x1  }
.Ltmp10:
0x29b: {  	(pc) =	sbr.rel @p2 .LBB2_17-.Ltmp10, $3  }
0x29c: {  	v20 =	vperm.xlane v20, v16;
	_ =	sdelay $0x1  }
0x29d: {  	v20 =	vmul.f32 v21, v20  }
0x29e: {  	s2 =	smov.u32 s18;
	s7 =	sadd.s32 $0x100, s7  }
0x29f: {  	_ =	sdelay $0x2  }
0x2a0: {  	s2 =	sshra.s32 s14, $0x2;
	[tilespmem:s11+$0x70] =	vst v20  }
0x2a1: {  	v17 =	vld.idx.msk [tilespmem:v17+s2+$0x0 ss:$0x1], $0xffff;
	_ =	sdelay $0x1  }
0x2a2: {  	v18 =	vld.idx.msk [tilespmem:v18+s2+$0x0 ss:$0x1], $0xffff;
	_ =	sdelay $0x4  }
0x2a3: {  	v19 =	vld.idx.msk [tilespmem:v19+s2+$0x0 ss:$0x1], $0xffff  }
0x2a4: {  	v17 =	vld.idx.msk [tilespmem:v17+s1+$0x0], $0xffff;
	_ =	sdelay $0x1  }
0x2a5: {  	v18 =	vld.idx.msk [tilespmem:v18+s1+$0x0], $0xffff;
	_ =	sdelay $0x2  }
0x2a6: {  	s14 =	sadd.s32 $0x100, s19;
	v17 =	vmul.f32 v17, v19  }
0x2a7: {  	v19 =	vld [tilespmem:s14+$0xFFFFFF80]  }
0x2a8: {  	v17 =	vmul.f32 v18, v17;
	_ =	sdelay $0x1  }
0x2a9: {  	v18 =	vperm.xlane v17, v1;
	_ =	sdelay $0x1  }
0x2aa: {  	v18 =	vmul.f32 v19, v18;
	_ =	sdelay $0x1  }
0x2ab: {  	[tilespmem:s7+$0xFFFFFF80] =	vst v18  }
0x2ac: {  	v18 =	vld [tilespmem:s14+$0xFFFFFF90];
	_ =	sdelay $0x2  }
0x2ad: {  	v19 =	vperm.xlane v17, v2;
	_ =	sdelay $0x1  }
0x2ae: {  	v18 =	vmul.f32 v18, v19;
	_ =	sdelay $0x1  }
0x2af: {  	[tilespmem:s7+$0xFFFFFF90] =	vst v18  }
0x2b0: {  	v18 =	vld [tilespmem:s14+$0xFFFFFFA0];
	_ =	sdelay $0x2  }
0x2b1: {  	v19 =	vperm.xlane v17, v3;
	_ =	sdelay $0x1  }
0x2b2: {  	v18 =	vmul.f32 v18, v19;
	_ =	sdelay $0x1  }
0x2b3: {  	[tilespmem:s7+$0xFFFFFFA0] =	vst v18  }
0x2b4: {  	v18 =	vld [tilespmem:s14+$0xFFFFFFB0];
	_ =	sdelay $0x2  }
0x2b5: {  	v19 =	vperm.xlane v17, v4;
	_ =	sdelay $0x1  }
0x2b6: {  	v18 =	vmul.f32 v18, v19;
	_ =	sdelay $0x1  }
0x2b7: {  	[tilespmem:s7+$0xFFFFFFB0] =	vst v18  }
0x2b8: {  	v18 =	vld [tilespmem:s14+$0xFFFFFFC0];
	_ =	sdelay $0x2  }
0x2b9: {  	v19 =	vperm.xlane v17, v5;
	_ =	sdelay $0x1  }
0x2ba: {  	v18 =	vmul.f32 v18, v19;
	_ =	sdelay $0x1  }
0x2bb: {  	[tilespmem:s7+$0xFFFFFFC0] =	vst v18  }
0x2bc: {  	v18 =	vld [tilespmem:s14+$0xFFFFFFD0];
	_ =	sdelay $0x2  }
0x2bd: {  	v19 =	vperm.xlane v17, v6;
	_ =	sdelay $0x1  }
0x2be: {  	v18 =	vmul.f32 v18, v19;
	_ =	sdelay $0x1  }
0x2bf: {  	[tilespmem:s7+$0xFFFFFFD0] =	vst v18  }
0x2c0: {  	v18 =	vld [tilespmem:s14+$0xFFFFFFE0];
	_ =	sdelay $0x2  }
0x2c1: {  	v19 =	vperm.xlane v17, v7;
	_ =	sdelay $0x1  }
0x2c2: {  	v18 =	vmul.f32 v18, v19;
	_ =	sdelay $0x1  }
0x2c3: {  	[tilespmem:s7+$0xFFFFFFE0] =	vst v18  }
0x2c4: {  	v18 =	vld [tilespmem:s14+$0xFFFFFFF0];
	_ =	sdelay $0x2  }
0x2c5: {  	v19 =	vperm.xlane v17, v8;
	_ =	sdelay $0x1  }
0x2c6: {  	v18 =	vmul.f32 v18, v19;
	_ =	sdelay $0x1  }
0x2c7: {  	[tilespmem:s7+$0xFFFFFFF0] =	vst v18  }
0x2c8: {  	v18 =	vld [tilespmem:s14+$0x0];
	_ =	sdelay $0x2  }
0x2c9: {  	v19 =	vperm.xlane v17, v9;
	_ =	sdelay $0x1  }
0x2ca: {  	v18 =	vmul.f32 v18, v19;
	_ =	sdelay $0x1  }
0x2cb: {  	[tilespmem:s7+$0x0] =	vst v18  }
0x2cc: {  	v18 =	vld [tilespmem:s14+$0x10];
	_ =	sdelay $0x2  }
0x2cd: {  	v19 =	vperm.xlane v17, v10;
	_ =	sdelay $0x1  }
0x2ce: {  	v18 =	vmul.f32 v18, v19;
	_ =	sdelay $0x1  }
0x2cf: {  	[tilespmem:s7+$0x10] =	vst v18  }
0x2d0: {  	v18 =	vld [tilespmem:s14+$0x20];
	_ =	sdelay $0x2  }
0x2d1: {  	v19 =	vperm.xlane v17, v11;
	_ =	sdelay $0x1  }
0x2d2: {  	v18 =	vmul.f32 v18, v19;
	_ =	sdelay $0x1  }
0x2d3: {  	[tilespmem:s7+$0x20] =	vst v18  }
0x2d4: {  	v18 =	vld [tilespmem:s14+$0x30];
	_ =	sdelay $0x2  }
0x2d5: {  	v19 =	vperm.xlane v17, v12;
	_ =	sdelay $0x1  }
0x2d6: {  	v18 =	vmul.f32 v18, v19;
	_ =	sdelay $0x1  }
0x2d7: {  	[tilespmem:s7+$0x30] =	vst v18  }
0x2d8: {  	v18 =	vld [tilespmem:s14+$0x40];
	_ =	sdelay $0x2  }
0x2d9: {  	v19 =	vperm.xlane v17, v13;
	_ =	sdelay $0x1  }
0x2da: {  	v18 =	vmul.f32 v18, v19;
	_ =	sdelay $0x1  }
0x2db: {  	[tilespmem:s7+$0x40] =	vst v18  }
0x2dc: {  	v18 =	vld [tilespmem:s14+$0x50];
	_ =	sdelay $0x2  }
0x2dd: {  	v19 =	vperm.xlane v17, v14;
	_ =	sdelay $0x1  }
0x2de: {  	v18 =	vmul.f32 v18, v19;
	_ =	sdelay $0x1  }
0x2df: {  	[tilespmem:s7+$0x50] =	vst v18  }
0x2e0: {  	v18 =	vld [tilespmem:s14+$0x60];
	_ =	sdelay $0x2  }
0x2e1: {  	v19 =	vperm.xlane v17, v15;
	_ =	sdelay $0x1  }
0x2e2: {  	v18 =	vmul.f32 v18, v19;
	_ =	sdelay $0x1  }
0x2e3: {  	[tilespmem:s7+$0x60] =	vst v18  }
0x2e4: {  	v18 =	vld [tilespmem:s14+$0x70];
	_ =	sdelay $0x2  }
0x2e5: {  	v17 =	vperm.xlane v17, v16  }
0x2e6: {  	s21 =	smul.u32 $0x640, s17  }
0x2e7: {  	v17 =	vmul.f32 v18, v17  }
0x2e8: {  	s5 =	smul.u32 $0x140, s30;
	s19 =	sshra.s32 s21, $0x2  }
0x2e9: {  	s22 =	rddreg [dreg:$0x6];
	s8 =	simm.s32 $0x156E0;
	s18 =	sadd.s32 s19, s16;
	[tilespmem:s7+$0x70] =	vst v17  }
0x2ea: {  	[spmem:s22] =	stream.indirect.scatter.add.f32 [tilespmem:s8], [sflag:$0x6], $0x10, s18, s20, $0x2000b8;
	[tilespmem:$0x1EA60] =	vst v63  }
0x2eb: {  	s11 =	rddreg [dreg:$0x3];
	s8 =	sadd.s32 $0x500, s5  }
0x2ec: {  	s14 =	simm.s32 $0x151E0;
	s18 =	simm.s32 $0x2;
	s22 =	sshra.s32 s8, $0x2  }
0x2ed: {  	[tilespmem:s14], [sflag:$0x5] =	stream.indirect.gather [spmem:s11], $0x10, s22, s20, $0x2000b8;
	[tilespmem:$0x1EA60] =	vst v63  }
0x2ee: {  	_ =	swait.ge [sflag:s18], $0x500  }
0x2ef: {  	v17 =	vmov s29;
	[sflag:s18] =	ssyncset.done $0x0  }
0x2f0: {  	s2 =	simm.s32 @!p1 $0x7;
	[sflag:s18] =	ssyncadd.s32 $0xFFFFFB00  }
0x2f1: {  	v18 =	vmov s0;
	_ =	swait.ge @!p1 [sflag:s2], $0x500  }
0x2f2: {  	[sflag:s2] =	ssyncset.done @!p1 $0x0  }
0x2f3: {  	s20 =	simm.s32 $0x0;
	[sflag:s2] =	ssyncadd.s32 @!p1 $0xFFFFFB00  }
0x2f4: {  	v20 =	vld.idx.msk [tilespmem:v17+s20+$0x0 ss:$0x1], $0xffff;
	_ =	sdelay $0x1  }
0x2f5: {  	v19 =	vmov s9;
	v21 =	vld.idx.msk [tilespmem:v18+s20+$0x0 ss:$0x1], $0xffff;
	_ =	sdelay $0x4  }
0x2f6: {  	v22 =	vld.idx.msk [tilespmem:v19+s20+$0x0 ss:$0x1], $0xffff  }
0x2f7: {  	v20 =	vld.idx.msk [tilespmem:v20+s1+$0x0], $0xffff;
	_ =	sdelay $0x1  }
0x2f8: {  	v21 =	vld.idx.msk [tilespmem:v21+s1+$0x0], $0xffff;
	_ =	sdelay $0x2  }
0x2f9: {  	s7 =	simm.s32 $0x143D0;
	v20 =	vmul.f32 v20, v22  }
0x2fa: {  	v22 =	vld [tilespmem:s7+$0xFFFFFF10]  }
0x2fb: {  	v20 =	vmul.f32 v21, v20;
	_ =	sdelay $0x1  }
0x2fc: {  	v21 =	vperm.xlane v20, v1;
	_ =	sdelay $0x1  }
0x2fd: {  	v21 =	vmul.f32 v22, v21  }
0x2fe: {  	s18 =	simm.s32 $0x15CD0  }
0x2ff: {  	[tilespmem:s18+$0xFFFFFF10] =	vst v21  }
0x300: {  	v21 =	vld [tilespmem:s7+$0xFFFFFF20];
	_ =	sdelay $0x2  }
0x301: {  	v22 =	vperm.xlane v20, v2;
	_ =	sdelay $0x1  }
0x302: {  	v21 =	vmul.f32 v21, v22;
	_ =	sdelay $0x1  }
0x303: {  	[tilespmem:s18+$0xFFFFFF20] =	vst v21  }
0x304: {  	v21 =	vld [tilespmem:s7+$0xFFFFFF30];
	_ =	sdelay $0x2  }
0x305: {  	v22 =	vperm.xlane v20, v3;
	_ =	sdelay $0x1  }
0x306: {  	v21 =	vmul.f32 v21, v22;
	_ =	sdelay $0x1  }
0x307: {  	[tilespmem:s18+$0xFFFFFF30] =	vst v21  }
0x308: {  	v21 =	vld [tilespmem:s7+$0xFFFFFF40];
	_ =	sdelay $0x2  }
0x309: {  	v22 =	vperm.xlane v20, v4;
	_ =	sdelay $0x1  }
0x30a: {  	v21 =	vmul.f32 v21, v22;
	_ =	sdelay $0x1  }
0x30b: {  	[tilespmem:s18+$0xFFFFFF40] =	vst v21  }
0x30c: {  	v21 =	vld [tilespmem:s7+$0xFFFFFF50];
	_ =	sdelay $0x2  }
0x30d: {  	v22 =	vperm.xlane v20, v5;
	_ =	sdelay $0x1  }
0x30e: {  	v21 =	vmul.f32 v21, v22;
	_ =	sdelay $0x1  }
0x30f: {  	[tilespmem:s18+$0xFFFFFF50] =	vst v21  }
0x310: {  	v21 =	vld [tilespmem:s7+$0xFFFFFF60];
	_ =	sdelay $0x2  }
0x311: {  	v22 =	vperm.xlane v20, v6;
	_ =	sdelay $0x1  }
0x312: {  	v21 =	vmul.f32 v21, v22;
	_ =	sdelay $0x1  }
0x313: {  	[tilespmem:s18+$0xFFFFFF60] =	vst v21  }
0x314: {  	v21 =	vld [tilespmem:s7+$0xFFFFFF70];
	_ =	sdelay $0x2  }
0x315: {  	v22 =	vperm.xlane v20, v7;
	_ =	sdelay $0x1  }
0x316: {  	v21 =	vmul.f32 v21, v22;
	_ =	sdelay $0x1  }
0x317: {  	[tilespmem:s18+$0xFFFFFF70] =	vst v21  }
0x318: {  	v21 =	vld [tilespmem:s7+$0xFFFFFF80];
	_ =	sdelay $0x2  }
0x319: {  	v22 =	vperm.xlane v20, v8;
	_ =	sdelay $0x1  }
0x31a: {  	v21 =	vmul.f32 v21, v22;
	_ =	sdelay $0x1  }
0x31b: {  	[tilespmem:s18+$0xFFFFFF80] =	vst v21  }
0x31c: {  	v21 =	vld [tilespmem:s7+$0xFFFFFF90];
	_ =	sdelay $0x2  }
0x31d: {  	v22 =	vperm.xlane v20, v9;
	_ =	sdelay $0x1  }
0x31e: {  	v21 =	vmul.f32 v21, v22;
	_ =	sdelay $0x1  }
0x31f: {  	[tilespmem:s18+$0xFFFFFF90] =	vst v21  }
0x320: {  	v21 =	vld [tilespmem:s7+$0xFFFFFFA0];
	_ =	sdelay $0x2  }
0x321: {  	v22 =	vperm.xlane v20, v10;
	_ =	sdelay $0x1  }
0x322: {  	v21 =	vmul.f32 v21, v22;
	_ =	sdelay $0x1  }
0x323: {  	[tilespmem:s18+$0xFFFFFFA0] =	vst v21  }
0x324: {  	v21 =	vld [tilespmem:s7+$0xFFFFFFB0];
	_ =	sdelay $0x2  }
0x325: {  	v22 =	vperm.xlane v20, v11;
	_ =	sdelay $0x1  }
0x326: {  	v21 =	vmul.f32 v21, v22;
	_ =	sdelay $0x1  }
0x327: {  	[tilespmem:s18+$0xFFFFFFB0] =	vst v21  }
0x328: {  	v21 =	vld [tilespmem:s7+$0xFFFFFFC0];
	_ =	sdelay $0x2  }
0x329: {  	v22 =	vperm.xlane v20, v12;
	_ =	sdelay $0x1  }
0x32a: {  	v21 =	vmul.f32 v21, v22;
	_ =	sdelay $0x1  }
0x32b: {  	[tilespmem:s18+$0xFFFFFFC0] =	vst v21  }
0x32c: {  	v21 =	vld [tilespmem:s7+$0xFFFFFFD0];
	_ =	sdelay $0x2  }
0x32d: {  	v22 =	vperm.xlane v20, v13;
	_ =	sdelay $0x1  }
0x32e: {  	v21 =	vmul.f32 v21, v22;
	_ =	sdelay $0x1  }
0x32f: {  	[tilespmem:s18+$0xFFFFFFD0] =	vst v21  }
0x330: {  	v21 =	vld [tilespmem:s7+$0xFFFFFFE0];
	_ =	sdelay $0x2  }
0x331: {  	v22 =	vperm.xlane v20, v14;
	_ =	sdelay $0x1  }
0x332: {  	v21 =	vmul.f32 v21, v22;
	_ =	sdelay $0x1  }
0x333: {  	[tilespmem:s18+$0xFFFFFFE0] =	vst v21  }
0x334: {  	v21 =	vld [tilespmem:s7+$0xFFFFFFF0];
	_ =	sdelay $0x2  }
0x335: {  	v22 =	vperm.xlane v20, v15;
	_ =	sdelay $0x1  }
0x336: {  	v21 =	vmul.f32 v21, v22;
	_ =	sdelay $0x1  }
0x337: {  	[tilespmem:s18+$0xFFFFFFF0] =	vst v21  }
0x338: {  	v21 =	vld [tilespmem:s7+$0x0];
	_ =	sdelay $0x2  }
0x339: {  	v20 =	vperm.xlane v20, v16  }
0x33a: {  	s11 =	sadd.s32 $0x1, s30  }
0x33b: {  	s14 =	simm.s32 $0x15DD0;
	s2 =	simm.s32 $0x80;
	s20 =	simm.s32 $0x40;
	v20 =	vmul.f32 v21, v20  }
.LBB2_19:
0x33c: {  	s8 =	sshra.s32 s20, $0x2;
	s7 =	sadd.s32 $0x100, s7  }
0x33d: {  	[tilespmem:s18+$0x0] =	vst v20;
	s20 =	smov.u32 s2;
	s5 =	sadd.s32 $0x40, s2;
	s18 =	smov.u32 s14  }
0x33e: {  	p2 =	sne.s32 s2, $0x100;
	v20 =	vld.idx.msk [tilespmem:v17+s8+$0x0 ss:$0x1], $0xffff;
	_ =	sdelay $0x1  }
0x33f: {  	v21 =	vld.idx.msk [tilespmem:v18+s8+$0x0 ss:$0x1], $0xffff;
	_ =	sdelay $0x4  }
0x340: {  	v22 =	vld.idx.msk [tilespmem:v19+s8+$0x0 ss:$0x1], $0xffff  }
0x341: {  	v20 =	vld.idx.msk [tilespmem:v20+s1+$0x0], $0xffff;
	_ =	sdelay $0x1  }
0x342: {  	v21 =	vld.idx.msk [tilespmem:v21+s1+$0x0], $0xffff;
	_ =	sdelay $0x3  }
0x343: {  	v20 =	vmul.f32 v20, v22  }
0x344: {  	v22 =	vld [tilespmem:s7+$0xFFFFFF10]  }
0x345: {  	v20 =	vmul.f32 v21, v20;
	_ =	sdelay $0x1  }
0x346: {  	v21 =	vperm.xlane v20, v1;
	_ =	sdelay $0x1  }
0x347: {  	v21 =	vmul.f32 v22, v21;
	_ =	sdelay $0x1  }
0x348: {  	[tilespmem:s14+$0xFFFFFF10] =	vst v21  }
0x349: {  	v21 =	vld [tilespmem:s7+$0xFFFFFF20];
	_ =	sdelay $0x2  }
0x34a: {  	v22 =	vperm.xlane v20, v2;
	_ =	sdelay $0x1  }
0x34b: {  	v21 =	vmul.f32 v21, v22;
	_ =	sdelay $0x1  }
0x34c: {  	[tilespmem:s14+$0xFFFFFF20] =	vst v21  }
0x34d: {  	v21 =	vld [tilespmem:s7+$0xFFFFFF30];
	_ =	sdelay $0x2  }
0x34e: {  	v22 =	vperm.xlane v20, v3;
	_ =	sdelay $0x1  }
0x34f: {  	v21 =	vmul.f32 v21, v22;
	_ =	sdelay $0x1  }
0x350: {  	[tilespmem:s14+$0xFFFFFF30] =	vst v21  }
0x351: {  	v21 =	vld [tilespmem:s7+$0xFFFFFF40];
	_ =	sdelay $0x2  }
0x352: {  	v22 =	vperm.xlane v20, v4;
	_ =	sdelay $0x1  }
0x353: {  	v21 =	vmul.f32 v21, v22;
	_ =	sdelay $0x1  }
0x354: {  	[tilespmem:s14+$0xFFFFFF40] =	vst v21  }
0x355: {  	v21 =	vld [tilespmem:s7+$0xFFFFFF50];
	_ =	sdelay $0x2  }
0x356: {  	v22 =	vperm.xlane v20, v5;
	_ =	sdelay $0x1  }
0x357: {  	v21 =	vmul.f32 v21, v22;
	_ =	sdelay $0x1  }
0x358: {  	[tilespmem:s14+$0xFFFFFF50] =	vst v21  }
0x359: {  	v21 =	vld [tilespmem:s7+$0xFFFFFF60];
	_ =	sdelay $0x2  }
0x35a: {  	v22 =	vperm.xlane v20, v6;
	_ =	sdelay $0x1  }
0x35b: {  	v21 =	vmul.f32 v21, v22;
	_ =	sdelay $0x1  }
0x35c: {  	[tilespmem:s14+$0xFFFFFF60] =	vst v21  }
0x35d: {  	v21 =	vld [tilespmem:s7+$0xFFFFFF70];
	_ =	sdelay $0x2  }
0x35e: {  	v22 =	vperm.xlane v20, v7;
	_ =	sdelay $0x1  }
0x35f: {  	v21 =	vmul.f32 v21, v22;
	_ =	sdelay $0x1  }
0x360: {  	[tilespmem:s14+$0xFFFFFF70] =	vst v21  }
0x361: {  	v21 =	vld [tilespmem:s7+$0xFFFFFF80];
	_ =	sdelay $0x2  }
0x362: {  	v22 =	vperm.xlane v20, v8;
	_ =	sdelay $0x1  }
0x363: {  	v21 =	vmul.f32 v21, v22;
	_ =	sdelay $0x1  }
0x364: {  	[tilespmem:s14+$0xFFFFFF80] =	vst v21  }
0x365: {  	v21 =	vld [tilespmem:s7+$0xFFFFFF90];
	_ =	sdelay $0x2  }
0x366: {  	v22 =	vperm.xlane v20, v9;
	_ =	sdelay $0x1  }
0x367: {  	v21 =	vmul.f32 v21, v22;
	_ =	sdelay $0x1  }
0x368: {  	[tilespmem:s14+$0xFFFFFF90] =	vst v21  }
0x369: {  	v21 =	vld [tilespmem:s7+$0xFFFFFFA0];
	_ =	sdelay $0x2  }
0x36a: {  	v22 =	vperm.xlane v20, v10;
	_ =	sdelay $0x1  }
0x36b: {  	v21 =	vmul.f32 v21, v22;
	_ =	sdelay $0x1  }
0x36c: {  	[tilespmem:s14+$0xFFFFFFA0] =	vst v21  }
0x36d: {  	v21 =	vld [tilespmem:s7+$0xFFFFFFB0];
	_ =	sdelay $0x2  }
0x36e: {  	v22 =	vperm.xlane v20, v11;
	_ =	sdelay $0x1  }
0x36f: {  	v21 =	vmul.f32 v21, v22;
	_ =	sdelay $0x1  }
0x370: {  	[tilespmem:s14+$0xFFFFFFB0] =	vst v21  }
0x371: {  	v21 =	vld [tilespmem:s7+$0xFFFFFFC0];
	_ =	sdelay $0x2  }
0x372: {  	v22 =	vperm.xlane v20, v12;
	_ =	sdelay $0x1  }
0x373: {  	v21 =	vmul.f32 v21, v22;
	_ =	sdelay $0x1  }
0x374: {  	[tilespmem:s14+$0xFFFFFFC0] =	vst v21  }
0x375: {  	v21 =	vld [tilespmem:s7+$0xFFFFFFD0];
	_ =	sdelay $0x2  }
0x376: {  	v22 =	vperm.xlane v20, v13;
	_ =	sdelay $0x1  }
0x377: {  	v21 =	vmul.f32 v21, v22;
	_ =	sdelay $0x1  }
0x378: {  	[tilespmem:s14+$0xFFFFFFD0] =	vst v21  }
0x379: {  	v21 =	vld [tilespmem:s7+$0xFFFFFFE0];
	_ =	sdelay $0x2  }
0x37a: {  	v22 =	vperm.xlane v20, v14;
	_ =	sdelay $0x1  }
0x37b: {  	v21 =	vmul.f32 v21, v22;
	_ =	sdelay $0x1  }
0x37c: {  	[tilespmem:s14+$0xFFFFFFE0] =	vst v21  }
0x37d: {  	v21 =	vld [tilespmem:s7+$0xFFFFFFF0];
	_ =	sdelay $0x2  }
0x37e: {  	v22 =	vperm.xlane v20, v15;
	_ =	sdelay $0x1  }
0x37f: {  	v21 =	vmul.f32 v21, v22;
	_ =	sdelay $0x1  }
0x380: {  	[tilespmem:s14+$0xFFFFFFF0] =	vst v21  }
0x381: {  	v21 =	vld [tilespmem:s7+$0x0];
	_ =	sdelay $0x1  }
.Ltmp11:
0x382: {  	(pc) =	sbr.rel @p2 .LBB2_19-.Ltmp11, $3  }
0x383: {  	v20 =	vperm.xlane v20, v16;
	_ =	sdelay $0x1  }
0x384: {  	v20 =	vmul.f32 v21, v20  }
0x385: {  	s2 =	smov.u32 s5;
	s14 =	sadd.s32 $0x100, s14  }
0x386: {  	_ =	sdelay $0x2  }
0x387: {  	s2 =	sshra.s32 s20, $0x2;
	[tilespmem:s18+$0x0] =	vst v20  }
0x388: {  	v17 =	vld.idx.msk [tilespmem:v17+s2+$0x0 ss:$0x1], $0xffff;
	_ =	sdelay $0x1  }
0x389: {  	v18 =	vld.idx.msk [tilespmem:v18+s2+$0x0 ss:$0x1], $0xffff;
	_ =	sdelay $0x4  }
0x38a: {  	v19 =	vld.idx.msk [tilespmem:v19+s2+$0x0 ss:$0x1], $0xffff  }
0x38b: {  	v17 =	vld.idx.msk [tilespmem:v17+s1+$0x0], $0xffff;
	_ =	sdelay $0x1  }
0x38c: {  	v18 =	vld.idx.msk [tilespmem:v18+s1+$0x0], $0xffff;
	_ =	sdelay $0x2  }
0x38d: {  	s8 =	sadd.s32 $0x100, s7;
	v17 =	vmul.f32 v17, v19  }
0x38e: {  	v19 =	vld [tilespmem:s8+$0xFFFFFF10]  }
0x38f: {  	v17 =	vmul.f32 v18, v17;
	_ =	sdelay $0x1  }
0x390: {  	v18 =	vperm.xlane v17, v1;
	_ =	sdelay $0x1  }
0x391: {  	v18 =	vmul.f32 v19, v18;
	_ =	sdelay $0x1  }
0x392: {  	[tilespmem:s14+$0xFFFFFF10] =	vst v18  }
0x393: {  	v18 =	vld [tilespmem:s8+$0xFFFFFF20];
	_ =	sdelay $0x2  }
0x394: {  	v19 =	vperm.xlane v17, v2;
	_ =	sdelay $0x1  }
0x395: {  	v18 =	vmul.f32 v18, v19;
	_ =	sdelay $0x1  }
0x396: {  	[tilespmem:s14+$0xFFFFFF20] =	vst v18  }
0x397: {  	v18 =	vld [tilespmem:s8+$0xFFFFFF30];
	_ =	sdelay $0x2  }
0x398: {  	v19 =	vperm.xlane v17, v3;
	_ =	sdelay $0x1  }
0x399: {  	v18 =	vmul.f32 v18, v19;
	_ =	sdelay $0x1  }
0x39a: {  	[tilespmem:s14+$0xFFFFFF30] =	vst v18  }
0x39b: {  	v18 =	vld [tilespmem:s8+$0xFFFFFF40];
	_ =	sdelay $0x2  }
0x39c: {  	v19 =	vperm.xlane v17, v4;
	_ =	sdelay $0x1  }
0x39d: {  	v18 =	vmul.f32 v18, v19;
	_ =	sdelay $0x1  }
0x39e: {  	[tilespmem:s14+$0xFFFFFF40] =	vst v18  }
0x39f: {  	v18 =	vld [tilespmem:s8+$0xFFFFFF50];
	_ =	sdelay $0x2  }
0x3a0: {  	v19 =	vperm.xlane v17, v5;
	_ =	sdelay $0x1  }
0x3a1: {  	v18 =	vmul.f32 v18, v19;
	_ =	sdelay $0x1  }
0x3a2: {  	[tilespmem:s14+$0xFFFFFF50] =	vst v18  }
0x3a3: {  	v18 =	vld [tilespmem:s8+$0xFFFFFF60];
	_ =	sdelay $0x2  }
0x3a4: {  	v19 =	vperm.xlane v17, v6;
	_ =	sdelay $0x1  }
0x3a5: {  	v18 =	vmul.f32 v18, v19;
	_ =	sdelay $0x1  }
0x3a6: {  	[tilespmem:s14+$0xFFFFFF60] =	vst v18  }
0x3a7: {  	v18 =	vld [tilespmem:s8+$0xFFFFFF70];
	_ =	sdelay $0x2  }
0x3a8: {  	v19 =	vperm.xlane v17, v7;
	_ =	sdelay $0x1  }
0x3a9: {  	v18 =	vmul.f32 v18, v19;
	_ =	sdelay $0x1  }
0x3aa: {  	[tilespmem:s14+$0xFFFFFF70] =	vst v18  }
0x3ab: {  	v18 =	vld [tilespmem:s8+$0xFFFFFF80];
	_ =	sdelay $0x2  }
0x3ac: {  	v19 =	vperm.xlane v17, v8;
	_ =	sdelay $0x1  }
0x3ad: {  	v18 =	vmul.f32 v18, v19;
	_ =	sdelay $0x1  }
0x3ae: {  	[tilespmem:s14+$0xFFFFFF80] =	vst v18  }
0x3af: {  	v18 =	vld [tilespmem:s8+$0xFFFFFF90];
	_ =	sdelay $0x2  }
0x3b0: {  	v19 =	vperm.xlane v17, v9;
	_ =	sdelay $0x1  }
0x3b1: {  	v18 =	vmul.f32 v18, v19;
	_ =	sdelay $0x1  }
0x3b2: {  	[tilespmem:s14+$0xFFFFFF90] =	vst v18  }
0x3b3: {  	v18 =	vld [tilespmem:s8+$0xFFFFFFA0];
	_ =	sdelay $0x2  }
0x3b4: {  	v19 =	vperm.xlane v17, v10;
	_ =	sdelay $0x1  }
0x3b5: {  	v18 =	vmul.f32 v18, v19;
	_ =	sdelay $0x1  }
0x3b6: {  	[tilespmem:s14+$0xFFFFFFA0] =	vst v18  }
0x3b7: {  	v18 =	vld [tilespmem:s8+$0xFFFFFFB0];
	_ =	sdelay $0x2  }
0x3b8: {  	v19 =	vperm.xlane v17, v11;
	_ =	sdelay $0x1  }
0x3b9: {  	v18 =	vmul.f32 v18, v19;
	_ =	sdelay $0x1  }
0x3ba: {  	[tilespmem:s14+$0xFFFFFFB0] =	vst v18  }
0x3bb: {  	v18 =	vld [tilespmem:s8+$0xFFFFFFC0];
	_ =	sdelay $0x2  }
0x3bc: {  	v19 =	vperm.xlane v17, v12;
	_ =	sdelay $0x1  }
0x3bd: {  	v18 =	vmul.f32 v18, v19;
	_ =	sdelay $0x1  }
0x3be: {  	[tilespmem:s14+$0xFFFFFFC0] =	vst v18  }
0x3bf: {  	v18 =	vld [tilespmem:s8+$0xFFFFFFD0];
	_ =	sdelay $0x2  }
0x3c0: {  	v19 =	vperm.xlane v17, v13;
	_ =	sdelay $0x1  }
0x3c1: {  	v18 =	vmul.f32 v18, v19;
	_ =	sdelay $0x1  }
0x3c2: {  	[tilespmem:s14+$0xFFFFFFD0] =	vst v18  }
0x3c3: {  	v18 =	vld [tilespmem:s8+$0xFFFFFFE0];
	_ =	sdelay $0x2  }
0x3c4: {  	v19 =	vperm.xlane v17, v14;
	_ =	sdelay $0x1  }
0x3c5: {  	v18 =	vmul.f32 v18, v19;
	_ =	sdelay $0x1  }
0x3c6: {  	[tilespmem:s14+$0xFFFFFFE0] =	vst v18  }
0x3c7: {  	v18 =	vld [tilespmem:s8+$0xFFFFFFF0];
	_ =	sdelay $0x2  }
0x3c8: {  	v19 =	vperm.xlane v17, v15;
	_ =	sdelay $0x1  }
0x3c9: {  	v18 =	vmul.f32 v18, v19;
	_ =	sdelay $0x1  }
0x3ca: {  	[tilespmem:s14+$0xFFFFFFF0] =	vst v18  }
0x3cb: {  	v18 =	vld [tilespmem:s8+$0x0];
	_ =	sdelay $0x2  }
0x3cc: {  	v17 =	vperm.xlane v17, v16  }
0x3cd: {  	s11 =	smul.u32 $0x140, s11  }
0x3ce: {  	s5 =	rddreg [dreg:$0x6];
	p2 =	seq.s32 s17, $0x18;
	v17 =	vmul.f32 v18, v17  }
0x3cf: {  	s18 =	simm.s32 $0x3;
	s21 =	sshra.s32 @!p2 s21, $0x2;
	s2 =	sshra.s32 s11, $0x2  }
0x3d0: {  	s7 =	simm.s32 @!p2 $0x13DE0;
	s2 =	sadd.s32 s2, s16;
	[tilespmem:s14+$0x0] =	vst v17;
	s14 =	simm.s32 $0x15BE0  }
0x3d1: {  	[spmem:s5] =	stream.indirect.scatter.add.f32 [tilespmem:s14], [sflag:$0x7], $0x10, s2, s24, $0x2000b8;
	[tilespmem:$0x1EA60] =	vst v63  }
0x3d2: {  	s8 =	rddreg [dreg:$0x3];
	s2 =	sadd.s32 @!p2 $0x190, s21;
	s5 =	simm.s32 @!p2 $0x50  }
0x3d3: {  	[tilespmem:s7], [sflag:$0x1] =	stream.indirect.gather @!p2 [spmem:s8], $0x10, s2, s5, $0x2000b8;
	[tilespmem:$0x1EA60] =	vst v63  }
0x3d4: {  	_ =	swait.ge [sflag:s18], $0x500  }
0x3d5: {  	v17 =	vmov s31;
	[sflag:s18] =	ssyncset.done $0x0  }
0x3d6: {  	s2 =	simm.s32 @!p1 $0x8;
	[sflag:s18] =	ssyncadd.s32 $0xFFFFFB00  }
0x3d7: {  	v18 =	vmov s28;
	_ =	swait.ge @!p1 [sflag:s2], $0x500  }
0x3d8: {  	[sflag:s2] =	ssyncset.done @!p1 $0x0  }
0x3d9: {  	s20 =	simm.s32 $0x0;
	[sflag:s2] =	ssyncadd.s32 @!p1 $0xFFFFFB00  }
0x3da: {  	v20 =	vld.idx.msk [tilespmem:v17+s20+$0x0 ss:$0x1], $0xffff;
	_ =	sdelay $0x1  }
0x3db: {  	v19 =	vmov s4;
	v21 =	vld.idx.msk [tilespmem:v18+s20+$0x0 ss:$0x1], $0xffff;
	_ =	sdelay $0x4  }
0x3dc: {  	v22 =	vld.idx.msk [tilespmem:v19+s20+$0x0 ss:$0x1], $0xffff  }
0x3dd: {  	v20 =	vld.idx.msk [tilespmem:v20+s1+$0x0], $0xffff;
	_ =	sdelay $0x1  }
0x3de: {  	v21 =	vld.idx.msk [tilespmem:v21+s1+$0x0], $0xffff;
	_ =	sdelay $0x2  }
0x3df: {  	s7 =	simm.s32 $0x148D0;
	v20 =	vmul.f32 v20, v22  }
0x3e0: {  	v22 =	vld [tilespmem:s7+$0xFFFFFF10]  }
0x3e1: {  	v20 =	vmul.f32 v21, v20;
	_ =	sdelay $0x1  }
0x3e2: {  	v21 =	vperm.xlane v20, v1;
	_ =	sdelay $0x1  }
0x3e3: {  	v21 =	vmul.f32 v22, v21  }
0x3e4: {  	s18 =	simm.s32 $0x161D0  }
0x3e5: {  	[tilespmem:s18+$0xFFFFFF10] =	vst v21  }
0x3e6: {  	v21 =	vld [tilespmem:s7+$0xFFFFFF20];
	_ =	sdelay $0x2  }
0x3e7: {  	v22 =	vperm.xlane v20, v2;
	_ =	sdelay $0x1  }
0x3e8: {  	v21 =	vmul.f32 v21, v22;
	_ =	sdelay $0x1  }
0x3e9: {  	[tilespmem:s18+$0xFFFFFF20] =	vst v21  }
0x3ea: {  	v21 =	vld [tilespmem:s7+$0xFFFFFF30];
	_ =	sdelay $0x2  }
0x3eb: {  	v22 =	vperm.xlane v20, v3;
	_ =	sdelay $0x1  }
0x3ec: {  	v21 =	vmul.f32 v21, v22;
	_ =	sdelay $0x1  }
0x3ed: {  	[tilespmem:s18+$0xFFFFFF30] =	vst v21  }
0x3ee: {  	v21 =	vld [tilespmem:s7+$0xFFFFFF40];
	_ =	sdelay $0x2  }
0x3ef: {  	v22 =	vperm.xlane v20, v4;
	_ =	sdelay $0x1  }
0x3f0: {  	v21 =	vmul.f32 v21, v22;
	_ =	sdelay $0x1  }
0x3f1: {  	[tilespmem:s18+$0xFFFFFF40] =	vst v21  }
0x3f2: {  	v21 =	vld [tilespmem:s7+$0xFFFFFF50];
	_ =	sdelay $0x2  }
0x3f3: {  	v22 =	vperm.xlane v20, v5;
	_ =	sdelay $0x1  }
0x3f4: {  	v21 =	vmul.f32 v21, v22;
	_ =	sdelay $0x1  }
0x3f5: {  	[tilespmem:s18+$0xFFFFFF50] =	vst v21  }
0x3f6: {  	v21 =	vld [tilespmem:s7+$0xFFFFFF60];
	_ =	sdelay $0x2  }
0x3f7: {  	v22 =	vperm.xlane v20, v6;
	_ =	sdelay $0x1  }
0x3f8: {  	v21 =	vmul.f32 v21, v22;
	_ =	sdelay $0x1  }
0x3f9: {  	[tilespmem:s18+$0xFFFFFF60] =	vst v21  }
0x3fa: {  	v21 =	vld [tilespmem:s7+$0xFFFFFF70];
	_ =	sdelay $0x2  }
0x3fb: {  	v22 =	vperm.xlane v20, v7;
	_ =	sdelay $0x1  }
0x3fc: {  	v21 =	vmul.f32 v21, v22;
	_ =	sdelay $0x1  }
0x3fd: {  	[tilespmem:s18+$0xFFFFFF70] =	vst v21  }
0x3fe: {  	v21 =	vld [tilespmem:s7+$0xFFFFFF80];
	_ =	sdelay $0x2  }
0x3ff: {  	v22 =	vperm.xlane v20, v8;
	_ =	sdelay $0x1  }
0x400: {  	v21 =	vmul.f32 v21, v22;
	_ =	sdelay $0x1  }
0x401: {  	[tilespmem:s18+$0xFFFFFF80] =	vst v21  }
0x402: {  	v21 =	vld [tilespmem:s7+$0xFFFFFF90];
	_ =	sdelay $0x2  }
0x403: {  	v22 =	vperm.xlane v20, v9;
	_ =	sdelay $0x1  }
0x404: {  	v21 =	vmul.f32 v21, v22;
	_ =	sdelay $0x1  }
0x405: {  	[tilespmem:s18+$0xFFFFFF90] =	vst v21  }
0x406: {  	v21 =	vld [tilespmem:s7+$0xFFFFFFA0];
	_ =	sdelay $0x2  }
0x407: {  	v22 =	vperm.xlane v20, v10;
	_ =	sdelay $0x1  }
0x408: {  	v21 =	vmul.f32 v21, v22;
	_ =	sdelay $0x1  }
0x409: {  	[tilespmem:s18+$0xFFFFFFA0] =	vst v21  }
0x40a: {  	v21 =	vld [tilespmem:s7+$0xFFFFFFB0];
	_ =	sdelay $0x2  }
0x40b: {  	v22 =	vperm.xlane v20, v11;
	_ =	sdelay $0x1  }
0x40c: {  	v21 =	vmul.f32 v21, v22;
	_ =	sdelay $0x1  }
0x40d: {  	[tilespmem:s18+$0xFFFFFFB0] =	vst v21  }
0x40e: {  	v21 =	vld [tilespmem:s7+$0xFFFFFFC0];
	_ =	sdelay $0x2  }
0x40f: {  	v22 =	vperm.xlane v20, v12;
	_ =	sdelay $0x1  }
0x410: {  	v21 =	vmul.f32 v21, v22;
	_ =	sdelay $0x1  }
0x411: {  	[tilespmem:s18+$0xFFFFFFC0] =	vst v21  }
0x412: {  	v21 =	vld [tilespmem:s7+$0xFFFFFFD0];
	_ =	sdelay $0x2  }
0x413: {  	v22 =	vperm.xlane v20, v13;
	_ =	sdelay $0x1  }
0x414: {  	v21 =	vmul.f32 v21, v22;
	_ =	sdelay $0x1  }
0x415: {  	[tilespmem:s18+$0xFFFFFFD0] =	vst v21  }
0x416: {  	v21 =	vld [tilespmem:s7+$0xFFFFFFE0];
	_ =	sdelay $0x2  }
0x417: {  	v22 =	vperm.xlane v20, v14;
	_ =	sdelay $0x1  }
0x418: {  	v21 =	vmul.f32 v21, v22;
	_ =	sdelay $0x1  }
0x419: {  	[tilespmem:s18+$0xFFFFFFE0] =	vst v21  }
0x41a: {  	v21 =	vld [tilespmem:s7+$0xFFFFFFF0];
	_ =	sdelay $0x2  }
0x41b: {  	v22 =	vperm.xlane v20, v15;
	_ =	sdelay $0x1  }
0x41c: {  	v21 =	vmul.f32 v21, v22;
	_ =	sdelay $0x1  }
0x41d: {  	[tilespmem:s18+$0xFFFFFFF0] =	vst v21  }
0x41e: {  	v21 =	vld [tilespmem:s7+$0x0];
	_ =	sdelay $0x2  }
0x41f: {  	v20 =	vperm.xlane v20, v16  }
0x420: {  	s11 =	sadd.s32 $0x2, s30  }
0x421: {  	s14 =	simm.s32 $0x162D0;
	s5 =	simm.s32 $0x80;
	s20 =	simm.s32 $0x40;
	v20 =	vmul.f32 v21, v20  }
.LBB2_21:
0x422: {  	s8 =	sshra.s32 s20, $0x2;
	s7 =	sadd.s32 $0x100, s7  }
0x423: {  	[tilespmem:s18+$0x0] =	vst v20;
	s20 =	smov.u32 s5;
	s2 =	sadd.s32 $0x40, s5;
	s18 =	smov.u32 s14  }
0x424: {  	p3 =	sne.s32 s5, $0x100;
	v20 =	vld.idx.msk [tilespmem:v17+s8+$0x0 ss:$0x1], $0xffff;
	_ =	sdelay $0x1  }
0x425: {  	v21 =	vld.idx.msk [tilespmem:v18+s8+$0x0 ss:$0x1], $0xffff;
	_ =	sdelay $0x4  }
0x426: {  	v22 =	vld.idx.msk [tilespmem:v19+s8+$0x0 ss:$0x1], $0xffff  }
0x427: {  	v20 =	vld.idx.msk [tilespmem:v20+s1+$0x0], $0xffff;
	_ =	sdelay $0x1  }
0x428: {  	v21 =	vld.idx.msk [tilespmem:v21+s1+$0x0], $0xffff;
	_ =	sdelay $0x3  }
0x429: {  	v20 =	vmul.f32 v20, v22  }
0x42a: {  	v22 =	vld [tilespmem:s7+$0xFFFFFF10]  }
0x42b: {  	v20 =	vmul.f32 v21, v20;
	_ =	sdelay $0x1  }
0x42c: {  	v21 =	vperm.xlane v20, v1;
	_ =	sdelay $0x1  }
0x42d: {  	v21 =	vmul.f32 v22, v21;
	_ =	sdelay $0x1  }
0x42e: {  	[tilespmem:s14+$0xFFFFFF10] =	vst v21  }
0x42f: {  	v21 =	vld [tilespmem:s7+$0xFFFFFF20];
	_ =	sdelay $0x2  }
0x430: {  	v22 =	vperm.xlane v20, v2;
	_ =	sdelay $0x1  }
0x431: {  	v21 =	vmul.f32 v21, v22;
	_ =	sdelay $0x1  }
0x432: {  	[tilespmem:s14+$0xFFFFFF20] =	vst v21  }
0x433: {  	v21 =	vld [tilespmem:s7+$0xFFFFFF30];
	_ =	sdelay $0x2  }
0x434: {  	v22 =	vperm.xlane v20, v3;
	_ =	sdelay $0x1  }
0x435: {  	v21 =	vmul.f32 v21, v22;
	_ =	sdelay $0x1  }
0x436: {  	[tilespmem:s14+$0xFFFFFF30] =	vst v21  }
0x437: {  	v21 =	vld [tilespmem:s7+$0xFFFFFF40];
	_ =	sdelay $0x2  }
0x438: {  	v22 =	vperm.xlane v20, v4;
	_ =	sdelay $0x1  }
0x439: {  	v21 =	vmul.f32 v21, v22;
	_ =	sdelay $0x1  }
0x43a: {  	[tilespmem:s14+$0xFFFFFF40] =	vst v21  }
0x43b: {  	v21 =	vld [tilespmem:s7+$0xFFFFFF50];
	_ =	sdelay $0x2  }
0x43c: {  	v22 =	vperm.xlane v20, v5;
	_ =	sdelay $0x1  }
0x43d: {  	v21 =	vmul.f32 v21, v22;
	_ =	sdelay $0x1  }
0x43e: {  	[tilespmem:s14+$0xFFFFFF50] =	vst v21  }
0x43f: {  	v21 =	vld [tilespmem:s7+$0xFFFFFF60];
	_ =	sdelay $0x2  }
0x440: {  	v22 =	vperm.xlane v20, v6;
	_ =	sdelay $0x1  }
0x441: {  	v21 =	vmul.f32 v21, v22;
	_ =	sdelay $0x1  }
0x442: {  	[tilespmem:s14+$0xFFFFFF60] =	vst v21  }
0x443: {  	v21 =	vld [tilespmem:s7+$0xFFFFFF70];
	_ =	sdelay $0x2  }
0x444: {  	v22 =	vperm.xlane v20, v7;
	_ =	sdelay $0x1  }
0x445: {  	v21 =	vmul.f32 v21, v22;
	_ =	sdelay $0x1  }
0x446: {  	[tilespmem:s14+$0xFFFFFF70] =	vst v21  }
0x447: {  	v21 =	vld [tilespmem:s7+$0xFFFFFF80];
	_ =	sdelay $0x2  }
0x448: {  	v22 =	vperm.xlane v20, v8;
	_ =	sdelay $0x1  }
0x449: {  	v21 =	vmul.f32 v21, v22;
	_ =	sdelay $0x1  }
0x44a: {  	[tilespmem:s14+$0xFFFFFF80] =	vst v21  }
0x44b: {  	v21 =	vld [tilespmem:s7+$0xFFFFFF90];
	_ =	sdelay $0x2  }
0x44c: {  	v22 =	vperm.xlane v20, v9;
	_ =	sdelay $0x1  }
0x44d: {  	v21 =	vmul.f32 v21, v22;
	_ =	sdelay $0x1  }
0x44e: {  	[tilespmem:s14+$0xFFFFFF90] =	vst v21  }
0x44f: {  	v21 =	vld [tilespmem:s7+$0xFFFFFFA0];
	_ =	sdelay $0x2  }
0x450: {  	v22 =	vperm.xlane v20, v10;
	_ =	sdelay $0x1  }
0x451: {  	v21 =	vmul.f32 v21, v22;
	_ =	sdelay $0x1  }
0x452: {  	[tilespmem:s14+$0xFFFFFFA0] =	vst v21  }
0x453: {  	v21 =	vld [tilespmem:s7+$0xFFFFFFB0];
	_ =	sdelay $0x2  }
0x454: {  	v22 =	vperm.xlane v20, v11;
	_ =	sdelay $0x1  }
0x455: {  	v21 =	vmul.f32 v21, v22;
	_ =	sdelay $0x1  }
0x456: {  	[tilespmem:s14+$0xFFFFFFB0] =	vst v21  }
0x457: {  	v21 =	vld [tilespmem:s7+$0xFFFFFFC0];
	_ =	sdelay $0x2  }
0x458: {  	v22 =	vperm.xlane v20, v12;
	_ =	sdelay $0x1  }
0x459: {  	v21 =	vmul.f32 v21, v22;
	_ =	sdelay $0x1  }
0x45a: {  	[tilespmem:s14+$0xFFFFFFC0] =	vst v21  }
0x45b: {  	v21 =	vld [tilespmem:s7+$0xFFFFFFD0];
	_ =	sdelay $0x2  }
0x45c: {  	v22 =	vperm.xlane v20, v13;
	_ =	sdelay $0x1  }
0x45d: {  	v21 =	vmul.f32 v21, v22;
	_ =	sdelay $0x1  }
0x45e: {  	[tilespmem:s14+$0xFFFFFFD0] =	vst v21  }
0x45f: {  	v21 =	vld [tilespmem:s7+$0xFFFFFFE0];
	_ =	sdelay $0x2  }
0x460: {  	v22 =	vperm.xlane v20, v14;
	_ =	sdelay $0x1  }
0x461: {  	v21 =	vmul.f32 v21, v22;
	_ =	sdelay $0x1  }
0x462: {  	[tilespmem:s14+$0xFFFFFFE0] =	vst v21  }
0x463: {  	v21 =	vld [tilespmem:s7+$0xFFFFFFF0];
	_ =	sdelay $0x2  }
0x464: {  	v22 =	vperm.xlane v20, v15;
	_ =	sdelay $0x1  }
0x465: {  	v21 =	vmul.f32 v21, v22;
	_ =	sdelay $0x1  }
0x466: {  	[tilespmem:s14+$0xFFFFFFF0] =	vst v21  }
0x467: {  	v21 =	vld [tilespmem:s7+$0x0];
	_ =	sdelay $0x1  }
.Ltmp12:
0x468: {  	(pc) =	sbr.rel @p3 .LBB2_21-.Ltmp12, $3  }
0x469: {  	v20 =	vperm.xlane v20, v16;
	_ =	sdelay $0x1  }
0x46a: {  	v20 =	vmul.f32 v21, v20  }
0x46b: {  	s5 =	smov.u32 s2;
	s14 =	sadd.s32 $0x100, s14  }
0x46c: {  	_ =	sdelay $0x2  }
0x46d: {  	s2 =	sshra.s32 s20, $0x2;
	[tilespmem:s18+$0x0] =	vst v20  }
0x46e: {  	v17 =	vld.idx.msk [tilespmem:v17+s2+$0x0 ss:$0x1], $0xffff;
	_ =	sdelay $0x1  }
0x46f: {  	v18 =	vld.idx.msk [tilespmem:v18+s2+$0x0 ss:$0x1], $0xffff;
	_ =	sdelay $0x4  }
0x470: {  	v19 =	vld.idx.msk [tilespmem:v19+s2+$0x0 ss:$0x1], $0xffff  }
0x471: {  	v17 =	vld.idx.msk [tilespmem:v17+s1+$0x0], $0xffff;
	_ =	sdelay $0x1  }
0x472: {  	v18 =	vld.idx.msk [tilespmem:v18+s1+$0x0], $0xffff;
	_ =	sdelay $0x2  }
0x473: {  	s8 =	sadd.s32 $0x100, s7;
	v17 =	vmul.f32 v17, v19  }
0x474: {  	v19 =	vld [tilespmem:s8+$0xFFFFFF10]  }
0x475: {  	v17 =	vmul.f32 v18, v17;
	_ =	sdelay $0x1  }
0x476: {  	v18 =	vperm.xlane v17, v1;
	_ =	sdelay $0x1  }
0x477: {  	v18 =	vmul.f32 v19, v18;
	_ =	sdelay $0x1  }
0x478: {  	[tilespmem:s14+$0xFFFFFF10] =	vst v18  }
0x479: {  	v18 =	vld [tilespmem:s8+$0xFFFFFF20];
	_ =	sdelay $0x2  }
0x47a: {  	v19 =	vperm.xlane v17, v2;
	_ =	sdelay $0x1  }
0x47b: {  	v18 =	vmul.f32 v18, v19;
	_ =	sdelay $0x1  }
0x47c: {  	[tilespmem:s14+$0xFFFFFF20] =	vst v18  }
0x47d: {  	v18 =	vld [tilespmem:s8+$0xFFFFFF30];
	_ =	sdelay $0x2  }
0x47e: {  	v19 =	vperm.xlane v17, v3;
	_ =	sdelay $0x1  }
0x47f: {  	v18 =	vmul.f32 v18, v19;
	_ =	sdelay $0x1  }
0x480: {  	[tilespmem:s14+$0xFFFFFF30] =	vst v18  }
0x481: {  	v18 =	vld [tilespmem:s8+$0xFFFFFF40];
	_ =	sdelay $0x2  }
0x482: {  	v19 =	vperm.xlane v17, v4;
	_ =	sdelay $0x1  }
0x483: {  	v18 =	vmul.f32 v18, v19;
	_ =	sdelay $0x1  }
0x484: {  	[tilespmem:s14+$0xFFFFFF40] =	vst v18  }
0x485: {  	v18 =	vld [tilespmem:s8+$0xFFFFFF50];
	_ =	sdelay $0x2  }
0x486: {  	v19 =	vperm.xlane v17, v5;
	_ =	sdelay $0x1  }
0x487: {  	v18 =	vmul.f32 v18, v19;
	_ =	sdelay $0x1  }
0x488: {  	[tilespmem:s14+$0xFFFFFF50] =	vst v18  }
0x489: {  	v18 =	vld [tilespmem:s8+$0xFFFFFF60];
	_ =	sdelay $0x2  }
0x48a: {  	v19 =	vperm.xlane v17, v6;
	_ =	sdelay $0x1  }
0x48b: {  	v18 =	vmul.f32 v18, v19;
	_ =	sdelay $0x1  }
0x48c: {  	[tilespmem:s14+$0xFFFFFF60] =	vst v18  }
0x48d: {  	v18 =	vld [tilespmem:s8+$0xFFFFFF70];
	_ =	sdelay $0x2  }
0x48e: {  	v19 =	vperm.xlane v17, v7;
	_ =	sdelay $0x1  }
0x48f: {  	v18 =	vmul.f32 v18, v19;
	_ =	sdelay $0x1  }
0x490: {  	[tilespmem:s14+$0xFFFFFF70] =	vst v18  }
0x491: {  	v18 =	vld [tilespmem:s8+$0xFFFFFF80];
	_ =	sdelay $0x2  }
0x492: {  	v19 =	vperm.xlane v17, v8;
	_ =	sdelay $0x1  }
0x493: {  	v18 =	vmul.f32 v18, v19;
	_ =	sdelay $0x1  }
0x494: {  	[tilespmem:s14+$0xFFFFFF80] =	vst v18  }
0x495: {  	v18 =	vld [tilespmem:s8+$0xFFFFFF90];
	_ =	sdelay $0x2  }
0x496: {  	v19 =	vperm.xlane v17, v9;
	_ =	sdelay $0x1  }
0x497: {  	v18 =	vmul.f32 v18, v19;
	_ =	sdelay $0x1  }
0x498: {  	[tilespmem:s14+$0xFFFFFF90] =	vst v18  }
0x499: {  	v18 =	vld [tilespmem:s8+$0xFFFFFFA0];
	_ =	sdelay $0x2  }
0x49a: {  	v19 =	vperm.xlane v17, v10;
	_ =	sdelay $0x1  }
0x49b: {  	v18 =	vmul.f32 v18, v19;
	_ =	sdelay $0x1  }
0x49c: {  	[tilespmem:s14+$0xFFFFFFA0] =	vst v18  }
0x49d: {  	v18 =	vld [tilespmem:s8+$0xFFFFFFB0];
	_ =	sdelay $0x2  }
0x49e: {  	v19 =	vperm.xlane v17, v11;
	_ =	sdelay $0x1  }
0x49f: {  	v18 =	vmul.f32 v18, v19;
	_ =	sdelay $0x1  }
0x4a0: {  	[tilespmem:s14+$0xFFFFFFB0] =	vst v18  }
0x4a1: {  	v18 =	vld [tilespmem:s8+$0xFFFFFFC0];
	_ =	sdelay $0x2  }
0x4a2: {  	v19 =	vperm.xlane v17, v12;
	_ =	sdelay $0x1  }
0x4a3: {  	v18 =	vmul.f32 v18, v19;
	_ =	sdelay $0x1  }
0x4a4: {  	[tilespmem:s14+$0xFFFFFFC0] =	vst v18  }
0x4a5: {  	v18 =	vld [tilespmem:s8+$0xFFFFFFD0];
	_ =	sdelay $0x2  }
0x4a6: {  	v19 =	vperm.xlane v17, v13;
	_ =	sdelay $0x1  }
0x4a7: {  	v18 =	vmul.f32 v18, v19;
	_ =	sdelay $0x1  }
0x4a8: {  	[tilespmem:s14+$0xFFFFFFD0] =	vst v18  }
0x4a9: {  	v18 =	vld [tilespmem:s8+$0xFFFFFFE0];
	_ =	sdelay $0x2  }
0x4aa: {  	v19 =	vperm.xlane v17, v14;
	_ =	sdelay $0x1  }
0x4ab: {  	v18 =	vmul.f32 v18, v19;
	_ =	sdelay $0x1  }
0x4ac: {  	[tilespmem:s14+$0xFFFFFFE0] =	vst v18  }
0x4ad: {  	v18 =	vld [tilespmem:s8+$0xFFFFFFF0];
	_ =	sdelay $0x2  }
0x4ae: {  	v19 =	vperm.xlane v17, v15;
	_ =	sdelay $0x1  }
0x4af: {  	v18 =	vmul.f32 v18, v19;
	_ =	sdelay $0x1  }
0x4b0: {  	[tilespmem:s14+$0xFFFFFFF0] =	vst v18  }
0x4b1: {  	v18 =	vld [tilespmem:s8+$0x0];
	_ =	sdelay $0x2  }
0x4b2: {  	v17 =	vperm.xlane v17, v16  }
0x4b3: {  	s11 =	smul.u32 $0x140, s11  }
0x4b4: {  	v17 =	vmul.f32 v18, v17  }
0x4b5: {  	s5 =	rddreg [dreg:$0x6];
	s18 =	simm.s32 $0x160E0;
	s2 =	sshra.s32 s11, $0x2  }
0x4b6: {  	s7 =	simm.s32 @!p2 $0x142E0;
	s20 =	simm.s32 $0x4;
	s2 =	sadd.s32 s2, s16;
	[tilespmem:s14+$0x0] =	vst v17  }
0x4b7: {  	[spmem:s5] =	stream.indirect.scatter.add.f32 [tilespmem:s18], [sflag:$0x8], $0x10, s2, s24, $0x2000b8;
	[tilespmem:$0x1EA60] =	vst v63  }
0x4b8: {  	s8 =	rddreg [dreg:$0x3];
	s2 =	sadd.s32 @!p2 $0x1E0, s21;
	s5 =	simm.s32 @!p2 $0x50  }
0x4b9: {  	[tilespmem:s7], [sflag:$0x2] =	stream.indirect.gather @!p2 [spmem:s8], $0x10, s2, s5, $0x2000b8;
	[tilespmem:$0x1EA60] =	vst v63  }
0x4ba: {  	_ =	swait.ge [sflag:s20], $0x500  }
0x4bb: {  	v17 =	vmov s23;
	[sflag:s20] =	ssyncset.done $0x0  }
0x4bc: {  	s2 =	simm.s32 @!p1 $0x9;
	[sflag:s20] =	ssyncadd.s32 $0xFFFFFB00  }
0x4bd: {  	v18 =	vmov s15;
	_ =	swait.ge @!p1 [sflag:s2], $0x500  }
0x4be: {  	[sflag:s2] =	ssyncset.done @!p1 $0x0  }
0x4bf: {  	s21 =	simm.s32 $0x0;
	[sflag:s2] =	ssyncadd.s32 @!p1 $0xFFFFFB00  }
0x4c0: {  	v20 =	vld.idx.msk [tilespmem:v17+s21+$0x0 ss:$0x1], $0xffff;
	_ =	sdelay $0x1  }
0x4c1: {  	v19 =	vmov s6;
	v21 =	vld.idx.msk [tilespmem:v18+s21+$0x0 ss:$0x1], $0xffff;
	_ =	sdelay $0x4  }
0x4c2: {  	v22 =	vld.idx.msk [tilespmem:v19+s21+$0x0 ss:$0x1], $0xffff  }
0x4c3: {  	v20 =	vld.idx.msk [tilespmem:v20+s1+$0x0], $0xffff;
	_ =	sdelay $0x1  }
0x4c4: {  	v21 =	vld.idx.msk [tilespmem:v21+s1+$0x0], $0xffff;
	_ =	sdelay $0x2  }
0x4c5: {  	s7 =	simm.s32 $0x14DD0;
	v20 =	vmul.f32 v20, v22  }
0x4c6: {  	v22 =	vld [tilespmem:s7+$0xFFFFFF10]  }
0x4c7: {  	v20 =	vmul.f32 v21, v20;
	_ =	sdelay $0x1  }
0x4c8: {  	v21 =	vperm.xlane v20, v1;
	_ =	sdelay $0x1  }
0x4c9: {  	v21 =	vmul.f32 v22, v21  }
0x4ca: {  	s18 =	simm.s32 $0x166D0  }
0x4cb: {  	[tilespmem:s18+$0xFFFFFF10] =	vst v21  }
0x4cc: {  	v21 =	vld [tilespmem:s7+$0xFFFFFF20];
	_ =	sdelay $0x2  }
0x4cd: {  	v22 =	vperm.xlane v20, v2;
	_ =	sdelay $0x1  }
0x4ce: {  	v21 =	vmul.f32 v21, v22;
	_ =	sdelay $0x1  }
0x4cf: {  	[tilespmem:s18+$0xFFFFFF20] =	vst v21  }
0x4d0: {  	v21 =	vld [tilespmem:s7+$0xFFFFFF30];
	_ =	sdelay $0x2  }
0x4d1: {  	v22 =	vperm.xlane v20, v3;
	_ =	sdelay $0x1  }
0x4d2: {  	v21 =	vmul.f32 v21, v22;
	_ =	sdelay $0x1  }
0x4d3: {  	[tilespmem:s18+$0xFFFFFF30] =	vst v21  }
0x4d4: {  	v21 =	vld [tilespmem:s7+$0xFFFFFF40];
	_ =	sdelay $0x2  }
0x4d5: {  	v22 =	vperm.xlane v20, v4;
	_ =	sdelay $0x1  }
0x4d6: {  	v21 =	vmul.f32 v21, v22;
	_ =	sdelay $0x1  }
0x4d7: {  	[tilespmem:s18+$0xFFFFFF40] =	vst v21  }
0x4d8: {  	v21 =	vld [tilespmem:s7+$0xFFFFFF50];
	_ =	sdelay $0x2  }
0x4d9: {  	v22 =	vperm.xlane v20, v5;
	_ =	sdelay $0x1  }
0x4da: {  	v21 =	vmul.f32 v21, v22;
	_ =	sdelay $0x1  }
0x4db: {  	[tilespmem:s18+$0xFFFFFF50] =	vst v21  }
0x4dc: {  	v21 =	vld [tilespmem:s7+$0xFFFFFF60];
	_ =	sdelay $0x2  }
0x4dd: {  	v22 =	vperm.xlane v20, v6;
	_ =	sdelay $0x1  }
0x4de: {  	v21 =	vmul.f32 v21, v22;
	_ =	sdelay $0x1  }
0x4df: {  	[tilespmem:s18+$0xFFFFFF60] =	vst v21  }
0x4e0: {  	v21 =	vld [tilespmem:s7+$0xFFFFFF70];
	_ =	sdelay $0x2  }
0x4e1: {  	v22 =	vperm.xlane v20, v7;
	_ =	sdelay $0x1  }
0x4e2: {  	v21 =	vmul.f32 v21, v22;
	_ =	sdelay $0x1  }
0x4e3: {  	[tilespmem:s18+$0xFFFFFF70] =	vst v21  }
0x4e4: {  	v21 =	vld [tilespmem:s7+$0xFFFFFF80];
	_ =	sdelay $0x2  }
0x4e5: {  	v22 =	vperm.xlane v20, v8;
	_ =	sdelay $0x1  }
0x4e6: {  	v21 =	vmul.f32 v21, v22;
	_ =	sdelay $0x1  }
0x4e7: {  	[tilespmem:s18+$0xFFFFFF80] =	vst v21  }
0x4e8: {  	v21 =	vld [tilespmem:s7+$0xFFFFFF90];
	_ =	sdelay $0x2  }
0x4e9: {  	v22 =	vperm.xlane v20, v9;
	_ =	sdelay $0x1  }
0x4ea: {  	v21 =	vmul.f32 v21, v22;
	_ =	sdelay $0x1  }
0x4eb: {  	[tilespmem:s18+$0xFFFFFF90] =	vst v21  }
0x4ec: {  	v21 =	vld [tilespmem:s7+$0xFFFFFFA0];
	_ =	sdelay $0x2  }
0x4ed: {  	v22 =	vperm.xlane v20, v10;
	_ =	sdelay $0x1  }
0x4ee: {  	v21 =	vmul.f32 v21, v22;
	_ =	sdelay $0x1  }
0x4ef: {  	[tilespmem:s18+$0xFFFFFFA0] =	vst v21  }
0x4f0: {  	v21 =	vld [tilespmem:s7+$0xFFFFFFB0];
	_ =	sdelay $0x2  }
0x4f1: {  	v22 =	vperm.xlane v20, v11;
	_ =	sdelay $0x1  }
0x4f2: {  	v21 =	vmul.f32 v21, v22;
	_ =	sdelay $0x1  }
0x4f3: {  	[tilespmem:s18+$0xFFFFFFB0] =	vst v21  }
0x4f4: {  	v21 =	vld [tilespmem:s7+$0xFFFFFFC0];
	_ =	sdelay $0x2  }
0x4f5: {  	v22 =	vperm.xlane v20, v12;
	_ =	sdelay $0x1  }
0x4f6: {  	v21 =	vmul.f32 v21, v22;
	_ =	sdelay $0x1  }
0x4f7: {  	[tilespmem:s18+$0xFFFFFFC0] =	vst v21  }
0x4f8: {  	v21 =	vld [tilespmem:s7+$0xFFFFFFD0];
	_ =	sdelay $0x2  }
0x4f9: {  	v22 =	vperm.xlane v20, v13;
	_ =	sdelay $0x1  }
0x4fa: {  	v21 =	vmul.f32 v21, v22;
	_ =	sdelay $0x1  }
0x4fb: {  	[tilespmem:s18+$0xFFFFFFD0] =	vst v21  }
0x4fc: {  	v21 =	vld [tilespmem:s7+$0xFFFFFFE0];
	_ =	sdelay $0x2  }
0x4fd: {  	v22 =	vperm.xlane v20, v14;
	_ =	sdelay $0x1  }
0x4fe: {  	v21 =	vmul.f32 v21, v22;
	_ =	sdelay $0x1  }
0x4ff: {  	[tilespmem:s18+$0xFFFFFFE0] =	vst v21  }
0x500: {  	v21 =	vld [tilespmem:s7+$0xFFFFFFF0];
	_ =	sdelay $0x2  }
0x501: {  	v22 =	vperm.xlane v20, v15;
	_ =	sdelay $0x1  }
0x502: {  	v21 =	vmul.f32 v21, v22;
	_ =	sdelay $0x1  }
0x503: {  	[tilespmem:s18+$0xFFFFFFF0] =	vst v21  }
0x504: {  	v21 =	vld [tilespmem:s7+$0x0];
	_ =	sdelay $0x2  }
0x505: {  	v20 =	vperm.xlane v20, v16  }
0x506: {  	s11 =	sadd.s32 $0x3, s30  }
0x507: {  	s14 =	simm.s32 $0x167D0;
	s5 =	simm.s32 $0x80;
	s20 =	simm.s32 $0x40;
	v20 =	vmul.f32 v21, v20  }
.LBB2_23:
0x508: {  	s8 =	sshra.s32 s20, $0x2;
	s7 =	sadd.s32 $0x100, s7  }
0x509: {  	[tilespmem:s18+$0x0] =	vst v20;
	s20 =	smov.u32 s5;
	s2 =	sadd.s32 $0x40, s5;
	s18 =	smov.u32 s14  }
0x50a: {  	p3 =	sne.s32 s5, $0x100;
	v20 =	vld.idx.msk [tilespmem:v17+s8+$0x0 ss:$0x1], $0xffff;
	_ =	sdelay $0x1  }
0x50b: {  	v21 =	vld.idx.msk [tilespmem:v18+s8+$0x0 ss:$0x1], $0xffff;
	_ =	sdelay $0x4  }
0x50c: {  	v22 =	vld.idx.msk [tilespmem:v19+s8+$0x0 ss:$0x1], $0xffff  }
0x50d: {  	v20 =	vld.idx.msk [tilespmem:v20+s1+$0x0], $0xffff;
	_ =	sdelay $0x1  }
0x50e: {  	v21 =	vld.idx.msk [tilespmem:v21+s1+$0x0], $0xffff;
	_ =	sdelay $0x3  }
0x50f: {  	v20 =	vmul.f32 v20, v22  }
0x510: {  	v22 =	vld [tilespmem:s7+$0xFFFFFF10]  }
0x511: {  	v20 =	vmul.f32 v21, v20;
	_ =	sdelay $0x1  }
0x512: {  	v21 =	vperm.xlane v20, v1;
	_ =	sdelay $0x1  }
0x513: {  	v21 =	vmul.f32 v22, v21;
	_ =	sdelay $0x1  }
0x514: {  	[tilespmem:s14+$0xFFFFFF10] =	vst v21  }
0x515: {  	v21 =	vld [tilespmem:s7+$0xFFFFFF20];
	_ =	sdelay $0x2  }
0x516: {  	v22 =	vperm.xlane v20, v2;
	_ =	sdelay $0x1  }
0x517: {  	v21 =	vmul.f32 v21, v22;
	_ =	sdelay $0x1  }
0x518: {  	[tilespmem:s14+$0xFFFFFF20] =	vst v21  }
0x519: {  	v21 =	vld [tilespmem:s7+$0xFFFFFF30];
	_ =	sdelay $0x2  }
0x51a: {  	v22 =	vperm.xlane v20, v3;
	_ =	sdelay $0x1  }
0x51b: {  	v21 =	vmul.f32 v21, v22;
	_ =	sdelay $0x1  }
0x51c: {  	[tilespmem:s14+$0xFFFFFF30] =	vst v21  }
0x51d: {  	v21 =	vld [tilespmem:s7+$0xFFFFFF40];
	_ =	sdelay $0x2  }
0x51e: {  	v22 =	vperm.xlane v20, v4;
	_ =	sdelay $0x1  }
0x51f: {  	v21 =	vmul.f32 v21, v22;
	_ =	sdelay $0x1  }
0x520: {  	[tilespmem:s14+$0xFFFFFF40] =	vst v21  }
0x521: {  	v21 =	vld [tilespmem:s7+$0xFFFFFF50];
	_ =	sdelay $0x2  }
0x522: {  	v22 =	vperm.xlane v20, v5;
	_ =	sdelay $0x1  }
0x523: {  	v21 =	vmul.f32 v21, v22;
	_ =	sdelay $0x1  }
0x524: {  	[tilespmem:s14+$0xFFFFFF50] =	vst v21  }
0x525: {  	v21 =	vld [tilespmem:s7+$0xFFFFFF60];
	_ =	sdelay $0x2  }
0x526: {  	v22 =	vperm.xlane v20, v6;
	_ =	sdelay $0x1  }
0x527: {  	v21 =	vmul.f32 v21, v22;
	_ =	sdelay $0x1  }
0x528: {  	[tilespmem:s14+$0xFFFFFF60] =	vst v21  }
0x529: {  	v21 =	vld [tilespmem:s7+$0xFFFFFF70];
	_ =	sdelay $0x2  }
0x52a: {  	v22 =	vperm.xlane v20, v7;
	_ =	sdelay $0x1  }
0x52b: {  	v21 =	vmul.f32 v21, v22;
	_ =	sdelay $0x1  }
0x52c: {  	[tilespmem:s14+$0xFFFFFF70] =	vst v21  }
0x52d: {  	v21 =	vld [tilespmem:s7+$0xFFFFFF80];
	_ =	sdelay $0x2  }
0x52e: {  	v22 =	vperm.xlane v20, v8;
	_ =	sdelay $0x1  }
0x52f: {  	v21 =	vmul.f32 v21, v22;
	_ =	sdelay $0x1  }
0x530: {  	[tilespmem:s14+$0xFFFFFF80] =	vst v21  }
0x531: {  	v21 =	vld [tilespmem:s7+$0xFFFFFF90];
	_ =	sdelay $0x2  }
0x532: {  	v22 =	vperm.xlane v20, v9;
	_ =	sdelay $0x1  }
0x533: {  	v21 =	vmul.f32 v21, v22;
	_ =	sdelay $0x1  }
0x534: {  	[tilespmem:s14+$0xFFFFFF90] =	vst v21  }
0x535: {  	v21 =	vld [tilespmem:s7+$0xFFFFFFA0];
	_ =	sdelay $0x2  }
0x536: {  	v22 =	vperm.xlane v20, v10;
	_ =	sdelay $0x1  }
0x537: {  	v21 =	vmul.f32 v21, v22;
	_ =	sdelay $0x1  }
0x538: {  	[tilespmem:s14+$0xFFFFFFA0] =	vst v21  }
0x539: {  	v21 =	vld [tilespmem:s7+$0xFFFFFFB0];
	_ =	sdelay $0x2  }
0x53a: {  	v22 =	vperm.xlane v20, v11;
	_ =	sdelay $0x1  }
0x53b: {  	v21 =	vmul.f32 v21, v22;
	_ =	sdelay $0x1  }
0x53c: {  	[tilespmem:s14+$0xFFFFFFB0] =	vst v21  }
0x53d: {  	v21 =	vld [tilespmem:s7+$0xFFFFFFC0];
	_ =	sdelay $0x2  }
0x53e: {  	v22 =	vperm.xlane v20, v12;
	_ =	sdelay $0x1  }
0x53f: {  	v21 =	vmul.f32 v21, v22;
	_ =	sdelay $0x1  }
0x540: {  	[tilespmem:s14+$0xFFFFFFC0] =	vst v21  }
0x541: {  	v21 =	vld [tilespmem:s7+$0xFFFFFFD0];
	_ =	sdelay $0x2  }
0x542: {  	v22 =	vperm.xlane v20, v13;
	_ =	sdelay $0x1  }
0x543: {  	v21 =	vmul.f32 v21, v22;
	_ =	sdelay $0x1  }
0x544: {  	[tilespmem:s14+$0xFFFFFFD0] =	vst v21  }
0x545: {  	v21 =	vld [tilespmem:s7+$0xFFFFFFE0];
	_ =	sdelay $0x2  }
0x546: {  	v22 =	vperm.xlane v20, v14;
	_ =	sdelay $0x1  }
0x547: {  	v21 =	vmul.f32 v21, v22;
	_ =	sdelay $0x1  }
0x548: {  	[tilespmem:s14+$0xFFFFFFE0] =	vst v21  }
0x549: {  	v21 =	vld [tilespmem:s7+$0xFFFFFFF0];
	_ =	sdelay $0x2  }
0x54a: {  	v22 =	vperm.xlane v20, v15;
	_ =	sdelay $0x1  }
0x54b: {  	v21 =	vmul.f32 v21, v22;
	_ =	sdelay $0x1  }
0x54c: {  	[tilespmem:s14+$0xFFFFFFF0] =	vst v21  }
0x54d: {  	v21 =	vld [tilespmem:s7+$0x0];
	_ =	sdelay $0x1  }
.Ltmp13:
0x54e: {  	(pc) =	sbr.rel @p3 .LBB2_23-.Ltmp13, $3  }
0x54f: {  	v20 =	vperm.xlane v20, v16;
	_ =	sdelay $0x1  }
0x550: {  	v20 =	vmul.f32 v21, v20  }
0x551: {  	s5 =	smov.u32 s2;
	s14 =	sadd.s32 $0x100, s14  }
0x552: {  	_ =	sdelay $0x2  }
0x553: {  	s2 =	sshra.s32 s20, $0x2;
	[tilespmem:s18+$0x0] =	vst v20  }
0x554: {  	v17 =	vld.idx.msk [tilespmem:v17+s2+$0x0 ss:$0x1], $0xffff;
	_ =	sdelay $0x1  }
0x555: {  	v18 =	vld.idx.msk [tilespmem:v18+s2+$0x0 ss:$0x1], $0xffff;
	_ =	sdelay $0x4  }
0x556: {  	v19 =	vld.idx.msk [tilespmem:v19+s2+$0x0 ss:$0x1], $0xffff  }
0x557: {  	v17 =	vld.idx.msk [tilespmem:v17+s1+$0x0], $0xffff;
	_ =	sdelay $0x1  }
0x558: {  	v18 =	vld.idx.msk [tilespmem:v18+s1+$0x0], $0xffff;
	_ =	sdelay $0x2  }
0x559: {  	s20 =	sadd.s32 $0x100, s7;
	v17 =	vmul.f32 v17, v19  }
0x55a: {  	v19 =	vld [tilespmem:s20+$0xFFFFFF10]  }
0x55b: {  	v17 =	vmul.f32 v18, v17;
	_ =	sdelay $0x1  }
0x55c: {  	v18 =	vperm.xlane v17, v1;
	_ =	sdelay $0x1  }
0x55d: {  	v18 =	vmul.f32 v19, v18;
	_ =	sdelay $0x1  }
0x55e: {  	[tilespmem:s14+$0xFFFFFF10] =	vst v18  }
0x55f: {  	v18 =	vld [tilespmem:s20+$0xFFFFFF20];
	_ =	sdelay $0x2  }
0x560: {  	v19 =	vperm.xlane v17, v2;
	_ =	sdelay $0x1  }
0x561: {  	v18 =	vmul.f32 v18, v19;
	_ =	sdelay $0x1  }
0x562: {  	[tilespmem:s14+$0xFFFFFF20] =	vst v18  }
0x563: {  	v18 =	vld [tilespmem:s20+$0xFFFFFF30];
	_ =	sdelay $0x2  }
0x564: {  	v19 =	vperm.xlane v17, v3;
	_ =	sdelay $0x1  }
0x565: {  	v18 =	vmul.f32 v18, v19;
	_ =	sdelay $0x1  }
0x566: {  	[tilespmem:s14+$0xFFFFFF30] =	vst v18  }
0x567: {  	v18 =	vld [tilespmem:s20+$0xFFFFFF40];
	_ =	sdelay $0x2  }
0x568: {  	v19 =	vperm.xlane v17, v4;
	_ =	sdelay $0x1  }
0x569: {  	v18 =	vmul.f32 v18, v19;
	_ =	sdelay $0x1  }
0x56a: {  	[tilespmem:s14+$0xFFFFFF40] =	vst v18  }
0x56b: {  	v18 =	vld [tilespmem:s20+$0xFFFFFF50];
	_ =	sdelay $0x2  }
0x56c: {  	v19 =	vperm.xlane v17, v5;
	_ =	sdelay $0x1  }
0x56d: {  	v18 =	vmul.f32 v18, v19;
	_ =	sdelay $0x1  }
0x56e: {  	[tilespmem:s14+$0xFFFFFF50] =	vst v18  }
0x56f: {  	v18 =	vld [tilespmem:s20+$0xFFFFFF60];
	_ =	sdelay $0x2  }
0x570: {  	v19 =	vperm.xlane v17, v6;
	_ =	sdelay $0x1  }
0x571: {  	v18 =	vmul.f32 v18, v19;
	_ =	sdelay $0x1  }
0x572: {  	[tilespmem:s14+$0xFFFFFF60] =	vst v18  }
0x573: {  	v18 =	vld [tilespmem:s20+$0xFFFFFF70];
	_ =	sdelay $0x2  }
0x574: {  	v19 =	vperm.xlane v17, v7;
	_ =	sdelay $0x1  }
0x575: {  	v18 =	vmul.f32 v18, v19;
	_ =	sdelay $0x1  }
0x576: {  	[tilespmem:s14+$0xFFFFFF70] =	vst v18  }
0x577: {  	v18 =	vld [tilespmem:s20+$0xFFFFFF80];
	_ =	sdelay $0x2  }
0x578: {  	v19 =	vperm.xlane v17, v8;
	_ =	sdelay $0x1  }
0x579: {  	v18 =	vmul.f32 v18, v19;
	_ =	sdelay $0x1  }
0x57a: {  	[tilespmem:s14+$0xFFFFFF80] =	vst v18  }
0x57b: {  	v18 =	vld [tilespmem:s20+$0xFFFFFF90];
	_ =	sdelay $0x2  }
0x57c: {  	v19 =	vperm.xlane v17, v9;
	_ =	sdelay $0x1  }
0x57d: {  	v18 =	vmul.f32 v18, v19;
	_ =	sdelay $0x1  }
0x57e: {  	[tilespmem:s14+$0xFFFFFF90] =	vst v18  }
0x57f: {  	v18 =	vld [tilespmem:s20+$0xFFFFFFA0];
	_ =	sdelay $0x2  }
0x580: {  	v19 =	vperm.xlane v17, v10;
	_ =	sdelay $0x1  }
0x581: {  	v18 =	vmul.f32 v18, v19;
	_ =	sdelay $0x1  }
0x582: {  	[tilespmem:s14+$0xFFFFFFA0] =	vst v18  }
0x583: {  	v18 =	vld [tilespmem:s20+$0xFFFFFFB0];
	_ =	sdelay $0x2  }
0x584: {  	v19 =	vperm.xlane v17, v11;
	_ =	sdelay $0x1  }
0x585: {  	v18 =	vmul.f32 v18, v19;
	_ =	sdelay $0x1  }
0x586: {  	[tilespmem:s14+$0xFFFFFFB0] =	vst v18  }
0x587: {  	v18 =	vld [tilespmem:s20+$0xFFFFFFC0];
	_ =	sdelay $0x2  }
0x588: {  	v19 =	vperm.xlane v17, v12;
	_ =	sdelay $0x1  }
0x589: {  	v18 =	vmul.f32 v18, v19;
	_ =	sdelay $0x1  }
0x58a: {  	[tilespmem:s14+$0xFFFFFFC0] =	vst v18  }
0x58b: {  	v18 =	vld [tilespmem:s20+$0xFFFFFFD0];
	_ =	sdelay $0x2  }
0x58c: {  	v19 =	vperm.xlane v17, v13;
	_ =	sdelay $0x1  }
0x58d: {  	v18 =	vmul.f32 v18, v19;
	_ =	sdelay $0x1  }
0x58e: {  	[tilespmem:s14+$0xFFFFFFD0] =	vst v18  }
0x58f: {  	v18 =	vld [tilespmem:s20+$0xFFFFFFE0];
	_ =	sdelay $0x2  }
0x590: {  	v19 =	vperm.xlane v17, v14;
	_ =	sdelay $0x1  }
0x591: {  	v18 =	vmul.f32 v18, v19;
	_ =	sdelay $0x1  }
0x592: {  	[tilespmem:s14+$0xFFFFFFE0] =	vst v18  }
0x593: {  	v18 =	vld [tilespmem:s20+$0xFFFFFFF0];
	_ =	sdelay $0x2  }
0x594: {  	v19 =	vperm.xlane v17, v15;
	_ =	sdelay $0x1  }
0x595: {  	v18 =	vmul.f32 v18, v19;
	_ =	sdelay $0x1  }
0x596: {  	[tilespmem:s14+$0xFFFFFFF0] =	vst v18  }
0x597: {  	v18 =	vld [tilespmem:s20+$0x0];
	_ =	sdelay $0x2  }
0x598: {  	s21 =	smul.u32 $0x140, s11;
	p3 =	sne.s32 s17, $0x18;
	v17 =	vperm.xlane v17, v16  }
.Ltmp14:
0x599: {  	_ = 	snop;
	(pc) =	sbr.rel @p3 .LBB2_26-.Ltmp14, $4  }
0x59a: {  	v17 =	vmul.f32 v18, v17  }
0x59b: {  	s5 =	rddreg [dreg:$0x6];
	s30 =	simm.s32 $0x165E0;
	s2 =	sshra.s32 s21, $0x2  }
0x59c: {  	s21 =	sld [smem:$0x7F0];
	s2 =	sadd.s32 s2, s16;
	s20 =	simm.s32 $0x50;
	[tilespmem:s14+$0x0] =	vst v17  }
0x59d: {  	[spmem:s5] =	stream.indirect.scatter.add.f32 [tilespmem:s30], [sflag:$0x9], $0x10, s2, s20, $0x2000b8;
	[tilespmem:$0x1EA60] =	vst v63  }
.Ltmp15:
0x59e: {  	(pc) =	sbr.rel .LBB2_27-.Ltmp15, $4  }
0x59f: {  	s2 =	simm.s32 $0x5  }
0x5a0: {  	_ =	swait.ge [sflag:s2], $0x500  }
0x5a1: {  	[sflag:s2] =	ssyncset.done $0x0  }
0x5a2: {  	[sflag:s2] =	ssyncadd.s32 $0xFFFFFB00  }
.LBB2_26:
0x5a3: {  	s2 =	sadd.s32 $0x230, s19;
	s5 =	rddreg [dreg:$0x3]  }
.Ltmp16:
0x5a4: {  	s7 =	simm.s32 $0x147E0;
	s30 =	simm.s32 $0x5;
	(pc) =	sbr.rel @p1 .LBB2_28-.Ltmp16, $4  }
0x5a5: {  	[tilespmem:s7], [sflag:$0x3] =	stream.indirect.gather [spmem:s5], $0x10, s2, s20, $0x2000b8;
	[tilespmem:$0x1EA60] =	vst v63  }
0x5a6: {  	_ =	swait.ge [sflag:s30], $0x500  }
0x5a7: {  	[sflag:s30] =	ssyncset.done $0x0  }
0x5a8: {  	[sflag:s30] =	ssyncadd.s32 $0xFFFFFB00  }
.LBB2_27:
0x5a9: {  	s2 =	simm.s32 $0xA  }
0x5aa: {  	_ =	swait.ge [sflag:s2], $0x500  }
0x5ab: {  	[sflag:s2] =	ssyncset.done $0x0  }
0x5ac: {  	[sflag:s2] =	ssyncadd.s32 $0xFFFFFB00  }
.LBB2_28:
0x5ad: {  	v17 =	vmov s21;
	_ =	sdelay $0x1  }
0x5ae: {  	v18 =	vmov s25;
	_ =	sdelay $0x1  }
0x5af: {  	s2 =	simm.s32 $0x0  }
0x5b0: {  	v20 =	vld.idx.msk [tilespmem:v17+s2+$0x0 ss:$0x1], $0xffff;
	_ =	sdelay $0x1  }
0x5b1: {  	v19 =	vmov s26;
	v21 =	vld.idx.msk [tilespmem:v18+s2+$0x0 ss:$0x1], $0xffff;
	_ =	sdelay $0x4  }
0x5b2: {  	v22 =	vld.idx.msk [tilespmem:v19+s2+$0x0 ss:$0x1], $0xffff  }
0x5b3: {  	v20 =	vld.idx.msk [tilespmem:v20+s1+$0x0], $0xffff;
	_ =	sdelay $0x1  }
0x5b4: {  	v21 =	vld.idx.msk [tilespmem:v21+s1+$0x0], $0xffff;
	_ =	sdelay $0x2  }
0x5b5: {  	s7 =	simm.s32 $0x152D0;
	v20 =	vmul.f32 v20, v22  }
0x5b6: {  	v22 =	vld [tilespmem:s7+$0xFFFFFF10]  }
0x5b7: {  	v20 =	vmul.f32 v21, v20;
	_ =	sdelay $0x1  }
0x5b8: {  	v21 =	vperm.xlane v20, v1;
	_ =	sdelay $0x1  }
0x5b9: {  	v21 =	vmul.f32 v22, v21  }
0x5ba: {  	s14 =	simm.s32 $0x16BD0  }
0x5bb: {  	[tilespmem:s14+$0xFFFFFF10] =	vst v21  }
0x5bc: {  	v21 =	vld [tilespmem:s7+$0xFFFFFF20];
	_ =	sdelay $0x2  }
0x5bd: {  	v22 =	vperm.xlane v20, v2;
	_ =	sdelay $0x1  }
0x5be: {  	v21 =	vmul.f32 v21, v22;
	_ =	sdelay $0x1  }
0x5bf: {  	[tilespmem:s14+$0xFFFFFF20] =	vst v21  }
0x5c0: {  	v21 =	vld [tilespmem:s7+$0xFFFFFF30];
	_ =	sdelay $0x2  }
0x5c1: {  	v22 =	vperm.xlane v20, v3;
	_ =	sdelay $0x1  }
0x5c2: {  	v21 =	vmul.f32 v21, v22;
	_ =	sdelay $0x1  }
0x5c3: {  	[tilespmem:s14+$0xFFFFFF30] =	vst v21  }
0x5c4: {  	v21 =	vld [tilespmem:s7+$0xFFFFFF40];
	_ =	sdelay $0x2  }
0x5c5: {  	v22 =	vperm.xlane v20, v4;
	_ =	sdelay $0x1  }
0x5c6: {  	v21 =	vmul.f32 v21, v22;
	_ =	sdelay $0x1  }
0x5c7: {  	[tilespmem:s14+$0xFFFFFF40] =	vst v21  }
0x5c8: {  	v21 =	vld [tilespmem:s7+$0xFFFFFF50];
	_ =	sdelay $0x2  }
0x5c9: {  	v22 =	vperm.xlane v20, v5;
	_ =	sdelay $0x1  }
0x5ca: {  	v21 =	vmul.f32 v21, v22;
	_ =	sdelay $0x1  }
0x5cb: {  	[tilespmem:s14+$0xFFFFFF50] =	vst v21  }
0x5cc: {  	v21 =	vld [tilespmem:s7+$0xFFFFFF60];
	_ =	sdelay $0x2  }
0x5cd: {  	v22 =	vperm.xlane v20, v6;
	_ =	sdelay $0x1  }
0x5ce: {  	v21 =	vmul.f32 v21, v22;
	_ =	sdelay $0x1  }
0x5cf: {  	[tilespmem:s14+$0xFFFFFF60] =	vst v21  }
0x5d0: {  	v21 =	vld [tilespmem:s7+$0xFFFFFF70];
	_ =	sdelay $0x2  }
0x5d1: {  	v22 =	vperm.xlane v20, v7;
	_ =	sdelay $0x1  }
0x5d2: {  	v21 =	vmul.f32 v21, v22;
	_ =	sdelay $0x1  }
0x5d3: {  	[tilespmem:s14+$0xFFFFFF70] =	vst v21  }
0x5d4: {  	v21 =	vld [tilespmem:s7+$0xFFFFFF80];
	_ =	sdelay $0x2  }
0x5d5: {  	v22 =	vperm.xlane v20, v8;
	_ =	sdelay $0x1  }
0x5d6: {  	v21 =	vmul.f32 v21, v22;
	_ =	sdelay $0x1  }
0x5d7: {  	[tilespmem:s14+$0xFFFFFF80] =	vst v21  }
0x5d8: {  	v21 =	vld [tilespmem:s7+$0xFFFFFF90];
	_ =	sdelay $0x2  }
0x5d9: {  	v22 =	vperm.xlane v20, v9;
	_ =	sdelay $0x1  }
0x5da: {  	v21 =	vmul.f32 v21, v22;
	_ =	sdelay $0x1  }
0x5db: {  	[tilespmem:s14+$0xFFFFFF90] =	vst v21  }
0x5dc: {  	v21 =	vld [tilespmem:s7+$0xFFFFFFA0];
	_ =	sdelay $0x2  }
0x5dd: {  	v22 =	vperm.xlane v20, v10;
	_ =	sdelay $0x1  }
0x5de: {  	v21 =	vmul.f32 v21, v22;
	_ =	sdelay $0x1  }
0x5df: {  	[tilespmem:s14+$0xFFFFFFA0] =	vst v21  }
0x5e0: {  	v21 =	vld [tilespmem:s7+$0xFFFFFFB0];
	_ =	sdelay $0x2  }
0x5e1: {  	v22 =	vperm.xlane v20, v11;
	_ =	sdelay $0x1  }
0x5e2: {  	v21 =	vmul.f32 v21, v22;
	_ =	sdelay $0x1  }
0x5e3: {  	[tilespmem:s14+$0xFFFFFFB0] =	vst v21  }
0x5e4: {  	v21 =	vld [tilespmem:s7+$0xFFFFFFC0];
	_ =	sdelay $0x2  }
0x5e5: {  	v22 =	vperm.xlane v20, v12;
	_ =	sdelay $0x1  }
0x5e6: {  	v21 =	vmul.f32 v21, v22;
	_ =	sdelay $0x1  }
0x5e7: {  	[tilespmem:s14+$0xFFFFFFC0] =	vst v21  }
0x5e8: {  	v21 =	vld [tilespmem:s7+$0xFFFFFFD0];
	_ =	sdelay $0x2  }
0x5e9: {  	v22 =	vperm.xlane v20, v13;
	_ =	sdelay $0x1  }
0x5ea: {  	v21 =	vmul.f32 v21, v22;
	_ =	sdelay $0x1  }
0x5eb: {  	[tilespmem:s14+$0xFFFFFFD0] =	vst v21  }
0x5ec: {  	v21 =	vld [tilespmem:s7+$0xFFFFFFE0];
	_ =	sdelay $0x2  }
0x5ed: {  	v22 =	vperm.xlane v20, v14;
	_ =	sdelay $0x1  }
0x5ee: {  	v21 =	vmul.f32 v21, v22;
	_ =	sdelay $0x1  }
0x5ef: {  	[tilespmem:s14+$0xFFFFFFE0] =	vst v21  }
0x5f0: {  	v21 =	vld [tilespmem:s7+$0xFFFFFFF0];
	_ =	sdelay $0x2  }
0x5f1: {  	v22 =	vperm.xlane v20, v15;
	_ =	sdelay $0x1  }
0x5f2: {  	v21 =	vmul.f32 v21, v22;
	_ =	sdelay $0x1  }
0x5f3: {  	[tilespmem:s14+$0xFFFFFFF0] =	vst v21  }
0x5f4: {  	v21 =	vld [tilespmem:s7+$0x0];
	_ =	sdelay $0x2  }
0x5f5: {  	v20 =	vperm.xlane v20, v16;
	_ =	sdelay $0x1  }
0x5f6: {  	s18 =	simm.s32 $0x40;
	s5 =	simm.s32 $0x80;
	s11 =	simm.s32 $0x16CD0;
	v20 =	vmul.f32 v21, v20  }
.LBB2_29:
0x5f7: {  	s8 =	sshra.s32 s18, $0x2;
	s7 =	sadd.s32 $0x100, s7  }
0x5f8: {  	[tilespmem:s14+$0x0] =	vst v20;
	s18 =	smov.u32 s5;
	s2 =	sadd.s32 $0x40, s5;
	s14 =	smov.u32 s11  }
0x5f9: {  	p1 =	sne.s32 s5, $0x100;
	v20 =	vld.idx.msk [tilespmem:v17+s8+$0x0 ss:$0x1], $0xffff;
	_ =	sdelay $0x1  }
0x5fa: {  	v21 =	vld.idx.msk [tilespmem:v18+s8+$0x0 ss:$0x1], $0xffff;
	_ =	sdelay $0x4  }
0x5fb: {  	v22 =	vld.idx.msk [tilespmem:v19+s8+$0x0 ss:$0x1], $0xffff  }
0x5fc: {  	v20 =	vld.idx.msk [tilespmem:v20+s1+$0x0], $0xffff;
	_ =	sdelay $0x1  }
0x5fd: {  	v21 =	vld.idx.msk [tilespmem:v21+s1+$0x0], $0xffff;
	_ =	sdelay $0x3  }
0x5fe: {  	v20 =	vmul.f32 v20, v22  }
0x5ff: {  	v22 =	vld [tilespmem:s7+$0xFFFFFF10]  }
0x600: {  	v20 =	vmul.f32 v21, v20;
	_ =	sdelay $0x1  }
0x601: {  	v21 =	vperm.xlane v20, v1;
	_ =	sdelay $0x1  }
0x602: {  	v21 =	vmul.f32 v22, v21;
	_ =	sdelay $0x1  }
0x603: {  	[tilespmem:s11+$0xFFFFFF10] =	vst v21  }
0x604: {  	v21 =	vld [tilespmem:s7+$0xFFFFFF20];
	_ =	sdelay $0x2  }
0x605: {  	v22 =	vperm.xlane v20, v2;
	_ =	sdelay $0x1  }
0x606: {  	v21 =	vmul.f32 v21, v22;
	_ =	sdelay $0x1  }
0x607: {  	[tilespmem:s11+$0xFFFFFF20] =	vst v21  }
0x608: {  	v21 =	vld [tilespmem:s7+$0xFFFFFF30];
	_ =	sdelay $0x2  }
0x609: {  	v22 =	vperm.xlane v20, v3;
	_ =	sdelay $0x1  }
0x60a: {  	v21 =	vmul.f32 v21, v22;
	_ =	sdelay $0x1  }
0x60b: {  	[tilespmem:s11+$0xFFFFFF30] =	vst v21  }
0x60c: {  	v21 =	vld [tilespmem:s7+$0xFFFFFF40];
	_ =	sdelay $0x2  }
0x60d: {  	v22 =	vperm.xlane v20, v4;
	_ =	sdelay $0x1  }
0x60e: {  	v21 =	vmul.f32 v21, v22;
	_ =	sdelay $0x1  }
0x60f: {  	[tilespmem:s11+$0xFFFFFF40] =	vst v21  }
0x610: {  	v21 =	vld [tilespmem:s7+$0xFFFFFF50];
	_ =	sdelay $0x2  }
0x611: {  	v22 =	vperm.xlane v20, v5;
	_ =	sdelay $0x1  }
0x612: {  	v21 =	vmul.f32 v21, v22;
	_ =	sdelay $0x1  }
0x613: {  	[tilespmem:s11+$0xFFFFFF50] =	vst v21  }
0x614: {  	v21 =	vld [tilespmem:s7+$0xFFFFFF60];
	_ =	sdelay $0x2  }
0x615: {  	v22 =	vperm.xlane v20, v6;
	_ =	sdelay $0x1  }
0x616: {  	v21 =	vmul.f32 v21, v22;
	_ =	sdelay $0x1  }
0x617: {  	[tilespmem:s11+$0xFFFFFF60] =	vst v21  }
0x618: {  	v21 =	vld [tilespmem:s7+$0xFFFFFF70];
	_ =	sdelay $0x2  }
0x619: {  	v22 =	vperm.xlane v20, v7;
	_ =	sdelay $0x1  }
0x61a: {  	v21 =	vmul.f32 v21, v22;
	_ =	sdelay $0x1  }
0x61b: {  	[tilespmem:s11+$0xFFFFFF70] =	vst v21  }
0x61c: {  	v21 =	vld [tilespmem:s7+$0xFFFFFF80];
	_ =	sdelay $0x2  }
0x61d: {  	v22 =	vperm.xlane v20, v8;
	_ =	sdelay $0x1  }
0x61e: {  	v21 =	vmul.f32 v21, v22;
	_ =	sdelay $0x1  }
0x61f: {  	[tilespmem:s11+$0xFFFFFF80] =	vst v21  }
0x620: {  	v21 =	vld [tilespmem:s7+$0xFFFFFF90];
	_ =	sdelay $0x2  }
0x621: {  	v22 =	vperm.xlane v20, v9;
	_ =	sdelay $0x1  }
0x622: {  	v21 =	vmul.f32 v21, v22;
	_ =	sdelay $0x1  }
0x623: {  	[tilespmem:s11+$0xFFFFFF90] =	vst v21  }
0x624: {  	v21 =	vld [tilespmem:s7+$0xFFFFFFA0];
	_ =	sdelay $0x2  }
0x625: {  	v22 =	vperm.xlane v20, v10;
	_ =	sdelay $0x1  }
0x626: {  	v21 =	vmul.f32 v21, v22;
	_ =	sdelay $0x1  }
0x627: {  	[tilespmem:s11+$0xFFFFFFA0] =	vst v21  }
0x628: {  	v21 =	vld [tilespmem:s7+$0xFFFFFFB0];
	_ =	sdelay $0x2  }
0x629: {  	v22 =	vperm.xlane v20, v11;
	_ =	sdelay $0x1  }
0x62a: {  	v21 =	vmul.f32 v21, v22;
	_ =	sdelay $0x1  }
0x62b: {  	[tilespmem:s11+$0xFFFFFFB0] =	vst v21  }
0x62c: {  	v21 =	vld [tilespmem:s7+$0xFFFFFFC0];
	_ =	sdelay $0x2  }
0x62d: {  	v22 =	vperm.xlane v20, v12;
	_ =	sdelay $0x1  }
0x62e: {  	v21 =	vmul.f32 v21, v22;
	_ =	sdelay $0x1  }
0x62f: {  	[tilespmem:s11+$0xFFFFFFC0] =	vst v21  }
0x630: {  	v21 =	vld [tilespmem:s7+$0xFFFFFFD0];
	_ =	sdelay $0x2  }
0x631: {  	v22 =	vperm.xlane v20, v13;
	_ =	sdelay $0x1  }
0x632: {  	v21 =	vmul.f32 v21, v22;
	_ =	sdelay $0x1  }
0x633: {  	[tilespmem:s11+$0xFFFFFFD0] =	vst v21  }
0x634: {  	v21 =	vld [tilespmem:s7+$0xFFFFFFE0];
	_ =	sdelay $0x2  }
0x635: {  	v22 =	vperm.xlane v20, v14;
	_ =	sdelay $0x1  }
0x636: {  	v21 =	vmul.f32 v21, v22;
	_ =	sdelay $0x1  }
0x637: {  	[tilespmem:s11+$0xFFFFFFE0] =	vst v21  }
0x638: {  	v21 =	vld [tilespmem:s7+$0xFFFFFFF0];
	_ =	sdelay $0x2  }
0x639: {  	v22 =	vperm.xlane v20, v15;
	_ =	sdelay $0x1  }
0x63a: {  	v21 =	vmul.f32 v21, v22;
	_ =	sdelay $0x1  }
0x63b: {  	[tilespmem:s11+$0xFFFFFFF0] =	vst v21  }
0x63c: {  	v21 =	vld [tilespmem:s7+$0x0];
	_ =	sdelay $0x1  }
.Ltmp17:
0x63d: {  	(pc) =	sbr.rel @p1 .LBB2_29-.Ltmp17, $3  }
0x63e: {  	v20 =	vperm.xlane v20, v16;
	_ =	sdelay $0x1  }
0x63f: {  	v20 =	vmul.f32 v21, v20  }
0x640: {  	s5 =	smov.u32 s2;
	s11 =	sadd.s32 $0x100, s11  }
0x641: {  	_ =	sdelay $0x2  }
0x642: {  	s2 =	sshra.s32 s18, $0x2;
	[tilespmem:s14+$0x0] =	vst v20  }
0x643: {  	v17 =	vld.idx.msk [tilespmem:v17+s2+$0x0 ss:$0x1], $0xffff;
	_ =	sdelay $0x1  }
0x644: {  	v18 =	vld.idx.msk [tilespmem:v18+s2+$0x0 ss:$0x1], $0xffff;
	_ =	sdelay $0x4  }
0x645: {  	v19 =	vld.idx.msk [tilespmem:v19+s2+$0x0 ss:$0x1], $0xffff  }
0x646: {  	v17 =	vld.idx.msk [tilespmem:v17+s1+$0x0], $0xffff;
	_ =	sdelay $0x1  }
0x647: {  	v18 =	vld.idx.msk [tilespmem:v18+s1+$0x0], $0xffff;
	_ =	sdelay $0x2  }
0x648: {  	s18 =	sadd.s32 $0x100, s7;
	v17 =	vmul.f32 v17, v19  }
0x649: {  	v19 =	vld [tilespmem:s18+$0xFFFFFF10]  }
0x64a: {  	v17 =	vmul.f32 v18, v17;
	_ =	sdelay $0x1  }
0x64b: {  	v18 =	vperm.xlane v17, v1;
	_ =	sdelay $0x1  }
0x64c: {  	v18 =	vmul.f32 v19, v18;
	_ =	sdelay $0x1  }
0x64d: {  	[tilespmem:s11+$0xFFFFFF10] =	vst v18  }
0x64e: {  	v18 =	vld [tilespmem:s18+$0xFFFFFF20];
	_ =	sdelay $0x2  }
0x64f: {  	v19 =	vperm.xlane v17, v2;
	_ =	sdelay $0x1  }
0x650: {  	v18 =	vmul.f32 v18, v19;
	_ =	sdelay $0x1  }
0x651: {  	[tilespmem:s11+$0xFFFFFF20] =	vst v18  }
0x652: {  	v18 =	vld [tilespmem:s18+$0xFFFFFF30];
	_ =	sdelay $0x2  }
0x653: {  	v19 =	vperm.xlane v17, v3;
	_ =	sdelay $0x1  }
0x654: {  	v18 =	vmul.f32 v18, v19;
	_ =	sdelay $0x1  }
0x655: {  	[tilespmem:s11+$0xFFFFFF30] =	vst v18  }
0x656: {  	v18 =	vld [tilespmem:s18+$0xFFFFFF40];
	_ =	sdelay $0x2  }
0x657: {  	v19 =	vperm.xlane v17, v4;
	_ =	sdelay $0x1  }
0x658: {  	v18 =	vmul.f32 v18, v19;
	_ =	sdelay $0x1  }
0x659: {  	[tilespmem:s11+$0xFFFFFF40] =	vst v18  }
0x65a: {  	v18 =	vld [tilespmem:s18+$0xFFFFFF50];
	_ =	sdelay $0x2  }
0x65b: {  	v19 =	vperm.xlane v17, v5;
	_ =	sdelay $0x1  }
0x65c: {  	v18 =	vmul.f32 v18, v19;
	_ =	sdelay $0x1  }
0x65d: {  	[tilespmem:s11+$0xFFFFFF50] =	vst v18  }
0x65e: {  	v18 =	vld [tilespmem:s18+$0xFFFFFF60];
	_ =	sdelay $0x2  }
0x65f: {  	v19 =	vperm.xlane v17, v6;
	_ =	sdelay $0x1  }
0x660: {  	v18 =	vmul.f32 v18, v19;
	_ =	sdelay $0x1  }
0x661: {  	[tilespmem:s11+$0xFFFFFF60] =	vst v18  }
0x662: {  	v18 =	vld [tilespmem:s18+$0xFFFFFF70];
	_ =	sdelay $0x2  }
0x663: {  	v19 =	vperm.xlane v17, v7;
	_ =	sdelay $0x1  }
0x664: {  	v18 =	vmul.f32 v18, v19;
	_ =	sdelay $0x1  }
0x665: {  	[tilespmem:s11+$0xFFFFFF70] =	vst v18  }
0x666: {  	v18 =	vld [tilespmem:s18+$0xFFFFFF80];
	_ =	sdelay $0x2  }
0x667: {  	v19 =	vperm.xlane v17, v8;
	_ =	sdelay $0x1  }
0x668: {  	v18 =	vmul.f32 v18, v19;
	_ =	sdelay $0x1  }
0x669: {  	[tilespmem:s11+$0xFFFFFF80] =	vst v18  }
0x66a: {  	v18 =	vld [tilespmem:s18+$0xFFFFFF90];
	_ =	sdelay $0x2  }
0x66b: {  	v19 =	vperm.xlane v17, v9;
	_ =	sdelay $0x1  }
0x66c: {  	v18 =	vmul.f32 v18, v19;
	_ =	sdelay $0x1  }
0x66d: {  	[tilespmem:s11+$0xFFFFFF90] =	vst v18  }
0x66e: {  	v18 =	vld [tilespmem:s18+$0xFFFFFFA0];
	_ =	sdelay $0x2  }
0x66f: {  	v19 =	vperm.xlane v17, v10;
	_ =	sdelay $0x1  }
0x670: {  	v18 =	vmul.f32 v18, v19;
	_ =	sdelay $0x1  }
0x671: {  	[tilespmem:s11+$0xFFFFFFA0] =	vst v18  }
0x672: {  	v18 =	vld [tilespmem:s18+$0xFFFFFFB0];
	_ =	sdelay $0x2  }
0x673: {  	v19 =	vperm.xlane v17, v11;
	_ =	sdelay $0x1  }
0x674: {  	v18 =	vmul.f32 v18, v19;
	_ =	sdelay $0x1  }
0x675: {  	[tilespmem:s11+$0xFFFFFFB0] =	vst v18  }
0x676: {  	v18 =	vld [tilespmem:s18+$0xFFFFFFC0];
	_ =	sdelay $0x2  }
0x677: {  	v19 =	vperm.xlane v17, v12;
	_ =	sdelay $0x1  }
0x678: {  	v18 =	vmul.f32 v18, v19;
	_ =	sdelay $0x1  }
0x679: {  	[tilespmem:s11+$0xFFFFFFC0] =	vst v18  }
0x67a: {  	v18 =	vld [tilespmem:s18+$0xFFFFFFD0];
	_ =	sdelay $0x2  }
0x67b: {  	v19 =	vperm.xlane v17, v13;
	_ =	sdelay $0x1  }
0x67c: {  	v18 =	vmul.f32 v18, v19;
	_ =	sdelay $0x1  }
0x67d: {  	[tilespmem:s11+$0xFFFFFFD0] =	vst v18  }
0x67e: {  	v18 =	vld [tilespmem:s18+$0xFFFFFFE0];
	_ =	sdelay $0x2  }
0x67f: {  	v19 =	vperm.xlane v17, v14;
	_ =	sdelay $0x1  }
0x680: {  	v18 =	vmul.f32 v18, v19;
	_ =	sdelay $0x1  }
0x681: {  	[tilespmem:s11+$0xFFFFFFE0] =	vst v18  }
0x682: {  	v18 =	vld [tilespmem:s18+$0xFFFFFFF0];
	_ =	sdelay $0x2  }
0x683: {  	v19 =	vperm.xlane v17, v15;
	_ =	sdelay $0x1  }
0x684: {  	v18 =	vmul.f32 v18, v19;
	_ =	sdelay $0x1  }
0x685: {  	[tilespmem:s11+$0xFFFFFFF0] =	vst v18  }
0x686: {  	v18 =	vld [tilespmem:s18+$0x0];
	_ =	sdelay $0x2  }
0x687: {  	v17 =	vperm.xlane v17, v16  }
.Ltmp18:
0x688: {  	_ = 	snop;
	(pc) =	sbr.rel @p2 .LBB2_32-.Ltmp18, $3  }
0x689: {  	v17 =	vmul.f32 v18, v17;
	_ =	sdelay $0x1  }
0x68a: {  	s22 =	sadd.s32 s22, s16;
	s5 =	rddreg [dreg:$0x6];
	s30 =	simm.s32 $0x16AE0;
	[tilespmem:s11+$0x0] =	vst v17  }
0x68b: {  	[spmem:s5] =	stream.indirect.scatter.add.f32 [tilespmem:s30], [sflag:$0xA], $0x10, s22, s20, $0x2000b8;
	[tilespmem:$0x1EA60] =	vst v63  }
0x68c: {  	s2 =	sadd.s32 $0x280, s19;
	s5 =	rddreg [dreg:$0x3]  }
0x68d: {  	s7 =	simm.s32 $0x14CE0;
	s17 =	sadd.s32 $0x1, s17;
	s12 =	sadd.s32 $0x190, s12  }
0x68e: {  	s10 =	sadd.s32 $0x190, s10;
	s13 =	sadd.s32 $0x190, s13;
	s9 =	sadd.s32 $0x190, s9  }
.Ltmp19:
0x68f: {  	s0 =	sadd.s32 $0x190, s0;
	s29 =	sadd.s32 $0x190, s29;
	(pc) =	sbr.rel .LBB2_16-.Ltmp19, $4  }
0x690: {  	s4 =	sadd.s32 $0x190, s4;
	s28 =	sadd.s32 $0x190, s28;
	s31 =	sadd.s32 $0x190, s31  }
0x691: {  	s6 =	sadd.s32 $0x190, s6;
	s15 =	sadd.s32 $0x190, s15;
	s23 =	sadd.s32 $0x190, s23  }
0x692: {  	s26 =	sadd.s32 $0x190, s26;
	s25 =	sadd.s32 $0x190, s25;
	s21 =	sadd.s32 $0x190, s21  }
0x693: {  	[tilespmem:s7], [sflag:$0x4] =	stream.indirect.gather [spmem:s5], $0x10, s2, s20, $0x2000b8;
	[tilespmem:$0x1EA60] =	vst v63  }
.LBB2_33:
0x694: {  	_ =	sfence.sel $0x180000  }
0x695: {  	[bflag:$0x0] =	sbarrier.arrive $0xFFFF  }
0x696: {  	_ =	strace $0x90000047  }
0x697: {  	s0 =	stileid.u32;
	[bflag:$0x2] =	sbarrier.arrive $0xFFFF  }
0x698: {  	p0 =	sne.s32 s0, $0x0;
	s0 =	rddreg [dreg:$0x7]  }
0x699: {  	s0 =	sadd.s32 @!p0 $0x100000, s0  }
0x69a: {  	[sflag:s0] =	ssyncadd.tile.s32 @!p0 $0x1;
	_ =	shalt  }
.Lfunc_end2:
_tile_overlayer_lowered:
.L_overlay_start_2:
0x69b: {  	(tag) =	ssettag $0x2  }
0x69c: {  	s0 =	rddreg [dreg:$0x0];
	s2 =	stileid.u32  }
0x69d: {  	s1 =	rddreg [dreg:$0x1];
	p0 =	sne.s32 s2, $0x0  }
0x69e: {  	s3 =	rddreg [dreg:$0x2];
	[bflag:$0x3] =	sbarrier.arrive $0xFFFF;
	s2 =	simm.s32 @!p0 $0x1C0B  }
0x69f: {  	[timem:s3], [sflag:s2] =	dma.local @!p0 [hbm:s0], s1  }
0x6a0: {  	s0 =	simm.s32 @!p0 $0xB  }
0x6a1: {  	_ =	swait.ge @!p0 [sflag:s0], s1  }
0x6a2: {  	s1 =	ssub.s32 @!p0 $0x0, s1;
	[sflag:s0] =	ssyncset.done @!p0 $0x0  }
0x6a3: {  	[sflag:s0] =	ssyncadd.s32 @!p0 s1  }
0x6a4: {  	[bflag:$0x3] =	sbarrier.arrive $0xFFFF  }
0x6a5: {  	_ =	shalt  }

</sc_bundles>
